<compile_context>
chip_gen: v7x
topology: tpu7x:2x2x1
jax: 0.10.2.dev20260603
libtpu: 0.0.44.dev20260713+nightly
codegen_flags: <defaults>
</compile_context>

<pallas_src>
import functools

import jax
import jax.numpy as jnp
from jax import lax
from jax.experimental import pallas as pl
from jax.experimental.pallas import tpu as pltpu
from jax.experimental.pallas import tpu_sc as plsc

N = 10000
E = 160000
D = 256
H = 512
HALF = 128
NCORE = 2
NSUB = 16
RPS = 624
TAIL = 16
TAIL_OFF = NSUB * RPS
CHUNK = 128
NCHUNKS = E // CHUNK
RBLK = 1000
NB = N // RBLK

_MESH = dict(mesh=plsc.VectorSubcoreMesh(core_axis_name="c", subcore_axis_name="s"))


DKC = 39
DKMAX = DKC + 1


def _sc_degree(dst, zeros128, ones128):
    @functools.partial(
        pl.kernel,
        out_type=jax.ShapeDtypeStruct((NCORE, N, HALF), jnp.float32),
        scratch_types=[
            pltpu.VMEM_SHARED((N, HALF), jnp.float32),
            pltpu.VMEM((DKMAX * CHUNK,), jnp.int32),
            pltpu.VMEM((CHUNK,), jnp.int32),
            pltpu.VMEM((CHUNK,), jnp.int32),
            pltpu.VMEM((CHUNK, HALF), jnp.float32),
            pltpu.SemaphoreType.DMA,
            pltpu.SemaphoreType.DMA,
        ],
        **_MESH,
    )
    def deg_kernel(dst_ref, z_ref, ones_ref, out_ref,
                   acc_sh, dall, di0, di1, ones_v, sem0, sem1):
        c = lax.axis_index("c")
        s = lax.axis_index("s")
        w = c * NSUB + s
        base_e = w * (DKC * CHUNK)
        pltpu.sync_copy(dst_ref.at[pl.ds(base_e, DKC * CHUNK)],
                        dall.at[pl.ds(0, DKC * CHUNK)])

        @pl.when(w < 2)
        def _():
            pltpu.sync_copy(
                dst_ref.at[pl.ds(32 * DKC * CHUNK + w * CHUNK, CHUNK)],
                dall.at[pl.ds(DKC * CHUNK, CHUNK)])

        pltpu.sync_copy(ones_ref, ones_v)
        pltpu.sync_copy(z_ref, acc_sh.at[pl.ds(s * RPS, RPS)])

        @pl.when(s == NSUB - 1)
        def _():
            pltpu.sync_copy(z_ref.at[pl.ds(0, TAIL)],
                            acc_sh.at[pl.ds(TAIL_OFF, TAIL)])

        plsc.subcore_barrier()
        nk = jnp.where(w < 2, DKMAX, DKC)

        def body(k, carry):
            for g in range(CHUNK // 16):
                di0[pl.ds(g * 16, 16)] = dall[pl.ds(k * CHUNK + g * 16, 16)]
            pltpu.sync_copy(ones_v, acc_sh.at[di0], add=True)
            return carry

        lax.fori_loop(0, nk, body, 0)
        plsc.subcore_barrier()
        pltpu.sync_copy(acc_sh.at[pl.ds(s * RPS, RPS)],
                        out_ref.at[c, pl.ds(s * RPS, RPS)])

        @pl.when(s == NSUB - 1)
        def _():
            pltpu.sync_copy(acc_sh.at[pl.ds(TAIL_OFF, TAIL)],
                            out_ref.at[c, pl.ds(TAIL_OFF, TAIL)])

    return deg_kernel(dst, zeros128, ones128)


PCHUNK = 64
NKC = 156
NKMAX = NKC + 4


def _sc_propagate(t_flat, src, dst, zeros128):
    @functools.partial(
        pl.kernel,
        out_type=jax.ShapeDtypeStruct((NCORE * N, HALF), jnp.float32),
        scratch_types=[
            pltpu.VMEM_SHARED((N, HALF), jnp.float32),
            pltpu.VMEM((NKMAX * PCHUNK,), jnp.int32),
            pltpu.VMEM((NKMAX * PCHUNK,), jnp.int32),
            pltpu.VMEM((PCHUNK,), jnp.int32),
            pltpu.VMEM((PCHUNK,), jnp.int32),
            pltpu.VMEM((PCHUNK,), jnp.int32),
            pltpu.VMEM((PCHUNK,), jnp.int32),
            pltpu.VMEM((PCHUNK,), jnp.int32),
            pltpu.VMEM((PCHUNK,), jnp.int32),
            pltpu.VMEM((PCHUNK, HALF), jnp.float32),
            pltpu.VMEM((PCHUNK, HALF), jnp.float32),
            pltpu.VMEM((PCHUNK, HALF), jnp.float32),
            pltpu.SemaphoreType.DMA,
            pltpu.SemaphoreType.DMA,
            pltpu.SemaphoreType.DMA,
        ],
        **_MESH,
    )
    def mp_kernel(t_ref, src_ref, dst_ref, z_ref, out_ref,
                  acc_sh, sall, dall, si0, di0, si1, di1, si2, di2,
                  r0, r1, r2, sem0, sem1, sem2):
        c = lax.axis_index("c")
        s = lax.axis_index("s")
        base_e = s * (NKC * PCHUNK)
        pltpu.sync_copy(src_ref.at[pl.ds(base_e, NKC * PCHUNK)],
                        sall.at[pl.ds(0, NKC * PCHUNK)])
        pltpu.sync_copy(dst_ref.at[pl.ds(base_e, NKC * PCHUNK)],
                        dall.at[pl.ds(0, NKC * PCHUNK)])

        @pl.when(s == NSUB - 1)
        def _():
            pltpu.sync_copy(src_ref.at[pl.ds(NSUB * NKC * PCHUNK, 4 * PCHUNK)],
                            sall.at[pl.ds(NKC * PCHUNK, 4 * PCHUNK)])
            pltpu.sync_copy(dst_ref.at[pl.ds(NSUB * NKC * PCHUNK, 4 * PCHUNK)],
                            dall.at[pl.ds(NKC * PCHUNK, 4 * PCHUNK)])

        c_off = c * N
        nk = jnp.where(s == NSUB - 1, NKMAX, NKC)
        bufs = ((si0, di0, r0, sem0), (si1, di1, r1, sem1), (si2, di2, r2, sem2))

        def stage_idx(k, sidx, didx):
            for g in range(PCHUNK // 16):
                sl = pl.ds(k * PCHUNK + g * 16, 16)
                sidx[pl.ds(g * 16, 16)] = sall[sl] + c_off
                didx[pl.ds(g * 16, 16)] = dall[sl]

        def start(k, b):
            sidx, didx, rows, sem = bufs[b]
            stage_idx(k, sidx, didx)
            pltpu.async_copy(t_ref.at[sidx], rows, sem)

        start(0, 0)
        start(1, 1)
        pltpu.sync_copy(z_ref, acc_sh.at[pl.ds(s * RPS, RPS)])

        @pl.when(s == NSUB - 1)
        def _():
            pltpu.sync_copy(z_ref.at[pl.ds(0, TAIL)],
                            acc_sh.at[pl.ds(TAIL_OFF, TAIL)])

        plsc.subcore_barrier()

        def body(k, carry):
            for b in range(3):
                @pl.when(k % 3 == b)
                def _():
                    sidx, didx, rows, sem = bufs[b]

                    @pl.when(k + 2 < nk)
                    def _():
                        start(k + 2, (b + 2) % 3)

                    pltpu.make_async_copy(t_ref.at[sidx], rows, sem).wait()
                    pltpu.sync_copy(rows, acc_sh.at[didx], add=True)

            return carry

        lax.fori_loop(0, nk, body, 0)
        plsc.subcore_barrier()
        pltpu.sync_copy(acc_sh.at[pl.ds(s * RPS, RPS)],
                        out_ref.at[pl.ds(c * N + s * RPS, RPS)])

        @pl.when(s == NSUB - 1)
        def _():
            pltpu.sync_copy(acc_sh.at[pl.ds(TAIL_OFF, TAIL)],
                            out_ref.at[pl.ds(c * N + TAIL_OFF, TAIL)])

    return mp_kernel(t_flat, src, dst, zeros128)


def _tc_matmul(emb, W1, W2, b1p):
    def kern(emb_ref, w1_ref, w2_ref, b1_ref, mf_ref, crow_ref, w12):
        i = pl.program_id(1)

        @pl.when(i == 0)
        def _():
            w12[...] = jnp.dot(w1_ref[...], w2_ref[...],
                               preferred_element_type=jnp.float32)
            crow_ref[...] = jnp.dot(b1_ref[...], w2_ref[...],
                                    preferred_element_type=jnp.float32)

        mf_ref[...] = jnp.dot(emb_ref[...], w12[...],
                              preferred_element_type=jnp.float32)

    return pl.pallas_call(
        kern,
        grid=(NCORE, NB),
        in_specs=[
            pl.BlockSpec((RBLK, D), lambda c, i: (i, 0)),
            pl.BlockSpec((D, H), lambda c, i: (0, 0)),
            pl.BlockSpec((H, HALF), lambda c, i: (0, c)),
            pl.BlockSpec((8, H), lambda c, i: (0, 0)),
        ],
        out_specs=[
            pl.BlockSpec((RBLK, HALF), lambda c, i: (c * NB + i, 0)),
            pl.BlockSpec((8, HALF), lambda c, i: (0, c)),
        ],
        out_shape=[
            jax.ShapeDtypeStruct((NCORE * N, HALF), jnp.float32),
            jax.ShapeDtypeStruct((8, D), jnp.float32),
        ],
        scratch_shapes=[pltpu.VMEM((D, HALF), jnp.float32)],
    )(emb, W1, W2, b1p)


def _tc_scale(mf, degp):
    def kern(mf_ref, deg_ref, t_ref, dv_ref):
        d = deg_ref[0, :, 0:1] + deg_ref[1, :, 0:1] + 1.0
        d = jnp.maximum(d, 1e-12)
        dinv = lax.rsqrt(d)
        t_ref[...] = mf_ref[...] * dinv
        dv_ref[...] = jnp.concatenate([dinv, 1.0 / d] + [dinv] * 14, axis=1)

    return pl.pallas_call(
        kern,
        grid=(NCORE, NB),
        in_specs=[
            pl.BlockSpec((RBLK, HALF), lambda c, i: (c * NB + i, 0)),
            pl.BlockSpec((NCORE, RBLK, HALF), lambda c, i: (0, i, 0)),
        ],
        out_specs=[
            pl.BlockSpec((RBLK, HALF), lambda c, i: (c * NB + i, 0)),
            pl.BlockSpec((RBLK, 16), lambda c, i: (i, 0)),
        ],
        out_shape=[
            jax.ShapeDtypeStruct((NCORE * N, HALF), jnp.float32),
            jax.ShapeDtypeStruct((N, 16), jnp.float32),
        ],
    )(mf, degp)


def _tc_combine(s1, t, dinvs, crow):
    def kern(s1_ref, t_ref, dv_ref, crow_ref, t2_ref):
        dinv = dv_ref[:, 0:1]
        dinv2 = dv_ref[:, 1:2]
        t2_ref[...] = (s1_ref[...] + t_ref[...]) * dinv2 + crow_ref[0:1, :] * dinv

    return pl.pallas_call(
        kern,
        grid=(NCORE, NB),
        in_specs=[
            pl.BlockSpec((RBLK, HALF), lambda c, i: (c * NB + i, 0)),
            pl.BlockSpec((RBLK, HALF), lambda c, i: (c * NB + i, 0)),
            pl.BlockSpec((RBLK, 16), lambda c, i: (i, 0)),
            pl.BlockSpec((8, HALF), lambda c, i: (0, c)),
        ],
        out_specs=pl.BlockSpec((RBLK, HALF), lambda c, i: (c * NB + i, 0)),
        out_shape=jax.ShapeDtypeStruct((NCORE * N, HALF), jnp.float32),
    )(s1, t, dinvs, crow)


def _tc_finalize_bn(s2, t2, dinvs, gamma, beta):
    def kern(s2_ref, t2_ref, dv_ref, g_ref, b_ref, out_ref, ybuf, acc):
        p = pl.program_id(0)
        i = pl.program_id(1)
        rows = pl.ds(i * RBLK, RBLK)

        @pl.when(p < 2)
        def _():
            dinv = dv_ref[:, 0:1]
            y = (s2_ref[...] + t2_ref[...]) * dinv

            @pl.when((p == 0) & (i == 0))
            def _():
                acc[...] = jnp.zeros_like(acc)

            @pl.when(p == 0)
            def _():
                ybuf[rows, 0:HALF] = y
                acc[0:1, :] += jnp.sum(y, axis=0, keepdims=True)
                acc[1:2, :] += jnp.sum(y * y, axis=0, keepdims=True)

            @pl.when(p == 1)
            def _():
                ybuf[rows, HALF:D] = y
                acc[2:3, :] += jnp.sum(y, axis=0, keepdims=True)
                acc[3:4, :] += jnp.sum(y * y, axis=0, keepdims=True)

        def norm(srow, c0):
            mu = acc[srow:srow + 1, :] * (1.0 / N)
            var = acc[srow + 1:srow + 2, :] * (1.0 / N) - mu * mu
            scale = g_ref[...] * lax.rsqrt(var + 1e-5)
            out_ref[...] = ybuf[rows, c0:c0 + HALF] * scale + (b_ref[...] - mu * scale)

        @pl.when(p == 2)
        def _():
            norm(0, 0)

        @pl.when(p == 3)
        def _():
            norm(2, HALF)

    return pl.pallas_call(
        kern,
        grid=(4, NB),
        in_specs=[
            pl.BlockSpec((RBLK, HALF),
                         lambda p, i: (jnp.where(p < 2, (p % 2) * NB + i, 0), 0)),
            pl.BlockSpec((RBLK, HALF),
                         lambda p, i: (jnp.where(p < 2, (p % 2) * NB + i, 0), 0)),
            pl.BlockSpec((RBLK, 16), lambda p, i: (jnp.where(p < 2, i, 0), 0)),
            pl.BlockSpec((1, HALF), lambda p, i: (0, p % 2)),
            pl.BlockSpec((1, HALF), lambda p, i: (0, p % 2)),
        ],
        out_specs=pl.BlockSpec((RBLK, HALF),
                               lambda p, i: (jnp.where(p < 2, 0, i), p % 2)),
        out_shape=jax.ShapeDtypeStruct((N, D), jnp.float32),
        scratch_shapes=[pltpu.VMEM((N, D), jnp.float32),
                        pltpu.VMEM((8, HALF), jnp.float32)],
    )(s2, t2, dinvs, gamma, beta)


def kernel(edge_index, emb, W1, b1, W2, b2, gamma, beta):
    del b2
    src = edge_index[0]
    dst = edge_index[1]
    zeros128 = jnp.zeros((RPS, HALF), jnp.float32)
    ones128 = jnp.ones((CHUNK, HALF), jnp.float32)
    b1p = jnp.broadcast_to(b1[None, :], (8, H))

    degp = _sc_degree(dst, zeros128, ones128)
    mf, crow = _tc_matmul(emb, W1, W2, b1p)
    t, dinvs = _tc_scale(mf, degp)
    s1 = _sc_propagate(t, src, dst, zeros128)
    t2 = _tc_combine(s1, t, dinvs, crow)
    s2 = _sc_propagate(t2, src, dst, zeros128)
    return _tc_finalize_bn(s2, t2, dinvs, gamma[None, :], beta[None, :])

# --- scband reference (transcript-rebuilt; emitter-appended) ---
"""Pipeline reference for scband-mshgat-214748364913 (READ-ONLY COPY).

The authoritative reference and input builder live on the scoring server;
editing this copy changes nothing except your own understanding.
"""

import jax, jax.numpy as jnp
import numpy as np

N = 10000   # n_nodes / user_size / ntoken
E = 160000  # n_edges
D = 256     # initialFeatureSize (ninp)
H = 512     # ninp * 2 (gnn1 output)


def setup_inputs(seed: int = 0) -> dict:
    key = jax.random.key(seed)
    ks = jax.random.split(key, 8)
    edge_index = jax.random.randint(ks[0], (2, E), 0, N).astype(jnp.int32)
    emb = jax.random.normal(ks[1], (N, D), dtype=jnp.float32) * 0.02  # embedding.weight (xavier-ish)
    W1 = jax.random.normal(ks[2], (D, H), dtype=jnp.float32) * (1.0 / np.sqrt(D))  # GCNConv1 weight
    b1 = jnp.zeros((H,), dtype=jnp.float32)
    W2 = jax.random.normal(ks[3], (H, D), dtype=jnp.float32) * (1.0 / np.sqrt(H))  # GCNConv2 weight
    b2 = jnp.zeros((D,), dtype=jnp.float32)
    gamma = jnp.ones((D,), dtype=jnp.float32)  # BatchNorm1d weight
    beta = jnp.zeros((D,), dtype=jnp.float32)  # BatchNorm1d bias
    return {"edge_index": edge_index, "emb": emb, "W1": W1, "b1": b1,
            "W2": W2, "b2": b2, "gamma": gamma, "beta": beta}


def reference(edge_index, emb, W1, b1, W2, b2, gamma, beta):
    # GraphNN.forward: gnn2(dropout(gnn1(embedding.weight, edge_index)), edge_index) -> BatchNorm1d
    # GCNConv: x' = D^{-1/2} (A + I) D^{-1/2} X W + b   (symmetric gcn_norm with self-loops)
    loops = jnp.arange(N, dtype=edge_index.dtype)
    src = jnp.concatenate([edge_index[0], loops])
    dst = jnp.concatenate([edge_index[1], loops])
    deg = jnp.zeros((N,), dtype=emb.dtype).at[dst].add(1.0)
    dinv = jax.lax.rsqrt(jnp.maximum(deg, 1e-12))
    norm = dinv[src] * dinv[dst]

    def gcn_conv(x, W, b):
        xw = x @ W                          # dense transform (compute-heavy)
        msg = jnp.take(xw, src, axis=0) * norm[:, None]   # gather
        out = jnp.zeros((N, W.shape[1]), dtype=x.dtype).at[dst].add(msg)  # scatter-add
        return out + b

    h1 = gcn_conv(emb, W1, b1)   # gnn1: D -> 2D ; dropout is identity in eval
    h2 = gcn_conv(h1, W2, b2)    # gnn2: 2D -> D
    # BatchNorm1d (batch statistics, eps=1e-5)
    mu = jnp.mean(h2, axis=0)
    var = jnp.var(h2, axis=0)
    out = gamma * (h2 - mu) / jnp.sqrt(var + 1e-5) + beta
    return out

if __name__ == "__main__":
    import jax
    _d = setup_inputs()
    print(jax.jit(kernel)(*tuple(_d.values())))

</pallas_src>

<mosaic_0001>
#map = affine_map<(d0, d1) -> (0)>
#map1 = affine_map<(d0, d1) -> (0, 0)>
#map2 = affine_map<(d0, d1) -> (0, 0, 0)>
module attributes {stable_mosaic.version = 14 : i64} {
  func.func @deg_kernel(%arg0: i32, %arg1: i32, %arg2: memref<160000xi32, #tpu.memory_space<hbm>>, %arg3: memref<624x128xf32, #tpu.memory_space<hbm>>, %arg4: memref<128x128xf32, #tpu.memory_space<hbm>>, %arg5: memref<2x10000x128xf32, #tpu.memory_space<hbm>>, %arg6: memref<10000x128xf32, #tpu.memory_space<vmem_shared>>, %arg7: memref<5120xi32, #tpu.memory_space<vmem>>, %arg8: memref<128xi32, #tpu.memory_space<vmem>>, %arg9: memref<128xi32, #tpu.memory_space<vmem>>, %arg10: memref<128x128xf32, #tpu.memory_space<vmem>>, %arg11: memref<!tpu.dma_semaphore, #tpu.memory_space<semaphore_mem>>, %arg12: memref<!tpu.dma_semaphore, #tpu.memory_space<semaphore_mem>>) attributes {dimension_semantics = [#tpu.dimension_semantics<core_parallel>, #tpu.dimension_semantics<subcore_parallel>], iteration_bounds = array<i64: 2, 16>, scalar_prefetch = 0 : i64, scratch_operands = 7 : i64, tpu.core_type = #tpu.core_type<sc_vector_subcore>, window_params = [{transform_indices = #map}, {transform_indices = #map1}, {transform_indices = #map1}, {transform_indices = #map2}]} {
    %mul3A = arith.constant 16 : i32
    %mul3A_0 = arith.muli %arg0, %mul3A : i32
    %add3A = arith.addi %mul3A_0, %arg1 : i32
    %mul3A_1 = arith.constant 4992 : i32
    %mul3A_2 = arith.muli %add3A, %mul3A_1 : i32
    "tpu.region"() ({
      %run_scoped3A = tpu.sem_alloc : memref<!tpu.dma_semaphore, #tpu.memory_space<semaphore_mem>>
      %dma_start3A = arith.constant 0 : i32
      %dma_start3A_33 = tpu.memref_slice %arg7[%dma_start3A] : memref<5120xi32, #tpu.memory_space<vmem>> -> memref<4992xi32, #tpu.memory_space<vmem>>
      %dma_start3A_34 = tpu.memref_slice %arg2[%mul3A_2] : memref<160000xi32, #tpu.memory_space<hbm>> -> memref<4992xi32, #tpu.memory_space<hbm>>
      %dma_start3A_35 = arith.constant 0 : i32
      %dma_start3A_36 = tpu.memref_slice %arg7[%dma_start3A_35] : memref<5120xi32, #tpu.memory_space<vmem>> -> memref<4992xi32, #tpu.memory_space<vmem>>
      %dma_start3A_37 = tpu.memref_slice %arg2[%mul3A_2] : memref<160000xi32, #tpu.memory_space<hbm>> -> memref<4992xi32, #tpu.memory_space<hbm>>
      tpu.enqueue_dma source(%dma_start3A_37 : memref<4992xi32, #tpu.memory_space<hbm>>) target(%dma_start3A_36 : memref<4992xi32, #tpu.memory_space<vmem>>) target_semaphore(%run_scoped3A : memref<!tpu.dma_semaphore, #tpu.memory_space<semaphore_mem>>)
      %dma_wait3A = arith.constant 0 : i32
      %dma_wait3A_38 = tpu.memref_slice %arg7[%dma_wait3A] : memref<5120xi32, #tpu.memory_space<vmem>> -> memref<4992xi32, #tpu.memory_space<vmem>>
      %dma_wait3A_39 = tpu.memref_slice %arg2[%mul3A_2] : memref<160000xi32, #tpu.memory_space<hbm>> -> memref<4992xi32, #tpu.memory_space<hbm>>
      %dma_wait3A_40 = arith.constant 0 : i32
      %dma_wait3A_41 = tpu.memref_slice %arg7[%dma_wait3A_40] : memref<5120xi32, #tpu.memory_space<vmem>> -> memref<4992xi32, #tpu.memory_space<vmem>>
      %dma_wait3A_42 = tpu.memref_slice %arg2[%mul3A_2] : memref<160000xi32, #tpu.memory_space<hbm>> -> memref<4992xi32, #tpu.memory_space<hbm>>
      tpu.wait_dma2 semaphore(%run_scoped3A : memref<!tpu.dma_semaphore, #tpu.memory_space<semaphore_mem>>) src(%dma_wait3A_42 : memref<4992xi32, #tpu.memory_space<hbm>>) dst(%dma_wait3A_41 : memref<4992xi32, #tpu.memory_space<vmem>>)
      tpu.yield
    }) : () -> ()
    %lt3A = arith.constant 2 : i32
    %lt3A_3 = arith.cmpi slt, %add3A, %lt3A : i32
    %convert_element_type3A = arith.extui %lt3A_3 : i1 to i32
    %cond3A = arith.constant 0 : i32
    %cond3A_4 = arith.cmpi ne, %convert_element_type3A, %cond3A : i32
    scf.if %cond3A_4 {
      %mul3A_33 = arith.constant 128 : i32
      %mul3A_34 = arith.muli %add3A, %mul3A_33 : i32
      %add3A_35 = arith.constant 159744 : i32
      %add3A_36 = arith.addi %add3A_35, %mul3A_34 : i32
      "tpu.region"() ({
        %run_scoped3A = tpu.sem_alloc : memref<!tpu.dma_semaphore, #tpu.memory_space<semaphore_mem>>
        %dma_start3A = arith.constant 4992 : i32
        %dma_start3A_37 = tpu.memref_slice %arg7[%dma_start3A] : memref<5120xi32, #tpu.memory_space<vmem>> -> memref<128xi32, #tpu.memory_space<vmem>>
        %dma_start3A_38 = tpu.memref_slice %arg2[%add3A_36] : memref<160000xi32, #tpu.memory_space<hbm>> -> memref<128xi32, #tpu.memory_space<hbm>>
        %dma_start3A_39 = arith.constant 4992 : i32
        %dma_start3A_40 = tpu.memref_slice %arg7[%dma_start3A_39] : memref<5120xi32, #tpu.memory_space<vmem>> -> memref<128xi32, #tpu.memory_space<vmem>>
        %dma_start3A_41 = tpu.memref_slice %arg2[%add3A_36] : memref<160000xi32, #tpu.memory_space<hbm>> -> memref<128xi32, #tpu.memory_space<hbm>>
        tpu.enqueue_dma source(%dma_start3A_41 : memref<128xi32, #tpu.memory_space<hbm>>) target(%dma_start3A_40 : memref<128xi32, #tpu.memory_space<vmem>>) target_semaphore(%run_scoped3A : memref<!tpu.dma_semaphore, #tpu.memory_space<semaphore_mem>>)
        %dma_wait3A = arith.constant 4992 : i32
        %dma_wait3A_42 = tpu.memref_slice %arg7[%dma_wait3A] : memref<5120xi32, #tpu.memory_space<vmem>> -> memref<128xi32, #tpu.memory_space<vmem>>
        %dma_wait3A_43 = tpu.memref_slice %arg2[%add3A_36] : memref<160000xi32, #tpu.memory_space<hbm>> -> memref<128xi32, #tpu.memory_space<hbm>>
        %dma_wait3A_44 = arith.constant 4992 : i32
        %dma_wait3A_45 = tpu.memref_slice %arg7[%dma_wait3A_44] : memref<5120xi32, #tpu.memory_space<vmem>> -> memref<128xi32, #tpu.memory_space<vmem>>
        %dma_wait3A_46 = tpu.memref_slice %arg2[%add3A_36] : memref<160000xi32, #tpu.memory_space<hbm>> -> memref<128xi32, #tpu.memory_space<hbm>>
        tpu.wait_dma2 semaphore(%run_scoped3A : memref<!tpu.dma_semaphore, #tpu.memory_space<semaphore_mem>>) src(%dma_wait3A_46 : memref<128xi32, #tpu.memory_space<hbm>>) dst(%dma_wait3A_45 : memref<128xi32, #tpu.memory_space<vmem>>)
        tpu.yield
      }) : () -> ()
    } else {
    }
    "tpu.region"() ({
      %run_scoped3A = tpu.sem_alloc : memref<!tpu.dma_semaphore, #tpu.memory_space<semaphore_mem>>
      tpu.enqueue_dma source(%arg4 : memref<128x128xf32, #tpu.memory_space<hbm>>) target(%arg10 : memref<128x128xf32, #tpu.memory_space<vmem>>) target_semaphore(%run_scoped3A : memref<!tpu.dma_semaphore, #tpu.memory_space<semaphore_mem>>)
      tpu.wait_dma2 semaphore(%run_scoped3A : memref<!tpu.dma_semaphore, #tpu.memory_space<semaphore_mem>>) src(%arg4 : memref<128x128xf32, #tpu.memory_space<hbm>>) dst(%arg10 : memref<128x128xf32, #tpu.memory_space<vmem>>)
      tpu.yield
    }) : () -> ()
    %mul3A_5 = arith.constant 624 : i32
    %mul3A_6 = arith.muli %arg1, %mul3A_5 : i32
    "tpu.region"() ({
      %run_scoped3A = tpu.sem_alloc : memref<!tpu.dma_semaphore, #tpu.memory_space<semaphore_mem>>
      %dma_start3A = arith.constant 0 : i32
      %dma_start3A_33 = tpu.memref_slice %arg6[%mul3A_6, %dma_start3A] : memref<10000x128xf32, #tpu.memory_space<vmem_shared>> -> memref<624x128xf32, #tpu.memory_space<vmem_shared>>
      tpu.enqueue_dma source(%arg3 : memref<624x128xf32, #tpu.memory_space<hbm>>) target(%dma_start3A_33 : memref<624x128xf32, #tpu.memory_space<vmem_shared>>) target_semaphore(%run_scoped3A : memref<!tpu.dma_semaphore, #tpu.memory_space<semaphore_mem>>)
      %dma_wait3A = arith.constant 0 : i32
      %dma_wait3A_34 = tpu.memref_slice %arg6[%mul3A_6, %dma_wait3A] : memref<10000x128xf32, #tpu.memory_space<vmem_shared>> -> memref<624x128xf32, #tpu.memory_space<vmem_shared>>
      tpu.wait_dma2 semaphore(%run_scoped3A : memref<!tpu.dma_semaphore, #tpu.memory_space<semaphore_mem>>) src(%arg3 : memref<624x128xf32, #tpu.memory_space<hbm>>) dst(%dma_wait3A_34 : memref<624x128xf32, #tpu.memory_space<vmem_shared>>)
      tpu.yield
    }) : () -> ()
    %eq3A = arith.constant 15 : i32
    %eq3A_7 = arith.cmpi eq, %arg1, %eq3A : i32
    %convert_element_type3A_8 = arith.extui %eq3A_7 : i1 to i32
    %cond3A_9 = arith.constant 0 : i32
    %cond3A_10 = arith.cmpi ne, %convert_element_type3A_8, %cond3A_9 : i32
    scf.if %cond3A_10 {
      "tpu.region"() ({
        %run_scoped3A = tpu.sem_alloc : memref<!tpu.dma_semaphore, #tpu.memory_space<semaphore_mem>>
        %dma_start3A = arith.constant 9984 : i32
        %dma_start3A_33 = arith.constant 0 : i32
        %dma_start3A_34 = tpu.memref_slice %arg6[%dma_start3A, %dma_start3A_33] : memref<10000x128xf32, #tpu.memory_space<vmem_shared>> -> memref<16x128xf32, #tpu.memory_space<vmem_shared>>
        %dma_start3A_35 = arith.constant 0 : i32
        %dma_start3A_36 = arith.constant 0 : i32
        %dma_start3A_37 = tpu.memref_slice %arg3[%dma_start3A_35, %dma_start3A_36] : memref<624x128xf32, #tpu.memory_space<hbm>> -> memref<16x128xf32, #tpu.memory_space<hbm>>
        tpu.enqueue_dma source(%dma_start3A_37 : memref<16x128xf32, #tpu.memory_space<hbm>>) target(%dma_start3A_34 : memref<16x128xf32, #tpu.memory_space<vmem_shared>>) target_semaphore(%run_scoped3A : memref<!tpu.dma_semaphore, #tpu.memory_space<semaphore_mem>>)
        %dma_wait3A = arith.constant 9984 : i32
        %dma_wait3A_38 = arith.constant 0 : i32
        %dma_wait3A_39 = tpu.memref_slice %arg6[%dma_wait3A, %dma_wait3A_38] : memref<10000x128xf32, #tpu.memory_space<vmem_shared>> -> memref<16x128xf32, #tpu.memory_space<vmem_shared>>
        %dma_wait3A_40 = arith.constant 0 : i32
        %dma_wait3A_41 = arith.constant 0 : i32
        %dma_wait3A_42 = tpu.memref_slice %arg3[%dma_wait3A_40, %dma_wait3A_41] : memref<624x128xf32, #tpu.memory_space<hbm>> -> memref<16x128xf32, #tpu.memory_space<hbm>>
        tpu.wait_dma2 semaphore(%run_scoped3A : memref<!tpu.dma_semaphore, #tpu.memory_space<semaphore_mem>>) src(%dma_wait3A_42 : memref<16x128xf32, #tpu.memory_space<hbm>>) dst(%dma_wait3A_39 : memref<16x128xf32, #tpu.memory_space<vmem_shared>>)
        tpu.yield
      }) : () -> ()
    } else {
    }
    %barrier3A = arith.constant 0 : index
    tpu.barrier barrier_id(%barrier3A)
    %lt3A_11 = arith.constant 2 : i32
    %lt3A_12 = arith.cmpi slt, %add3A, %lt3A_11 : i32
    %jit3A = arith.constant 40 : i32
    %jit3A_13 = arith.constant 39 : i32
    %select_n3A = arith.select %lt3A_12, %jit3A, %jit3A_13 : i32
    %while3A = arith.constant 0 : i32
    %while3A_14 = arith.constant 0 : i32
    %while3A_15 = arith.subi %select_n3A, %while3A_14 : i32
    %while3A_16 = arith.addi %while3A_14, %while3A_15 : i32
    %while3A_17 = arith.constant 1 : i32
    %while3A_18 = arith.divsi %while3A_15, %while3A_17 : i32
    %while3A_19 = arith.muli %while3A_18, %while3A_17 : i32
    %while3A_20 = arith.addi %while3A_14, %while3A_19 : i32
    %while3A_21 = arith.constant 1 : i32
    scf.for %while3A_33 = %while3A_14 to %while3A_20 step %while3A_21  : i32 {
      %mul3A_34 = arith.constant 128 : i32
      %mul3A_35 = arith.muli %while3A_33, %mul3A_34 : i32
      %add3A_36 = arith.constant 0 : i32
      %add3A_37 = arith.addi %mul3A_35, %add3A_36 : i32
      %get3A = arith.index_cast %add3A_37 : i32 to index
      %get3A_38 = tpu.vector_load %arg7[%get3A] {strides = array<i32>} : memref<5120xi32, #tpu.memory_space<vmem>>, vector<16xi32>,
      %get3A_39 = vector.shape_cast %get3A_38 : vector<16xi32> to vector<16xi32>
      %swap3A = arith.constant 0 : index
      %swap3A_40 = tpu.vector_load %arg8[%swap3A] {strides = array<i32>} : memref<128xi32, #tpu.memory_space<vmem>>, vector<16xi32>,
      %swap3A_41 = vector.shape_cast %swap3A_40 : vector<16xi32> to vector<16xi32>
      %swap3A_42 = vector.shape_cast %get3A_39 : vector<16xi32> to vector<16xi32>
      tpu.vector_store %arg8[%swap3A], %swap3A_42 {strides = array<i32>} : memref<128xi32, #tpu.memory_space<vmem>>, vector<16xi32>,
      %mul3A_43 = arith.constant 128 : i32
      %mul3A_44 = arith.muli %while3A_33, %mul3A_43 : i32
      %add3A_45 = arith.constant 16 : i32
      %add3A_46 = arith.addi %mul3A_44, %add3A_45 : i32
      %get3A_47 = arith.index_cast %add3A_46 : i32 to index
      %get3A_48 = tpu.vector_load %arg7[%get3A_47] {strides = array<i32>} : memref<5120xi32, #tpu.memory_space<vmem>>, vector<16xi32>,
      %get3A_49 = vector.shape_cast %get3A_48 : vector<16xi32> to vector<16xi32>
      %swap3A_50 = arith.constant 16 : index
      %swap3A_51 = tpu.vector_load %arg8[%swap3A_50] {strides = array<i32>} : memref<128xi32, #tpu.memory_space<vmem>>, vector<16xi32>,
      %swap3A_52 = vector.shape_cast %swap3A_51 : vector<16xi32> to vector<16xi32>
      %swap3A_53 = vector.shape_cast %get3A_49 : vector<16xi32> to vector<16xi32>
      tpu.vector_store %arg8[%swap3A_50], %swap3A_53 {strides = array<i32>} : memref<128xi32, #tpu.memory_space<vmem>>, vector<16xi32>,
      %mul3A_54 = arith.constant 128 : i32
      %mul3A_55 = arith.muli %while3A_33, %mul3A_54 : i32
      %add3A_56 = arith.constant 32 : i32
      %add3A_57 = arith.addi %mul3A_55, %add3A_56 : i32
      %get3A_58 = arith.index_cast %add3A_57 : i32 to index
      %get3A_59 = tpu.vector_load %arg7[%get3A_58] {strides = array<i32>} : memref<5120xi32, #tpu.memory_space<vmem>>, vector<16xi32>,
      %get3A_60 = vector.shape_cast %get3A_59 : vector<16xi32> to vector<16xi32>
      %swap3A_61 = arith.constant 32 : index
      %swap3A_62 = tpu.vector_load %arg8[%swap3A_61] {strides = array<i32>} : memref<128xi32, #tpu.memory_space<vmem>>, vector<16xi32>,
      %swap3A_63 = vector.shape_cast %swap3A_62 : vector<16xi32> to vector<16xi32>
      %swap3A_64 = vector.shape_cast %get3A_60 : vector<16xi32> to vector<16xi32>
      tpu.vector_store %arg8[%swap3A_61], %swap3A_64 {strides = array<i32>} : memref<128xi32, #tpu.memory_space<vmem>>, vector<16xi32>,
      %mul3A_65 = arith.constant 128 : i32
      %mul3A_66 = arith.muli %while3A_33, %mul3A_65 : i32
      %add3A_67 = arith.constant 48 : i32
      %add3A_68 = arith.addi %mul3A_66, %add3A_67 : i32
      %get3A_69 = arith.index_cast %add3A_68 : i32 to index
      %get3A_70 = tpu.vector_load %arg7[%get3A_69] {strides = array<i32>} : memref<5120xi32, #tpu.memory_space<vmem>>, vector<16xi32>,
      %get3A_71 = vector.shape_cast %get3A_70 : vector<16xi32> to vector<16xi32>
      %swap3A_72 = arith.constant 48 : index
      %swap3A_73 = tpu.vector_load %arg8[%swap3A_72] {strides = array<i32>} : memref<128xi32, #tpu.memory_space<vmem>>, vector<16xi32>,
      %swap3A_74 = vector.shape_cast %swap3A_73 : vector<16xi32> to vector<16xi32>
      %swap3A_75 = vector.shape_cast %get3A_71 : vector<16xi32> to vector<16xi32>
      tpu.vector_store %arg8[%swap3A_72], %swap3A_75 {strides = array<i32>} : memref<128xi32, #tpu.memory_space<vmem>>, vector<16xi32>,
      %mul3A_76 = arith.constant 128 : i32
      %mul3A_77 = arith.muli %while3A_33, %mul3A_76 : i32
      %add3A_78 = arith.constant 64 : i32
      %add3A_79 = arith.addi %mul3A_77, %add3A_78 : i32
      %get3A_80 = arith.index_cast %add3A_79 : i32 to index
      %get3A_81 = tpu.vector_load %arg7[%get3A_80] {strides = array<i32>} : memref<5120xi32, #tpu.memory_space<vmem>>, vector<16xi32>,
      %get3A_82 = vector.shape_cast %get3A_81 : vector<16xi32> to vector<16xi32>
      %swap3A_83 = arith.constant 64 : index
      %swap3A_84 = tpu.vector_load %arg8[%swap3A_83] {strides = array<i32>} : memref<128xi32, #tpu.memory_space<vmem>>, vector<16xi32>,
      %swap3A_85 = vector.shape_cast %swap3A_84 : vector<16xi32> to vector<16xi32>
      %swap3A_86 = vector.shape_cast %get3A_82 : vector<16xi32> to vector<16xi32>
      tpu.vector_store %arg8[%swap3A_83], %swap3A_86 {strides = array<i32>} : memref<128xi32, #tpu.memory_space<vmem>>, vector<16xi32>,
      %mul3A_87 = arith.constant 128 : i32
      %mul3A_88 = arith.muli %while3A_33, %mul3A_87 : i32
      %add3A_89 = arith.constant 80 : i32
      %add3A_90 = arith.addi %mul3A_88, %add3A_89 : i32
      %get3A_91 = arith.index_cast %add3A_90 : i32 to index
      %get3A_92 = tpu.vector_load %arg7[%get3A_91] {strides = array<i32>} : memref<5120xi32, #tpu.memory_space<vmem>>, vector<16xi32>,
      %get3A_93 = vector.shape_cast %get3A_92 : vector<16xi32> to vector<16xi32>
      %swap3A_94 = arith.constant 80 : index
      %swap3A_95 = tpu.vector_load %arg8[%swap3A_94] {strides = array<i32>} : memref<128xi32, #tpu.memory_space<vmem>>, vector<16xi32>,
      %swap3A_96 = vector.shape_cast %swap3A_95 : vector<16xi32> to vector<16xi32>
      %swap3A_97 = vector.shape_cast %get3A_93 : vector<16xi32> to vector<16xi32>
      tpu.vector_store %arg8[%swap3A_94], %swap3A_97 {strides = array<i32>} : memref<128xi32, #tpu.memory_space<vmem>>, vector<16xi32>,
      %mul3A_98 = arith.constant 128 : i32
      %mul3A_99 = arith.muli %while3A_33, %mul3A_98 : i32
      %add3A_100 = arith.constant 96 : i32
      %add3A_101 = arith.addi %mul3A_99, %add3A_100 : i32
      %get3A_102 = arith.index_cast %add3A_101 : i32 to index
      %get3A_103 = tpu.vector_load %arg7[%get3A_102] {strides = array<i32>} : memref<5120xi32, #tpu.memory_space<vmem>>, vector<16xi32>,
      %get3A_104 = vector.shape_cast %get3A_103 : vector<16xi32> to vector<16xi32>
      %swap3A_105 = arith.constant 96 : index
      %swap3A_106 = tpu.vector_load %arg8[%swap3A_105] {strides = array<i32>} : memref<128xi32, #tpu.memory_space<vmem>>, vector<16xi32>,
      %swap3A_107 = vector.shape_cast %swap3A_106 : vector<16xi32> to vector<16xi32>
      %swap3A_108 = vector.shape_cast %get3A_104 : vector<16xi32> to vector<16xi32>
      tpu.vector_store %arg8[%swap3A_105], %swap3A_108 {strides = array<i32>} : memref<128xi32, #tpu.memory_space<vmem>>, vector<16xi32>,
      %mul3A_109 = arith.constant 128 : i32
      %mul3A_110 = arith.muli %while3A_33, %mul3A_109 : i32
      %add3A_111 = arith.constant 112 : i32
      %add3A_112 = arith.addi %mul3A_110, %add3A_111 : i32
      %get3A_113 = arith.index_cast %add3A_112 : i32 to index
      %get3A_114 = tpu.vector_load %arg7[%get3A_113] {strides = array<i32>} : memref<5120xi32, #tpu.memory_space<vmem>>, vector<16xi32>,
      %get3A_115 = vector.shape_cast %get3A_114 : vector<16xi32> to vector<16xi32>
      %swap3A_116 = arith.constant 112 : index
      %swap3A_117 = tpu.vector_load %arg8[%swap3A_116] {strides = array<i32>} : memref<128xi32, #tpu.memory_space<vmem>>, vector<16xi32>,
      %swap3A_118 = vector.shape_cast %swap3A_117 : vector<16xi32> to vector<16xi32>
      %swap3A_119 = vector.shape_cast %get3A_115 : vector<16xi32> to vector<16xi32>
      tpu.vector_store %arg8[%swap3A_116], %swap3A_119 {strides = array<i32>} : memref<128xi32, #tpu.memory_space<vmem>>, vector<16xi32>,
      "tpu.region"() ({
        %run_scoped3A = tpu.sem_alloc : memref<!tpu.dma_semaphore, #tpu.memory_space<semaphore_mem>>
        %dma_start3A = arith.constant 0 : i32
        %dma_start3A_120 = arith.constant 0 : i32
        %dma_start3A_121 = tpu.memref_slice %arg6[%dma_start3A, %dma_start3A_120] : memref<10000x128xf32, #tpu.memory_space<vmem_shared>> -> memref<10000x128xf32, #tpu.memory_space<vmem_shared>>
        tpu.enqueue_indirect_dma source(%arg10 : memref<128x128xf32, #tpu.memory_space<vmem>>) target(%dma_start3A_121 : memref<10000x128xf32, #tpu.memory_space<vmem_shared>>) offsets(%arg8 : memref<128xi32, #tpu.memory_space<vmem>>) semaphore(%run_scoped3A : memref<!tpu.dma_semaphore, #tpu.memory_space<semaphore_mem>>) {add = true}
        %dma_wait3A = arith.constant 0 : i32
        %dma_wait3A_122 = arith.constant 0 : i32
        %dma_wait3A_123 = tpu.memref_slice %arg6[%dma_wait3A, %dma_wait3A_122] : memref<10000x128xf32, #tpu.memory_space<vmem_shared>> -> memref<10000x128xf32, #tpu.memory_space<vmem_shared>>
        tpu.wait_indirect_dma semaphore(%run_scoped3A : memref<!tpu.dma_semaphore, #tpu.memory_space<semaphore_mem>>) src(%arg10 : memref<128x128xf32, #tpu.memory_space<vmem>>) dst(%dma_wait3A_123 : memref<10000x128xf32, #tpu.memory_space<vmem_shared>>)
        tpu.yield
      }) : () -> ()
    }
    %while3A_22 = arith.constant 1 : i32
    scf.for %while3A_33 = %while3A_20 to %while3A_16 step %while3A_22  : i32 {
      %mul3A_34 = arith.constant 128 : i32
      %mul3A_35 = arith.muli %while3A_33, %mul3A_34 : i32
      %add3A_36 = arith.constant 0 : i32
      %add3A_37 = arith.addi %mul3A_35, %add3A_36 : i32
      %get3A = arith.index_cast %add3A_37 : i32 to index
      %get3A_38 = tpu.vector_load %arg7[%get3A] {strides = array<i32>} : memref<5120xi32, #tpu.memory_space<vmem>>, vector<16xi32>,
      %get3A_39 = vector.shape_cast %get3A_38 : vector<16xi32> to vector<16xi32>
      %swap3A = arith.constant 0 : index
      %swap3A_40 = tpu.vector_load %arg8[%swap3A] {strides = array<i32>} : memref<128xi32, #tpu.memory_space<vmem>>, vector<16xi32>,
      %swap3A_41 = vector.shape_cast %swap3A_40 : vector<16xi32> to vector<16xi32>
      %swap3A_42 = vector.shape_cast %get3A_39 : vector<16xi32> to vector<16xi32>
      tpu.vector_store %arg8[%swap3A], %swap3A_42 {strides = array<i32>} : memref<128xi32, #tpu.memory_space<vmem>>, vector<16xi32>,
      %mul3A_43 = arith.constant 128 : i32
      %mul3A_44 = arith.muli %while3A_33, %mul3A_43 : i32
      %add3A_45 = arith.constant 16 : i32
      %add3A_46 = arith.addi %mul3A_44, %add3A_45 : i32
      %get3A_47 = arith.index_cast %add3A_46 : i32 to index
      %get3A_48 = tpu.vector_load %arg7[%get3A_47] {strides = array<i32>} : memref<5120xi32, #tpu.memory_space<vmem>>, vector<16xi32>,
      %get3A_49 = vector.shape_cast %get3A_48 : vector<16xi32> to vector<16xi32>
      %swap3A_50 = arith.constant 16 : index
      %swap3A_51 = tpu.vector_load %arg8[%swap3A_50] {strides = array<i32>} : memref<128xi32, #tpu.memory_space<vmem>>, vector<16xi32>,
      %swap3A_52 = vector.shape_cast %swap3A_51 : vector<16xi32> to vector<16xi32>
      %swap3A_53 = vector.shape_cast %get3A_49 : vector<16xi32> to vector<16xi32>
      tpu.vector_store %arg8[%swap3A_50], %swap3A_53 {strides = array<i32>} : memref<128xi32, #tpu.memory_space<vmem>>, vector<16xi32>,
      %mul3A_54 = arith.constant 128 : i32
      %mul3A_55 = arith.muli %while3A_33, %mul3A_54 : i32
      %add3A_56 = arith.constant 32 : i32
      %add3A_57 = arith.addi %mul3A_55, %add3A_56 : i32
      %get3A_58 = arith.index_cast %add3A_57 : i32 to index
      %get3A_59 = tpu.vector_load %arg7[%get3A_58] {strides = array<i32>} : memref<5120xi32, #tpu.memory_space<vmem>>, vector<16xi32>,
      %get3A_60 = vector.shape_cast %get3A_59 : vector<16xi32> to vector<16xi32>
      %swap3A_61 = arith.constant 32 : index
      %swap3A_62 = tpu.vector_load %arg8[%swap3A_61] {strides = array<i32>} : memref<128xi32, #tpu.memory_space<vmem>>, vector<16xi32>,
      %swap3A_63 = vector.shape_cast %swap3A_62 : vector<16xi32> to vector<16xi32>
      %swap3A_64 = vector.shape_cast %get3A_60 : vector<16xi32> to vector<16xi32>
      tpu.vector_store %arg8[%swap3A_61], %swap3A_64 {strides = array<i32>} : memref<128xi32, #tpu.memory_space<vmem>>, vector<16xi32>,
      %mul3A_65 = arith.constant 128 : i32
      %mul3A_66 = arith.muli %while3A_33, %mul3A_65 : i32
      %add3A_67 = arith.constant 48 : i32
      %add3A_68 = arith.addi %mul3A_66, %add3A_67 : i32
      %get3A_69 = arith.index_cast %add3A_68 : i32 to index
      %get3A_70 = tpu.vector_load %arg7[%get3A_69] {strides = array<i32>} : memref<5120xi32, #tpu.memory_space<vmem>>, vector<16xi32>,
      %get3A_71 = vector.shape_cast %get3A_70 : vector<16xi32> to vector<16xi32>
      %swap3A_72 = arith.constant 48 : index
      %swap3A_73 = tpu.vector_load %arg8[%swap3A_72] {strides = array<i32>} : memref<128xi32, #tpu.memory_space<vmem>>, vector<16xi32>,
      %swap3A_74 = vector.shape_cast %swap3A_73 : vector<16xi32> to vector<16xi32>
      %swap3A_75 = vector.shape_cast %get3A_71 : vector<16xi32> to vector<16xi32>
      tpu.vector_store %arg8[%swap3A_72], %swap3A_75 {strides = array<i32>} : memref<128xi32, #tpu.memory_space<vmem>>, vector<16xi32>,
      %mul3A_76 = arith.constant 128 : i32
      %mul3A_77 = arith.muli %while3A_33, %mul3A_76 : i32
      %add3A_78 = arith.constant 64 : i32
      %add3A_79 = arith.addi %mul3A_77, %add3A_78 : i32
      %get3A_80 = arith.index_cast %add3A_79 : i32 to index
      %get3A_81 = tpu.vector_load %arg7[%get3A_80] {strides = array<i32>} : memref<5120xi32, #tpu.memory_space<vmem>>, vector<16xi32>,
      %get3A_82 = vector.shape_cast %get3A_81 : vector<16xi32> to vector<16xi32>
      %swap3A_83 = arith.constant 64 : index
      %swap3A_84 = tpu.vector_load %arg8[%swap3A_83] {strides = array<i32>} : memref<128xi32, #tpu.memory_space<vmem>>, vector<16xi32>,
      %swap3A_85 = vector.shape_cast %swap3A_84 : vector<16xi32> to vector<16xi32>
      %swap3A_86 = vector.shape_cast %get3A_82 : vector<16xi32> to vector<16xi32>
      tpu.vector_store %arg8[%swap3A_83], %swap3A_86 {strides = array<i32>} : memref<128xi32, #tpu.memory_space<vmem>>, vector<16xi32>,
      %mul3A_87 = arith.constant 128 : i32
      %mul3A_88 = arith.muli %while3A_33, %mul3A_87 : i32
      %add3A_89 = arith.constant 80 : i32
      %add3A_90 = arith.addi %mul3A_88, %add3A_89 : i32
      %get3A_91 = arith.index_cast %add3A_90 : i32 to index
      %get3A_92 = tpu.vector_load %arg7[%get3A_91] {strides = array<i32>} : memref<5120xi32, #tpu.memory_space<vmem>>, vector<16xi32>,
      %get3A_93 = vector.shape_cast %get3A_92 : vector<16xi32> to vector<16xi32>
      %swap3A_94 = arith.constant 80 : index
      %swap3A_95 = tpu.vector_load %arg8[%swap3A_94] {strides = array<i32>} : memref<128xi32, #tpu.memory_space<vmem>>, vector<16xi32>,
      %swap3A_96 = vector.shape_cast %swap3A_95 : vector<16xi32> to vector<16xi32>
      %swap3A_97 = vector.shape_cast %get3A_93 : vector<16xi32> to vector<16xi32>
      tpu.vector_store %arg8[%swap3A_94], %swap3A_97 {strides = array<i32>} : memref<128xi32, #tpu.memory_space<vmem>>, vector<16xi32>,
      %mul3A_98 = arith.constant 128 : i32
      %mul3A_99 = arith.muli %while3A_33, %mul3A_98 : i32
      %add3A_100 = arith.constant 96 : i32
      %add3A_101 = arith.addi %mul3A_99, %add3A_100 : i32
      %get3A_102 = arith.index_cast %add3A_101 : i32 to index
      %get3A_103 = tpu.vector_load %arg7[%get3A_102] {strides = array<i32>} : memref<5120xi32, #tpu.memory_space<vmem>>, vector<16xi32>,
      %get3A_104 = vector.shape_cast %get3A_103 : vector<16xi32> to vector<16xi32>
      %swap3A_105 = arith.constant 96 : index
      %swap3A_106 = tpu.vector_load %arg8[%swap3A_105] {strides = array<i32>} : memref<128xi32, #tpu.memory_space<vmem>>, vector<16xi32>,
      %swap3A_107 = vector.shape_cast %swap3A_106 : vector<16xi32> to vector<16xi32>
      %swap3A_108 = vector.shape_cast %get3A_104 : vector<16xi32> to vector<16xi32>
      tpu.vector_store %arg8[%swap3A_105], %swap3A_108 {strides = array<i32>} : memref<128xi32, #tpu.memory_space<vmem>>, vector<16xi32>,
      %mul3A_109 = arith.constant 128 : i32
      %mul3A_110 = arith.muli %while3A_33, %mul3A_109 : i32
      %add3A_111 = arith.constant 112 : i32
      %add3A_112 = arith.addi %mul3A_110, %add3A_111 : i32
      %get3A_113 = arith.index_cast %add3A_112 : i32 to index
      %get3A_114 = tpu.vector_load %arg7[%get3A_113] {strides = array<i32>} : memref<5120xi32, #tpu.memory_space<vmem>>, vector<16xi32>,
      %get3A_115 = vector.shape_cast %get3A_114 : vector<16xi32> to vector<16xi32>
      %swap3A_116 = arith.constant 112 : index
      %swap3A_117 = tpu.vector_load %arg8[%swap3A_116] {strides = array<i32>} : memref<128xi32, #tpu.memory_space<vmem>>, vector<16xi32>,
      %swap3A_118 = vector.shape_cast %swap3A_117 : vector<16xi32> to vector<16xi32>
      %swap3A_119 = vector.shape_cast %get3A_115 : vector<16xi32> to vector<16xi32>
      tpu.vector_store %arg8[%swap3A_116], %swap3A_119 {strides = array<i32>} : memref<128xi32, #tpu.memory_space<vmem>>, vector<16xi32>,
      "tpu.region"() ({
        %run_scoped3A = tpu.sem_alloc : memref<!tpu.dma_semaphore, #tpu.memory_space<semaphore_mem>>
        %dma_start3A = arith.constant 0 : i32
        %dma_start3A_120 = arith.constant 0 : i32
        %dma_start3A_121 = tpu.memref_slice %arg6[%dma_start3A, %dma_start3A_120] : memref<10000x128xf32, #tpu.memory_space<vmem_shared>> -> memref<10000x128xf32, #tpu.memory_space<vmem_shared>>
        tpu.enqueue_indirect_dma source(%arg10 : memref<128x128xf32, #tpu.memory_space<vmem>>) target(%dma_start3A_121 : memref<10000x128xf32, #tpu.memory_space<vmem_shared>>) offsets(%arg8 : memref<128xi32, #tpu.memory_space<vmem>>) semaphore(%run_scoped3A : memref<!tpu.dma_semaphore, #tpu.memory_space<semaphore_mem>>) {add = true}
        %dma_wait3A = arith.constant 0 : i32
        %dma_wait3A_122 = arith.constant 0 : i32
        %dma_wait3A_123 = tpu.memref_slice %arg6[%dma_wait3A, %dma_wait3A_122] : memref<10000x128xf32, #tpu.memory_space<vmem_shared>> -> memref<10000x128xf32, #tpu.memory_space<vmem_shared>>
        tpu.wait_indirect_dma semaphore(%run_scoped3A : memref<!tpu.dma_semaphore, #tpu.memory_space<semaphore_mem>>) src(%arg10 : memref<128x128xf32, #tpu.memory_space<vmem>>) dst(%dma_wait3A_123 : memref<10000x128xf32, #tpu.memory_space<vmem_shared>>)
        tpu.yield
      }) : () -> ()
    }
    %barrier3A_23 = arith.constant 0 : index
    tpu.barrier barrier_id(%barrier3A_23)
    %mul3A_24 = arith.constant 624 : i32
    %mul3A_25 = arith.muli %arg1, %mul3A_24 : i32
    %mul3A_26 = arith.constant 624 : i32
    %mul3A_27 = arith.muli %arg1, %mul3A_26 : i32
    "tpu.region"() ({
      %run_scoped3A = tpu.sem_alloc : memref<!tpu.dma_semaphore, #tpu.memory_space<semaphore_mem>>
      %dma_start3A = arith.constant 0 : i32
      %dma_start3A_33 = tpu.memref_slice %arg5[%arg0, %mul3A_27, %dma_start3A] : memref<2x10000x128xf32, #tpu.memory_space<hbm>> -> memref<1x624x128xf32, #tpu.memory_space<hbm>>
      %dma_start3A_34 = tpu.memref_squeeze %dma_start3A_33 : memref<1x624x128xf32, #tpu.memory_space<hbm>> -> memref<624x128xf32, #tpu.memory_space<hbm>>
      %dma_start3A_35 = arith.constant 0 : i32
      %dma_start3A_36 = tpu.memref_slice %arg6[%mul3A_25, %dma_start3A_35] : memref<10000x128xf32, #tpu.memory_space<vmem_shared>> -> memref<624x128xf32, #tpu.memory_space<vmem_shared>>
      tpu.enqueue_dma source(%dma_start3A_36 : memref<624x128xf32, #tpu.memory_space<vmem_shared>>) target(%dma_start3A_34 : memref<624x128xf32, #tpu.memory_space<hbm>>) target_semaphore(%run_scoped3A : memref<!tpu.dma_semaphore, #tpu.memory_space<semaphore_mem>>)
      %dma_wait3A = arith.constant 0 : i32
      %dma_wait3A_37 = tpu.memref_slice %arg5[%arg0, %mul3A_27, %dma_wait3A] : memref<2x10000x128xf32, #tpu.memory_space<hbm>> -> memref<1x624x128xf32, #tpu.memory_space<hbm>>
      %dma_wait3A_38 = tpu.memref_squeeze %dma_wait3A_37 : memref<1x624x128xf32, #tpu.memory_space<hbm>> -> memref<624x128xf32, #tpu.memory_space<hbm>>
      %dma_wait3A_39 = arith.constant 0 : i32
      %dma_wait3A_40 = tpu.memref_slice %arg6[%mul3A_25, %dma_wait3A_39] : memref<10000x128xf32, #tpu.memory_space<vmem_shared>> -> memref<624x128xf32, #tpu.memory_space<vmem_shared>>
      tpu.wait_dma2 semaphore(%run_scoped3A : memref<!tpu.dma_semaphore, #tpu.memory_space<semaphore_mem>>) src(%dma_wait3A_40 : memref<624x128xf32, #tpu.memory_space<vmem_shared>>) dst(%dma_wait3A_38 : memref<624x128xf32, #tpu.memory_space<hbm>>)
      tpu.yield
    }) : () -> ()
    %eq3A_28 = arith.constant 15 : i32
    %eq3A_29 = arith.cmpi eq, %arg1, %eq3A_28 : i32
    %convert_element_type3A_30 = arith.extui %eq3A_29 : i1 to i32
    %cond3A_31 = arith.constant 0 : i32
    %cond3A_32 = arith.cmpi ne, %convert_element_type3A_30, %cond3A_31 : i32
    scf.if %cond3A_32 {
      "tpu.region"() ({
        %run_scoped3A = tpu.sem_alloc : memref<!tpu.dma_semaphore, #tpu.memory_space<semaphore_mem>>
        %dma_start3A = arith.constant 9984 : i32
        %dma_start3A_33 = arith.constant 0 : i32
        %dma_start3A_34 = tpu.memref_slice %arg5[%arg0, %dma_start3A, %dma_start3A_33] : memref<2x10000x128xf32, #tpu.memory_space<hbm>> -> memref<1x16x128xf32, #tpu.memory_space<hbm>>
        %dma_start3A_35 = tpu.memref_squeeze %dma_start3A_34 : memref<1x16x128xf32, #tpu.memory_space<hbm>> -> memref<16x128xf32, #tpu.memory_space<hbm>>
        %dma_start3A_36 = arith.constant 9984 : i32
        %dma_start3A_37 = arith.constant 0 : i32
        %dma_start3A_38 = tpu.memref_slice %arg6[%dma_start3A_36, %dma_start3A_37] : memref<10000x128xf32, #tpu.memory_space<vmem_shared>> -> memref<16x128xf32, #tpu.memory_space<vmem_shared>>
        tpu.enqueue_dma source(%dma_start3A_38 : memref<16x128xf32, #tpu.memory_space<vmem_shared>>) target(%dma_start3A_35 : memref<16x128xf32, #tpu.memory_space<hbm>>) target_semaphore(%run_scoped3A : memref<!tpu.dma_semaphore, #tpu.memory_space<semaphore_mem>>)
        %dma_wait3A = arith.constant 9984 : i32
        %dma_wait3A_39 = arith.constant 0 : i32
        %dma_wait3A_40 = tpu.memref_slice %arg5[%arg0, %dma_wait3A, %dma_wait3A_39] : memref<2x10000x128xf32, #tpu.memory_space<hbm>> -> memref<1x16x128xf32, #tpu.memory_space<hbm>>
        %dma_wait3A_41 = tpu.memref_squeeze %dma_wait3A_40 : memref<1x16x128xf32, #tpu.memory_space<hbm>> -> memref<16x128xf32, #tpu.memory_space<hbm>>
        %dma_wait3A_42 = arith.constant 9984 : i32
        %dma_wait3A_43 = arith.constant 0 : i32
        %dma_wait3A_44 = tpu.memref_slice %arg6[%dma_wait3A_42, %dma_wait3A_43] : memref<10000x128xf32, #tpu.memory_space<vmem_shared>> -> memref<16x128xf32, #tpu.memory_space<vmem_shared>>
        tpu.wait_dma2 semaphore(%run_scoped3A : memref<!tpu.dma_semaphore, #tpu.memory_space<semaphore_mem>>) src(%dma_wait3A_44 : memref<16x128xf32, #tpu.memory_space<vmem_shared>>) dst(%dma_wait3A_41 : memref<16x128xf32, #tpu.memory_space<hbm>>)
        tpu.yield
      }) : () -> ()
    } else {
    }
    return
  }
}

#map = affine_map<(d0, d1) -> (0, 0)>
#map1 = affine_map<(d0, d1) -> (0)>
module attributes {stable_mosaic.version = 14 : i64} {
  func.func @mp_kernel(%arg0: i32, %arg1: i32, %arg2: memref<20000x128xf32, #tpu.memory_space<hbm>>, %arg3: memref<160000xi32, #tpu.memory_space<hbm>>, %arg4: memref<160000xi32, #tpu.memory_space<hbm>>, %arg5: memref<624x128xf32, #tpu.memory_space<hbm>>, %arg6: memref<20000x128xf32, #tpu.memory_space<hbm>>, %arg7: memref<10000x128xf32, #tpu.memory_space<vmem_shared>>, %arg8: memref<10240xi32, #tpu.memory_space<vmem>>, %arg9: memref<10240xi32, #tpu.memory_space<vmem>>, %arg10: memref<64xi32, #tpu.memory_space<vmem>>, %arg11: memref<64xi32, #tpu.memory_space<vmem>>, %arg12: memref<64xi32, #tpu.memory_space<vmem>>, %arg13: memref<64xi32, #tpu.memory_space<vmem>>, %arg14: memref<64xi32, #tpu.memory_space<vmem>>, %arg15: memref<64xi32, #tpu.memory_space<vmem>>, %arg16: memref<64x128xf32, #tpu.memory_space<vmem>>, %arg17: memref<64x128xf32, #tpu.memory_space<vmem>>, %arg18: memref<64x128xf32, #tpu.memory_space<vmem>>, %arg19: memref<!tpu.dma_semaphore, #tpu.memory_space<semaphore_mem>>, %arg20: memref<!tpu.dma_semaphore, #tpu.memory_space<semaphore_mem>>, %arg21: memref<!tpu.dma_semaphore, #tpu.memory_space<semaphore_mem>>) attributes {dimension_semantics = [#tpu.dimension_semantics<core_parallel>, #tpu.dimension_semantics<subcore_parallel>], iteration_bounds = array<i64: 2, 16>, scalar_prefetch = 0 : i64, scratch_operands = 15 : i64, tpu.core_type = #tpu.core_type<sc_vector_subcore>, window_params = [{transform_indices = #map}, {transform_indices = #map1}, {transform_indices = #map1}, {transform_indices = #map}, {transform_indices = #map}]} {
    %mul3A = arith.constant 9984 : i32
    %mul3A_0 = arith.muli %arg1, %mul3A : i32
    "tpu.region"() ({
      %run_scoped3A = tpu.sem_alloc : memref<!tpu.dma_semaphore, #tpu.memory_space<semaphore_mem>>
      %dma_start3A_167 = arith.constant 0 : i32
      %dma_start3A_168 = tpu.memref_slice %arg8[%dma_start3A_167] : memref<10240xi32, #tpu.memory_space<vmem>> -> memref<9984xi32, #tpu.memory_space<vmem>>
      %dma_start3A_169 = tpu.memref_slice %arg3[%mul3A_0] : memref<160000xi32, #tpu.memory_space<hbm>> -> memref<9984xi32, #tpu.memory_space<hbm>>
      %dma_start3A_170 = arith.constant 0 : i32
      %dma_start3A_171 = tpu.memref_slice %arg8[%dma_start3A_170] : memref<10240xi32, #tpu.memory_space<vmem>> -> memref<9984xi32, #tpu.memory_space<vmem>>
      %dma_start3A_172 = tpu.memref_slice %arg3[%mul3A_0] : memref<160000xi32, #tpu.memory_space<hbm>> -> memref<9984xi32, #tpu.memory_space<hbm>>
      tpu.enqueue_dma source(%dma_start3A_172 : memref<9984xi32, #tpu.memory_space<hbm>>) target(%dma_start3A_171 : memref<9984xi32, #tpu.memory_space<vmem>>) target_semaphore(%run_scoped3A : memref<!tpu.dma_semaphore, #tpu.memory_space<semaphore_mem>>)
      %dma_wait3A = arith.constant 0 : i32
      %dma_wait3A_173 = tpu.memref_slice %arg8[%dma_wait3A] : memref<10240xi32, #tpu.memory_space<vmem>> -> memref<9984xi32, #tpu.memory_space<vmem>>
      %dma_wait3A_174 = tpu.memref_slice %arg3[%mul3A_0] : memref<160000xi32, #tpu.memory_space<hbm>> -> memref<9984xi32, #tpu.memory_space<hbm>>
      %dma_wait3A_175 = arith.constant 0 : i32
      %dma_wait3A_176 = tpu.memref_slice %arg8[%dma_wait3A_175] : memref<10240xi32, #tpu.memory_space<vmem>> -> memref<9984xi32, #tpu.memory_space<vmem>>
      %dma_wait3A_177 = tpu.memref_slice %arg3[%mul3A_0] : memref<160000xi32, #tpu.memory_space<hbm>> -> memref<9984xi32, #tpu.memory_space<hbm>>
      tpu.wait_dma2 semaphore(%run_scoped3A : memref<!tpu.dma_semaphore, #tpu.memory_space<semaphore_mem>>) src(%dma_wait3A_177 : memref<9984xi32, #tpu.memory_space<hbm>>) dst(%dma_wait3A_176 : memref<9984xi32, #tpu.memory_space<vmem>>)
      tpu.yield
    }) : () -> ()
    "tpu.region"() ({
      %run_scoped3A = tpu.sem_alloc : memref<!tpu.dma_semaphore, #tpu.memory_space<semaphore_mem>>
      %dma_start3A_167 = arith.constant 0 : i32
      %dma_start3A_168 = tpu.memref_slice %arg9[%dma_start3A_167] : memref<10240xi32, #tpu.memory_space<vmem>> -> memref<9984xi32, #tpu.memory_space<vmem>>
      %dma_start3A_169 = tpu.memref_slice %arg4[%mul3A_0] : memref<160000xi32, #tpu.memory_space<hbm>> -> memref<9984xi32, #tpu.memory_space<hbm>>
      %dma_start3A_170 = arith.constant 0 : i32
      %dma_start3A_171 = tpu.memref_slice %arg9[%dma_start3A_170] : memref<10240xi32, #tpu.memory_space<vmem>> -> memref<9984xi32, #tpu.memory_space<vmem>>
      %dma_start3A_172 = tpu.memref_slice %arg4[%mul3A_0] : memref<160000xi32, #tpu.memory_space<hbm>> -> memref<9984xi32, #tpu.memory_space<hbm>>
      tpu.enqueue_dma source(%dma_start3A_172 : memref<9984xi32, #tpu.memory_space<hbm>>) target(%dma_start3A_171 : memref<9984xi32, #tpu.memory_space<vmem>>) target_semaphore(%run_scoped3A : memref<!tpu.dma_semaphore, #tpu.memory_space<semaphore_mem>>)
      %dma_wait3A = arith.constant 0 : i32
      %dma_wait3A_173 = tpu.memref_slice %arg9[%dma_wait3A] : memref<10240xi32, #tpu.memory_space<vmem>> -> memref<9984xi32, #tpu.memory_space<vmem>>
      %dma_wait3A_174 = tpu.memref_slice %arg4[%mul3A_0] : memref<160000xi32, #tpu.memory_space<hbm>> -> memref<9984xi32, #tpu.memory_space<hbm>>
      %dma_wait3A_175 = arith.constant 0 : i32
      %dma_wait3A_176 = tpu.memref_slice %arg9[%dma_wait3A_175] : memref<10240xi32, #tpu.memory_space<vmem>> -> memref<9984xi32, #tpu.memory_space<vmem>>
      %dma_wait3A_177 = tpu.memref_slice %arg4[%mul3A_0] : memref<160000xi32, #tpu.memory_space<hbm>> -> memref<9984xi32, #tpu.memory_space<hbm>>
      tpu.wait_dma2 semaphore(%run_scoped3A : memref<!tpu.dma_semaphore, #tpu.memory_space<semaphore_mem>>) src(%dma_wait3A_177 : memref<9984xi32, #tpu.memory_space<hbm>>) dst(%dma_wait3A_176 : memref<9984xi32, #tpu.memory_space<vmem>>)
      tpu.yield
    }) : () -> ()
    %eq3A = arith.constant 15 : i32
    %eq3A_1 = arith.cmpi eq, %arg1, %eq3A : i32
    %convert_element_type3A = arith.extui %eq3A_1 : i1 to i32
    %cond3A = arith.constant 0 : i32
    %cond3A_2 = arith.cmpi ne, %convert_element_type3A, %cond3A : i32
    scf.if %cond3A_2 {
      "tpu.region"() ({
        %run_scoped3A = tpu.sem_alloc : memref<!tpu.dma_semaphore, #tpu.memory_space<semaphore_mem>>
        %dma_start3A_167 = arith.constant 9984 : i32
        %dma_start3A_168 = tpu.memref_slice %arg8[%dma_start3A_167] : memref<10240xi32, #tpu.memory_space<vmem>> -> memref<256xi32, #tpu.memory_space<vmem>>
        %dma_start3A_169 = arith.constant 159744 : i32
        %dma_start3A_170 = tpu.memref_slice %arg3[%dma_start3A_169] : memref<160000xi32, #tpu.memory_space<hbm>> -> memref<256xi32, #tpu.memory_space<hbm>>
        %dma_start3A_171 = arith.constant 9984 : i32
        %dma_start3A_172 = tpu.memref_slice %arg8[%dma_start3A_171] : memref<10240xi32, #tpu.memory_space<vmem>> -> memref<256xi32, #tpu.memory_space<vmem>>
        %dma_start3A_173 = arith.constant 159744 : i32
        %dma_start3A_174 = tpu.memref_slice %arg3[%dma_start3A_173] : memref<160000xi32, #tpu.memory_space<hbm>> -> memref<256xi32, #tpu.memory_space<hbm>>
        tpu.enqueue_dma source(%dma_start3A_174 : memref<256xi32, #tpu.memory_space<hbm>>) target(%dma_start3A_172 : memref<256xi32, #tpu.memory_space<vmem>>) target_semaphore(%run_scoped3A : memref<!tpu.dma_semaphore, #tpu.memory_space<semaphore_mem>>)
        %dma_wait3A = arith.constant 9984 : i32
        %dma_wait3A_175 = tpu.memref_slice %arg8[%dma_wait3A] : memref<10240xi32, #tpu.memory_space<vmem>> -> memref<256xi32, #tpu.memory_space<vmem>>
        %dma_wait3A_176 = arith.constant 159744 : i32
        %dma_wait3A_177 = tpu.memref_slice %arg3[%dma_wait3A_176] : memref<160000xi32, #tpu.memory_space<hbm>> -> memref<256xi32, #tpu.memory_space<hbm>>
        %dma_wait3A_178 = arith.constant 9984 : i32
        %dma_wait3A_179 = tpu.memref_slice %arg8[%dma_wait3A_178] : memref<10240xi32, #tpu.memory_space<vmem>> -> memref<256xi32, #tpu.memory_space<vmem>>
        %dma_wait3A_180 = arith.constant 159744 : i32
        %dma_wait3A_181 = tpu.memref_slice %arg3[%dma_wait3A_180] : memref<160000xi32, #tpu.memory_space<hbm>> -> memref<256xi32, #tpu.memory_space<hbm>>
        tpu.wait_dma2 semaphore(%run_scoped3A : memref<!tpu.dma_semaphore, #tpu.memory_space<semaphore_mem>>) src(%dma_wait3A_181 : memref<256xi32, #tpu.memory_space<hbm>>) dst(%dma_wait3A_179 : memref<256xi32, #tpu.memory_space<vmem>>)
        tpu.yield
      }) : () -> ()
      "tpu.region"() ({
        %run_scoped3A = tpu.sem_alloc : memref<!tpu.dma_semaphore, #tpu.memory_space<semaphore_mem>>
        %dma_start3A_167 = arith.constant 9984 : i32
        %dma_start3A_168 = tpu.memref_slice %arg9[%dma_start3A_167] : memref<10240xi32, #tpu.memory_space<vmem>> -> memref<256xi32, #tpu.memory_space<vmem>>
        %dma_start3A_169 = arith.constant 159744 : i32
        %dma_start3A_170 = tpu.memref_slice %arg4[%dma_start3A_169] : memref<160000xi32, #tpu.memory_space<hbm>> -> memref<256xi32, #tpu.memory_space<hbm>>
        %dma_start3A_171 = arith.constant 9984 : i32
        %dma_start3A_172 = tpu.memref_slice %arg9[%dma_start3A_171] : memref<10240xi32, #tpu.memory_space<vmem>> -> memref<256xi32, #tpu.memory_space<vmem>>
        %dma_start3A_173 = arith.constant 159744 : i32
        %dma_start3A_174 = tpu.memref_slice %arg4[%dma_start3A_173] : memref<160000xi32, #tpu.memory_space<hbm>> -> memref<256xi32, #tpu.memory_space<hbm>>
        tpu.enqueue_dma source(%dma_start3A_174 : memref<256xi32, #tpu.memory_space<hbm>>) target(%dma_start3A_172 : memref<256xi32, #tpu.memory_space<vmem>>) target_semaphore(%run_scoped3A : memref<!tpu.dma_semaphore, #tpu.memory_space<semaphore_mem>>)
        %dma_wait3A = arith.constant 9984 : i32
        %dma_wait3A_175 = tpu.memref_slice %arg9[%dma_wait3A] : memref<10240xi32, #tpu.memory_space<vmem>> -> memref<256xi32, #tpu.memory_space<vmem>>
        %dma_wait3A_176 = arith.constant 159744 : i32
        %dma_wait3A_177 = tpu.memref_slice %arg4[%dma_wait3A_176] : memref<160000xi32, #tpu.memory_space<hbm>> -> memref<256xi32, #tpu.memory_space<hbm>>
        %dma_wait3A_178 = arith.constant 9984 : i32
        %dma_wait3A_179 = tpu.memref_slice %arg9[%dma_wait3A_178] : memref<10240xi32, #tpu.memory_space<vmem>> -> memref<256xi32, #tpu.memory_space<vmem>>
        %dma_wait3A_180 = arith.constant 159744 : i32
        %dma_wait3A_181 = tpu.memref_slice %arg4[%dma_wait3A_180] : memref<160000xi32, #tpu.memory_space<hbm>> -> memref<256xi32, #tpu.memory_space<hbm>>
        tpu.wait_dma2 semaphore(%run_scoped3A : memref<!tpu.dma_semaphore, #tpu.memory_space<semaphore_mem>>) src(%dma_wait3A_181 : memref<256xi32, #tpu.memory_space<hbm>>) dst(%dma_wait3A_179 : memref<256xi32, #tpu.memory_space<vmem>>)
        tpu.yield
      }) : () -> ()
    } else {
    }
    %mul3A_3 = arith.constant 10000 : i32
    %mul3A_4 = arith.muli %arg0, %mul3A_3 : i32
    %eq3A_5 = arith.constant 15 : i32
    %eq3A_6 = arith.cmpi eq, %arg1, %eq3A_5 : i32
    %jit3A = arith.constant 160 : i32
    %jit3A_7 = arith.constant 156 : i32
    %select_n3A = arith.select %eq3A_6, %jit3A, %jit3A_7 : i32
    %get3A = arith.constant 0 : index
    %get3A_8 = tpu.vector_load %arg8[%get3A] {strides = array<i32>} : memref<10240xi32, #tpu.memory_space<vmem>>, vector<16xi32>,
    %get3A_9 = vector.shape_cast %get3A_8 : vector<16xi32> to vector<16xi32>
    %add3A = vector.broadcast %mul3A_4 : i32 to vector<16xi32>
    %add3A_10 = arith.addi %get3A_9, %add3A : vector<16xi32>
    %swap3A = arith.constant 0 : index
    %swap3A_11 = tpu.vector_load %arg10[%swap3A] {strides = array<i32>} : memref<64xi32, #tpu.memory_space<vmem>>, vector<16xi32>,
    %swap3A_12 = vector.shape_cast %swap3A_11 : vector<16xi32> to vector<16xi32>
    %swap3A_13 = vector.shape_cast %add3A_10 : vector<16xi32> to vector<16xi32>
    tpu.vector_store %arg10[%swap3A], %swap3A_13 {strides = array<i32>} : memref<64xi32, #tpu.memory_space<vmem>>, vector<16xi32>,
    %get3A_14 = arith.constant 0 : index
    %get3A_15 = tpu.vector_load %arg9[%get3A_14] {strides = array<i32>} : memref<10240xi32, #tpu.memory_space<vmem>>, vector<16xi32>,
    %get3A_16 = vector.shape_cast %get3A_15 : vector<16xi32> to vector<16xi32>
    %swap3A_17 = arith.constant 0 : index
    %swap3A_18 = tpu.vector_load %arg11[%swap3A_17] {strides = array<i32>} : memref<64xi32, #tpu.memory_space<vmem>>, vector<16xi32>,
    %swap3A_19 = vector.shape_cast %swap3A_18 : vector<16xi32> to vector<16xi32>
    %swap3A_20 = vector.shape_cast %get3A_16 : vector<16xi32> to vector<16xi32>
    tpu.vector_store %arg11[%swap3A_17], %swap3A_20 {strides = array<i32>} : memref<64xi32, #tpu.memory_space<vmem>>, vector<16xi32>,
    %get3A_21 = arith.constant 16 : index
    %get3A_22 = tpu.vector_load %arg8[%get3A_21] {strides = array<i32>} : memref<10240xi32, #tpu.memory_space<vmem>>, vector<16xi32>,
    %get3A_23 = vector.shape_cast %get3A_22 : vector<16xi32> to vector<16xi32>
    %add3A_24 = vector.broadcast %mul3A_4 : i32 to vector<16xi32>
    %add3A_25 = arith.addi %get3A_23, %add3A_24 : vector<16xi32>
    %swap3A_26 = arith.constant 16 : index
    %swap3A_27 = tpu.vector_load %arg10[%swap3A_26] {strides = array<i32>} : memref<64xi32, #tpu.memory_space<vmem>>, vector<16xi32>,
    %swap3A_28 = vector.shape_cast %swap3A_27 : vector<16xi32> to vector<16xi32>
    %swap3A_29 = vector.shape_cast %add3A_25 : vector<16xi32> to vector<16xi32>
    tpu.vector_store %arg10[%swap3A_26], %swap3A_29 {strides = array<i32>} : memref<64xi32, #tpu.memory_space<vmem>>, vector<16xi32>,
    %get3A_30 = arith.constant 16 : index
    %get3A_31 = tpu.vector_load %arg9[%get3A_30] {strides = array<i32>} : memref<10240xi32, #tpu.memory_space<vmem>>, vector<16xi32>,
    %get3A_32 = vector.shape_cast %get3A_31 : vector<16xi32> to vector<16xi32>
    %swap3A_33 = arith.constant 16 : index
    %swap3A_34 = tpu.vector_load %arg11[%swap3A_33] {strides = array<i32>} : memref<64xi32, #tpu.memory_space<vmem>>, vector<16xi32>,
    %swap3A_35 = vector.shape_cast %swap3A_34 : vector<16xi32> to vector<16xi32>
    %swap3A_36 = vector.shape_cast %get3A_32 : vector<16xi32> to vector<16xi32>
    tpu.vector_store %arg11[%swap3A_33], %swap3A_36 {strides = array<i32>} : memref<64xi32, #tpu.memory_space<vmem>>, vector<16xi32>,
    %get3A_37 = arith.constant 32 : index
    %get3A_38 = tpu.vector_load %arg8[%get3A_37] {strides = array<i32>} : memref<10240xi32, #tpu.memory_space<vmem>>, vector<16xi32>,
    %get3A_39 = vector.shape_cast %get3A_38 : vector<16xi32> to vector<16xi32>
    %add3A_40 = vector.broadcast %mul3A_4 : i32 to vector<16xi32>
    %add3A_41 = arith.addi %get3A_39, %add3A_40 : vector<16xi32>
    %swap3A_42 = arith.constant 32 : index
    %swap3A_43 = tpu.vector_load %arg10[%swap3A_42] {strides = array<i32>} : memref<64xi32, #tpu.memory_space<vmem>>, vector<16xi32>,
    %swap3A_44 = vector.shape_cast %swap3A_43 : vector<16xi32> to vector<16xi32>
    %swap3A_45 = vector.shape_cast %add3A_41 : vector<16xi32> to vector<16xi32>
    tpu.vector_store %arg10[%swap3A_42], %swap3A_45 {strides = array<i32>} : memref<64xi32, #tpu.memory_space<vmem>>, vector<16xi32>,
    %get3A_46 = arith.constant 32 : index
    %get3A_47 = tpu.vector_load %arg9[%get3A_46] {strides = array<i32>} : memref<10240xi32, #tpu.memory_space<vmem>>, vector<16xi32>,
    %get3A_48 = vector.shape_cast %get3A_47 : vector<16xi32> to vector<16xi32>
    %swap3A_49 = arith.constant 32 : index
    %swap3A_50 = tpu.vector_load %arg11[%swap3A_49] {strides = array<i32>} : memref<64xi32, #tpu.memory_space<vmem>>, vector<16xi32>,
    %swap3A_51 = vector.shape_cast %swap3A_50 : vector<16xi32> to vector<16xi32>
    %swap3A_52 = vector.shape_cast %get3A_48 : vector<16xi32> to vector<16xi32>
    tpu.vector_store %arg11[%swap3A_49], %swap3A_52 {strides = array<i32>} : memref<64xi32, #tpu.memory_space<vmem>>, vector<16xi32>,
    %get3A_53 = arith.constant 48 : index
    %get3A_54 = tpu.vector_load %arg8[%get3A_53] {strides = array<i32>} : memref<10240xi32, #tpu.memory_space<vmem>>, vector<16xi32>,
    %get3A_55 = vector.shape_cast %get3A_54 : vector<16xi32> to vector<16xi32>
    %add3A_56 = vector.broadcast %mul3A_4 : i32 to vector<16xi32>
    %add3A_57 = arith.addi %get3A_55, %add3A_56 : vector<16xi32>
    %swap3A_58 = arith.constant 48 : index
    %swap3A_59 = tpu.vector_load %arg10[%swap3A_58] {strides = array<i32>} : memref<64xi32, #tpu.memory_space<vmem>>, vector<16xi32>,
    %swap3A_60 = vector.shape_cast %swap3A_59 : vector<16xi32> to vector<16xi32>
    %swap3A_61 = vector.shape_cast %add3A_57 : vector<16xi32> to vector<16xi32>
    tpu.vector_store %arg10[%swap3A_58], %swap3A_61 {strides = array<i32>} : memref<64xi32, #tpu.memory_space<vmem>>, vector<16xi32>,
    %get3A_62 = arith.constant 48 : index
    %get3A_63 = tpu.vector_load %arg9[%get3A_62] {strides = array<i32>} : memref<10240xi32, #tpu.memory_space<vmem>>, vector<16xi32>,
    %get3A_64 = vector.shape_cast %get3A_63 : vector<16xi32> to vector<16xi32>
    %swap3A_65 = arith.constant 48 : index
    %swap3A_66 = tpu.vector_load %arg11[%swap3A_65] {strides = array<i32>} : memref<64xi32, #tpu.memory_space<vmem>>, vector<16xi32>,
    %swap3A_67 = vector.shape_cast %swap3A_66 : vector<16xi32> to vector<16xi32>
    %swap3A_68 = vector.shape_cast %get3A_64 : vector<16xi32> to vector<16xi32>
    tpu.vector_store %arg11[%swap3A_65], %swap3A_68 {strides = array<i32>} : memref<64xi32, #tpu.memory_space<vmem>>, vector<16xi32>,
    %dma_start3A = arith.constant 0 : i32
    %dma_start3A_69 = arith.constant 0 : i32
    %dma_start3A_70 = tpu.memref_slice %arg2[%dma_start3A, %dma_start3A_69] : memref<20000x128xf32, #tpu.memory_space<hbm>> -> memref<20000x128xf32, #tpu.memory_space<hbm>>
    tpu.enqueue_indirect_dma source(%dma_start3A_70 : memref<20000x128xf32, #tpu.memory_space<hbm>>) target(%arg16 : memref<64x128xf32, #tpu.memory_space<vmem>>) offsets(%arg10 : memref<64xi32, #tpu.memory_space<vmem>>) semaphore(%arg19 : memref<!tpu.dma_semaphore, #tpu.memory_space<semaphore_mem>>)
    %get3A_71 = arith.constant 64 : index
    %get3A_72 = tpu.vector_load %arg8[%get3A_71] {strides = array<i32>} : memref<10240xi32, #tpu.memory_space<vmem>>, vector<16xi32>,
    %get3A_73 = vector.shape_cast %get3A_72 : vector<16xi32> to vector<16xi32>
    %add3A_74 = vector.broadcast %mul3A_4 : i32 to vector<16xi32>
    %add3A_75 = arith.addi %get3A_73, %add3A_74 : vector<16xi32>
    %swap3A_76 = arith.constant 0 : index
    %swap3A_77 = tpu.vector_load %arg12[%swap3A_76] {strides = array<i32>} : memref<64xi32, #tpu.memory_space<vmem>>, vector<16xi32>,
    %swap3A_78 = vector.shape_cast %swap3A_77 : vector<16xi32> to vector<16xi32>
    %swap3A_79 = vector.shape_cast %add3A_75 : vector<16xi32> to vector<16xi32>
    tpu.vector_store %arg12[%swap3A_76], %swap3A_79 {strides = array<i32>} : memref<64xi32, #tpu.memory_space<vmem>>, vector<16xi32>,
    %get3A_80 = arith.constant 64 : index
    %get3A_81 = tpu.vector_load %arg9[%get3A_80] {strides = array<i32>} : memref<10240xi32, #tpu.memory_space<vmem>>, vector<16xi32>,
    %get3A_82 = vector.shape_cast %get3A_81 : vector<16xi32> to vector<16xi32>
    %swap3A_83 = arith.constant 0 : index
    %swap3A_84 = tpu.vector_load %arg13[%swap3A_83] {strides = array<i32>} : memref<64xi32, #tpu.memory_space<vmem>>, vector<16xi32>,
    %swap3A_85 = vector.shape_cast %swap3A_84 : vector<16xi32> to vector<16xi32>
    %swap3A_86 = vector.shape_cast %get3A_82 : vector<16xi32> to vector<16xi32>
    tpu.vector_store %arg13[%swap3A_83], %swap3A_86 {strides = array<i32>} : memref<64xi32, #tpu.memory_space<vmem>>, vector<16xi32>,
    %get3A_87 = arith.constant 80 : index
    %get3A_88 = tpu.vector_load %arg8[%get3A_87] {strides = array<i32>} : memref<10240xi32, #tpu.memory_space<vmem>>, vector<16xi32>,
    %get3A_89 = vector.shape_cast %get3A_88 : vector<16xi32> to vector<16xi32>
    %add3A_90 = vector.broadcast %mul3A_4 : i32 to vector<16xi32>
    %add3A_91 = arith.addi %get3A_89, %add3A_90 : vector<16xi32>
    %swap3A_92 = arith.constant 16 : index
    %swap3A_93 = tpu.vector_load %arg12[%swap3A_92] {strides = array<i32>} : memref<64xi32, #tpu.memory_space<vmem>>, vector<16xi32>,
    %swap3A_94 = vector.shape_cast %swap3A_93 : vector<16xi32> to vector<16xi32>
    %swap3A_95 = vector.shape_cast %add3A_91 : vector<16xi32> to vector<16xi32>
    tpu.vector_store %arg12[%swap3A_92], %swap3A_95 {strides = array<i32>} : memref<64xi32, #tpu.memory_space<vmem>>, vector<16xi32>,
    %get3A_96 = arith.constant 80 : index
    %get3A_97 = tpu.vector_load %arg9[%get3A_96] {strides = array<i32>} : memref<10240xi32, #tpu.memory_space<vmem>>, vector<16xi32>,
    %get3A_98 = vector.shape_cast %get3A_97 : vector<16xi32> to vector<16xi32>
    %swap3A_99 = arith.constant 16 : index
    %swap3A_100 = tpu.vector_load %arg13[%swap3A_99] {strides = array<i32>} : memref<64xi32, #tpu.memory_space<vmem>>, vector<16xi32>,
    %swap3A_101 = vector.shape_cast %swap3A_100 : vector<16xi32> to vector<16xi32>
    %swap3A_102 = vector.shape_cast %get3A_98 : vector<16xi32> to vector<16xi32>
    tpu.vector_store %arg13[%swap3A_99], %swap3A_102 {strides = array<i32>} : memref<64xi32, #tpu.memory_space<vmem>>, vector<16xi32>,
    %get3A_103 = arith.constant 96 : index
    %get3A_104 = tpu.vector_load %arg8[%get3A_103] {strides = array<i32>} : memref<10240xi32, #tpu.memory_space<vmem>>, vector<16xi32>,
    %get3A_105 = vector.shape_cast %get3A_104 : vector<16xi32> to vector<16xi32>
    %add3A_106 = vector.broadcast %mul3A_4 : i32 to vector<16xi32>
    %add3A_107 = arith.addi %get3A_105, %add3A_106 : vector<16xi32>
    %swap3A_108 = arith.constant 32 : index
    %swap3A_109 = tpu.vector_load %arg12[%swap3A_108] {strides = array<i32>} : memref<64xi32, #tpu.memory_space<vmem>>, vector<16xi32>,
    %swap3A_110 = vector.shape_cast %swap3A_109 : vector<16xi32> to vector<16xi32>
    %swap3A_111 = vector.shape_cast %add3A_107 : vector<16xi32> to vector<16xi32>
    tpu.vector_store %arg12[%swap3A_108], %swap3A_111 {strides = array<i32>} : memref<64xi32, #tpu.memory_space<vmem>>, vector<16xi32>,
    %get3A_112 = arith.constant 96 : index
    %get3A_113 = tpu.vector_load %arg9[%get3A_112] {strides = array<i32>} : memref<10240xi32, #tpu.memory_space<vmem>>, vector<16xi32>,
    %get3A_114 = vector.shape_cast %get3A_113 : vector<16xi32> to vector<16xi32>
    %swap3A_115 = arith.constant 32 : index
    %swap3A_116 = tpu.vector_load %arg13[%swap3A_115] {strides = array<i32>} : memref<64xi32, #tpu.memory_space<vmem>>, vector<16xi32>,
    %swap3A_117 = vector.shape_cast %swap3A_116 : vector<16xi32> to vector<16xi32>
    %swap3A_118 = vector.shape_cast %get3A_114 : vector<16xi32> to vector<16xi32>
    tpu.vector_store %arg13[%swap3A_115], %swap3A_118 {strides = array<i32>} : memref<64xi32, #tpu.memory_space<vmem>>, vector<16xi32>,
    %get3A_119 = arith.constant 112 : index
    %get3A_120 = tpu.vector_load %arg8[%get3A_119] {strides = array<i32>} : memref<10240xi32, #tpu.memory_space<vmem>>, vector<16xi32>,
    %get3A_121 = vector.shape_cast %get3A_120 : vector<16xi32> to vector<16xi32>
    %add3A_122 = vector.broadcast %mul3A_4 : i32 to vector<16xi32>
    %add3A_123 = arith.addi %get3A_121, %add3A_122 : vector<16xi32>
    %swap3A_124 = arith.constant 48 : index
    %swap3A_125 = tpu.vector_load %arg12[%swap3A_124] {strides = array<i32>} : memref<64xi32, #tpu.memory_space<vmem>>, vector<16xi32>,
    %swap3A_126 = vector.shape_cast %swap3A_125 : vector<16xi32> to vector<16xi32>
    %swap3A_127 = vector.shape_cast %add3A_123 : vector<16xi32> to vector<16xi32>
    tpu.vector_store %arg12[%swap3A_124], %swap3A_127 {strides = array<i32>} : memref<64xi32, #tpu.memory_space<vmem>>, vector<16xi32>,
    %get3A_128 = arith.constant 112 : index
    %get3A_129 = tpu.vector_load %arg9[%get3A_128] {strides = array<i32>} : memref<10240xi32, #tpu.memory_space<vmem>>, vector<16xi32>,
    %get3A_130 = vector.shape_cast %get3A_129 : vector<16xi32> to vector<16xi32>
    %swap3A_131 = arith.constant 48 : index
    %swap3A_132 = tpu.vector_load %arg13[%swap3A_131] {strides = array<i32>} : memref<64xi32, #tpu.memory_space<vmem>>, vector<16xi32>,
    %swap3A_133 = vector.shape_cast %swap3A_132 : vector<16xi32> to vector<16xi32>
    %swap3A_134 = vector.shape_cast %get3A_130 : vector<16xi32> to vector<16xi32>
    tpu.vector_store %arg13[%swap3A_131], %swap3A_134 {strides = array<i32>} : memref<64xi32, #tpu.memory_space<vmem>>, vector<16xi32>,
    %dma_start3A_135 = arith.constant 0 : i32
    %dma_start3A_136 = arith.constant 0 : i32
    %dma_start3A_137 = tpu.memref_slice %arg2[%dma_start3A_135, %dma_start3A_136] : memref<20000x128xf32, #tpu.memory_space<hbm>> -> memref<20000x128xf32, #tpu.memory_space<hbm>>
    tpu.enqueue_indirect_dma source(%dma_start3A_137 : memref<20000x128xf32, #tpu.memory_space<hbm>>) target(%arg17 : memref<64x128xf32, #tpu.memory_space<vmem>>) offsets(%arg12 : memref<64xi32, #tpu.memory_space<vmem>>) semaphore(%arg20 : memref<!tpu.dma_semaphore, #tpu.memory_space<semaphore_mem>>)
    %mul3A_138 = arith.constant 624 : i32
    %mul3A_139 = arith.muli %arg1, %mul3A_138 : i32
    "tpu.region"() ({
      %run_scoped3A = tpu.sem_alloc : memref<!tpu.dma_semaphore, #tpu.memory_space<semaphore_mem>>
      %dma_start3A_167 = arith.constant 0 : i32
      %dma_start3A_168 = tpu.memref_slice %arg7[%mul3A_139, %dma_start3A_167] : memref<10000x128xf32, #tpu.memory_space<vmem_shared>> -> memref<624x128xf32, #tpu.memory_space<vmem_shared>>
      tpu.enqueue_dma source(%arg5 : memref<624x128xf32, #tpu.memory_space<hbm>>) target(%dma_start3A_168 : memref<624x128xf32, #tpu.memory_space<vmem_shared>>) target_semaphore(%run_scoped3A : memref<!tpu.dma_semaphore, #tpu.memory_space<semaphore_mem>>)
      %dma_wait3A = arith.constant 0 : i32
      %dma_wait3A_169 = tpu.memref_slice %arg7[%mul3A_139, %dma_wait3A] : memref<10000x128xf32, #tpu.memory_space<vmem_shared>> -> memref<624x128xf32, #tpu.memory_space<vmem_shared>>
      tpu.wait_dma2 semaphore(%run_scoped3A : memref<!tpu.dma_semaphore, #tpu.memory_space<semaphore_mem>>) src(%arg5 : memref<624x128xf32, #tpu.memory_space<hbm>>) dst(%dma_wait3A_169 : memref<624x128xf32, #tpu.memory_space<vmem_shared>>)
      tpu.yield
    }) : () -> ()
    %eq3A_140 = arith.constant 15 : i32
    %eq3A_141 = arith.cmpi eq, %arg1, %eq3A_140 : i32
    %convert_element_type3A_142 = arith.extui %eq3A_141 : i1 to i32
    %cond3A_143 = arith.constant 0 : i32
    %cond3A_144 = arith.cmpi ne, %convert_element_type3A_142, %cond3A_143 : i32
    scf.if %cond3A_144 {
      "tpu.region"() ({
        %run_scoped3A = tpu.sem_alloc : memref<!tpu.dma_semaphore, #tpu.memory_space<semaphore_mem>>
        %dma_start3A_167 = arith.constant 9984 : i32
        %dma_start3A_168 = arith.constant 0 : i32
        %dma_start3A_169 = tpu.memref_slice %arg7[%dma_start3A_167, %dma_start3A_168] : memref<10000x128xf32, #tpu.memory_space<vmem_shared>> -> memref<16x128xf32, #tpu.memory_space<vmem_shared>>
        %dma_start3A_170 = arith.constant 0 : i32
        %dma_start3A_171 = arith.constant 0 : i32
        %dma_start3A_172 = tpu.memref_slice %arg5[%dma_start3A_170, %dma_start3A_171] : memref<624x128xf32, #tpu.memory_space<hbm>> -> memref<16x128xf32, #tpu.memory_space<hbm>>
        tpu.enqueue_dma source(%dma_start3A_172 : memref<16x128xf32, #tpu.memory_space<hbm>>) target(%dma_start3A_169 : memref<16x128xf32, #tpu.memory_space<vmem_shared>>) target_semaphore(%run_scoped3A : memref<!tpu.dma_semaphore, #tpu.memory_space<semaphore_mem>>)
        %dma_wait3A = arith.constant 9984 : i32
        %dma_wait3A_173 = arith.constant 0 : i32
        %dma_wait3A_174 = tpu.memref_slice %arg7[%dma_wait3A, %dma_wait3A_173] : memref<10000x128xf32, #tpu.memory_space<vmem_shared>> -> memref<16x128xf32, #tpu.memory_space<vmem_shared>>
        %dma_wait3A_175 = arith.constant 0 : i32
        %dma_wait3A_176 = arith.constant 0 : i32
        %dma_wait3A_177 = tpu.memref_slice %arg5[%dma_wait3A_175, %dma_wait3A_176] : memref<624x128xf32, #tpu.memory_space<hbm>> -> memref<16x128xf32, #tpu.memory_space<hbm>>
        tpu.wait_dma2 semaphore(%run_scoped3A : memref<!tpu.dma_semaphore, #tpu.memory_space<semaphore_mem>>) src(%dma_wait3A_177 : memref<16x128xf32, #tpu.memory_space<hbm>>) dst(%dma_wait3A_174 : memref<16x128xf32, #tpu.memory_space<vmem_shared>>)
        tpu.yield
      }) : () -> ()
    } else {
    }
    %barrier3A = arith.constant 0 : index
    tpu.barrier barrier_id(%barrier3A)
    %while3A = arith.constant 0 : i32
    %while3A_145 = arith.constant 0 : i32
    %while3A_146 = arith.subi %select_n3A, %while3A_145 : i32
    %while3A_147 = arith.addi %while3A_145, %while3A_146 : i32
    %while3A_148 = arith.constant 1 : i32
    %while3A_149 = arith.divsi %while3A_146, %while3A_148 : i32
    %while3A_150 = arith.muli %while3A_149, %while3A_148 : i32
    %while3A_151 = arith.addi %while3A_145, %while3A_150 : i32
    %while3A_152 = arith.constant 1 : i32
    scf.for %while3A_167 = %while3A_145 to %while3A_151 step %while3A_152  : i32 {
      %jit3A_168 = arith.constant 3 : i32
      %eq3A_169 = arith.constant 0 : i32
      %eq3A_170 = arith.cmpi eq, %jit3A_168, %eq3A_169 : i32
      %jit3A_171 = arith.constant 1 : i32
      %select_n3A_172 = arith.select %eq3A_170, %jit3A_171, %jit3A_168 : i32
      %rem3A = arith.remsi %while3A_167, %select_n3A_172 : i32
      %ne3A = arith.constant 0 : i32
      %ne3A_173 = arith.cmpi ne, %rem3A, %ne3A : i32
      %lt3A = arith.constant 0 : i32
      %lt3A_174 = arith.cmpi slt, %rem3A, %lt3A : i32
      %lt3A_175 = arith.constant 0 : i32
      %lt3A_176 = arith.cmpi slt, %select_n3A_172, %lt3A_175 : i32
      %ne3A_177 = arith.xori %lt3A_174, %lt3A_176 : i1
      %and3A = arith.andi %ne3A_177, %ne3A_173 : i1
      %add3A_178 = arith.addi %rem3A, %select_n3A_172 : i32
      %select_n3A_179 = arith.select %and3A, %add3A_178, %rem3A : i32
      %eq3A_180 = arith.constant 0 : i32
      %eq3A_181 = arith.cmpi eq, %select_n3A_179, %eq3A_180 : i32
      %convert_element_type3A_182 = arith.extui %eq3A_181 : i1 to i32
      %cond3A_183 = arith.constant 0 : i32
      %cond3A_184 = arith.cmpi ne, %convert_element_type3A_182, %cond3A_183 : i32
      scf.if %cond3A_184 {
        %add3A_227 = arith.constant 2 : i32
        %add3A_228 = arith.addi %while3A_167, %add3A_227 : i32
        %lt3A_229 = arith.cmpi slt, %add3A_228, %select_n3A : i32
        %convert_element_type3A_230 = arith.extui %lt3A_229 : i1 to i32
        %cond3A_231 = arith.constant 0 : i32
        %cond3A_232 = arith.cmpi ne, %convert_element_type3A_230, %cond3A_231 : i32
        scf.if %cond3A_232 {
          %add3A_235 = arith.constant 2 : i32
          %add3A_236 = arith.addi %while3A_167, %add3A_235 : i32
          %mul3A_237 = arith.constant 64 : i32
          %mul3A_238 = arith.muli %add3A_236, %mul3A_237 : i32
          %add3A_239 = arith.constant 0 : i32
          %add3A_240 = arith.addi %mul3A_238, %add3A_239 : i32
          %get3A_241 = arith.index_cast %add3A_240 : i32 to index
          %get3A_242 = tpu.vector_load %arg8[%get3A_241] {strides = array<i32>} : memref<10240xi32, #tpu.memory_space<vmem>>, vector<16xi32>,
          %get3A_243 = vector.shape_cast %get3A_242 : vector<16xi32> to vector<16xi32>
          %add3A_244 = vector.broadcast %mul3A_4 : i32 to vector<16xi32>
          %add3A_245 = arith.addi %get3A_243, %add3A_244 : vector<16xi32>
          %swap3A_246 = arith.constant 0 : index
          %swap3A_247 = tpu.vector_load %arg14[%swap3A_246] {strides = array<i32>} : memref<64xi32, #tpu.memory_space<vmem>>, vector<16xi32>,
          %swap3A_248 = vector.shape_cast %swap3A_247 : vector<16xi32> to vector<16xi32>
          %swap3A_249 = vector.shape_cast %add3A_245 : vector<16xi32> to vector<16xi32>
          tpu.vector_store %arg14[%swap3A_246], %swap3A_249 {strides = array<i32>} : memref<64xi32, #tpu.memory_space<vmem>>, vector<16xi32>,
          %get3A_250 = arith.index_cast %add3A_240 : i32 to index
          %get3A_251 = tpu.vector_load %arg9[%get3A_250] {strides = array<i32>} : memref<10240xi32, #tpu.memory_space<vmem>>, vector<16xi32>,
          %get3A_252 = vector.shape_cast %get3A_251 : vector<16xi32> to vector<16xi32>
          %swap3A_253 = arith.constant 0 : index
          %swap3A_254 = tpu.vector_load %arg15[%swap3A_253] {strides = array<i32>} : memref<64xi32, #tpu.memory_space<vmem>>, vector<16xi32>,
          %swap3A_255 = vector.shape_cast %swap3A_254 : vector<16xi32> to vector<16xi32>
          %swap3A_256 = vector.shape_cast %get3A_252 : vector<16xi32> to vector<16xi32>
          tpu.vector_store %arg15[%swap3A_253], %swap3A_256 {strides = array<i32>} : memref<64xi32, #tpu.memory_space<vmem>>, vector<16xi32>,
          %mul3A_257 = arith.constant 64 : i32
          %mul3A_258 = arith.muli %add3A_236, %mul3A_257 : i32
          %add3A_259 = arith.constant 16 : i32
          %add3A_260 = arith.addi %mul3A_258, %add3A_259 : i32
          %get3A_261 = arith.index_cast %add3A_260 : i32 to index
          %get3A_262 = tpu.vector_load %arg8[%get3A_261] {strides = array<i32>} : memref<10240xi32, #tpu.memory_space<vmem>>, vector<16xi32>,
          %get3A_263 = vector.shape_cast %get3A_262 : vector<16xi32> to vector<16xi32>
          %add3A_264 = vector.broadcast %mul3A_4 : i32 to vector<16xi32>
          %add3A_265 = arith.addi %get3A_263, %add3A_264 : vector<16xi32>
          %swap3A_266 = arith.constant 16 : index
          %swap3A_267 = tpu.vector_load %arg14[%swap3A_266] {strides = array<i32>} : memref<64xi32, #tpu.memory_space<vmem>>, vector<16xi32>,
          %swap3A_268 = vector.shape_cast %swap3A_267 : vector<16xi32> to vector<16xi32>
          %swap3A_269 = vector.shape_cast %add3A_265 : vector<16xi32> to vector<16xi32>
          tpu.vector_store %arg14[%swap3A_266], %swap3A_269 {strides = array<i32>} : memref<64xi32, #tpu.memory_space<vmem>>, vector<16xi32>,
          %get3A_270 = arith.index_cast %add3A_260 : i32 to index
          %get3A_271 = tpu.vector_load %arg9[%get3A_270] {strides = array<i32>} : memref<10240xi32, #tpu.memory_space<vmem>>, vector<16xi32>,
          %get3A_272 = vector.shape_cast %get3A_271 : vector<16xi32> to vector<16xi32>
          %swap3A_273 = arith.constant 16 : index
          %swap3A_274 = tpu.vector_load %arg15[%swap3A_273] {strides = array<i32>} : memref<64xi32, #tpu.memory_space<vmem>>, vector<16xi32>,
          %swap3A_275 = vector.shape_cast %swap3A_274 : vector<16xi32> to vector<16xi32>
          %swap3A_276 = vector.shape_cast %get3A_272 : vector<16xi32> to vector<16xi32>
          tpu.vector_store %arg15[%swap3A_273], %swap3A_276 {strides = array<i32>} : memref<64xi32, #tpu.memory_space<vmem>>, vector<16xi32>,
          %mul3A_277 = arith.constant 64 : i32
          %mul3A_278 = arith.muli %add3A_236, %mul3A_277 : i32
          %add3A_279 = arith.constant 32 : i32
          %add3A_280 = arith.addi %mul3A_278, %add3A_279 : i32
          %get3A_281 = arith.index_cast %add3A_280 : i32 to index
          %get3A_282 = tpu.vector_load %arg8[%get3A_281] {strides = array<i32>} : memref<10240xi32, #tpu.memory_space<vmem>>, vector<16xi32>,
          %get3A_283 = vector.shape_cast %get3A_282 : vector<16xi32> to vector<16xi32>
          %add3A_284 = vector.broadcast %mul3A_4 : i32 to vector<16xi32>
          %add3A_285 = arith.addi %get3A_283, %add3A_284 : vector<16xi32>
          %swap3A_286 = arith.constant 32 : index
          %swap3A_287 = tpu.vector_load %arg14[%swap3A_286] {strides = array<i32>} : memref<64xi32, #tpu.memory_space<vmem>>, vector<16xi32>,
          %swap3A_288 = vector.shape_cast %swap3A_287 : vector<16xi32> to vector<16xi32>
          %swap3A_289 = vector.shape_cast %add3A_285 : vector<16xi32> to vector<16xi32>
          tpu.vector_store %arg14[%swap3A_286], %swap3A_289 {strides = array<i32>} : memref<64xi32, #tpu.memory_space<vmem>>, vector<16xi32>,
          %get3A_290 = arith.index_cast %add3A_280 : i32 to index
          %get3A_291 = tpu.vector_load %arg9[%get3A_290] {strides = array<i32>} : memref<10240xi32, #tpu.memory_space<vmem>>, vector<16xi32>,
          %get3A_292 = vector.shape_cast %get3A_291 : vector<16xi32> to vector<16xi32>
          %swap3A_293 = arith.constant 32 : index
          %swap3A_294 = tpu.vector_load %arg15[%swap3A_293] {strides = array<i32>} : memref<64xi32, #tpu.memory_space<vmem>>, vector<16xi32>,
          %swap3A_295 = vector.shape_cast %swap3A_294 : vector<16xi32> to vector<16xi32>
          %swap3A_296 = vector.shape_cast %get3A_292 : vector<16xi32> to vector<16xi32>
          tpu.vector_store %arg15[%swap3A_293], %swap3A_296 {strides = array<i32>} : memref<64xi32, #tpu.memory_space<vmem>>, vector<16xi32>,
          %mul3A_297 = arith.constant 64 : i32
          %mul3A_298 = arith.muli %add3A_236, %mul3A_297 : i32
          %add3A_299 = arith.constant 48 : i32
          %add3A_300 = arith.addi %mul3A_298, %add3A_299 : i32
          %get3A_301 = arith.index_cast %add3A_300 : i32 to index
          %get3A_302 = tpu.vector_load %arg8[%get3A_301] {strides = array<i32>} : memref<10240xi32, #tpu.memory_space<vmem>>, vector<16xi32>,
          %get3A_303 = vector.shape_cast %get3A_302 : vector<16xi32> to vector<16xi32>
          %add3A_304 = vector.broadcast %mul3A_4 : i32 to vector<16xi32>
          %add3A_305 = arith.addi %get3A_303, %add3A_304 : vector<16xi32>
          %swap3A_306 = arith.constant 48 : index
          %swap3A_307 = tpu.vector_load %arg14[%swap3A_306] {strides = array<i32>} : memref<64xi32, #tpu.memory_space<vmem>>, vector<16xi32>,
          %swap3A_308 = vector.shape_cast %swap3A_307 : vector<16xi32> to vector<16xi32>
          %swap3A_309 = vector.shape_cast %add3A_305 : vector<16xi32> to vector<16xi32>
          tpu.vector_store %arg14[%swap3A_306], %swap3A_309 {strides = array<i32>} : memref<64xi32, #tpu.memory_space<vmem>>, vector<16xi32>,
          %get3A_310 = arith.index_cast %add3A_300 : i32 to index
          %get3A_311 = tpu.vector_load %arg9[%get3A_310] {strides = array<i32>} : memref<10240xi32, #tpu.memory_space<vmem>>, vector<16xi32>,
          %get3A_312 = vector.shape_cast %get3A_311 : vector<16xi32> to vector<16xi32>
          %swap3A_313 = arith.constant 48 : index
          %swap3A_314 = tpu.vector_load %arg15[%swap3A_313] {strides = array<i32>} : memref<64xi32, #tpu.memory_space<vmem>>, vector<16xi32>,
          %swap3A_315 = vector.shape_cast %swap3A_314 : vector<16xi32> to vector<16xi32>
          %swap3A_316 = vector.shape_cast %get3A_312 : vector<16xi32> to vector<16xi32>
          tpu.vector_store %arg15[%swap3A_313], %swap3A_316 {strides = array<i32>} : memref<64xi32, #tpu.memory_space<vmem>>, vector<16xi32>,
          %dma_start3A_317 = arith.constant 0 : i32
          %dma_start3A_318 = arith.constant 0 : i32
          %dma_start3A_319 = tpu.memref_slice %arg2[%dma_start3A_317, %dma_start3A_318] : memref<20000x128xf32, #tpu.memory_space<hbm>> -> memref<20000x128xf32, #tpu.memory_space<hbm>>
          tpu.enqueue_indirect_dma source(%dma_start3A_319 : memref<20000x128xf32, #tpu.memory_space<hbm>>) target(%arg18 : memref<64x128xf32, #tpu.memory_space<vmem>>) offsets(%arg14 : memref<64xi32, #tpu.memory_space<vmem>>) semaphore(%arg21 : memref<!tpu.dma_semaphore, #tpu.memory_space<semaphore_mem>>)
        } else {
        }
        %dma_wait3A = arith.constant 0 : i32
        %dma_wait3A_233 = arith.constant 0 : i32
        %dma_wait3A_234 = tpu.memref_slice %arg2[%dma_wait3A, %dma_wait3A_233] : memref<20000x128xf32, #tpu.memory_space<hbm>> -> memref<20000x128xf32, #tpu.memory_space<hbm>>
        tpu.wait_indirect_dma semaphore(%arg19 : memref<!tpu.dma_semaphore, #tpu.memory_space<semaphore_mem>>) src(%dma_wait3A_234 : memref<20000x128xf32, #tpu.memory_space<hbm>>) dst(%arg16 : memref<64x128xf32, #tpu.memory_space<vmem>>)
        "tpu.region"() ({
          %run_scoped3A = tpu.sem_alloc : memref<!tpu.dma_semaphore, #tpu.memory_space<semaphore_mem>>
          %dma_start3A_235 = arith.constant 0 : i32
          %dma_start3A_236 = arith.constant 0 : i32
          %dma_start3A_237 = tpu.memref_slice %arg7[%dma_start3A_235, %dma_start3A_236] : memref<10000x128xf32, #tpu.memory_space<vmem_shared>> -> memref<10000x128xf32, #tpu.memory_space<vmem_shared>>
          tpu.enqueue_indirect_dma source(%arg16 : memref<64x128xf32, #tpu.memory_space<vmem>>) target(%dma_start3A_237 : memref<10000x128xf32, #tpu.memory_space<vmem_shared>>) offsets(%arg11 : memref<64xi32, #tpu.memory_space<vmem>>) semaphore(%run_scoped3A : memref<!tpu.dma_semaphore, #tpu.memory_space<semaphore_mem>>) {add = true}
          %dma_wait3A_238 = arith.constant 0 : i32
          %dma_wait3A_239 = arith.constant 0 : i32
          %dma_wait3A_240 = tpu.memref_slice %arg7[%dma_wait3A_238, %dma_wait3A_239] : memref<10000x128xf32, #tpu.memory_space<vmem_shared>> -> memref<10000x128xf32, #tpu.memory_space<vmem_shared>>
          tpu.wait_indirect_dma semaphore(%run_scoped3A : memref<!tpu.dma_semaphore, #tpu.memory_space<semaphore_mem>>) src(%arg16 : memref<64x128xf32, #tpu.memory_space<vmem>>) dst(%dma_wait3A_240 : memref<10000x128xf32, #tpu.memory_space<vmem_shared>>)
          tpu.yield
        }) : () -> ()
      } else {
      }
      %jit3A_185 = arith.constant 3 : i32
      %eq3A_186 = arith.constant 0 : i32
      %eq3A_187 = arith.cmpi eq, %jit3A_185, %eq3A_186 : i32
      %jit3A_188 = arith.constant 1 : i32
      %select_n3A_189 = arith.select %eq3A_187, %jit3A_188, %jit3A_185 : i32
      %rem3A_190 = arith.remsi %while3A_167, %select_n3A_189 : i32
      %ne3A_191 = arith.constant 0 : i32
      %ne3A_192 = arith.cmpi ne, %rem3A_190, %ne3A_191 : i32
      %lt3A_193 = arith.constant 0 : i32
      %lt3A_194 = arith.cmpi slt, %rem3A_190, %lt3A_193 : i32
      %lt3A_195 = arith.constant 0 : i32
      %lt3A_196 = arith.cmpi slt, %select_n3A_189, %lt3A_195 : i32
      %ne3A_197 = arith.xori %lt3A_194, %lt3A_196 : i1
      %and3A_198 = arith.andi %ne3A_197, %ne3A_192 : i1
      %add3A_199 = arith.addi %rem3A_190, %select_n3A_189 : i32
      %select_n3A_200 = arith.select %and3A_198, %add3A_199, %rem3A_190 : i32
      %eq3A_201 = arith.constant 1 : i32
      %eq3A_202 = arith.cmpi eq, %select_n3A_200, %eq3A_201 : i32
      %convert_element_type3A_203 = arith.extui %eq3A_202 : i1 to i32
      %cond3A_204 = arith.constant 0 : i32
      %cond3A_205 = arith.cmpi ne, %convert_element_type3A_203, %cond3A_204 : i32
      scf.if %cond3A_205 {
        %add3A_227 = arith.constant 2 : i32
        %add3A_228 = arith.addi %while3A_167, %add3A_227 : i32
        %lt3A_229 = arith.cmpi slt, %add3A_228, %select_n3A : i32
        %convert_element_type3A_230 = arith.extui %lt3A_229 : i1 to i32
        %cond3A_231 = arith.constant 0 : i32
        %cond3A_232 = arith.cmpi ne, %convert_element_type3A_230, %cond3A_231 : i32
        scf.if %cond3A_232 {
          %add3A_235 = arith.constant 2 : i32
          %add3A_236 = arith.addi %while3A_167, %add3A_235 : i32
          %mul3A_237 = arith.constant 64 : i32
          %mul3A_238 = arith.muli %add3A_236, %mul3A_237 : i32
          %add3A_239 = arith.constant 0 : i32
          %add3A_240 = arith.addi %mul3A_238, %add3A_239 : i32
          %get3A_241 = arith.index_cast %add3A_240 : i32 to index
          %get3A_242 = tpu.vector_load %arg8[%get3A_241] {strides = array<i32>} : memref<10240xi32, #tpu.memory_space<vmem>>, vector<16xi32>,
          %get3A_243 = vector.shape_cast %get3A_242 : vector<16xi32> to vector<16xi32>
          %add3A_244 = vector.broadcast %mul3A_4 : i32 to vector<16xi32>
          %add3A_245 = arith.addi %get3A_243, %add3A_244 : vector<16xi32>
          %swap3A_246 = arith.constant 0 : index
          %swap3A_247 = tpu.vector_load %arg10[%swap3A_246] {strides = array<i32>} : memref<64xi32, #tpu.memory_space<vmem>>, vector<16xi32>,
          %swap3A_248 = vector.shape_cast %swap3A_247 : vector<16xi32> to vector<16xi32>
          %swap3A_249 = vector.shape_cast %add3A_245 : vector<16xi32> to vector<16xi32>
          tpu.vector_store %arg10[%swap3A_246], %swap3A_249 {strides = array<i32>} : memref<64xi32, #tpu.memory_space<vmem>>, vector<16xi32>,
          %get3A_250 = arith.index_cast %add3A_240 : i32 to index
          %get3A_251 = tpu.vector_load %arg9[%get3A_250] {strides = array<i32>} : memref<10240xi32, #tpu.memory_space<vmem>>, vector<16xi32>,
          %get3A_252 = vector.shape_cast %get3A_251 : vector<16xi32> to vector<16xi32>
          %swap3A_253 = arith.constant 0 : index
          %swap3A_254 = tpu.vector_load %arg11[%swap3A_253] {strides = array<i32>} : memref<64xi32, #tpu.memory_space<vmem>>, vector<16xi32>,
          %swap3A_255 = vector.shape_cast %swap3A_254 : vector<16xi32> to vector<16xi32>
          %swap3A_256 = vector.shape_cast %get3A_252 : vector<16xi32> to vector<16xi32>
          tpu.vector_store %arg11[%swap3A_253], %swap3A_256 {strides = array<i32>} : memref<64xi32, #tpu.memory_space<vmem>>, vector<16xi32>,
          %mul3A_257 = arith.constant 64 : i32
          %mul3A_258 = arith.muli %add3A_236, %mul3A_257 : i32
          %add3A_259 = arith.constant 16 : i32
          %add3A_260 = arith.addi %mul3A_258, %add3A_259 : i32
          %get3A_261 = arith.index_cast %add3A_260 : i32 to index
          %get3A_262 = tpu.vector_load %arg8[%get3A_261] {strides = array<i32>} : memref<10240xi32, #tpu.memory_space<vmem>>, vector<16xi32>,
          %get3A_263 = vector.shape_cast %get3A_262 : vector<16xi32> to vector<16xi32>
          %add3A_264 = vector.broadcast %mul3A_4 : i32 to vector<16xi32>
          %add3A_265 = arith.addi %get3A_263, %add3A_264 : vector<16xi32>
          %swap3A_266 = arith.constant 16 : index
          %swap3A_267 = tpu.vector_load %arg10[%swap3A_266] {strides = array<i32>} : memref<64xi32, #tpu.memory_space<vmem>>, vector<16xi32>,
          %swap3A_268 = vector.shape_cast %swap3A_267 : vector<16xi32> to vector<16xi32>
          %swap3A_269 = vector.shape_cast %add3A_265 : vector<16xi32> to vector<16xi32>
          tpu.vector_store %arg10[%swap3A_266], %swap3A_269 {strides = array<i32>} : memref<64xi32, #tpu.memory_space<vmem>>, vector<16xi32>,
          %get3A_270 = arith.index_cast %add3A_260 : i32 to index
          %get3A_271 = tpu.vector_load %arg9[%get3A_270] {strides = array<i32>} : memref<10240xi32, #tpu.memory_space<vmem>>, vector<16xi32>,
          %get3A_272 = vector.shape_cast %get3A_271 : vector<16xi32> to vector<16xi32>
          %swap3A_273 = arith.constant 16 : index
          %swap3A_274 = tpu.vector_load %arg11[%swap3A_273] {strides = array<i32>} : memref<64xi32, #tpu.memory_space<vmem>>, vector<16xi32>,
          %swap3A_275 = vector.shape_cast %swap3A_274 : vector<16xi32> to vector<16xi32>
          %swap3A_276 = vector.shape_cast %get3A_272 : vector<16xi32> to vector<16xi32>
          tpu.vector_store %arg11[%swap3A_273], %swap3A_276 {strides = array<i32>} : memref<64xi32, #tpu.memory_space<vmem>>, vector<16xi32>,
          %mul3A_277 = arith.constant 64 : i32
          %mul3A_278 = arith.muli %add3A_236, %mul3A_277 : i32
          %add3A_279 = arith.constant 32 : i32
          %add3A_280 = arith.addi %mul3A_278, %add3A_279 : i32
          %get3A_281 = arith.index_cast %add3A_280 : i32 to index
          %get3A_282 = tpu.vector_load %arg8[%get3A_281] {strides = array<i32>} : memref<10240xi32, #tpu.memory_space<vmem>>, vector<16xi32>,
          %get3A_283 = vector.shape_cast %get3A_282 : vector<16xi32> to vector<16xi32>
          %add3A_284 = vector.broadcast %mul3A_4 : i32 to vector<16xi32>
          %add3A_285 = arith.addi %get3A_283, %add3A_284 : vector<16xi32>
          %swap3A_286 = arith.constant 32 : index
          %swap3A_287 = tpu.vector_load %arg10[%swap3A_286] {strides = array<i32>} : memref<64xi32, #tpu.memory_space<vmem>>, vector<16xi32>,
          %swap3A_288 = vector.shape_cast %swap3A_287 : vector<16xi32> to vector<16xi32>
          %swap3A_289 = vector.shape_cast %add3A_285 : vector<16xi32> to vector<16xi32>
          tpu.vector_store %arg10[%swap3A_286], %swap3A_289 {strides = array<i32>} : memref<64xi32, #tpu.memory_space<vmem>>, vector<16xi32>,
          %get3A_290 = arith.index_cast %add3A_280 : i32 to index
          %get3A_291 = tpu.vector_load %arg9[%get3A_290] {strides = array<i32>} : memref<10240xi32, #tpu.memory_space<vmem>>, vector<16xi32>,
          %get3A_292 = vector.shape_cast %get3A_291 : vector<16xi32> to vector<16xi32>
          %swap3A_293 = arith.constant 32 : index
          %swap3A_294 = tpu.vector_load %arg11[%swap3A_293] {strides = array<i32>} : memref<64xi32, #tpu.memory_space<vmem>>, vector<16xi32>,
          %swap3A_295 = vector.shape_cast %swap3A_294 : vector<16xi32> to vector<16xi32>
          %swap3A_296 = vector.shape_cast %get3A_292 : vector<16xi32> to vector<16xi32>
          tpu.vector_store %arg11[%swap3A_293], %swap3A_296 {strides = array<i32>} : memref<64xi32, #tpu.memory_space<vmem>>, vector<16xi32>,
          %mul3A_297 = arith.constant 64 : i32
          %mul3A_298 = arith.muli %add3A_236, %mul3A_297 : i32
          %add3A_299 = arith.constant 48 : i32
          %add3A_300 = arith.addi %mul3A_298, %add3A_299 : i32
          %get3A_301 = arith.index_cast %add3A_300 : i32 to index
          %get3A_302 = tpu.vector_load %arg8[%get3A_301] {strides = array<i32>} : memref<10240xi32, #tpu.memory_space<vmem>>, vector<16xi32>,
          %get3A_303 = vector.shape_cast %get3A_302 : vector<16xi32> to vector<16xi32>
          %add3A_304 = vector.broadcast %mul3A_4 : i32 to vector<16xi32>
          %add3A_305 = arith.addi %get3A_303, %add3A_304 : vector<16xi32>
          %swap3A_306 = arith.constant 48 : index
          %swap3A_307 = tpu.vector_load %arg10[%swap3A_306] {strides = array<i32>} : memref<64xi32, #tpu.memory_space<vmem>>, vector<16xi32>,
          %swap3A_308 = vector.shape_cast %swap3A_307 : vector<16xi32> to vector<16xi32>
          %swap3A_309 = vector.shape_cast %add3A_305 : vector<16xi32> to vector<16xi32>
          tpu.vector_store %arg10[%swap3A_306], %swap3A_309 {strides = array<i32>} : memref<64xi32, #tpu.memory_space<vmem>>, vector<16xi32>,
          %get3A_310 = arith.index_cast %add3A_300 : i32 to index
          %get3A_311 = tpu.vector_load %arg9[%get3A_310] {strides = array<i32>} : memref<10240xi32, #tpu.memory_space<vmem>>, vector<16xi32>,
          %get3A_312 = vector.shape_cast %get3A_311 : vector<16xi32> to vector<16xi32>
          %swap3A_313 = arith.constant 48 : index
          %swap3A_314 = tpu.vector_load %arg11[%swap3A_313] {strides = array<i32>} : memref<64xi32, #tpu.memory_space<vmem>>, vector<16xi32>,
          %swap3A_315 = vector.shape_cast %swap3A_314 : vector<16xi32> to vector<16xi32>
          %swap3A_316 = vector.shape_cast %get3A_312 : vector<16xi32> to vector<16xi32>
          tpu.vector_store %arg11[%swap3A_313], %swap3A_316 {strides = array<i32>} : memref<64xi32, #tpu.memory_space<vmem>>, vector<16xi32>,
          %dma_start3A_317 = arith.constant 0 : i32
          %dma_start3A_318 = arith.constant 0 : i32
          %dma_start3A_319 = tpu.memref_slice %arg2[%dma_start3A_317, %dma_start3A_318] : memref<20000x128xf32, #tpu.memory_space<hbm>> -> memref<20000x128xf32, #tpu.memory_space<hbm>>
          tpu.enqueue_indirect_dma source(%dma_start3A_319 : memref<20000x128xf32, #tpu.memory_space<hbm>>) target(%arg16 : memref<64x128xf32, #tpu.memory_space<vmem>>) offsets(%arg10 : memref<64xi32, #tpu.memory_space<vmem>>) semaphore(%arg19 : memref<!tpu.dma_semaphore, #tpu.memory_space<semaphore_mem>>)
        } else {
        }
        %dma_wait3A = arith.constant 0 : i32
        %dma_wait3A_233 = arith.constant 0 : i32
        %dma_wait3A_234 = tpu.memref_slice %arg2[%dma_wait3A, %dma_wait3A_233] : memref<20000x128xf32, #tpu.memory_space<hbm>> -> memref<20000x128xf32, #tpu.memory_space<hbm>>
        tpu.wait_indirect_dma semaphore(%arg20 : memref<!tpu.dma_semaphore, #tpu.memory_space<semaphore_mem>>) src(%dma_wait3A_234 : memref<20000x128xf32, #tpu.memory_space<hbm>>) dst(%arg17 : memref<64x128xf32, #tpu.memory_space<vmem>>)
        "tpu.region"() ({
          %run_scoped3A = tpu.sem_alloc : memref<!tpu.dma_semaphore, #tpu.memory_space<semaphore_mem>>
          %dma_start3A_235 = arith.constant 0 : i32
          %dma_start3A_236 = arith.constant 0 : i32
          %dma_start3A_237 = tpu.memref_slice %arg7[%dma_start3A_235, %dma_start3A_236] : memref<10000x128xf32, #tpu.memory_space<vmem_shared>> -> memref<10000x128xf32, #tpu.memory_space<vmem_shared>>
          tpu.enqueue_indirect_dma source(%arg17 : memref<64x128xf32, #tpu.memory_space<vmem>>) target(%dma_start3A_237 : memref<10000x128xf32, #tpu.memory_space<vmem_shared>>) offsets(%arg13 : memref<64xi32, #tpu.memory_space<vmem>>) semaphore(%run_scoped3A : memref<!tpu.dma_semaphore, #tpu.memory_space<semaphore_mem>>) {add = true}
          %dma_wait3A_238 = arith.constant 0 : i32
          %dma_wait3A_239 = arith.constant 0 : i32
          %dma_wait3A_240 = tpu.memref_slice %arg7[%dma_wait3A_238, %dma_wait3A_239] : memref<10000x128xf32, #tpu.memory_space<vmem_shared>> -> memref<10000x128xf32, #tpu.memory_space<vmem_shared>>
          tpu.wait_indirect_dma semaphore(%run_scoped3A : memref<!tpu.dma_semaphore, #tpu.memory_space<semaphore_mem>>) src(%arg17 : memref<64x128xf32, #tpu.memory_space<vmem>>) dst(%dma_wait3A_240 : memref<10000x128xf32, #tpu.memory_space<vmem_shared>>)
          tpu.yield
        }) : () -> ()
      } else {
      }
      %jit3A_206 = arith.constant 3 : i32
      %eq3A_207 = arith.constant 0 : i32
      %eq3A_208 = arith.cmpi eq, %jit3A_206, %eq3A_207 : i32
      %jit3A_209 = arith.constant 1 : i32
      %select_n3A_210 = arith.select %eq3A_208, %jit3A_209, %jit3A_206 : i32
      %rem3A_211 = arith.remsi %while3A_167, %select_n3A_210 : i32
      %ne3A_212 = arith.constant 0 : i32
      %ne3A_213 = arith.cmpi ne, %rem3A_211, %ne3A_212 : i32
      %lt3A_214 = arith.constant 0 : i32
      %lt3A_215 = arith.cmpi slt, %rem3A_211, %lt3A_214 : i32
      %lt3A_216 = arith.constant 0 : i32
      %lt3A_217 = arith.cmpi slt, %select_n3A_210, %lt3A_216 : i32
      %ne3A_218 = arith.xori %lt3A_215, %lt3A_217 : i1
      %and3A_219 = arith.andi %ne3A_218, %ne3A_213 : i1
      %add3A_220 = arith.addi %rem3A_211, %select_n3A_210 : i32
      %select_n3A_221 = arith.select %and3A_219, %add3A_220, %rem3A_211 : i32
      %eq3A_222 = arith.constant 2 : i32
      %eq3A_223 = arith.cmpi eq, %select_n3A_221, %eq3A_222 : i32
      %convert_element_type3A_224 = arith.extui %eq3A_223 : i1 to i32
      %cond3A_225 = arith.constant 0 : i32
      %cond3A_226 = arith.cmpi ne, %convert_element_type3A_224, %cond3A_225 : i32
      scf.if %cond3A_226 {
        %add3A_227 = arith.constant 2 : i32
        %add3A_228 = arith.addi %while3A_167, %add3A_227 : i32
        %lt3A_229 = arith.cmpi slt, %add3A_228, %select_n3A : i32
        %convert_element_type3A_230 = arith.extui %lt3A_229 : i1 to i32
        %cond3A_231 = arith.constant 0 : i32
        %cond3A_232 = arith.cmpi ne, %convert_element_type3A_230, %cond3A_231 : i32
        scf.if %cond3A_232 {
          %add3A_235 = arith.constant 2 : i32
          %add3A_236 = arith.addi %while3A_167, %add3A_235 : i32
          %mul3A_237 = arith.constant 64 : i32
          %mul3A_238 = arith.muli %add3A_236, %mul3A_237 : i32
          %add3A_239 = arith.constant 0 : i32
          %add3A_240 = arith.addi %mul3A_238, %add3A_239 : i32
          %get3A_241 = arith.index_cast %add3A_240 : i32 to index
          %get3A_242 = tpu.vector_load %arg8[%get3A_241] {strides = array<i32>} : memref<10240xi32, #tpu.memory_space<vmem>>, vector<16xi32>,
          %get3A_243 = vector.shape_cast %get3A_242 : vector<16xi32> to vector<16xi32>
          %add3A_244 = vector.broadcast %mul3A_4 : i32 to vector<16xi32>
          %add3A_245 = arith.addi %get3A_243, %add3A_244 : vector<16xi32>
          %swap3A_246 = arith.constant 0 : index
          %swap3A_247 = tpu.vector_load %arg12[%swap3A_246] {strides = array<i32>} : memref<64xi32, #tpu.memory_space<vmem>>, vector<16xi32>,
          %swap3A_248 = vector.shape_cast %swap3A_247 : vector<16xi32> to vector<16xi32>
          %swap3A_249 = vector.shape_cast %add3A_245 : vector<16xi32> to vector<16xi32>
          tpu.vector_store %arg12[%swap3A_246], %swap3A_249 {strides = array<i32>} : memref<64xi32, #tpu.memory_space<vmem>>, vector<16xi32>,
          %get3A_250 = arith.index_cast %add3A_240 : i32 to index
          %get3A_251 = tpu.vector_load %arg9[%get3A_250] {strides = array<i32>} : memref<10240xi32, #tpu.memory_space<vmem>>, vector<16xi32>,
          %get3A_252 = vector.shape_cast %get3A_251 : vector<16xi32> to vector<16xi32>
          %swap3A_253 = arith.constant 0 : index
          %swap3A_254 = tpu.vector_load %arg13[%swap3A_253] {strides = array<i32>} : memref<64xi32, #tpu.memory_space<vmem>>, vector<16xi32>,
          %swap3A_255 = vector.shape_cast %swap3A_254 : vector<16xi32> to vector<16xi32>
          %swap3A_256 = vector.shape_cast %get3A_252 : vector<16xi32> to vector<16xi32>
          tpu.vector_store %arg13[%swap3A_253], %swap3A_256 {strides = array<i32>} : memref<64xi32, #tpu.memory_space<vmem>>, vector<16xi32>,
          %mul3A_257 = arith.constant 64 : i32
          %mul3A_258 = arith.muli %add3A_236, %mul3A_257 : i32
          %add3A_259 = arith.constant 16 : i32
          %add3A_260 = arith.addi %mul3A_258, %add3A_259 : i32
          %get3A_261 = arith.index_cast %add3A_260 : i32 to index
          %get3A_262 = tpu.vector_load %arg8[%get3A_261] {strides = array<i32>} : memref<10240xi32, #tpu.memory_space<vmem>>, vector<16xi32>,
          %get3A_263 = vector.shape_cast %get3A_262 : vector<16xi32> to vector<16xi32>
          %add3A_264 = vector.broadcast %mul3A_4 : i32 to vector<16xi32>
          %add3A_265 = arith.addi %get3A_263, %add3A_264 : vector<16xi32>
          %swap3A_266 = arith.constant 16 : index
          %swap3A_267 = tpu.vector_load %arg12[%swap3A_266] {strides = array<i32>} : memref<64xi32, #tpu.memory_space<vmem>>, vector<16xi32>,
          %swap3A_268 = vector.shape_cast %swap3A_267 : vector<16xi32> to vector<16xi32>
          %swap3A_269 = vector.shape_cast %add3A_265 : vector<16xi32> to vector<16xi32>
          tpu.vector_store %arg12[%swap3A_266], %swap3A_269 {strides = array<i32>} : memref<64xi32, #tpu.memory_space<vmem>>, vector<16xi32>,
          %get3A_270 = arith.index_cast %add3A_260 : i32 to index
          %get3A_271 = tpu.vector_load %arg9[%get3A_270] {strides = array<i32>} : memref<10240xi32, #tpu.memory_space<vmem>>, vector<16xi32>,
          %get3A_272 = vector.shape_cast %get3A_271 : vector<16xi32> to vector<16xi32>
          %swap3A_273 = arith.constant 16 : index
          %swap3A_274 = tpu.vector_load %arg13[%swap3A_273] {strides = array<i32>} : memref<64xi32, #tpu.memory_space<vmem>>, vector<16xi32>,
          %swap3A_275 = vector.shape_cast %swap3A_274 : vector<16xi32> to vector<16xi32>
          %swap3A_276 = vector.shape_cast %get3A_272 : vector<16xi32> to vector<16xi32>
          tpu.vector_store %arg13[%swap3A_273], %swap3A_276 {strides = array<i32>} : memref<64xi32, #tpu.memory_space<vmem>>, vector<16xi32>,
          %mul3A_277 = arith.constant 64 : i32
          %mul3A_278 = arith.muli %add3A_236, %mul3A_277 : i32
          %add3A_279 = arith.constant 32 : i32
          %add3A_280 = arith.addi %mul3A_278, %add3A_279 : i32
          %get3A_281 = arith.index_cast %add3A_280 : i32 to index
          %get3A_282 = tpu.vector_load %arg8[%get3A_281] {strides = array<i32>} : memref<10240xi32, #tpu.memory_space<vmem>>, vector<16xi32>,
          %get3A_283 = vector.shape_cast %get3A_282 : vector<16xi32> to vector<16xi32>
          %add3A_284 = vector.broadcast %mul3A_4 : i32 to vector<16xi32>
          %add3A_285 = arith.addi %get3A_283, %add3A_284 : vector<16xi32>
          %swap3A_286 = arith.constant 32 : index
          %swap3A_287 = tpu.vector_load %arg12[%swap3A_286] {strides = array<i32>} : memref<64xi32, #tpu.memory_space<vmem>>, vector<16xi32>,
          %swap3A_288 = vector.shape_cast %swap3A_287 : vector<16xi32> to vector<16xi32>
          %swap3A_289 = vector.shape_cast %add3A_285 : vector<16xi32> to vector<16xi32>
          tpu.vector_store %arg12[%swap3A_286], %swap3A_289 {strides = array<i32>} : memref<64xi32, #tpu.memory_space<vmem>>, vector<16xi32>,
          %get3A_290 = arith.index_cast %add3A_280 : i32 to index
          %get3A_291 = tpu.vector_load %arg9[%get3A_290] {strides = array<i32>} : memref<10240xi32, #tpu.memory_space<vmem>>, vector<16xi32>,
          %get3A_292 = vector.shape_cast %get3A_291 : vector<16xi32> to vector<16xi32>
          %swap3A_293 = arith.constant 32 : index
          %swap3A_294 = tpu.vector_load %arg13[%swap3A_293] {strides = array<i32>} : memref<64xi32, #tpu.memory_space<vmem>>, vector<16xi32>,
          %swap3A_295 = vector.shape_cast %swap3A_294 : vector<16xi32> to vector<16xi32>
          %swap3A_296 = vector.shape_cast %get3A_292 : vector<16xi32> to vector<16xi32>
          tpu.vector_store %arg13[%swap3A_293], %swap3A_296 {strides = array<i32>} : memref<64xi32, #tpu.memory_space<vmem>>, vector<16xi32>,
          %mul3A_297 = arith.constant 64 : i32
          %mul3A_298 = arith.muli %add3A_236, %mul3A_297 : i32
          %add3A_299 = arith.constant 48 : i32
          %add3A_300 = arith.addi %mul3A_298, %add3A_299 : i32
          %get3A_301 = arith.index_cast %add3A_300 : i32 to index
          %get3A_302 = tpu.vector_load %arg8[%get3A_301] {strides = array<i32>} : memref<10240xi32, #tpu.memory_space<vmem>>, vector<16xi32>,
          %get3A_303 = vector.shape_cast %get3A_302 : vector<16xi32> to vector<16xi32>
          %add3A_304 = vector.broadcast %mul3A_4 : i32 to vector<16xi32>
          %add3A_305 = arith.addi %get3A_303, %add3A_304 : vector<16xi32>
          %swap3A_306 = arith.constant 48 : index
          %swap3A_307 = tpu.vector_load %arg12[%swap3A_306] {strides = array<i32>} : memref<64xi32, #tpu.memory_space<vmem>>, vector<16xi32>,
          %swap3A_308 = vector.shape_cast %swap3A_307 : vector<16xi32> to vector<16xi32>
          %swap3A_309 = vector.shape_cast %add3A_305 : vector<16xi32> to vector<16xi32>
          tpu.vector_store %arg12[%swap3A_306], %swap3A_309 {strides = array<i32>} : memref<64xi32, #tpu.memory_space<vmem>>, vector<16xi32>,
          %get3A_310 = arith.index_cast %add3A_300 : i32 to index
          %get3A_311 = tpu.vector_load %arg9[%get3A_310] {strides = array<i32>} : memref<10240xi32, #tpu.memory_space<vmem>>, vector<16xi32>,
          %get3A_312 = vector.shape_cast %get3A_311 : vector<16xi32> to vector<16xi32>
          %swap3A_313 = arith.constant 48 : index
          %swap3A_314 = tpu.vector_load %arg13[%swap3A_313] {strides = array<i32>} : memref<64xi32, #tpu.memory_space<vmem>>, vector<16xi32>,
          %swap3A_315 = vector.shape_cast %swap3A_314 : vector<16xi32> to vector<16xi32>
          %swap3A_316 = vector.shape_cast %get3A_312 : vector<16xi32> to vector<16xi32>
          tpu.vector_store %arg13[%swap3A_313], %swap3A_316 {strides = array<i32>} : memref<64xi32, #tpu.memory_space<vmem>>, vector<16xi32>,
          %dma_start3A_317 = arith.constant 0 : i32
          %dma_start3A_318 = arith.constant 0 : i32
          %dma_start3A_319 = tpu.memref_slice %arg2[%dma_start3A_317, %dma_start3A_318] : memref<20000x128xf32, #tpu.memory_space<hbm>> -> memref<20000x128xf32, #tpu.memory_space<hbm>>
          tpu.enqueue_indirect_dma source(%dma_start3A_319 : memref<20000x128xf32, #tpu.memory_space<hbm>>) target(%arg17 : memref<64x128xf32, #tpu.memory_space<vmem>>) offsets(%arg12 : memref<64xi32, #tpu.memory_space<vmem>>) semaphore(%arg20 : memref<!tpu.dma_semaphore, #tpu.memory_space<semaphore_mem>>)
        } else {
        }
        %dma_wait3A = arith.constant 0 : i32
        %dma_wait3A_233 = arith.constant 0 : i32
        %dma_wait3A_234 = tpu.memref_slice %arg2[%dma_wait3A, %dma_wait3A_233] : memref<20000x128xf32, #tpu.memory_space<hbm>> -> memref<20000x128xf32, #tpu.memory_space<hbm>>
        tpu.wait_indirect_dma semaphore(%arg21 : memref<!tpu.dma_semaphore, #tpu.memory_space<semaphore_mem>>) src(%dma_wait3A_234 : memref<20000x128xf32, #tpu.memory_space<hbm>>) dst(%arg18 : memref<64x128xf32, #tpu.memory_space<vmem>>)
        "tpu.region"() ({
          %run_scoped3A = tpu.sem_alloc : memref<!tpu.dma_semaphore, #tpu.memory_space<semaphore_mem>>
          %dma_start3A_235 = arith.constant 0 : i32
          %dma_start3A_236 = arith.constant 0 : i32
          %dma_start3A_237 = tpu.memref_slice %arg7[%dma_start3A_235, %dma_start3A_236] : memref<10000x128xf32, #tpu.memory_space<vmem_shared>> -> memref<10000x128xf32, #tpu.memory_space<vmem_shared>>
          tpu.enqueue_indirect_dma source(%arg18 : memref<64x128xf32, #tpu.memory_space<vmem>>) target(%dma_start3A_237 : memref<10000x128xf32, #tpu.memory_space<vmem_shared>>) offsets(%arg15 : memref<64xi32, #tpu.memory_space<vmem>>) semaphore(%run_scoped3A : memref<!tpu.dma_semaphore, #tpu.memory_space<semaphore_mem>>) {add = true}
          %dma_wait3A_238 = arith.constant 0 : i32
          %dma_wait3A_239 = arith.constant 0 : i32
          %dma_wait3A_240 = tpu.memref_slice %arg7[%dma_wait3A_238, %dma_wait3A_239] : memref<10000x128xf32, #tpu.memory_space<vmem_shared>> -> memref<10000x128xf32, #tpu.memory_space<vmem_shared>>
          tpu.wait_indirect_dma semaphore(%run_scoped3A : memref<!tpu.dma_semaphore, #tpu.memory_space<semaphore_mem>>) src(%arg18 : memref<64x128xf32, #tpu.memory_space<vmem>>) dst(%dma_wait3A_240 : memref<10000x128xf32, #tpu.memory_space<vmem_shared>>)
          tpu.yield
        }) : () -> ()
      } else {
      }
    }
    %while3A_153 = arith.constant 1 : i32
    scf.for %while3A_167 = %while3A_151 to %while3A_147 step %while3A_153  : i32 {
      %jit3A_168 = arith.constant 3 : i32
      %eq3A_169 = arith.constant 0 : i32
      %eq3A_170 = arith.cmpi eq, %jit3A_168, %eq3A_169 : i32
      %jit3A_171 = arith.constant 1 : i32
      %select_n3A_172 = arith.select %eq3A_170, %jit3A_171, %jit3A_168 : i32
      %rem3A = arith.remsi %while3A_167, %select_n3A_172 : i32
      %ne3A = arith.constant 0 : i32
      %ne3A_173 = arith.cmpi ne, %rem3A, %ne3A : i32
      %lt3A = arith.constant 0 : i32
      %lt3A_174 = arith.cmpi slt, %rem3A, %lt3A : i32
      %lt3A_175 = arith.constant 0 : i32
      %lt3A_176 = arith.cmpi slt, %select_n3A_172, %lt3A_175 : i32
      %ne3A_177 = arith.xori %lt3A_174, %lt3A_176 : i1
      %and3A = arith.andi %ne3A_177, %ne3A_173 : i1
      %add3A_178 = arith.addi %rem3A, %select_n3A_172 : i32
      %select_n3A_179 = arith.select %and3A, %add3A_178, %rem3A : i32
      %eq3A_180 = arith.constant 0 : i32
      %eq3A_181 = arith.cmpi eq, %select_n3A_179, %eq3A_180 : i32
      %convert_element_type3A_182 = arith.extui %eq3A_181 : i1 to i32
      %cond3A_183 = arith.constant 0 : i32
      %cond3A_184 = arith.cmpi ne, %convert_element_type3A_182, %cond3A_183 : i32
      scf.if %cond3A_184 {
        %add3A_227 = arith.constant 2 : i32
        %add3A_228 = arith.addi %while3A_167, %add3A_227 : i32
        %lt3A_229 = arith.cmpi slt, %add3A_228, %select_n3A : i32
        %convert_element_type3A_230 = arith.extui %lt3A_229 : i1 to i32
        %cond3A_231 = arith.constant 0 : i32
        %cond3A_232 = arith.cmpi ne, %convert_element_type3A_230, %cond3A_231 : i32
        scf.if %cond3A_232 {
          %add3A_235 = arith.constant 2 : i32
          %add3A_236 = arith.addi %while3A_167, %add3A_235 : i32
          %mul3A_237 = arith.constant 64 : i32
          %mul3A_238 = arith.muli %add3A_236, %mul3A_237 : i32
          %add3A_239 = arith.constant 0 : i32
          %add3A_240 = arith.addi %mul3A_238, %add3A_239 : i32
          %get3A_241 = arith.index_cast %add3A_240 : i32 to index
          %get3A_242 = tpu.vector_load %arg8[%get3A_241] {strides = array<i32>} : memref<10240xi32, #tpu.memory_space<vmem>>, vector<16xi32>,
          %get3A_243 = vector.shape_cast %get3A_242 : vector<16xi32> to vector<16xi32>
          %add3A_244 = vector.broadcast %mul3A_4 : i32 to vector<16xi32>
          %add3A_245 = arith.addi %get3A_243, %add3A_244 : vector<16xi32>
          %swap3A_246 = arith.constant 0 : index
          %swap3A_247 = tpu.vector_load %arg14[%swap3A_246] {strides = array<i32>} : memref<64xi32, #tpu.memory_space<vmem>>, vector<16xi32>,
          %swap3A_248 = vector.shape_cast %swap3A_247 : vector<16xi32> to vector<16xi32>
          %swap3A_249 = vector.shape_cast %add3A_245 : vector<16xi32> to vector<16xi32>
          tpu.vector_store %arg14[%swap3A_246], %swap3A_249 {strides = array<i32>} : memref<64xi32, #tpu.memory_space<vmem>>, vector<16xi32>,
          %get3A_250 = arith.index_cast %add3A_240 : i32 to index
          %get3A_251 = tpu.vector_load %arg9[%get3A_250] {strides = array<i32>} : memref<10240xi32, #tpu.memory_space<vmem>>, vector<16xi32>,
          %get3A_252 = vector.shape_cast %get3A_251 : vector<16xi32> to vector<16xi32>
          %swap3A_253 = arith.constant 0 : index
          %swap3A_254 = tpu.vector_load %arg15[%swap3A_253] {strides = array<i32>} : memref<64xi32, #tpu.memory_space<vmem>>, vector<16xi32>,
          %swap3A_255 = vector.shape_cast %swap3A_254 : vector<16xi32> to vector<16xi32>
          %swap3A_256 = vector.shape_cast %get3A_252 : vector<16xi32> to vector<16xi32>
          tpu.vector_store %arg15[%swap3A_253], %swap3A_256 {strides = array<i32>} : memref<64xi32, #tpu.memory_space<vmem>>, vector<16xi32>,
          %mul3A_257 = arith.constant 64 : i32
          %mul3A_258 = arith.muli %add3A_236, %mul3A_257 : i32
          %add3A_259 = arith.constant 16 : i32
          %add3A_260 = arith.addi %mul3A_258, %add3A_259 : i32
          %get3A_261 = arith.index_cast %add3A_260 : i32 to index
          %get3A_262 = tpu.vector_load %arg8[%get3A_261] {strides = array<i32>} : memref<10240xi32, #tpu.memory_space<vmem>>, vector<16xi32>,
          %get3A_263 = vector.shape_cast %get3A_262 : vector<16xi32> to vector<16xi32>
          %add3A_264 = vector.broadcast %mul3A_4 : i32 to vector<16xi32>
          %add3A_265 = arith.addi %get3A_263, %add3A_264 : vector<16xi32>
          %swap3A_266 = arith.constant 16 : index
          %swap3A_267 = tpu.vector_load %arg14[%swap3A_266] {strides = array<i32>} : memref<64xi32, #tpu.memory_space<vmem>>, vector<16xi32>,
          %swap3A_268 = vector.shape_cast %swap3A_267 : vector<16xi32> to vector<16xi32>
          %swap3A_269 = vector.shape_cast %add3A_265 : vector<16xi32> to vector<16xi32>
          tpu.vector_store %arg14[%swap3A_266], %swap3A_269 {strides = array<i32>} : memref<64xi32, #tpu.memory_space<vmem>>, vector<16xi32>,
          %get3A_270 = arith.index_cast %add3A_260 : i32 to index
          %get3A_271 = tpu.vector_load %arg9[%get3A_270] {strides = array<i32>} : memref<10240xi32, #tpu.memory_space<vmem>>, vector<16xi32>,
          %get3A_272 = vector.shape_cast %get3A_271 : vector<16xi32> to vector<16xi32>
          %swap3A_273 = arith.constant 16 : index
          %swap3A_274 = tpu.vector_load %arg15[%swap3A_273] {strides = array<i32>} : memref<64xi32, #tpu.memory_space<vmem>>, vector<16xi32>,
          %swap3A_275 = vector.shape_cast %swap3A_274 : vector<16xi32> to vector<16xi32>
          %swap3A_276 = vector.shape_cast %get3A_272 : vector<16xi32> to vector<16xi32>
          tpu.vector_store %arg15[%swap3A_273], %swap3A_276 {strides = array<i32>} : memref<64xi32, #tpu.memory_space<vmem>>, vector<16xi32>,
          %mul3A_277 = arith.constant 64 : i32
          %mul3A_278 = arith.muli %add3A_236, %mul3A_277 : i32
          %add3A_279 = arith.constant 32 : i32
          %add3A_280 = arith.addi %mul3A_278, %add3A_279 : i32
          %get3A_281 = arith.index_cast %add3A_280 : i32 to index
          %get3A_282 = tpu.vector_load %arg8[%get3A_281] {strides = array<i32>} : memref<10240xi32, #tpu.memory_space<vmem>>, vector<16xi32>,
          %get3A_283 = vector.shape_cast %get3A_282 : vector<16xi32> to vector<16xi32>
          %add3A_284 = vector.broadcast %mul3A_4 : i32 to vector<16xi32>
          %add3A_285 = arith.addi %get3A_283, %add3A_284 : vector<16xi32>
          %swap3A_286 = arith.constant 32 : index
          %swap3A_287 = tpu.vector_load %arg14[%swap3A_286] {strides = array<i32>} : memref<64xi32, #tpu.memory_space<vmem>>, vector<16xi32>,
          %swap3A_288 = vector.shape_cast %swap3A_287 : vector<16xi32> to vector<16xi32>
          %swap3A_289 = vector.shape_cast %add3A_285 : vector<16xi32> to vector<16xi32>
          tpu.vector_store %arg14[%swap3A_286], %swap3A_289 {strides = array<i32>} : memref<64xi32, #tpu.memory_space<vmem>>, vector<16xi32>,
          %get3A_290 = arith.index_cast %add3A_280 : i32 to index
          %get3A_291 = tpu.vector_load %arg9[%get3A_290] {strides = array<i32>} : memref<10240xi32, #tpu.memory_space<vmem>>, vector<16xi32>,
          %get3A_292 = vector.shape_cast %get3A_291 : vector<16xi32> to vector<16xi32>
          %swap3A_293 = arith.constant 32 : index
          %swap3A_294 = tpu.vector_load %arg15[%swap3A_293] {strides = array<i32>} : memref<64xi32, #tpu.memory_space<vmem>>, vector<16xi32>,
          %swap3A_295 = vector.shape_cast %swap3A_294 : vector<16xi32> to vector<16xi32>
          %swap3A_296 = vector.shape_cast %get3A_292 : vector<16xi32> to vector<16xi32>
          tpu.vector_store %arg15[%swap3A_293], %swap3A_296 {strides = array<i32>} : memref<64xi32, #tpu.memory_space<vmem>>, vector<16xi32>,
          %mul3A_297 = arith.constant 64 : i32
          %mul3A_298 = arith.muli %add3A_236, %mul3A_297 : i32
          %add3A_299 = arith.constant 48 : i32
          %add3A_300 = arith.addi %mul3A_298, %add3A_299 : i32
          %get3A_301 = arith.index_cast %add3A_300 : i32 to index
          %get3A_302 = tpu.vector_load %arg8[%get3A_301] {strides = array<i32>} : memref<10240xi32, #tpu.memory_space<vmem>>, vector<16xi32>,
          %get3A_303 = vector.shape_cast %get3A_302 : vector<16xi32> to vector<16xi32>
          %add3A_304 = vector.broadcast %mul3A_4 : i32 to vector<16xi32>
          %add3A_305 = arith.addi %get3A_303, %add3A_304 : vector<16xi32>
          %swap3A_306 = arith.constant 48 : index
          %swap3A_307 = tpu.vector_load %arg14[%swap3A_306] {strides = array<i32>} : memref<64xi32, #tpu.memory_space<vmem>>, vector<16xi32>,
          %swap3A_308 = vector.shape_cast %swap3A_307 : vector<16xi32> to vector<16xi32>
          %swap3A_309 = vector.shape_cast %add3A_305 : vector<16xi32> to vector<16xi32>
          tpu.vector_store %arg14[%swap3A_306], %swap3A_309 {strides = array<i32>} : memref<64xi32, #tpu.memory_space<vmem>>, vector<16xi32>,
          %get3A_310 = arith.index_cast %add3A_300 : i32 to index
          %get3A_311 = tpu.vector_load %arg9[%get3A_310] {strides = array<i32>} : memref<10240xi32, #tpu.memory_space<vmem>>, vector<16xi32>,
          %get3A_312 = vector.shape_cast %get3A_311 : vector<16xi32> to vector<16xi32>
          %swap3A_313 = arith.constant 48 : index
          %swap3A_314 = tpu.vector_load %arg15[%swap3A_313] {strides = array<i32>} : memref<64xi32, #tpu.memory_space<vmem>>, vector<16xi32>,
          %swap3A_315 = vector.shape_cast %swap3A_314 : vector<16xi32> to vector<16xi32>
          %swap3A_316 = vector.shape_cast %get3A_312 : vector<16xi32> to vector<16xi32>
          tpu.vector_store %arg15[%swap3A_313], %swap3A_316 {strides = array<i32>} : memref<64xi32, #tpu.memory_space<vmem>>, vector<16xi32>,
          %dma_start3A_317 = arith.constant 0 : i32
          %dma_start3A_318 = arith.constant 0 : i32
          %dma_start3A_319 = tpu.memref_slice %arg2[%dma_start3A_317, %dma_start3A_318] : memref<20000x128xf32, #tpu.memory_space<hbm>> -> memref<20000x128xf32, #tpu.memory_space<hbm>>
          tpu.enqueue_indirect_dma source(%dma_start3A_319 : memref<20000x128xf32, #tpu.memory_space<hbm>>) target(%arg18 : memref<64x128xf32, #tpu.memory_space<vmem>>) offsets(%arg14 : memref<64xi32, #tpu.memory_space<vmem>>) semaphore(%arg21 : memref<!tpu.dma_semaphore, #tpu.memory_space<semaphore_mem>>)
        } else {
        }
        %dma_wait3A = arith.constant 0 : i32
        %dma_wait3A_233 = arith.constant 0 : i32
        %dma_wait3A_234 = tpu.memref_slice %arg2[%dma_wait3A, %dma_wait3A_233] : memref<20000x128xf32, #tpu.memory_space<hbm>> -> memref<20000x128xf32, #tpu.memory_space<hbm>>
        tpu.wait_indirect_dma semaphore(%arg19 : memref<!tpu.dma_semaphore, #tpu.memory_space<semaphore_mem>>) src(%dma_wait3A_234 : memref<20000x128xf32, #tpu.memory_space<hbm>>) dst(%arg16 : memref<64x128xf32, #tpu.memory_space<vmem>>)
        "tpu.region"() ({
          %run_scoped3A = tpu.sem_alloc : memref<!tpu.dma_semaphore, #tpu.memory_space<semaphore_mem>>
          %dma_start3A_235 = arith.constant 0 : i32
          %dma_start3A_236 = arith.constant 0 : i32
          %dma_start3A_237 = tpu.memref_slice %arg7[%dma_start3A_235, %dma_start3A_236] : memref<10000x128xf32, #tpu.memory_space<vmem_shared>> -> memref<10000x128xf32, #tpu.memory_space<vmem_shared>>
          tpu.enqueue_indirect_dma source(%arg16 : memref<64x128xf32, #tpu.memory_space<vmem>>) target(%dma_start3A_237 : memref<10000x128xf32, #tpu.memory_space<vmem_shared>>) offsets(%arg11 : memref<64xi32, #tpu.memory_space<vmem>>) semaphore(%run_scoped3A : memref<!tpu.dma_semaphore, #tpu.memory_space<semaphore_mem>>) {add = true}
          %dma_wait3A_238 = arith.constant 0 : i32
          %dma_wait3A_239 = arith.constant 0 : i32
          %dma_wait3A_240 = tpu.memref_slice %arg7[%dma_wait3A_238, %dma_wait3A_239] : memref<10000x128xf32, #tpu.memory_space<vmem_shared>> -> memref<10000x128xf32, #tpu.memory_space<vmem_shared>>
          tpu.wait_indirect_dma semaphore(%run_scoped3A : memref<!tpu.dma_semaphore, #tpu.memory_space<semaphore_mem>>) src(%arg16 : memref<64x128xf32, #tpu.memory_space<vmem>>) dst(%dma_wait3A_240 : memref<10000x128xf32, #tpu.memory_space<vmem_shared>>)
          tpu.yield
        }) : () -> ()
      } else {
      }
      %jit3A_185 = arith.constant 3 : i32
      %eq3A_186 = arith.constant 0 : i32
      %eq3A_187 = arith.cmpi eq, %jit3A_185, %eq3A_186 : i32
      %jit3A_188 = arith.constant 1 : i32
      %select_n3A_189 = arith.select %eq3A_187, %jit3A_188, %jit3A_185 : i32
      %rem3A_190 = arith.remsi %while3A_167, %select_n3A_189 : i32
      %ne3A_191 = arith.constant 0 : i32
      %ne3A_192 = arith.cmpi ne, %rem3A_190, %ne3A_191 : i32
      %lt3A_193 = arith.constant 0 : i32
      %lt3A_194 = arith.cmpi slt, %rem3A_190, %lt3A_193 : i32
      %lt3A_195 = arith.constant 0 : i32
      %lt3A_196 = arith.cmpi slt, %select_n3A_189, %lt3A_195 : i32
      %ne3A_197 = arith.xori %lt3A_194, %lt3A_196 : i1
      %and3A_198 = arith.andi %ne3A_197, %ne3A_192 : i1
      %add3A_199 = arith.addi %rem3A_190, %select_n3A_189 : i32
      %select_n3A_200 = arith.select %and3A_198, %add3A_199, %rem3A_190 : i32
      %eq3A_201 = arith.constant 1 : i32
      %eq3A_202 = arith.cmpi eq, %select_n3A_200, %eq3A_201 : i32
      %convert_element_type3A_203 = arith.extui %eq3A_202 : i1 to i32
      %cond3A_204 = arith.constant 0 : i32
      %cond3A_205 = arith.cmpi ne, %convert_element_type3A_203, %cond3A_204 : i32
      scf.if %cond3A_205 {
        %add3A_227 = arith.constant 2 : i32
        %add3A_228 = arith.addi %while3A_167, %add3A_227 : i32
        %lt3A_229 = arith.cmpi slt, %add3A_228, %select_n3A : i32
        %convert_element_type3A_230 = arith.extui %lt3A_229 : i1 to i32
        %cond3A_231 = arith.constant 0 : i32
        %cond3A_232 = arith.cmpi ne, %convert_element_type3A_230, %cond3A_231 : i32
        scf.if %cond3A_232 {
          %add3A_235 = arith.constant 2 : i32
          %add3A_236 = arith.addi %while3A_167, %add3A_235 : i32
          %mul3A_237 = arith.constant 64 : i32
          %mul3A_238 = arith.muli %add3A_236, %mul3A_237 : i32
          %add3A_239 = arith.constant 0 : i32
          %add3A_240 = arith.addi %mul3A_238, %add3A_239 : i32
          %get3A_241 = arith.index_cast %add3A_240 : i32 to index
          %get3A_242 = tpu.vector_load %arg8[%get3A_241] {strides = array<i32>} : memref<10240xi32, #tpu.memory_space<vmem>>, vector<16xi32>,
          %get3A_243 = vector.shape_cast %get3A_242 : vector<16xi32> to vector<16xi32>
          %add3A_244 = vector.broadcast %mul3A_4 : i32 to vector<16xi32>
          %add3A_245 = arith.addi %get3A_243, %add3A_244 : vector<16xi32>
          %swap3A_246 = arith.constant 0 : index
          %swap3A_247 = tpu.vector_load %arg10[%swap3A_246] {strides = array<i32>} : memref<64xi32, #tpu.memory_space<vmem>>, vector<16xi32>,
          %swap3A_248 = vector.shape_cast %swap3A_247 : vector<16xi32> to vector<16xi32>
          %swap3A_249 = vector.shape_cast %add3A_245 : vector<16xi32> to vector<16xi32>
          tpu.vector_store %arg10[%swap3A_246], %swap3A_249 {strides = array<i32>} : memref<64xi32, #tpu.memory_space<vmem>>, vector<16xi32>,
          %get3A_250 = arith.index_cast %add3A_240 : i32 to index
          %get3A_251 = tpu.vector_load %arg9[%get3A_250] {strides = array<i32>} : memref<10240xi32, #tpu.memory_space<vmem>>, vector<16xi32>,
          %get3A_252 = vector.shape_cast %get3A_251 : vector<16xi32> to vector<16xi32>
          %swap3A_253 = arith.constant 0 : index
          %swap3A_254 = tpu.vector_load %arg11[%swap3A_253] {strides = array<i32>} : memref<64xi32, #tpu.memory_space<vmem>>, vector<16xi32>,
          %swap3A_255 = vector.shape_cast %swap3A_254 : vector<16xi32> to vector<16xi32>
          %swap3A_256 = vector.shape_cast %get3A_252 : vector<16xi32> to vector<16xi32>
          tpu.vector_store %arg11[%swap3A_253], %swap3A_256 {strides = array<i32>} : memref<64xi32, #tpu.memory_space<vmem>>, vector<16xi32>,
          %mul3A_257 = arith.constant 64 : i32
          %mul3A_258 = arith.muli %add3A_236, %mul3A_257 : i32
          %add3A_259 = arith.constant 16 : i32
          %add3A_260 = arith.addi %mul3A_258, %add3A_259 : i32
          %get3A_261 = arith.index_cast %add3A_260 : i32 to index
          %get3A_262 = tpu.vector_load %arg8[%get3A_261] {strides = array<i32>} : memref<10240xi32, #tpu.memory_space<vmem>>, vector<16xi32>,
          %get3A_263 = vector.shape_cast %get3A_262 : vector<16xi32> to vector<16xi32>
          %add3A_264 = vector.broadcast %mul3A_4 : i32 to vector<16xi32>
          %add3A_265 = arith.addi %get3A_263, %add3A_264 : vector<16xi32>
          %swap3A_266 = arith.constant 16 : index
          %swap3A_267 = tpu.vector_load %arg10[%swap3A_266] {strides = array<i32>} : memref<64xi32, #tpu.memory_space<vmem>>, vector<16xi32>,
          %swap3A_268 = vector.shape_cast %swap3A_267 : vector<16xi32> to vector<16xi32>
          %swap3A_269 = vector.shape_cast %add3A_265 : vector<16xi32> to vector<16xi32>
          tpu.vector_store %arg10[%swap3A_266], %swap3A_269 {strides = array<i32>} : memref<64xi32, #tpu.memory_space<vmem>>, vector<16xi32>,
          %get3A_270 = arith.index_cast %add3A_260 : i32 to index
          %get3A_271 = tpu.vector_load %arg9[%get3A_270] {strides = array<i32>} : memref<10240xi32, #tpu.memory_space<vmem>>, vector<16xi32>,
          %get3A_272 = vector.shape_cast %get3A_271 : vector<16xi32> to vector<16xi32>
          %swap3A_273 = arith.constant 16 : index
          %swap3A_274 = tpu.vector_load %arg11[%swap3A_273] {strides = array<i32>} : memref<64xi32, #tpu.memory_space<vmem>>, vector<16xi32>,
          %swap3A_275 = vector.shape_cast %swap3A_274 : vector<16xi32> to vector<16xi32>
          %swap3A_276 = vector.shape_cast %get3A_272 : vector<16xi32> to vector<16xi32>
          tpu.vector_store %arg11[%swap3A_273], %swap3A_276 {strides = array<i32>} : memref<64xi32, #tpu.memory_space<vmem>>, vector<16xi32>,
          %mul3A_277 = arith.constant 64 : i32
          %mul3A_278 = arith.muli %add3A_236, %mul3A_277 : i32
          %add3A_279 = arith.constant 32 : i32
          %add3A_280 = arith.addi %mul3A_278, %add3A_279 : i32
          %get3A_281 = arith.index_cast %add3A_280 : i32 to index
          %get3A_282 = tpu.vector_load %arg8[%get3A_281] {strides = array<i32>} : memref<10240xi32, #tpu.memory_space<vmem>>, vector<16xi32>,
          %get3A_283 = vector.shape_cast %get3A_282 : vector<16xi32> to vector<16xi32>
          %add3A_284 = vector.broadcast %mul3A_4 : i32 to vector<16xi32>
          %add3A_285 = arith.addi %get3A_283, %add3A_284 : vector<16xi32>
          %swap3A_286 = arith.constant 32 : index
          %swap3A_287 = tpu.vector_load %arg10[%swap3A_286] {strides = array<i32>} : memref<64xi32, #tpu.memory_space<vmem>>, vector<16xi32>,
          %swap3A_288 = vector.shape_cast %swap3A_287 : vector<16xi32> to vector<16xi32>
          %swap3A_289 = vector.shape_cast %add3A_285 : vector<16xi32> to vector<16xi32>
          tpu.vector_store %arg10[%swap3A_286], %swap3A_289 {strides = array<i32>} : memref<64xi32, #tpu.memory_space<vmem>>, vector<16xi32>,
          %get3A_290 = arith.index_cast %add3A_280 : i32 to index
          %get3A_291 = tpu.vector_load %arg9[%get3A_290] {strides = array<i32>} : memref<10240xi32, #tpu.memory_space<vmem>>, vector<16xi32>,
          %get3A_292 = vector.shape_cast %get3A_291 : vector<16xi32> to vector<16xi32>
          %swap3A_293 = arith.constant 32 : index
          %swap3A_294 = tpu.vector_load %arg11[%swap3A_293] {strides = array<i32>} : memref<64xi32, #tpu.memory_space<vmem>>, vector<16xi32>,
          %swap3A_295 = vector.shape_cast %swap3A_294 : vector<16xi32> to vector<16xi32>
          %swap3A_296 = vector.shape_cast %get3A_292 : vector<16xi32> to vector<16xi32>
          tpu.vector_store %arg11[%swap3A_293], %swap3A_296 {strides = array<i32>} : memref<64xi32, #tpu.memory_space<vmem>>, vector<16xi32>,
          %mul3A_297 = arith.constant 64 : i32
          %mul3A_298 = arith.muli %add3A_236, %mul3A_297 : i32
          %add3A_299 = arith.constant 48 : i32
          %add3A_300 = arith.addi %mul3A_298, %add3A_299 : i32
          %get3A_301 = arith.index_cast %add3A_300 : i32 to index
          %get3A_302 = tpu.vector_load %arg8[%get3A_301] {strides = array<i32>} : memref<10240xi32, #tpu.memory_space<vmem>>, vector<16xi32>,
          %get3A_303 = vector.shape_cast %get3A_302 : vector<16xi32> to vector<16xi32>
          %add3A_304 = vector.broadcast %mul3A_4 : i32 to vector<16xi32>
          %add3A_305 = arith.addi %get3A_303, %add3A_304 : vector<16xi32>
          %swap3A_306 = arith.constant 48 : index
          %swap3A_307 = tpu.vector_load %arg10[%swap3A_306] {strides = array<i32>} : memref<64xi32, #tpu.memory_space<vmem>>, vector<16xi32>,
          %swap3A_308 = vector.shape_cast %swap3A_307 : vector<16xi32> to vector<16xi32>
          %swap3A_309 = vector.shape_cast %add3A_305 : vector<16xi32> to vector<16xi32>
          tpu.vector_store %arg10[%swap3A_306], %swap3A_309 {strides = array<i32>} : memref<64xi32, #tpu.memory_space<vmem>>, vector<16xi32>,
          %get3A_310 = arith.index_cast %add3A_300 : i32 to index
          %get3A_311 = tpu.vector_load %arg9[%get3A_310] {strides = array<i32>} : memref<10240xi32, #tpu.memory_space<vmem>>, vector<16xi32>,
          %get3A_312 = vector.shape_cast %get3A_311 : vector<16xi32> to vector<16xi32>
          %swap3A_313 = arith.constant 48 : index
          %swap3A_314 = tpu.vector_load %arg11[%swap3A_313] {strides = array<i32>} : memref<64xi32, #tpu.memory_space<vmem>>, vector<16xi32>,
          %swap3A_315 = vector.shape_cast %swap3A_314 : vector<16xi32> to vector<16xi32>
          %swap3A_316 = vector.shape_cast %get3A_312 : vector<16xi32> to vector<16xi32>
          tpu.vector_store %arg11[%swap3A_313], %swap3A_316 {strides = array<i32>} : memref<64xi32, #tpu.memory_space<vmem>>, vector<16xi32>,
          %dma_start3A_317 = arith.constant 0 : i32
          %dma_start3A_318 = arith.constant 0 : i32
          %dma_start3A_319 = tpu.memref_slice %arg2[%dma_start3A_317, %dma_start3A_318] : memref<20000x128xf32, #tpu.memory_space<hbm>> -> memref<20000x128xf32, #tpu.memory_space<hbm>>
          tpu.enqueue_indirect_dma source(%dma_start3A_319 : memref<20000x128xf32, #tpu.memory_space<hbm>>) target(%arg16 : memref<64x128xf32, #tpu.memory_space<vmem>>) offsets(%arg10 : memref<64xi32, #tpu.memory_space<vmem>>) semaphore(%arg19 : memref<!tpu.dma_semaphore, #tpu.memory_space<semaphore_mem>>)
        } else {
        }
        %dma_wait3A = arith.constant 0 : i32
        %dma_wait3A_233 = arith.constant 0 : i32
        %dma_wait3A_234 = tpu.memref_slice %arg2[%dma_wait3A, %dma_wait3A_233] : memref<20000x128xf32, #tpu.memory_space<hbm>> -> memref<20000x128xf32, #tpu.memory_space<hbm>>
        tpu.wait_indirect_dma semaphore(%arg20 : memref<!tpu.dma_semaphore, #tpu.memory_space<semaphore_mem>>) src(%dma_wait3A_234 : memref<20000x128xf32, #tpu.memory_space<hbm>>) dst(%arg17 : memref<64x128xf32, #tpu.memory_space<vmem>>)
        "tpu.region"() ({
          %run_scoped3A = tpu.sem_alloc : memref<!tpu.dma_semaphore, #tpu.memory_space<semaphore_mem>>
          %dma_start3A_235 = arith.constant 0 : i32
          %dma_start3A_236 = arith.constant 0 : i32
          %dma_start3A_237 = tpu.memref_slice %arg7[%dma_start3A_235, %dma_start3A_236] : memref<10000x128xf32, #tpu.memory_space<vmem_shared>> -> memref<10000x128xf32, #tpu.memory_space<vmem_shared>>
          tpu.enqueue_indirect_dma source(%arg17 : memref<64x128xf32, #tpu.memory_space<vmem>>) target(%dma_start3A_237 : memref<10000x128xf32, #tpu.memory_space<vmem_shared>>) offsets(%arg13 : memref<64xi32, #tpu.memory_space<vmem>>) semaphore(%run_scoped3A : memref<!tpu.dma_semaphore, #tpu.memory_space<semaphore_mem>>) {add = true}
          %dma_wait3A_238 = arith.constant 0 : i32
          %dma_wait3A_239 = arith.constant 0 : i32
          %dma_wait3A_240 = tpu.memref_slice %arg7[%dma_wait3A_238, %dma_wait3A_239] : memref<10000x128xf32, #tpu.memory_space<vmem_shared>> -> memref<10000x128xf32, #tpu.memory_space<vmem_shared>>
          tpu.wait_indirect_dma semaphore(%run_scoped3A : memref<!tpu.dma_semaphore, #tpu.memory_space<semaphore_mem>>) src(%arg17 : memref<64x128xf32, #tpu.memory_space<vmem>>) dst(%dma_wait3A_240 : memref<10000x128xf32, #tpu.memory_space<vmem_shared>>)
          tpu.yield
        }) : () -> ()
      } else {
      }
      %jit3A_206 = arith.constant 3 : i32
      %eq3A_207 = arith.constant 0 : i32
      %eq3A_208 = arith.cmpi eq, %jit3A_206, %eq3A_207 : i32
      %jit3A_209 = arith.constant 1 : i32
      %select_n3A_210 = arith.select %eq3A_208, %jit3A_209, %jit3A_206 : i32
      %rem3A_211 = arith.remsi %while3A_167, %select_n3A_210 : i32
      %ne3A_212 = arith.constant 0 : i32
      %ne3A_213 = arith.cmpi ne, %rem3A_211, %ne3A_212 : i32
      %lt3A_214 = arith.constant 0 : i32
      %lt3A_215 = arith.cmpi slt, %rem3A_211, %lt3A_214 : i32
      %lt3A_216 = arith.constant 0 : i32
      %lt3A_217 = arith.cmpi slt, %select_n3A_210, %lt3A_216 : i32
      %ne3A_218 = arith.xori %lt3A_215, %lt3A_217 : i1
      %and3A_219 = arith.andi %ne3A_218, %ne3A_213 : i1
      %add3A_220 = arith.addi %rem3A_211, %select_n3A_210 : i32
      %select_n3A_221 = arith.select %and3A_219, %add3A_220, %rem3A_211 : i32
      %eq3A_222 = arith.constant 2 : i32
      %eq3A_223 = arith.cmpi eq, %select_n3A_221, %eq3A_222 : i32
      %convert_element_type3A_224 = arith.extui %eq3A_223 : i1 to i32
      %cond3A_225 = arith.constant 0 : i32
      %cond3A_226 = arith.cmpi ne, %convert_element_type3A_224, %cond3A_225 : i32
      scf.if %cond3A_226 {
        %add3A_227 = arith.constant 2 : i32
        %add3A_228 = arith.addi %while3A_167, %add3A_227 : i32
        %lt3A_229 = arith.cmpi slt, %add3A_228, %select_n3A : i32
        %convert_element_type3A_230 = arith.extui %lt3A_229 : i1 to i32
        %cond3A_231 = arith.constant 0 : i32
        %cond3A_232 = arith.cmpi ne, %convert_element_type3A_230, %cond3A_231 : i32
        scf.if %cond3A_232 {
          %add3A_235 = arith.constant 2 : i32
          %add3A_236 = arith.addi %while3A_167, %add3A_235 : i32
          %mul3A_237 = arith.constant 64 : i32
          %mul3A_238 = arith.muli %add3A_236, %mul3A_237 : i32
          %add3A_239 = arith.constant 0 : i32
          %add3A_240 = arith.addi %mul3A_238, %add3A_239 : i32
          %get3A_241 = arith.index_cast %add3A_240 : i32 to index
          %get3A_242 = tpu.vector_load %arg8[%get3A_241] {strides = array<i32>} : memref<10240xi32, #tpu.memory_space<vmem>>, vector<16xi32>,
          %get3A_243 = vector.shape_cast %get3A_242 : vector<16xi32> to vector<16xi32>
          %add3A_244 = vector.broadcast %mul3A_4 : i32 to vector<16xi32>
          %add3A_245 = arith.addi %get3A_243, %add3A_244 : vector<16xi32>
          %swap3A_246 = arith.constant 0 : index
          %swap3A_247 = tpu.vector_load %arg12[%swap3A_246] {strides = array<i32>} : memref<64xi32, #tpu.memory_space<vmem>>, vector<16xi32>,
          %swap3A_248 = vector.shape_cast %swap3A_247 : vector<16xi32> to vector<16xi32>
          %swap3A_249 = vector.shape_cast %add3A_245 : vector<16xi32> to vector<16xi32>
          tpu.vector_store %arg12[%swap3A_246], %swap3A_249 {strides = array<i32>} : memref<64xi32, #tpu.memory_space<vmem>>, vector<16xi32>,
          %get3A_250 = arith.index_cast %add3A_240 : i32 to index
          %get3A_251 = tpu.vector_load %arg9[%get3A_250] {strides = array<i32>} : memref<10240xi32, #tpu.memory_space<vmem>>, vector<16xi32>,
          %get3A_252 = vector.shape_cast %get3A_251 : vector<16xi32> to vector<16xi32>
          %swap3A_253 = arith.constant 0 : index
          %swap3A_254 = tpu.vector_load %arg13[%swap3A_253] {strides = array<i32>} : memref<64xi32, #tpu.memory_space<vmem>>, vector<16xi32>,
          %swap3A_255 = vector.shape_cast %swap3A_254 : vector<16xi32> to vector<16xi32>
          %swap3A_256 = vector.shape_cast %get3A_252 : vector<16xi32> to vector<16xi32>
          tpu.vector_store %arg13[%swap3A_253], %swap3A_256 {strides = array<i32>} : memref<64xi32, #tpu.memory_space<vmem>>, vector<16xi32>,
          %mul3A_257 = arith.constant 64 : i32
          %mul3A_258 = arith.muli %add3A_236, %mul3A_257 : i32
          %add3A_259 = arith.constant 16 : i32
          %add3A_260 = arith.addi %mul3A_258, %add3A_259 : i32
          %get3A_261 = arith.index_cast %add3A_260 : i32 to index
          %get3A_262 = tpu.vector_load %arg8[%get3A_261] {strides = array<i32>} : memref<10240xi32, #tpu.memory_space<vmem>>, vector<16xi32>,
          %get3A_263 = vector.shape_cast %get3A_262 : vector<16xi32> to vector<16xi32>
          %add3A_264 = vector.broadcast %mul3A_4 : i32 to vector<16xi32>
          %add3A_265 = arith.addi %get3A_263, %add3A_264 : vector<16xi32>
          %swap3A_266 = arith.constant 16 : index
          %swap3A_267 = tpu.vector_load %arg12[%swap3A_266] {strides = array<i32>} : memref<64xi32, #tpu.memory_space<vmem>>, vector<16xi32>,
          %swap3A_268 = vector.shape_cast %swap3A_267 : vector<16xi32> to vector<16xi32>
          %swap3A_269 = vector.shape_cast %add3A_265 : vector<16xi32> to vector<16xi32>
          tpu.vector_store %arg12[%swap3A_266], %swap3A_269 {strides = array<i32>} : memref<64xi32, #tpu.memory_space<vmem>>, vector<16xi32>,
          %get3A_270 = arith.index_cast %add3A_260 : i32 to index
          %get3A_271 = tpu.vector_load %arg9[%get3A_270] {strides = array<i32>} : memref<10240xi32, #tpu.memory_space<vmem>>, vector<16xi32>,
          %get3A_272 = vector.shape_cast %get3A_271 : vector<16xi32> to vector<16xi32>
          %swap3A_273 = arith.constant 16 : index
          %swap3A_274 = tpu.vector_load %arg13[%swap3A_273] {strides = array<i32>} : memref<64xi32, #tpu.memory_space<vmem>>, vector<16xi32>,
          %swap3A_275 = vector.shape_cast %swap3A_274 : vector<16xi32> to vector<16xi32>
          %swap3A_276 = vector.shape_cast %get3A_272 : vector<16xi32> to vector<16xi32>
          tpu.vector_store %arg13[%swap3A_273], %swap3A_276 {strides = array<i32>} : memref<64xi32, #tpu.memory_space<vmem>>, vector<16xi32>,
          %mul3A_277 = arith.constant 64 : i32
          %mul3A_278 = arith.muli %add3A_236, %mul3A_277 : i32
          %add3A_279 = arith.constant 32 : i32
          %add3A_280 = arith.addi %mul3A_278, %add3A_279 : i32
          %get3A_281 = arith.index_cast %add3A_280 : i32 to index
          %get3A_282 = tpu.vector_load %arg8[%get3A_281] {strides = array<i32>} : memref<10240xi32, #tpu.memory_space<vmem>>, vector<16xi32>,
          %get3A_283 = vector.shape_cast %get3A_282 : vector<16xi32> to vector<16xi32>
          %add3A_284 = vector.broadcast %mul3A_4 : i32 to vector<16xi32>
          %add3A_285 = arith.addi %get3A_283, %add3A_284 : vector<16xi32>
          %swap3A_286 = arith.constant 32 : index
          %swap3A_287 = tpu.vector_load %arg12[%swap3A_286] {strides = array<i32>} : memref<64xi32, #tpu.memory_space<vmem>>, vector<16xi32>,
          %swap3A_288 = vector.shape_cast %swap3A_287 : vector<16xi32> to vector<16xi32>
          %swap3A_289 = vector.shape_cast %add3A_285 : vector<16xi32> to vector<16xi32>
          tpu.vector_store %arg12[%swap3A_286], %swap3A_289 {strides = array<i32>} : memref<64xi32, #tpu.memory_space<vmem>>, vector<16xi32>,
          %get3A_290 = arith.index_cast %add3A_280 : i32 to index
          %get3A_291 = tpu.vector_load %arg9[%get3A_290] {strides = array<i32>} : memref<10240xi32, #tpu.memory_space<vmem>>, vector<16xi32>,
          %get3A_292 = vector.shape_cast %get3A_291 : vector<16xi32> to vector<16xi32>
          %swap3A_293 = arith.constant 32 : index
          %swap3A_294 = tpu.vector_load %arg13[%swap3A_293] {strides = array<i32>} : memref<64xi32, #tpu.memory_space<vmem>>, vector<16xi32>,
          %swap3A_295 = vector.shape_cast %swap3A_294 : vector<16xi32> to vector<16xi32>
          %swap3A_296 = vector.shape_cast %get3A_292 : vector<16xi32> to vector<16xi32>
          tpu.vector_store %arg13[%swap3A_293], %swap3A_296 {strides = array<i32>} : memref<64xi32, #tpu.memory_space<vmem>>, vector<16xi32>,
          %mul3A_297 = arith.constant 64 : i32
          %mul3A_298 = arith.muli %add3A_236, %mul3A_297 : i32
          %add3A_299 = arith.constant 48 : i32
          %add3A_300 = arith.addi %mul3A_298, %add3A_299 : i32
          %get3A_301 = arith.index_cast %add3A_300 : i32 to index
          %get3A_302 = tpu.vector_load %arg8[%get3A_301] {strides = array<i32>} : memref<10240xi32, #tpu.memory_space<vmem>>, vector<16xi32>,
          %get3A_303 = vector.shape_cast %get3A_302 : vector<16xi32> to vector<16xi32>
          %add3A_304 = vector.broadcast %mul3A_4 : i32 to vector<16xi32>
          %add3A_305 = arith.addi %get3A_303, %add3A_304 : vector<16xi32>
          %swap3A_306 = arith.constant 48 : index
          %swap3A_307 = tpu.vector_load %arg12[%swap3A_306] {strides = array<i32>} : memref<64xi32, #tpu.memory_space<vmem>>, vector<16xi32>,
          %swap3A_308 = vector.shape_cast %swap3A_307 : vector<16xi32> to vector<16xi32>
          %swap3A_309 = vector.shape_cast %add3A_305 : vector<16xi32> to vector<16xi32>
          tpu.vector_store %arg12[%swap3A_306], %swap3A_309 {strides = array<i32>} : memref<64xi32, #tpu.memory_space<vmem>>, vector<16xi32>,
          %get3A_310 = arith.index_cast %add3A_300 : i32 to index
          %get3A_311 = tpu.vector_load %arg9[%get3A_310] {strides = array<i32>} : memref<10240xi32, #tpu.memory_space<vmem>>, vector<16xi32>,
          %get3A_312 = vector.shape_cast %get3A_311 : vector<16xi32> to vector<16xi32>
          %swap3A_313 = arith.constant 48 : index
          %swap3A_314 = tpu.vector_load %arg13[%swap3A_313] {strides = array<i32>} : memref<64xi32, #tpu.memory_space<vmem>>, vector<16xi32>,
          %swap3A_315 = vector.shape_cast %swap3A_314 : vector<16xi32> to vector<16xi32>
          %swap3A_316 = vector.shape_cast %get3A_312 : vector<16xi32> to vector<16xi32>
          tpu.vector_store %arg13[%swap3A_313], %swap3A_316 {strides = array<i32>} : memref<64xi32, #tpu.memory_space<vmem>>, vector<16xi32>,
          %dma_start3A_317 = arith.constant 0 : i32
          %dma_start3A_318 = arith.constant 0 : i32
          %dma_start3A_319 = tpu.memref_slice %arg2[%dma_start3A_317, %dma_start3A_318] : memref<20000x128xf32, #tpu.memory_space<hbm>> -> memref<20000x128xf32, #tpu.memory_space<hbm>>
          tpu.enqueue_indirect_dma source(%dma_start3A_319 : memref<20000x128xf32, #tpu.memory_space<hbm>>) target(%arg17 : memref<64x128xf32, #tpu.memory_space<vmem>>) offsets(%arg12 : memref<64xi32, #tpu.memory_space<vmem>>) semaphore(%arg20 : memref<!tpu.dma_semaphore, #tpu.memory_space<semaphore_mem>>)
        } else {
        }
        %dma_wait3A = arith.constant 0 : i32
        %dma_wait3A_233 = arith.constant 0 : i32
        %dma_wait3A_234 = tpu.memref_slice %arg2[%dma_wait3A, %dma_wait3A_233] : memref<20000x128xf32, #tpu.memory_space<hbm>> -> memref<20000x128xf32, #tpu.memory_space<hbm>>
        tpu.wait_indirect_dma semaphore(%arg21 : memref<!tpu.dma_semaphore, #tpu.memory_space<semaphore_mem>>) src(%dma_wait3A_234 : memref<20000x128xf32, #tpu.memory_space<hbm>>) dst(%arg18 : memref<64x128xf32, #tpu.memory_space<vmem>>)
        "tpu.region"() ({
          %run_scoped3A = tpu.sem_alloc : memref<!tpu.dma_semaphore, #tpu.memory_space<semaphore_mem>>
          %dma_start3A_235 = arith.constant 0 : i32
          %dma_start3A_236 = arith.constant 0 : i32
          %dma_start3A_237 = tpu.memref_slice %arg7[%dma_start3A_235, %dma_start3A_236] : memref<10000x128xf32, #tpu.memory_space<vmem_shared>> -> memref<10000x128xf32, #tpu.memory_space<vmem_shared>>
          tpu.enqueue_indirect_dma source(%arg18 : memref<64x128xf32, #tpu.memory_space<vmem>>) target(%dma_start3A_237 : memref<10000x128xf32, #tpu.memory_space<vmem_shared>>) offsets(%arg15 : memref<64xi32, #tpu.memory_space<vmem>>) semaphore(%run_scoped3A : memref<!tpu.dma_semaphore, #tpu.memory_space<semaphore_mem>>) {add = true}
          %dma_wait3A_238 = arith.constant 0 : i32
          %dma_wait3A_239 = arith.constant 0 : i32
          %dma_wait3A_240 = tpu.memref_slice %arg7[%dma_wait3A_238, %dma_wait3A_239] : memref<10000x128xf32, #tpu.memory_space<vmem_shared>> -> memref<10000x128xf32, #tpu.memory_space<vmem_shared>>
          tpu.wait_indirect_dma semaphore(%run_scoped3A : memref<!tpu.dma_semaphore, #tpu.memory_space<semaphore_mem>>) src(%arg18 : memref<64x128xf32, #tpu.memory_space<vmem>>) dst(%dma_wait3A_240 : memref<10000x128xf32, #tpu.memory_space<vmem_shared>>)
          tpu.yield
        }) : () -> ()
      } else {
      }
    }
    %barrier3A_154 = arith.constant 0 : index
    tpu.barrier barrier_id(%barrier3A_154)
    %mul3A_155 = arith.constant 624 : i32
    %mul3A_156 = arith.muli %arg1, %mul3A_155 : i32
    %mul3A_157 = arith.constant 10000 : i32
    %mul3A_158 = arith.muli %arg0, %mul3A_157 : i32
    %mul3A_159 = arith.constant 624 : i32
    %mul3A_160 = arith.muli %arg1, %mul3A_159 : i32
    %add3A_161 = arith.addi %mul3A_158, %mul3A_160 : i32
    "tpu.region"() ({
      %run_scoped3A = tpu.sem_alloc : memref<!tpu.dma_semaphore, #tpu.memory_space<semaphore_mem>>
      %dma_start3A_167 = arith.constant 0 : i32
      %dma_start3A_168 = tpu.memref_slice %arg6[%add3A_161, %dma_start3A_167] : memref<20000x128xf32, #tpu.memory_space<hbm>> -> memref<624x128xf32, #tpu.memory_space<hbm>>
      %dma_start3A_169 = arith.constant 0 : i32
      %dma_start3A_170 = tpu.memref_slice %arg7[%mul3A_156, %dma_start3A_169] : memref<10000x128xf32, #tpu.memory_space<vmem_shared>> -> memref<624x128xf32, #tpu.memory_space<vmem_shared>>
      tpu.enqueue_dma source(%dma_start3A_170 : memref<624x128xf32, #tpu.memory_space<vmem_shared>>) target(%dma_start3A_168 : memref<624x128xf32, #tpu.memory_space<hbm>>) target_semaphore(%run_scoped3A : memref<!tpu.dma_semaphore, #tpu.memory_space<semaphore_mem>>)
      %dma_wait3A = arith.constant 0 : i32
      %dma_wait3A_171 = tpu.memref_slice %arg6[%add3A_161, %dma_wait3A] : memref<20000x128xf32, #tpu.memory_space<hbm>> -> memref<624x128xf32, #tpu.memory_space<hbm>>
      %dma_wait3A_172 = arith.constant 0 : i32
      %dma_wait3A_173 = tpu.memref_slice %arg7[%mul3A_156, %dma_wait3A_172] : memref<10000x128xf32, #tpu.memory_space<vmem_shared>> -> memref<624x128xf32, #tpu.memory_space<vmem_shared>>
      tpu.wait_dma2 semaphore(%run_scoped3A : memref<!tpu.dma_semaphore, #tpu.memory_space<semaphore_mem>>) src(%dma_wait3A_173 : memref<624x128xf32, #tpu.memory_space<vmem_shared>>) dst(%dma_wait3A_171 : memref<624x128xf32, #tpu.memory_space<hbm>>)
      tpu.yield
    }) : () -> ()
    %eq3A_162 = arith.constant 15 : i32
    %eq3A_163 = arith.cmpi eq, %arg1, %eq3A_162 : i32
    %convert_element_type3A_164 = arith.extui %eq3A_163 : i1 to i32
    %cond3A_165 = arith.constant 0 : i32
    %cond3A_166 = arith.cmpi ne, %convert_element_type3A_164, %cond3A_165 : i32
    scf.if %cond3A_166 {
      %mul3A_167 = arith.constant 10000 : i32
      %mul3A_168 = arith.muli %arg0, %mul3A_167 : i32
      %add3A_169 = arith.constant 9984 : i32
      %add3A_170 = arith.addi %mul3A_168, %add3A_169 : i32
      "tpu.region"() ({
        %run_scoped3A = tpu.sem_alloc : memref<!tpu.dma_semaphore, #tpu.memory_space<semaphore_mem>>
        %dma_start3A_171 = arith.constant 0 : i32
        %dma_start3A_172 = tpu.memref_slice %arg6[%add3A_170, %dma_start3A_171] : memref<20000x128xf32, #tpu.memory_space<hbm>> -> memref<16x128xf32, #tpu.memory_space<hbm>>
        %dma_start3A_173 = arith.constant 9984 : i32
        %dma_start3A_174 = arith.constant 0 : i32
        %dma_start3A_175 = tpu.memref_slice %arg7[%dma_start3A_173, %dma_start3A_174] : memref<10000x128xf32, #tpu.memory_space<vmem_shared>> -> memref<16x128xf32, #tpu.memory_space<vmem_shared>>
        tpu.enqueue_dma source(%dma_start3A_175 : memref<16x128xf32, #tpu.memory_space<vmem_shared>>) target(%dma_start3A_172 : memref<16x128xf32, #tpu.memory_space<hbm>>) target_semaphore(%run_scoped3A : memref<!tpu.dma_semaphore, #tpu.memory_space<semaphore_mem>>)
        %dma_wait3A = arith.constant 0 : i32
        %dma_wait3A_176 = tpu.memref_slice %arg6[%add3A_170, %dma_wait3A] : memref<20000x128xf32, #tpu.memory_space<hbm>> -> memref<16x128xf32, #tpu.memory_space<hbm>>
        %dma_wait3A_177 = arith.constant 9984 : i32
        %dma_wait3A_178 = arith.constant 0 : i32
        %dma_wait3A_179 = tpu.memref_slice %arg7[%dma_wait3A_177, %dma_wait3A_178] : memref<10000x128xf32, #tpu.memory_space<vmem_shared>> -> memref<16x128xf32, #tpu.memory_space<vmem_shared>>
        tpu.wait_dma2 semaphore(%run_scoped3A : memref<!tpu.dma_semaphore, #tpu.memory_space<semaphore_mem>>) src(%dma_wait3A_179 : memref<16x128xf32, #tpu.memory_space<vmem_shared>>) dst(%dma_wait3A_176 : memref<16x128xf32, #tpu.memory_space<hbm>>)
        tpu.yield
      }) : () -> ()
    } else {
    }
    return
  }
}

#map = affine_map<(d0, d1) -> (0, 0)>
#map1 = affine_map<(d0, d1) -> (0)>
module attributes {stable_mosaic.version = 14 : i64} {
  func.func @mp_kernel(%arg0: i32, %arg1: i32, %arg2: memref<20000x128xf32, #tpu.memory_space<hbm>>, %arg3: memref<160000xi32, #tpu.memory_space<hbm>>, %arg4: memref<160000xi32, #tpu.memory_space<hbm>>, %arg5: memref<624x128xf32, #tpu.memory_space<hbm>>, %arg6: memref<20000x128xf32, #tpu.memory_space<hbm>>, %arg7: memref<10000x128xf32, #tpu.memory_space<vmem_shared>>, %arg8: memref<10240xi32, #tpu.memory_space<vmem>>, %arg9: memref<10240xi32, #tpu.memory_space<vmem>>, %arg10: memref<64xi32, #tpu.memory_space<vmem>>, %arg11: memref<64xi32, #tpu.memory_space<vmem>>, %arg12: memref<64xi32, #tpu.memory_space<vmem>>, %arg13: memref<64xi32, #tpu.memory_space<vmem>>, %arg14: memref<64xi32, #tpu.memory_space<vmem>>, %arg15: memref<64xi32, #tpu.memory_space<vmem>>, %arg16: memref<64x128xf32, #tpu.memory_space<vmem>>, %arg17: memref<64x128xf32, #tpu.memory_space<vmem>>, %arg18: memref<64x128xf32, #tpu.memory_space<vmem>>, %arg19: memref<!tpu.dma_semaphore, #tpu.memory_space<semaphore_mem>>, %arg20: memref<!tpu.dma_semaphore, #tpu.memory_space<semaphore_mem>>, %arg21: memref<!tpu.dma_semaphore, #tpu.memory_space<semaphore_mem>>) attributes {dimension_semantics = [#tpu.dimension_semantics<core_parallel>, #tpu.dimension_semantics<subcore_parallel>], iteration_bounds = array<i64: 2, 16>, scalar_prefetch = 0 : i64, scratch_operands = 15 : i64, tpu.core_type = #tpu.core_type<sc_vector_subcore>, window_params = [{transform_indices = #map}, {transform_indices = #map1}, {transform_indices = #map1}, {transform_indices = #map}, {transform_indices = #map}]} {
    %mul3A = arith.constant 9984 : i32
    %mul3A_0 = arith.muli %arg1, %mul3A : i32
    "tpu.region"() ({
      %run_scoped3A = tpu.sem_alloc : memref<!tpu.dma_semaphore, #tpu.memory_space<semaphore_mem>>
      %dma_start3A_167 = arith.constant 0 : i32
      %dma_start3A_168 = tpu.memref_slice %arg8[%dma_start3A_167] : memref<10240xi32, #tpu.memory_space<vmem>> -> memref<9984xi32, #tpu.memory_space<vmem>>
      %dma_start3A_169 = tpu.memref_slice %arg3[%mul3A_0] : memref<160000xi32, #tpu.memory_space<hbm>> -> memref<9984xi32, #tpu.memory_space<hbm>>
      %dma_start3A_170 = arith.constant 0 : i32
      %dma_start3A_171 = tpu.memref_slice %arg8[%dma_start3A_170] : memref<10240xi32, #tpu.memory_space<vmem>> -> memref<9984xi32, #tpu.memory_space<vmem>>
      %dma_start3A_172 = tpu.memref_slice %arg3[%mul3A_0] : memref<160000xi32, #tpu.memory_space<hbm>> -> memref<9984xi32, #tpu.memory_space<hbm>>
      tpu.enqueue_dma source(%dma_start3A_172 : memref<9984xi32, #tpu.memory_space<hbm>>) target(%dma_start3A_171 : memref<9984xi32, #tpu.memory_space<vmem>>) target_semaphore(%run_scoped3A : memref<!tpu.dma_semaphore, #tpu.memory_space<semaphore_mem>>)
      %dma_wait3A = arith.constant 0 : i32
      %dma_wait3A_173 = tpu.memref_slice %arg8[%dma_wait3A] : memref<10240xi32, #tpu.memory_space<vmem>> -> memref<9984xi32, #tpu.memory_space<vmem>>
      %dma_wait3A_174 = tpu.memref_slice %arg3[%mul3A_0] : memref<160000xi32, #tpu.memory_space<hbm>> -> memref<9984xi32, #tpu.memory_space<hbm>>
      %dma_wait3A_175 = arith.constant 0 : i32
      %dma_wait3A_176 = tpu.memref_slice %arg8[%dma_wait3A_175] : memref<10240xi32, #tpu.memory_space<vmem>> -> memref<9984xi32, #tpu.memory_space<vmem>>
      %dma_wait3A_177 = tpu.memref_slice %arg3[%mul3A_0] : memref<160000xi32, #tpu.memory_space<hbm>> -> memref<9984xi32, #tpu.memory_space<hbm>>
      tpu.wait_dma2 semaphore(%run_scoped3A : memref<!tpu.dma_semaphore, #tpu.memory_space<semaphore_mem>>) src(%dma_wait3A_177 : memref<9984xi32, #tpu.memory_space<hbm>>) dst(%dma_wait3A_176 : memref<9984xi32, #tpu.memory_space<vmem>>)
      tpu.yield
    }) : () -> ()
    "tpu.region"() ({
      %run_scoped3A = tpu.sem_alloc : memref<!tpu.dma_semaphore, #tpu.memory_space<semaphore_mem>>
      %dma_start3A_167 = arith.constant 0 : i32
      %dma_start3A_168 = tpu.memref_slice %arg9[%dma_start3A_167] : memref<10240xi32, #tpu.memory_space<vmem>> -> memref<9984xi32, #tpu.memory_space<vmem>>
      %dma_start3A_169 = tpu.memref_slice %arg4[%mul3A_0] : memref<160000xi32, #tpu.memory_space<hbm>> -> memref<9984xi32, #tpu.memory_space<hbm>>
      %dma_start3A_170 = arith.constant 0 : i32
      %dma_start3A_171 = tpu.memref_slice %arg9[%dma_start3A_170] : memref<10240xi32, #tpu.memory_space<vmem>> -> memref<9984xi32, #tpu.memory_space<vmem>>
      %dma_start3A_172 = tpu.memref_slice %arg4[%mul3A_0] : memref<160000xi32, #tpu.memory_space<hbm>> -> memref<9984xi32, #tpu.memory_space<hbm>>
      tpu.enqueue_dma source(%dma_start3A_172 : memref<9984xi32, #tpu.memory_space<hbm>>) target(%dma_start3A_171 : memref<9984xi32, #tpu.memory_space<vmem>>) target_semaphore(%run_scoped3A : memref<!tpu.dma_semaphore, #tpu.memory_space<semaphore_mem>>)
      %dma_wait3A = arith.constant 0 : i32
      %dma_wait3A_173 = tpu.memref_slice %arg9[%dma_wait3A] : memref<10240xi32, #tpu.memory_space<vmem>> -> memref<9984xi32, #tpu.memory_space<vmem>>
      %dma_wait3A_174 = tpu.memref_slice %arg4[%mul3A_0] : memref<160000xi32, #tpu.memory_space<hbm>> -> memref<9984xi32, #tpu.memory_space<hbm>>
      %dma_wait3A_175 = arith.constant 0 : i32
      %dma_wait3A_176 = tpu.memref_slice %arg9[%dma_wait3A_175] : memref<10240xi32, #tpu.memory_space<vmem>> -> memref<9984xi32, #tpu.memory_space<vmem>>
      %dma_wait3A_177 = tpu.memref_slice %arg4[%mul3A_0] : memref<160000xi32, #tpu.memory_space<hbm>> -> memref<9984xi32, #tpu.memory_space<hbm>>
      tpu.wait_dma2 semaphore(%run_scoped3A : memref<!tpu.dma_semaphore, #tpu.memory_space<semaphore_mem>>) src(%dma_wait3A_177 : memref<9984xi32, #tpu.memory_space<hbm>>) dst(%dma_wait3A_176 : memref<9984xi32, #tpu.memory_space<vmem>>)
      tpu.yield
    }) : () -> ()
    %eq3A = arith.constant 15 : i32
    %eq3A_1 = arith.cmpi eq, %arg1, %eq3A : i32
    %convert_element_type3A = arith.extui %eq3A_1 : i1 to i32
    %cond3A = arith.constant 0 : i32
    %cond3A_2 = arith.cmpi ne, %convert_element_type3A, %cond3A : i32
    scf.if %cond3A_2 {
      "tpu.region"() ({
        %run_scoped3A = tpu.sem_alloc : memref<!tpu.dma_semaphore, #tpu.memory_space<semaphore_mem>>
        %dma_start3A_167 = arith.constant 9984 : i32
        %dma_start3A_168 = tpu.memref_slice %arg8[%dma_start3A_167] : memref<10240xi32, #tpu.memory_space<vmem>> -> memref<256xi32, #tpu.memory_space<vmem>>
        %dma_start3A_169 = arith.constant 159744 : i32
        %dma_start3A_170 = tpu.memref_slice %arg3[%dma_start3A_169] : memref<160000xi32, #tpu.memory_space<hbm>> -> memref<256xi32, #tpu.memory_space<hbm>>
        %dma_start3A_171 = arith.constant 9984 : i32
        %dma_start3A_172 = tpu.memref_slice %arg8[%dma_start3A_171] : memref<10240xi32, #tpu.memory_space<vmem>> -> memref<256xi32, #tpu.memory_space<vmem>>
        %dma_start3A_173 = arith.constant 159744 : i32
        %dma_start3A_174 = tpu.memref_slice %arg3[%dma_start3A_173] : memref<160000xi32, #tpu.memory_space<hbm>> -> memref<256xi32, #tpu.memory_space<hbm>>
        tpu.enqueue_dma source(%dma_start3A_174 : memref<256xi32, #tpu.memory_space<hbm>>) target(%dma_start3A_172 : memref<256xi32, #tpu.memory_space<vmem>>) target_semaphore(%run_scoped3A : memref<!tpu.dma_semaphore, #tpu.memory_space<semaphore_mem>>)
        %dma_wait3A = arith.constant 9984 : i32
        %dma_wait3A_175 = tpu.memref_slice %arg8[%dma_wait3A] : memref<10240xi32, #tpu.memory_space<vmem>> -> memref<256xi32, #tpu.memory_space<vmem>>
        %dma_wait3A_176 = arith.constant 159744 : i32
        %dma_wait3A_177 = tpu.memref_slice %arg3[%dma_wait3A_176] : memref<160000xi32, #tpu.memory_space<hbm>> -> memref<256xi32, #tpu.memory_space<hbm>>
        %dma_wait3A_178 = arith.constant 9984 : i32
        %dma_wait3A_179 = tpu.memref_slice %arg8[%dma_wait3A_178] : memref<10240xi32, #tpu.memory_space<vmem>> -> memref<256xi32, #tpu.memory_space<vmem>>
        %dma_wait3A_180 = arith.constant 159744 : i32
        %dma_wait3A_181 = tpu.memref_slice %arg3[%dma_wait3A_180] : memref<160000xi32, #tpu.memory_space<hbm>> -> memref<256xi32, #tpu.memory_space<hbm>>
        tpu.wait_dma2 semaphore(%run_scoped3A : memref<!tpu.dma_semaphore, #tpu.memory_space<semaphore_mem>>) src(%dma_wait3A_181 : memref<256xi32, #tpu.memory_space<hbm>>) dst(%dma_wait3A_179 : memref<256xi32, #tpu.memory_space<vmem>>)
        tpu.yield
      }) : () -> ()
      "tpu.region"() ({
        %run_scoped3A = tpu.sem_alloc : memref<!tpu.dma_semaphore, #tpu.memory_space<semaphore_mem>>
        %dma_start3A_167 = arith.constant 9984 : i32
        %dma_start3A_168 = tpu.memref_slice %arg9[%dma_start3A_167] : memref<10240xi32, #tpu.memory_space<vmem>> -> memref<256xi32, #tpu.memory_space<vmem>>
        %dma_start3A_169 = arith.constant 159744 : i32
        %dma_start3A_170 = tpu.memref_slice %arg4[%dma_start3A_169] : memref<160000xi32, #tpu.memory_space<hbm>> -> memref<256xi32, #tpu.memory_space<hbm>>
        %dma_start3A_171 = arith.constant 9984 : i32
        %dma_start3A_172 = tpu.memref_slice %arg9[%dma_start3A_171] : memref<10240xi32, #tpu.memory_space<vmem>> -> memref<256xi32, #tpu.memory_space<vmem>>
        %dma_start3A_173 = arith.constant 159744 : i32
        %dma_start3A_174 = tpu.memref_slice %arg4[%dma_start3A_173] : memref<160000xi32, #tpu.memory_space<hbm>> -> memref<256xi32, #tpu.memory_space<hbm>>
        tpu.enqueue_dma source(%dma_start3A_174 : memref<256xi32, #tpu.memory_space<hbm>>) target(%dma_start3A_172 : memref<256xi32, #tpu.memory_space<vmem>>) target_semaphore(%run_scoped3A : memref<!tpu.dma_semaphore, #tpu.memory_space<semaphore_mem>>)
        %dma_wait3A = arith.constant 9984 : i32
        %dma_wait3A_175 = tpu.memref_slice %arg9[%dma_wait3A] : memref<10240xi32, #tpu.memory_space<vmem>> -> memref<256xi32, #tpu.memory_space<vmem>>
        %dma_wait3A_176 = arith.constant 159744 : i32
        %dma_wait3A_177 = tpu.memref_slice %arg4[%dma_wait3A_176] : memref<160000xi32, #tpu.memory_space<hbm>> -> memref<256xi32, #tpu.memory_space<hbm>>
        %dma_wait3A_178 = arith.constant 9984 : i32
        %dma_wait3A_179 = tpu.memref_slice %arg9[%dma_wait3A_178] : memref<10240xi32, #tpu.memory_space<vmem>> -> memref<256xi32, #tpu.memory_space<vmem>>
        %dma_wait3A_180 = arith.constant 159744 : i32
        %dma_wait3A_181 = tpu.memref_slice %arg4[%dma_wait3A_180] : memref<160000xi32, #tpu.memory_space<hbm>> -> memref<256xi32, #tpu.memory_space<hbm>>
        tpu.wait_dma2 semaphore(%run_scoped3A : memref<!tpu.dma_semaphore, #tpu.memory_space<semaphore_mem>>) src(%dma_wait3A_181 : memref<256xi32, #tpu.memory_space<hbm>>) dst(%dma_wait3A_179 : memref<256xi32, #tpu.memory_space<vmem>>)
        tpu.yield
      }) : () -> ()
    } else {
    }
    %mul3A_3 = arith.constant 10000 : i32
    %mul3A_4 = arith.muli %arg0, %mul3A_3 : i32
    %eq3A_5 = arith.constant 15 : i32
    %eq3A_6 = arith.cmpi eq, %arg1, %eq3A_5 : i32
    %jit3A = arith.constant 160 : i32
    %jit3A_7 = arith.constant 156 : i32
    %select_n3A = arith.select %eq3A_6, %jit3A, %jit3A_7 : i32
    %get3A = arith.constant 0 : index
    %get3A_8 = tpu.vector_load %arg8[%get3A] {strides = array<i32>} : memref<10240xi32, #tpu.memory_space<vmem>>, vector<16xi32>,
    %get3A_9 = vector.shape_cast %get3A_8 : vector<16xi32> to vector<16xi32>
    %add3A = vector.broadcast %mul3A_4 : i32 to vector<16xi32>
    %add3A_10 = arith.addi %get3A_9, %add3A : vector<16xi32>
    %swap3A = arith.constant 0 : index
    %swap3A_11 = tpu.vector_load %arg10[%swap3A] {strides = array<i32>} : memref<64xi32, #tpu.memory_space<vmem>>, vector<16xi32>,
    %swap3A_12 = vector.shape_cast %swap3A_11 : vector<16xi32> to vector<16xi32>
    %swap3A_13 = vector.shape_cast %add3A_10 : vector<16xi32> to vector<16xi32>
    tpu.vector_store %arg10[%swap3A], %swap3A_13 {strides = array<i32>} : memref<64xi32, #tpu.memory_space<vmem>>, vector<16xi32>,
    %get3A_14 = arith.constant 0 : index
    %get3A_15 = tpu.vector_load %arg9[%get3A_14] {strides = array<i32>} : memref<10240xi32, #tpu.memory_space<vmem>>, vector<16xi32>,
    %get3A_16 = vector.shape_cast %get3A_15 : vector<16xi32> to vector<16xi32>
    %swap3A_17 = arith.constant 0 : index
    %swap3A_18 = tpu.vector_load %arg11[%swap3A_17] {strides = array<i32>} : memref<64xi32, #tpu.memory_space<vmem>>, vector<16xi32>,
    %swap3A_19 = vector.shape_cast %swap3A_18 : vector<16xi32> to vector<16xi32>
    %swap3A_20 = vector.shape_cast %get3A_16 : vector<16xi32> to vector<16xi32>
    tpu.vector_store %arg11[%swap3A_17], %swap3A_20 {strides = array<i32>} : memref<64xi32, #tpu.memory_space<vmem>>, vector<16xi32>,
    %get3A_21 = arith.constant 16 : index
    %get3A_22 = tpu.vector_load %arg8[%get3A_21] {strides = array<i32>} : memref<10240xi32, #tpu.memory_space<vmem>>, vector<16xi32>,
    %get3A_23 = vector.shape_cast %get3A_22 : vector<16xi32> to vector<16xi32>
    %add3A_24 = vector.broadcast %mul3A_4 : i32 to vector<16xi32>
    %add3A_25 = arith.addi %get3A_23, %add3A_24 : vector<16xi32>
    %swap3A_26 = arith.constant 16 : index
    %swap3A_27 = tpu.vector_load %arg10[%swap3A_26] {strides = array<i32>} : memref<64xi32, #tpu.memory_space<vmem>>, vector<16xi32>,
    %swap3A_28 = vector.shape_cast %swap3A_27 : vector<16xi32> to vector<16xi32>
    %swap3A_29 = vector.shape_cast %add3A_25 : vector<16xi32> to vector<16xi32>
    tpu.vector_store %arg10[%swap3A_26], %swap3A_29 {strides = array<i32>} : memref<64xi32, #tpu.memory_space<vmem>>, vector<16xi32>,
    %get3A_30 = arith.constant 16 : index
    %get3A_31 = tpu.vector_load %arg9[%get3A_30] {strides = array<i32>} : memref<10240xi32, #tpu.memory_space<vmem>>, vector<16xi32>,
    %get3A_32 = vector.shape_cast %get3A_31 : vector<16xi32> to vector<16xi32>
    %swap3A_33 = arith.constant 16 : index
    %swap3A_34 = tpu.vector_load %arg11[%swap3A_33] {strides = array<i32>} : memref<64xi32, #tpu.memory_space<vmem>>, vector<16xi32>,
    %swap3A_35 = vector.shape_cast %swap3A_34 : vector<16xi32> to vector<16xi32>
    %swap3A_36 = vector.shape_cast %get3A_32 : vector<16xi32> to vector<16xi32>
    tpu.vector_store %arg11[%swap3A_33], %swap3A_36 {strides = array<i32>} : memref<64xi32, #tpu.memory_space<vmem>>, vector<16xi32>,
    %get3A_37 = arith.constant 32 : index
    %get3A_38 = tpu.vector_load %arg8[%get3A_37] {strides = array<i32>} : memref<10240xi32, #tpu.memory_space<vmem>>, vector<16xi32>,
    %get3A_39 = vector.shape_cast %get3A_38 : vector<16xi32> to vector<16xi32>
    %add3A_40 = vector.broadcast %mul3A_4 : i32 to vector<16xi32>
    %add3A_41 = arith.addi %get3A_39, %add3A_40 : vector<16xi32>
    %swap3A_42 = arith.constant 32 : index
    %swap3A_43 = tpu.vector_load %arg10[%swap3A_42] {strides = array<i32>} : memref<64xi32, #tpu.memory_space<vmem>>, vector<16xi32>,
    %swap3A_44 = vector.shape_cast %swap3A_43 : vector<16xi32> to vector<16xi32>
    %swap3A_45 = vector.shape_cast %add3A_41 : vector<16xi32> to vector<16xi32>
    tpu.vector_store %arg10[%swap3A_42], %swap3A_45 {strides = array<i32>} : memref<64xi32, #tpu.memory_space<vmem>>, vector<16xi32>,
    %get3A_46 = arith.constant 32 : index
    %get3A_47 = tpu.vector_load %arg9[%get3A_46] {strides = array<i32>} : memref<10240xi32, #tpu.memory_space<vmem>>, vector<16xi32>,
    %get3A_48 = vector.shape_cast %get3A_47 : vector<16xi32> to vector<16xi32>
    %swap3A_49 = arith.constant 32 : index
    %swap3A_50 = tpu.vector_load %arg11[%swap3A_49] {strides = array<i32>} : memref<64xi32, #tpu.memory_space<vmem>>, vector<16xi32>,
    %swap3A_51 = vector.shape_cast %swap3A_50 : vector<16xi32> to vector<16xi32>
    %swap3A_52 = vector.shape_cast %get3A_48 : vector<16xi32> to vector<16xi32>
    tpu.vector_store %arg11[%swap3A_49], %swap3A_52 {strides = array<i32>} : memref<64xi32, #tpu.memory_space<vmem>>, vector<16xi32>,
    %get3A_53 = arith.constant 48 : index
    %get3A_54 = tpu.vector_load %arg8[%get3A_53] {strides = array<i32>} : memref<10240xi32, #tpu.memory_space<vmem>>, vector<16xi32>,
    %get3A_55 = vector.shape_cast %get3A_54 : vector<16xi32> to vector<16xi32>
    %add3A_56 = vector.broadcast %mul3A_4 : i32 to vector<16xi32>
    %add3A_57 = arith.addi %get3A_55, %add3A_56 : vector<16xi32>
    %swap3A_58 = arith.constant 48 : index
    %swap3A_59 = tpu.vector_load %arg10[%swap3A_58] {strides = array<i32>} : memref<64xi32, #tpu.memory_space<vmem>>, vector<16xi32>,
    %swap3A_60 = vector.shape_cast %swap3A_59 : vector<16xi32> to vector<16xi32>
    %swap3A_61 = vector.shape_cast %add3A_57 : vector<16xi32> to vector<16xi32>
    tpu.vector_store %arg10[%swap3A_58], %swap3A_61 {strides = array<i32>} : memref<64xi32, #tpu.memory_space<vmem>>, vector<16xi32>,
    %get3A_62 = arith.constant 48 : index
    %get3A_63 = tpu.vector_load %arg9[%get3A_62] {strides = array<i32>} : memref<10240xi32, #tpu.memory_space<vmem>>, vector<16xi32>,
    %get3A_64 = vector.shape_cast %get3A_63 : vector<16xi32> to vector<16xi32>
    %swap3A_65 = arith.constant 48 : index
    %swap3A_66 = tpu.vector_load %arg11[%swap3A_65] {strides = array<i32>} : memref<64xi32, #tpu.memory_space<vmem>>, vector<16xi32>,
    %swap3A_67 = vector.shape_cast %swap3A_66 : vector<16xi32> to vector<16xi32>
    %swap3A_68 = vector.shape_cast %get3A_64 : vector<16xi32> to vector<16xi32>
    tpu.vector_store %arg11[%swap3A_65], %swap3A_68 {strides = array<i32>} : memref<64xi32, #tpu.memory_space<vmem>>, vector<16xi32>,
    %dma_start3A = arith.constant 0 : i32
    %dma_start3A_69 = arith.constant 0 : i32
    %dma_start3A_70 = tpu.memref_slice %arg2[%dma_start3A, %dma_start3A_69] : memref<20000x128xf32, #tpu.memory_space<hbm>> -> memref<20000x128xf32, #tpu.memory_space<hbm>>
    tpu.enqueue_indirect_dma source(%dma_start3A_70 : memref<20000x128xf32, #tpu.memory_space<hbm>>) target(%arg16 : memref<64x128xf32, #tpu.memory_space<vmem>>) offsets(%arg10 : memref<64xi32, #tpu.memory_space<vmem>>) semaphore(%arg19 : memref<!tpu.dma_semaphore, #tpu.memory_space<semaphore_mem>>)
    %get3A_71 = arith.constant 64 : index
    %get3A_72 = tpu.vector_load %arg8[%get3A_71] {strides = array<i32>} : memref<10240xi32, #tpu.memory_space<vmem>>, vector<16xi32>,
    %get3A_73 = vector.shape_cast %get3A_72 : vector<16xi32> to vector<16xi32>
    %add3A_74 = vector.broadcast %mul3A_4 : i32 to vector<16xi32>
    %add3A_75 = arith.addi %get3A_73, %add3A_74 : vector<16xi32>
    %swap3A_76 = arith.constant 0 : index
    %swap3A_77 = tpu.vector_load %arg12[%swap3A_76] {strides = array<i32>} : memref<64xi32, #tpu.memory_space<vmem>>, vector<16xi32>,
    %swap3A_78 = vector.shape_cast %swap3A_77 : vector<16xi32> to vector<16xi32>
    %swap3A_79 = vector.shape_cast %add3A_75 : vector<16xi32> to vector<16xi32>
    tpu.vector_store %arg12[%swap3A_76], %swap3A_79 {strides = array<i32>} : memref<64xi32, #tpu.memory_space<vmem>>, vector<16xi32>,
    %get3A_80 = arith.constant 64 : index
    %get3A_81 = tpu.vector_load %arg9[%get3A_80] {strides = array<i32>} : memref<10240xi32, #tpu.memory_space<vmem>>, vector<16xi32>,
    %get3A_82 = vector.shape_cast %get3A_81 : vector<16xi32> to vector<16xi32>
    %swap3A_83 = arith.constant 0 : index
    %swap3A_84 = tpu.vector_load %arg13[%swap3A_83] {strides = array<i32>} : memref<64xi32, #tpu.memory_space<vmem>>, vector<16xi32>,
    %swap3A_85 = vector.shape_cast %swap3A_84 : vector<16xi32> to vector<16xi32>
    %swap3A_86 = vector.shape_cast %get3A_82 : vector<16xi32> to vector<16xi32>
    tpu.vector_store %arg13[%swap3A_83], %swap3A_86 {strides = array<i32>} : memref<64xi32, #tpu.memory_space<vmem>>, vector<16xi32>,
    %get3A_87 = arith.constant 80 : index
    %get3A_88 = tpu.vector_load %arg8[%get3A_87] {strides = array<i32>} : memref<10240xi32, #tpu.memory_space<vmem>>, vector<16xi32>,
    %get3A_89 = vector.shape_cast %get3A_88 : vector<16xi32> to vector<16xi32>
    %add3A_90 = vector.broadcast %mul3A_4 : i32 to vector<16xi32>
    %add3A_91 = arith.addi %get3A_89, %add3A_90 : vector<16xi32>
    %swap3A_92 = arith.constant 16 : index
    %swap3A_93 = tpu.vector_load %arg12[%swap3A_92] {strides = array<i32>} : memref<64xi32, #tpu.memory_space<vmem>>, vector<16xi32>,
    %swap3A_94 = vector.shape_cast %swap3A_93 : vector<16xi32> to vector<16xi32>
    %swap3A_95 = vector.shape_cast %add3A_91 : vector<16xi32> to vector<16xi32>
    tpu.vector_store %arg12[%swap3A_92], %swap3A_95 {strides = array<i32>} : memref<64xi32, #tpu.memory_space<vmem>>, vector<16xi32>,
    %get3A_96 = arith.constant 80 : index
    %get3A_97 = tpu.vector_load %arg9[%get3A_96] {strides = array<i32>} : memref<10240xi32, #tpu.memory_space<vmem>>, vector<16xi32>,
    %get3A_98 = vector.shape_cast %get3A_97 : vector<16xi32> to vector<16xi32>
    %swap3A_99 = arith.constant 16 : index
    %swap3A_100 = tpu.vector_load %arg13[%swap3A_99] {strides = array<i32>} : memref<64xi32, #tpu.memory_space<vmem>>, vector<16xi32>,
    %swap3A_101 = vector.shape_cast %swap3A_100 : vector<16xi32> to vector<16xi32>
    %swap3A_102 = vector.shape_cast %get3A_98 : vector<16xi32> to vector<16xi32>
    tpu.vector_store %arg13[%swap3A_99], %swap3A_102 {strides = array<i32>} : memref<64xi32, #tpu.memory_space<vmem>>, vector<16xi32>,
    %get3A_103 = arith.constant 96 : index
    %get3A_104 = tpu.vector_load %arg8[%get3A_103] {strides = array<i32>} : memref<10240xi32, #tpu.memory_space<vmem>>, vector<16xi32>,
    %get3A_105 = vector.shape_cast %get3A_104 : vector<16xi32> to vector<16xi32>
    %add3A_106 = vector.broadcast %mul3A_4 : i32 to vector<16xi32>
    %add3A_107 = arith.addi %get3A_105, %add3A_106 : vector<16xi32>
    %swap3A_108 = arith.constant 32 : index
    %swap3A_109 = tpu.vector_load %arg12[%swap3A_108] {strides = array<i32>} : memref<64xi32, #tpu.memory_space<vmem>>, vector<16xi32>,
    %swap3A_110 = vector.shape_cast %swap3A_109 : vector<16xi32> to vector<16xi32>
    %swap3A_111 = vector.shape_cast %add3A_107 : vector<16xi32> to vector<16xi32>
    tpu.vector_store %arg12[%swap3A_108], %swap3A_111 {strides = array<i32>} : memref<64xi32, #tpu.memory_space<vmem>>, vector<16xi32>,
    %get3A_112 = arith.constant 96 : index
    %get3A_113 = tpu.vector_load %arg9[%get3A_112] {strides = array<i32>} : memref<10240xi32, #tpu.memory_space<vmem>>, vector<16xi32>,
    %get3A_114 = vector.shape_cast %get3A_113 : vector<16xi32> to vector<16xi32>
    %swap3A_115 = arith.constant 32 : index
    %swap3A_116 = tpu.vector_load %arg13[%swap3A_115] {strides = array<i32>} : memref<64xi32, #tpu.memory_space<vmem>>, vector<16xi32>,
    %swap3A_117 = vector.shape_cast %swap3A_116 : vector<16xi32> to vector<16xi32>
    %swap3A_118 = vector.shape_cast %get3A_114 : vector<16xi32> to vector<16xi32>
    tpu.vector_store %arg13[%swap3A_115], %swap3A_118 {strides = array<i32>} : memref<64xi32, #tpu.memory_space<vmem>>, vector<16xi32>,
    %get3A_119 = arith.constant 112 : index
    %get3A_120 = tpu.vector_load %arg8[%get3A_119] {strides = array<i32>} : memref<10240xi32, #tpu.memory_space<vmem>>, vector<16xi32>,
    %get3A_121 = vector.shape_cast %get3A_120 : vector<16xi32> to vector<16xi32>
    %add3A_122 = vector.broadcast %mul3A_4 : i32 to vector<16xi32>
    %add3A_123 = arith.addi %get3A_121, %add3A_122 : vector<16xi32>
    %swap3A_124 = arith.constant 48 : index
    %swap3A_125 = tpu.vector_load %arg12[%swap3A_124] {strides = array<i32>} : memref<64xi32, #tpu.memory_space<vmem>>, vector<16xi32>,
    %swap3A_126 = vector.shape_cast %swap3A_125 : vector<16xi32> to vector<16xi32>
    %swap3A_127 = vector.shape_cast %add3A_123 : vector<16xi32> to vector<16xi32>
    tpu.vector_store %arg12[%swap3A_124], %swap3A_127 {strides = array<i32>} : memref<64xi32, #tpu.memory_space<vmem>>, vector<16xi32>,
    %get3A_128 = arith.constant 112 : index
    %get3A_129 = tpu.vector_load %arg9[%get3A_128] {strides = array<i32>} : memref<10240xi32, #tpu.memory_space<vmem>>, vector<16xi32>,
    %get3A_130 = vector.shape_cast %get3A_129 : vector<16xi32> to vector<16xi32>
    %swap3A_131 = arith.constant 48 : index
    %swap3A_132 = tpu.vector_load %arg13[%swap3A_131] {strides = array<i32>} : memref<64xi32, #tpu.memory_space<vmem>>, vector<16xi32>,
    %swap3A_133 = vector.shape_cast %swap3A_132 : vector<16xi32> to vector<16xi32>
    %swap3A_134 = vector.shape_cast %get3A_130 : vector<16xi32> to vector<16xi32>
    tpu.vector_store %arg13[%swap3A_131], %swap3A_134 {strides = array<i32>} : memref<64xi32, #tpu.memory_space<vmem>>, vector<16xi32>,
    %dma_start3A_135 = arith.constant 0 : i32
    %dma_start3A_136 = arith.constant 0 : i32
    %dma_start3A_137 = tpu.memref_slice %arg2[%dma_start3A_135, %dma_start3A_136] : memref<20000x128xf32, #tpu.memory_space<hbm>> -> memref<20000x128xf32, #tpu.memory_space<hbm>>
    tpu.enqueue_indirect_dma source(%dma_start3A_137 : memref<20000x128xf32, #tpu.memory_space<hbm>>) target(%arg17 : memref<64x128xf32, #tpu.memory_space<vmem>>) offsets(%arg12 : memref<64xi32, #tpu.memory_space<vmem>>) semaphore(%arg20 : memref<!tpu.dma_semaphore, #tpu.memory_space<semaphore_mem>>)
    %mul3A_138 = arith.constant 624 : i32
    %mul3A_139 = arith.muli %arg1, %mul3A_138 : i32
    "tpu.region"() ({
      %run_scoped3A = tpu.sem_alloc : memref<!tpu.dma_semaphore, #tpu.memory_space<semaphore_mem>>
      %dma_start3A_167 = arith.constant 0 : i32
      %dma_start3A_168 = tpu.memref_slice %arg7[%mul3A_139, %dma_start3A_167] : memref<10000x128xf32, #tpu.memory_space<vmem_shared>> -> memref<624x128xf32, #tpu.memory_space<vmem_shared>>
      tpu.enqueue_dma source(%arg5 : memref<624x128xf32, #tpu.memory_space<hbm>>) target(%dma_start3A_168 : memref<624x128xf32, #tpu.memory_space<vmem_shared>>) target_semaphore(%run_scoped3A : memref<!tpu.dma_semaphore, #tpu.memory_space<semaphore_mem>>)
      %dma_wait3A = arith.constant 0 : i32
      %dma_wait3A_169 = tpu.memref_slice %arg7[%mul3A_139, %dma_wait3A] : memref<10000x128xf32, #tpu.memory_space<vmem_shared>> -> memref<624x128xf32, #tpu.memory_space<vmem_shared>>
      tpu.wait_dma2 semaphore(%run_scoped3A : memref<!tpu.dma_semaphore, #tpu.memory_space<semaphore_mem>>) src(%arg5 : memref<624x128xf32, #tpu.memory_space<hbm>>) dst(%dma_wait3A_169 : memref<624x128xf32, #tpu.memory_space<vmem_shared>>)
      tpu.yield
    }) : () -> ()
    %eq3A_140 = arith.constant 15 : i32
    %eq3A_141 = arith.cmpi eq, %arg1, %eq3A_140 : i32
    %convert_element_type3A_142 = arith.extui %eq3A_141 : i1 to i32
    %cond3A_143 = arith.constant 0 : i32
    %cond3A_144 = arith.cmpi ne, %convert_element_type3A_142, %cond3A_143 : i32
    scf.if %cond3A_144 {
      "tpu.region"() ({
        %run_scoped3A = tpu.sem_alloc : memref<!tpu.dma_semaphore, #tpu.memory_space<semaphore_mem>>
        %dma_start3A_167 = arith.constant 9984 : i32
        %dma_start3A_168 = arith.constant 0 : i32
        %dma_start3A_169 = tpu.memref_slice %arg7[%dma_start3A_167, %dma_start3A_168] : memref<10000x128xf32, #tpu.memory_space<vmem_shared>> -> memref<16x128xf32, #tpu.memory_space<vmem_shared>>
        %dma_start3A_170 = arith.constant 0 : i32
        %dma_start3A_171 = arith.constant 0 : i32
        %dma_start3A_172 = tpu.memref_slice %arg5[%dma_start3A_170, %dma_start3A_171] : memref<624x128xf32, #tpu.memory_space<hbm>> -> memref<16x128xf32, #tpu.memory_space<hbm>>
        tpu.enqueue_dma source(%dma_start3A_172 : memref<16x128xf32, #tpu.memory_space<hbm>>) target(%dma_start3A_169 : memref<16x128xf32, #tpu.memory_space<vmem_shared>>) target_semaphore(%run_scoped3A : memref<!tpu.dma_semaphore, #tpu.memory_space<semaphore_mem>>)
        %dma_wait3A = arith.constant 9984 : i32
        %dma_wait3A_173 = arith.constant 0 : i32
        %dma_wait3A_174 = tpu.memref_slice %arg7[%dma_wait3A, %dma_wait3A_173] : memref<10000x128xf32, #tpu.memory_space<vmem_shared>> -> memref<16x128xf32, #tpu.memory_space<vmem_shared>>
        %dma_wait3A_175 = arith.constant 0 : i32
        %dma_wait3A_176 = arith.constant 0 : i32
        %dma_wait3A_177 = tpu.memref_slice %arg5[%dma_wait3A_175, %dma_wait3A_176] : memref<624x128xf32, #tpu.memory_space<hbm>> -> memref<16x128xf32, #tpu.memory_space<hbm>>
        tpu.wait_dma2 semaphore(%run_scoped3A : memref<!tpu.dma_semaphore, #tpu.memory_space<semaphore_mem>>) src(%dma_wait3A_177 : memref<16x128xf32, #tpu.memory_space<hbm>>) dst(%dma_wait3A_174 : memref<16x128xf32, #tpu.memory_space<vmem_shared>>)
        tpu.yield
      }) : () -> ()
    } else {
    }
    %barrier3A = arith.constant 0 : index
    tpu.barrier barrier_id(%barrier3A)
    %while3A = arith.constant 0 : i32
    %while3A_145 = arith.constant 0 : i32
    %while3A_146 = arith.subi %select_n3A, %while3A_145 : i32
    %while3A_147 = arith.addi %while3A_145, %while3A_146 : i32
    %while3A_148 = arith.constant 1 : i32
    %while3A_149 = arith.divsi %while3A_146, %while3A_148 : i32
    %while3A_150 = arith.muli %while3A_149, %while3A_148 : i32
    %while3A_151 = arith.addi %while3A_145, %while3A_150 : i32
    %while3A_152 = arith.constant 1 : i32
    scf.for %while3A_167 = %while3A_145 to %while3A_151 step %while3A_152  : i32 {
      %jit3A_168 = arith.constant 3 : i32
      %eq3A_169 = arith.constant 0 : i32
      %eq3A_170 = arith.cmpi eq, %jit3A_168, %eq3A_169 : i32
      %jit3A_171 = arith.constant 1 : i32
      %select_n3A_172 = arith.select %eq3A_170, %jit3A_171, %jit3A_168 : i32
      %rem3A = arith.remsi %while3A_167, %select_n3A_172 : i32
      %ne3A = arith.constant 0 : i32
      %ne3A_173 = arith.cmpi ne, %rem3A, %ne3A : i32
      %lt3A = arith.constant 0 : i32
      %lt3A_174 = arith.cmpi slt, %rem3A, %lt3A : i32
      %lt3A_175 = arith.constant 0 : i32
      %lt3A_176 = arith.cmpi slt, %select_n3A_172, %lt3A_175 : i32
      %ne3A_177 = arith.xori %lt3A_174, %lt3A_176 : i1
      %and3A = arith.andi %ne3A_177, %ne3A_173 : i1
      %add3A_178 = arith.addi %rem3A, %select_n3A_172 : i32
      %select_n3A_179 = arith.select %and3A, %add3A_178, %rem3A : i32
      %eq3A_180 = arith.constant 0 : i32
      %eq3A_181 = arith.cmpi eq, %select_n3A_179, %eq3A_180 : i32
      %convert_element_type3A_182 = arith.extui %eq3A_181 : i1 to i32
      %cond3A_183 = arith.constant 0 : i32
      %cond3A_184 = arith.cmpi ne, %convert_element_type3A_182, %cond3A_183 : i32
      scf.if %cond3A_184 {
        %add3A_227 = arith.constant 2 : i32
        %add3A_228 = arith.addi %while3A_167, %add3A_227 : i32
        %lt3A_229 = arith.cmpi slt, %add3A_228, %select_n3A : i32
        %convert_element_type3A_230 = arith.extui %lt3A_229 : i1 to i32
        %cond3A_231 = arith.constant 0 : i32
        %cond3A_232 = arith.cmpi ne, %convert_element_type3A_230, %cond3A_231 : i32
        scf.if %cond3A_232 {
          %add3A_235 = arith.constant 2 : i32
          %add3A_236 = arith.addi %while3A_167, %add3A_235 : i32
          %mul3A_237 = arith.constant 64 : i32
          %mul3A_238 = arith.muli %add3A_236, %mul3A_237 : i32
          %add3A_239 = arith.constant 0 : i32
          %add3A_240 = arith.addi %mul3A_238, %add3A_239 : i32
          %get3A_241 = arith.index_cast %add3A_240 : i32 to index
          %get3A_242 = tpu.vector_load %arg8[%get3A_241] {strides = array<i32>} : memref<10240xi32, #tpu.memory_space<vmem>>, vector<16xi32>,
          %get3A_243 = vector.shape_cast %get3A_242 : vector<16xi32> to vector<16xi32>
          %add3A_244 = vector.broadcast %mul3A_4 : i32 to vector<16xi32>
          %add3A_245 = arith.addi %get3A_243, %add3A_244 : vector<16xi32>
          %swap3A_246 = arith.constant 0 : index
          %swap3A_247 = tpu.vector_load %arg14[%swap3A_246] {strides = array<i32>} : memref<64xi32, #tpu.memory_space<vmem>>, vector<16xi32>,
          %swap3A_248 = vector.shape_cast %swap3A_247 : vector<16xi32> to vector<16xi32>
          %swap3A_249 = vector.shape_cast %add3A_245 : vector<16xi32> to vector<16xi32>
          tpu.vector_store %arg14[%swap3A_246], %swap3A_249 {strides = array<i32>} : memref<64xi32, #tpu.memory_space<vmem>>, vector<16xi32>,
          %get3A_250 = arith.index_cast %add3A_240 : i32 to index
          %get3A_251 = tpu.vector_load %arg9[%get3A_250] {strides = array<i32>} : memref<10240xi32, #tpu.memory_space<vmem>>, vector<16xi32>,
          %get3A_252 = vector.shape_cast %get3A_251 : vector<16xi32> to vector<16xi32>
          %swap3A_253 = arith.constant 0 : index
          %swap3A_254 = tpu.vector_load %arg15[%swap3A_253] {strides = array<i32>} : memref<64xi32, #tpu.memory_space<vmem>>, vector<16xi32>,
          %swap3A_255 = vector.shape_cast %swap3A_254 : vector<16xi32> to vector<16xi32>
          %swap3A_256 = vector.shape_cast %get3A_252 : vector<16xi32> to vector<16xi32>
          tpu.vector_store %arg15[%swap3A_253], %swap3A_256 {strides = array<i32>} : memref<64xi32, #tpu.memory_space<vmem>>, vector<16xi32>,
          %mul3A_257 = arith.constant 64 : i32
          %mul3A_258 = arith.muli %add3A_236, %mul3A_257 : i32
          %add3A_259 = arith.constant 16 : i32
          %add3A_260 = arith.addi %mul3A_258, %add3A_259 : i32
          %get3A_261 = arith.index_cast %add3A_260 : i32 to index
          %get3A_262 = tpu.vector_load %arg8[%get3A_261] {strides = array<i32>} : memref<10240xi32, #tpu.memory_space<vmem>>, vector<16xi32>,
          %get3A_263 = vector.shape_cast %get3A_262 : vector<16xi32> to vector<16xi32>
          %add3A_264 = vector.broadcast %mul3A_4 : i32 to vector<16xi32>
          %add3A_265 = arith.addi %get3A_263, %add3A_264 : vector<16xi32>
          %swap3A_266 = arith.constant 16 : index
          %swap3A_267 = tpu.vector_load %arg14[%swap3A_266] {strides = array<i32>} : memref<64xi32, #tpu.memory_space<vmem>>, vector<16xi32>,
          %swap3A_268 = vector.shape_cast %swap3A_267 : vector<16xi32> to vector<16xi32>
          %swap3A_269 = vector.shape_cast %add3A_265 : vector<16xi32> to vector<16xi32>
          tpu.vector_store %arg14[%swap3A_266], %swap3A_269 {strides = array<i32>} : memref<64xi32, #tpu.memory_space<vmem>>, vector<16xi32>,
          %get3A_270 = arith.index_cast %add3A_260 : i32 to index
          %get3A_271 = tpu.vector_load %arg9[%get3A_270] {strides = array<i32>} : memref<10240xi32, #tpu.memory_space<vmem>>, vector<16xi32>,
          %get3A_272 = vector.shape_cast %get3A_271 : vector<16xi32> to vector<16xi32>
          %swap3A_273 = arith.constant 16 : index
          %swap3A_274 = tpu.vector_load %arg15[%swap3A_273] {strides = array<i32>} : memref<64xi32, #tpu.memory_space<vmem>>, vector<16xi32>,
          %swap3A_275 = vector.shape_cast %swap3A_274 : vector<16xi32> to vector<16xi32>
          %swap3A_276 = vector.shape_cast %get3A_272 : vector<16xi32> to vector<16xi32>
          tpu.vector_store %arg15[%swap3A_273], %swap3A_276 {strides = array<i32>} : memref<64xi32, #tpu.memory_space<vmem>>, vector<16xi32>,
          %mul3A_277 = arith.constant 64 : i32
          %mul3A_278 = arith.muli %add3A_236, %mul3A_277 : i32
          %add3A_279 = arith.constant 32 : i32
          %add3A_280 = arith.addi %mul3A_278, %add3A_279 : i32
          %get3A_281 = arith.index_cast %add3A_280 : i32 to index
          %get3A_282 = tpu.vector_load %arg8[%get3A_281] {strides = array<i32>} : memref<10240xi32, #tpu.memory_space<vmem>>, vector<16xi32>,
          %get3A_283 = vector.shape_cast %get3A_282 : vector<16xi32> to vector<16xi32>
          %add3A_284 = vector.broadcast %mul3A_4 : i32 to vector<16xi32>
          %add3A_285 = arith.addi %get3A_283, %add3A_284 : vector<16xi32>
          %swap3A_286 = arith.constant 32 : index
          %swap3A_287 = tpu.vector_load %arg14[%swap3A_286] {strides = array<i32>} : memref<64xi32, #tpu.memory_space<vmem>>, vector<16xi32>,
          %swap3A_288 = vector.shape_cast %swap3A_287 : vector<16xi32> to vector<16xi32>
          %swap3A_289 = vector.shape_cast %add3A_285 : vector<16xi32> to vector<16xi32>
          tpu.vector_store %arg14[%swap3A_286], %swap3A_289 {strides = array<i32>} : memref<64xi32, #tpu.memory_space<vmem>>, vector<16xi32>,
          %get3A_290 = arith.index_cast %add3A_280 : i32 to index
          %get3A_291 = tpu.vector_load %arg9[%get3A_290] {strides = array<i32>} : memref<10240xi32, #tpu.memory_space<vmem>>, vector<16xi32>,
          %get3A_292 = vector.shape_cast %get3A_291 : vector<16xi32> to vector<16xi32>
          %swap3A_293 = arith.constant 32 : index
          %swap3A_294 = tpu.vector_load %arg15[%swap3A_293] {strides = array<i32>} : memref<64xi32, #tpu.memory_space<vmem>>, vector<16xi32>,
          %swap3A_295 = vector.shape_cast %swap3A_294 : vector<16xi32> to vector<16xi32>
          %swap3A_296 = vector.shape_cast %get3A_292 : vector<16xi32> to vector<16xi32>
          tpu.vector_store %arg15[%swap3A_293], %swap3A_296 {strides = array<i32>} : memref<64xi32, #tpu.memory_space<vmem>>, vector<16xi32>,
          %mul3A_297 = arith.constant 64 : i32
          %mul3A_298 = arith.muli %add3A_236, %mul3A_297 : i32
          %add3A_299 = arith.constant 48 : i32
          %add3A_300 = arith.addi %mul3A_298, %add3A_299 : i32
          %get3A_301 = arith.index_cast %add3A_300 : i32 to index
          %get3A_302 = tpu.vector_load %arg8[%get3A_301] {strides = array<i32>} : memref<10240xi32, #tpu.memory_space<vmem>>, vector<16xi32>,
          %get3A_303 = vector.shape_cast %get3A_302 : vector<16xi32> to vector<16xi32>
          %add3A_304 = vector.broadcast %mul3A_4 : i32 to vector<16xi32>
          %add3A_305 = arith.addi %get3A_303, %add3A_304 : vector<16xi32>
          %swap3A_306 = arith.constant 48 : index
          %swap3A_307 = tpu.vector_load %arg14[%swap3A_306] {strides = array<i32>} : memref<64xi32, #tpu.memory_space<vmem>>, vector<16xi32>,
          %swap3A_308 = vector.shape_cast %swap3A_307 : vector<16xi32> to vector<16xi32>
          %swap3A_309 = vector.shape_cast %add3A_305 : vector<16xi32> to vector<16xi32>
          tpu.vector_store %arg14[%swap3A_306], %swap3A_309 {strides = array<i32>} : memref<64xi32, #tpu.memory_space<vmem>>, vector<16xi32>,
          %get3A_310 = arith.index_cast %add3A_300 : i32 to index
          %get3A_311 = tpu.vector_load %arg9[%get3A_310] {strides = array<i32>} : memref<10240xi32, #tpu.memory_space<vmem>>, vector<16xi32>,
          %get3A_312 = vector.shape_cast %get3A_311 : vector<16xi32> to vector<16xi32>
          %swap3A_313 = arith.constant 48 : index
          %swap3A_314 = tpu.vector_load %arg15[%swap3A_313] {strides = array<i32>} : memref<64xi32, #tpu.memory_space<vmem>>, vector<16xi32>,
          %swap3A_315 = vector.shape_cast %swap3A_314 : vector<16xi32> to vector<16xi32>
          %swap3A_316 = vector.shape_cast %get3A_312 : vector<16xi32> to vector<16xi32>
          tpu.vector_store %arg15[%swap3A_313], %swap3A_316 {strides = array<i32>} : memref<64xi32, #tpu.memory_space<vmem>>, vector<16xi32>,
          %dma_start3A_317 = arith.constant 0 : i32
          %dma_start3A_318 = arith.constant 0 : i32
          %dma_start3A_319 = tpu.memref_slice %arg2[%dma_start3A_317, %dma_start3A_318] : memref<20000x128xf32, #tpu.memory_space<hbm>> -> memref<20000x128xf32, #tpu.memory_space<hbm>>
          tpu.enqueue_indirect_dma source(%dma_start3A_319 : memref<20000x128xf32, #tpu.memory_space<hbm>>) target(%arg18 : memref<64x128xf32, #tpu.memory_space<vmem>>) offsets(%arg14 : memref<64xi32, #tpu.memory_space<vmem>>) semaphore(%arg21 : memref<!tpu.dma_semaphore, #tpu.memory_space<semaphore_mem>>)
        } else {
        }
        %dma_wait3A = arith.constant 0 : i32
        %dma_wait3A_233 = arith.constant 0 : i32
        %dma_wait3A_234 = tpu.memref_slice %arg2[%dma_wait3A, %dma_wait3A_233] : memref<20000x128xf32, #tpu.memory_space<hbm>> -> memref<20000x128xf32, #tpu.memory_space<hbm>>
        tpu.wait_indirect_dma semaphore(%arg19 : memref<!tpu.dma_semaphore, #tpu.memory_space<semaphore_mem>>) src(%dma_wait3A_234 : memref<20000x128xf32, #tpu.memory_space<hbm>>) dst(%arg16 : memref<64x128xf32, #tpu.memory_space<vmem>>)
        "tpu.region"() ({
          %run_scoped3A = tpu.sem_alloc : memref<!tpu.dma_semaphore, #tpu.memory_space<semaphore_mem>>
          %dma_start3A_235 = arith.constant 0 : i32
          %dma_start3A_236 = arith.constant 0 : i32
          %dma_start3A_237 = tpu.memref_slice %arg7[%dma_start3A_235, %dma_start3A_236] : memref<10000x128xf32, #tpu.memory_space<vmem_shared>> -> memref<10000x128xf32, #tpu.memory_space<vmem_shared>>
          tpu.enqueue_indirect_dma source(%arg16 : memref<64x128xf32, #tpu.memory_space<vmem>>) target(%dma_start3A_237 : memref<10000x128xf32, #tpu.memory_space<vmem_shared>>) offsets(%arg11 : memref<64xi32, #tpu.memory_space<vmem>>) semaphore(%run_scoped3A : memref<!tpu.dma_semaphore, #tpu.memory_space<semaphore_mem>>) {add = true}
          %dma_wait3A_238 = arith.constant 0 : i32
          %dma_wait3A_239 = arith.constant 0 : i32
          %dma_wait3A_240 = tpu.memref_slice %arg7[%dma_wait3A_238, %dma_wait3A_239] : memref<10000x128xf32, #tpu.memory_space<vmem_shared>> -> memref<10000x128xf32, #tpu.memory_space<vmem_shared>>
          tpu.wait_indirect_dma semaphore(%run_scoped3A : memref<!tpu.dma_semaphore, #tpu.memory_space<semaphore_mem>>) src(%arg16 : memref<64x128xf32, #tpu.memory_space<vmem>>) dst(%dma_wait3A_240 : memref<10000x128xf32, #tpu.memory_space<vmem_shared>>)
          tpu.yield
        }) : () -> ()
      } else {
      }
      %jit3A_185 = arith.constant 3 : i32
      %eq3A_186 = arith.constant 0 : i32
      %eq3A_187 = arith.cmpi eq, %jit3A_185, %eq3A_186 : i32
      %jit3A_188 = arith.constant 1 : i32
      %select_n3A_189 = arith.select %eq3A_187, %jit3A_188, %jit3A_185 : i32
      %rem3A_190 = arith.remsi %while3A_167, %select_n3A_189 : i32
      %ne3A_191 = arith.constant 0 : i32
      %ne3A_192 = arith.cmpi ne, %rem3A_190, %ne3A_191 : i32
      %lt3A_193 = arith.constant 0 : i32
      %lt3A_194 = arith.cmpi slt, %rem3A_190, %lt3A_193 : i32
      %lt3A_195 = arith.constant 0 : i32
      %lt3A_196 = arith.cmpi slt, %select_n3A_189, %lt3A_195 : i32
      %ne3A_197 = arith.xori %lt3A_194, %lt3A_196 : i1
      %and3A_198 = arith.andi %ne3A_197, %ne3A_192 : i1
      %add3A_199 = arith.addi %rem3A_190, %select_n3A_189 : i32
      %select_n3A_200 = arith.select %and3A_198, %add3A_199, %rem3A_190 : i32
      %eq3A_201 = arith.constant 1 : i32
      %eq3A_202 = arith.cmpi eq, %select_n3A_200, %eq3A_201 : i32
      %convert_element_type3A_203 = arith.extui %eq3A_202 : i1 to i32
      %cond3A_204 = arith.constant 0 : i32
      %cond3A_205 = arith.cmpi ne, %convert_element_type3A_203, %cond3A_204 : i32
      scf.if %cond3A_205 {
        %add3A_227 = arith.constant 2 : i32
        %add3A_228 = arith.addi %while3A_167, %add3A_227 : i32
        %lt3A_229 = arith.cmpi slt, %add3A_228, %select_n3A : i32
        %convert_element_type3A_230 = arith.extui %lt3A_229 : i1 to i32
        %cond3A_231 = arith.constant 0 : i32
        %cond3A_232 = arith.cmpi ne, %convert_element_type3A_230, %cond3A_231 : i32
        scf.if %cond3A_232 {
          %add3A_235 = arith.constant 2 : i32
          %add3A_236 = arith.addi %while3A_167, %add3A_235 : i32
          %mul3A_237 = arith.constant 64 : i32
          %mul3A_238 = arith.muli %add3A_236, %mul3A_237 : i32
          %add3A_239 = arith.constant 0 : i32
          %add3A_240 = arith.addi %mul3A_238, %add3A_239 : i32
          %get3A_241 = arith.index_cast %add3A_240 : i32 to index
          %get3A_242 = tpu.vector_load %arg8[%get3A_241] {strides = array<i32>} : memref<10240xi32, #tpu.memory_space<vmem>>, vector<16xi32>,
          %get3A_243 = vector.shape_cast %get3A_242 : vector<16xi32> to vector<16xi32>
          %add3A_244 = vector.broadcast %mul3A_4 : i32 to vector<16xi32>
          %add3A_245 = arith.addi %get3A_243, %add3A_244 : vector<16xi32>
          %swap3A_246 = arith.constant 0 : index
          %swap3A_247 = tpu.vector_load %arg10[%swap3A_246] {strides = array<i32>} : memref<64xi32, #tpu.memory_space<vmem>>, vector<16xi32>,
          %swap3A_248 = vector.shape_cast %swap3A_247 : vector<16xi32> to vector<16xi32>
          %swap3A_249 = vector.shape_cast %add3A_245 : vector<16xi32> to vector<16xi32>
          tpu.vector_store %arg10[%swap3A_246], %swap3A_249 {strides = array<i32>} : memref<64xi32, #tpu.memory_space<vmem>>, vector<16xi32>,
          %get3A_250 = arith.index_cast %add3A_240 : i32 to index
          %get3A_251 = tpu.vector_load %arg9[%get3A_250] {strides = array<i32>} : memref<10240xi32, #tpu.memory_space<vmem>>, vector<16xi32>,
          %get3A_252 = vector.shape_cast %get3A_251 : vector<16xi32> to vector<16xi32>
          %swap3A_253 = arith.constant 0 : index
          %swap3A_254 = tpu.vector_load %arg11[%swap3A_253] {strides = array<i32>} : memref<64xi32, #tpu.memory_space<vmem>>, vector<16xi32>,
          %swap3A_255 = vector.shape_cast %swap3A_254 : vector<16xi32> to vector<16xi32>
          %swap3A_256 = vector.shape_cast %get3A_252 : vector<16xi32> to vector<16xi32>
          tpu.vector_store %arg11[%swap3A_253], %swap3A_256 {strides = array<i32>} : memref<64xi32, #tpu.memory_space<vmem>>, vector<16xi32>,
          %mul3A_257 = arith.constant 64 : i32
          %mul3A_258 = arith.muli %add3A_236, %mul3A_257 : i32
          %add3A_259 = arith.constant 16 : i32
          %add3A_260 = arith.addi %mul3A_258, %add3A_259 : i32
          %get3A_261 = arith.index_cast %add3A_260 : i32 to index
          %get3A_262 = tpu.vector_load %arg8[%get3A_261] {strides = array<i32>} : memref<10240xi32, #tpu.memory_space<vmem>>, vector<16xi32>,
          %get3A_263 = vector.shape_cast %get3A_262 : vector<16xi32> to vector<16xi32>
          %add3A_264 = vector.broadcast %mul3A_4 : i32 to vector<16xi32>
          %add3A_265 = arith.addi %get3A_263, %add3A_264 : vector<16xi32>
          %swap3A_266 = arith.constant 16 : index
          %swap3A_267 = tpu.vector_load %arg10[%swap3A_266] {strides = array<i32>} : memref<64xi32, #tpu.memory_space<vmem>>, vector<16xi32>,
          %swap3A_268 = vector.shape_cast %swap3A_267 : vector<16xi32> to vector<16xi32>
          %swap3A_269 = vector.shape_cast %add3A_265 : vector<16xi32> to vector<16xi32>
          tpu.vector_store %arg10[%swap3A_266], %swap3A_269 {strides = array<i32>} : memref<64xi32, #tpu.memory_space<vmem>>, vector<16xi32>,
          %get3A_270 = arith.index_cast %add3A_260 : i32 to index
          %get3A_271 = tpu.vector_load %arg9[%get3A_270] {strides = array<i32>} : memref<10240xi32, #tpu.memory_space<vmem>>, vector<16xi32>,
          %get3A_272 = vector.shape_cast %get3A_271 : vector<16xi32> to vector<16xi32>
          %swap3A_273 = arith.constant 16 : index
          %swap3A_274 = tpu.vector_load %arg11[%swap3A_273] {strides = array<i32>} : memref<64xi32, #tpu.memory_space<vmem>>, vector<16xi32>,
          %swap3A_275 = vector.shape_cast %swap3A_274 : vector<16xi32> to vector<16xi32>
          %swap3A_276 = vector.shape_cast %get3A_272 : vector<16xi32> to vector<16xi32>
          tpu.vector_store %arg11[%swap3A_273], %swap3A_276 {strides = array<i32>} : memref<64xi32, #tpu.memory_space<vmem>>, vector<16xi32>,
          %mul3A_277 = arith.constant 64 : i32
          %mul3A_278 = arith.muli %add3A_236, %mul3A_277 : i32
          %add3A_279 = arith.constant 32 : i32
          %add3A_280 = arith.addi %mul3A_278, %add3A_279 : i32
          %get3A_281 = arith.index_cast %add3A_280 : i32 to index
          %get3A_282 = tpu.vector_load %arg8[%get3A_281] {strides = array<i32>} : memref<10240xi32, #tpu.memory_space<vmem>>, vector<16xi32>,
          %get3A_283 = vector.shape_cast %get3A_282 : vector<16xi32> to vector<16xi32>
          %add3A_284 = vector.broadcast %mul3A_4 : i32 to vector<16xi32>
          %add3A_285 = arith.addi %get3A_283, %add3A_284 : vector<16xi32>
          %swap3A_286 = arith.constant 32 : index
          %swap3A_287 = tpu.vector_load %arg10[%swap3A_286] {strides = array<i32>} : memref<64xi32, #tpu.memory_space<vmem>>, vector<16xi32>,
          %swap3A_288 = vector.shape_cast %swap3A_287 : vector<16xi32> to vector<16xi32>
          %swap3A_289 = vector.shape_cast %add3A_285 : vector<16xi32> to vector<16xi32>
          tpu.vector_store %arg10[%swap3A_286], %swap3A_289 {strides = array<i32>} : memref<64xi32, #tpu.memory_space<vmem>>, vector<16xi32>,
          %get3A_290 = arith.index_cast %add3A_280 : i32 to index
          %get3A_291 = tpu.vector_load %arg9[%get3A_290] {strides = array<i32>} : memref<10240xi32, #tpu.memory_space<vmem>>, vector<16xi32>,
          %get3A_292 = vector.shape_cast %get3A_291 : vector<16xi32> to vector<16xi32>
          %swap3A_293 = arith.constant 32 : index
          %swap3A_294 = tpu.vector_load %arg11[%swap3A_293] {strides = array<i32>} : memref<64xi32, #tpu.memory_space<vmem>>, vector<16xi32>,
          %swap3A_295 = vector.shape_cast %swap3A_294 : vector<16xi32> to vector<16xi32>
          %swap3A_296 = vector.shape_cast %get3A_292 : vector<16xi32> to vector<16xi32>
          tpu.vector_store %arg11[%swap3A_293], %swap3A_296 {strides = array<i32>} : memref<64xi32, #tpu.memory_space<vmem>>, vector<16xi32>,
          %mul3A_297 = arith.constant 64 : i32
          %mul3A_298 = arith.muli %add3A_236, %mul3A_297 : i32
          %add3A_299 = arith.constant 48 : i32
          %add3A_300 = arith.addi %mul3A_298, %add3A_299 : i32
          %get3A_301 = arith.index_cast %add3A_300 : i32 to index
          %get3A_302 = tpu.vector_load %arg8[%get3A_301] {strides = array<i32>} : memref<10240xi32, #tpu.memory_space<vmem>>, vector<16xi32>,
          %get3A_303 = vector.shape_cast %get3A_302 : vector<16xi32> to vector<16xi32>
          %add3A_304 = vector.broadcast %mul3A_4 : i32 to vector<16xi32>
          %add3A_305 = arith.addi %get3A_303, %add3A_304 : vector<16xi32>
          %swap3A_306 = arith.constant 48 : index
          %swap3A_307 = tpu.vector_load %arg10[%swap3A_306] {strides = array<i32>} : memref<64xi32, #tpu.memory_space<vmem>>, vector<16xi32>,
          %swap3A_308 = vector.shape_cast %swap3A_307 : vector<16xi32> to vector<16xi32>
          %swap3A_309 = vector.shape_cast %add3A_305 : vector<16xi32> to vector<16xi32>
          tpu.vector_store %arg10[%swap3A_306], %swap3A_309 {strides = array<i32>} : memref<64xi32, #tpu.memory_space<vmem>>, vector<16xi32>,
          %get3A_310 = arith.index_cast %add3A_300 : i32 to index
          %get3A_311 = tpu.vector_load %arg9[%get3A_310] {strides = array<i32>} : memref<10240xi32, #tpu.memory_space<vmem>>, vector<16xi32>,
          %get3A_312 = vector.shape_cast %get3A_311 : vector<16xi32> to vector<16xi32>
          %swap3A_313 = arith.constant 48 : index
          %swap3A_314 = tpu.vector_load %arg11[%swap3A_313] {strides = array<i32>} : memref<64xi32, #tpu.memory_space<vmem>>, vector<16xi32>,
          %swap3A_315 = vector.shape_cast %swap3A_314 : vector<16xi32> to vector<16xi32>
          %swap3A_316 = vector.shape_cast %get3A_312 : vector<16xi32> to vector<16xi32>
          tpu.vector_store %arg11[%swap3A_313], %swap3A_316 {strides = array<i32>} : memref<64xi32, #tpu.memory_space<vmem>>, vector<16xi32>,
          %dma_start3A_317 = arith.constant 0 : i32
          %dma_start3A_318 = arith.constant 0 : i32
          %dma_start3A_319 = tpu.memref_slice %arg2[%dma_start3A_317, %dma_start3A_318] : memref<20000x128xf32, #tpu.memory_space<hbm>> -> memref<20000x128xf32, #tpu.memory_space<hbm>>
          tpu.enqueue_indirect_dma source(%dma_start3A_319 : memref<20000x128xf32, #tpu.memory_space<hbm>>) target(%arg16 : memref<64x128xf32, #tpu.memory_space<vmem>>) offsets(%arg10 : memref<64xi32, #tpu.memory_space<vmem>>) semaphore(%arg19 : memref<!tpu.dma_semaphore, #tpu.memory_space<semaphore_mem>>)
        } else {
        }
        %dma_wait3A = arith.constant 0 : i32
        %dma_wait3A_233 = arith.constant 0 : i32
        %dma_wait3A_234 = tpu.memref_slice %arg2[%dma_wait3A, %dma_wait3A_233] : memref<20000x128xf32, #tpu.memory_space<hbm>> -> memref<20000x128xf32, #tpu.memory_space<hbm>>
        tpu.wait_indirect_dma semaphore(%arg20 : memref<!tpu.dma_semaphore, #tpu.memory_space<semaphore_mem>>) src(%dma_wait3A_234 : memref<20000x128xf32, #tpu.memory_space<hbm>>) dst(%arg17 : memref<64x128xf32, #tpu.memory_space<vmem>>)
        "tpu.region"() ({
          %run_scoped3A = tpu.sem_alloc : memref<!tpu.dma_semaphore, #tpu.memory_space<semaphore_mem>>
          %dma_start3A_235 = arith.constant 0 : i32
          %dma_start3A_236 = arith.constant 0 : i32
          %dma_start3A_237 = tpu.memref_slice %arg7[%dma_start3A_235, %dma_start3A_236] : memref<10000x128xf32, #tpu.memory_space<vmem_shared>> -> memref<10000x128xf32, #tpu.memory_space<vmem_shared>>
          tpu.enqueue_indirect_dma source(%arg17 : memref<64x128xf32, #tpu.memory_space<vmem>>) target(%dma_start3A_237 : memref<10000x128xf32, #tpu.memory_space<vmem_shared>>) offsets(%arg13 : memref<64xi32, #tpu.memory_space<vmem>>) semaphore(%run_scoped3A : memref<!tpu.dma_semaphore, #tpu.memory_space<semaphore_mem>>) {add = true}
          %dma_wait3A_238 = arith.constant 0 : i32
          %dma_wait3A_239 = arith.constant 0 : i32
          %dma_wait3A_240 = tpu.memref_slice %arg7[%dma_wait3A_238, %dma_wait3A_239] : memref<10000x128xf32, #tpu.memory_space<vmem_shared>> -> memref<10000x128xf32, #tpu.memory_space<vmem_shared>>
          tpu.wait_indirect_dma semaphore(%run_scoped3A : memref<!tpu.dma_semaphore, #tpu.memory_space<semaphore_mem>>) src(%arg17 : memref<64x128xf32, #tpu.memory_space<vmem>>) dst(%dma_wait3A_240 : memref<10000x128xf32, #tpu.memory_space<vmem_shared>>)
          tpu.yield
        }) : () -> ()
      } else {
      }
      %jit3A_206 = arith.constant 3 : i32
      %eq3A_207 = arith.constant 0 : i32
      %eq3A_208 = arith.cmpi eq, %jit3A_206, %eq3A_207 : i32
      %jit3A_209 = arith.constant 1 : i32
      %select_n3A_210 = arith.select %eq3A_208, %jit3A_209, %jit3A_206 : i32
      %rem3A_211 = arith.remsi %while3A_167, %select_n3A_210 : i32
      %ne3A_212 = arith.constant 0 : i32
      %ne3A_213 = arith.cmpi ne, %rem3A_211, %ne3A_212 : i32
      %lt3A_214 = arith.constant 0 : i32
      %lt3A_215 = arith.cmpi slt, %rem3A_211, %lt3A_214 : i32
      %lt3A_216 = arith.constant 0 : i32
      %lt3A_217 = arith.cmpi slt, %select_n3A_210, %lt3A_216 : i32
      %ne3A_218 = arith.xori %lt3A_215, %lt3A_217 : i1
      %and3A_219 = arith.andi %ne3A_218, %ne3A_213 : i1
      %add3A_220 = arith.addi %rem3A_211, %select_n3A_210 : i32
      %select_n3A_221 = arith.select %and3A_219, %add3A_220, %rem3A_211 : i32
      %eq3A_222 = arith.constant 2 : i32
      %eq3A_223 = arith.cmpi eq, %select_n3A_221, %eq3A_222 : i32
      %convert_element_type3A_224 = arith.extui %eq3A_223 : i1 to i32
      %cond3A_225 = arith.constant 0 : i32
      %cond3A_226 = arith.cmpi ne, %convert_element_type3A_224, %cond3A_225 : i32
      scf.if %cond3A_226 {
        %add3A_227 = arith.constant 2 : i32
        %add3A_228 = arith.addi %while3A_167, %add3A_227 : i32
        %lt3A_229 = arith.cmpi slt, %add3A_228, %select_n3A : i32
        %convert_element_type3A_230 = arith.extui %lt3A_229 : i1 to i32
        %cond3A_231 = arith.constant 0 : i32
        %cond3A_232 = arith.cmpi ne, %convert_element_type3A_230, %cond3A_231 : i32
        scf.if %cond3A_232 {
          %add3A_235 = arith.constant 2 : i32
          %add3A_236 = arith.addi %while3A_167, %add3A_235 : i32
          %mul3A_237 = arith.constant 64 : i32
          %mul3A_238 = arith.muli %add3A_236, %mul3A_237 : i32
          %add3A_239 = arith.constant 0 : i32
          %add3A_240 = arith.addi %mul3A_238, %add3A_239 : i32
          %get3A_241 = arith.index_cast %add3A_240 : i32 to index
          %get3A_242 = tpu.vector_load %arg8[%get3A_241] {strides = array<i32>} : memref<10240xi32, #tpu.memory_space<vmem>>, vector<16xi32>,
          %get3A_243 = vector.shape_cast %get3A_242 : vector<16xi32> to vector<16xi32>
          %add3A_244 = vector.broadcast %mul3A_4 : i32 to vector<16xi32>
          %add3A_245 = arith.addi %get3A_243, %add3A_244 : vector<16xi32>
          %swap3A_246 = arith.constant 0 : index
          %swap3A_247 = tpu.vector_load %arg12[%swap3A_246] {strides = array<i32>} : memref<64xi32, #tpu.memory_space<vmem>>, vector<16xi32>,
          %swap3A_248 = vector.shape_cast %swap3A_247 : vector<16xi32> to vector<16xi32>
          %swap3A_249 = vector.shape_cast %add3A_245 : vector<16xi32> to vector<16xi32>
          tpu.vector_store %arg12[%swap3A_246], %swap3A_249 {strides = array<i32>} : memref<64xi32, #tpu.memory_space<vmem>>, vector<16xi32>,
          %get3A_250 = arith.index_cast %add3A_240 : i32 to index
          %get3A_251 = tpu.vector_load %arg9[%get3A_250] {strides = array<i32>} : memref<10240xi32, #tpu.memory_space<vmem>>, vector<16xi32>,
          %get3A_252 = vector.shape_cast %get3A_251 : vector<16xi32> to vector<16xi32>
          %swap3A_253 = arith.constant 0 : index
          %swap3A_254 = tpu.vector_load %arg13[%swap3A_253] {strides = array<i32>} : memref<64xi32, #tpu.memory_space<vmem>>, vector<16xi32>,
          %swap3A_255 = vector.shape_cast %swap3A_254 : vector<16xi32> to vector<16xi32>
          %swap3A_256 = vector.shape_cast %get3A_252 : vector<16xi32> to vector<16xi32>
          tpu.vector_store %arg13[%swap3A_253], %swap3A_256 {strides = array<i32>} : memref<64xi32, #tpu.memory_space<vmem>>, vector<16xi32>,
          %mul3A_257 = arith.constant 64 : i32
          %mul3A_258 = arith.muli %add3A_236, %mul3A_257 : i32
          %add3A_259 = arith.constant 16 : i32
          %add3A_260 = arith.addi %mul3A_258, %add3A_259 : i32
          %get3A_261 = arith.index_cast %add3A_260 : i32 to index
          %get3A_262 = tpu.vector_load %arg8[%get3A_261] {strides = array<i32>} : memref<10240xi32, #tpu.memory_space<vmem>>, vector<16xi32>,
          %get3A_263 = vector.shape_cast %get3A_262 : vector<16xi32> to vector<16xi32>
          %add3A_264 = vector.broadcast %mul3A_4 : i32 to vector<16xi32>
          %add3A_265 = arith.addi %get3A_263, %add3A_264 : vector<16xi32>
          %swap3A_266 = arith.constant 16 : index
          %swap3A_267 = tpu.vector_load %arg12[%swap3A_266] {strides = array<i32>} : memref<64xi32, #tpu.memory_space<vmem>>, vector<16xi32>,
          %swap3A_268 = vector.shape_cast %swap3A_267 : vector<16xi32> to vector<16xi32>
          %swap3A_269 = vector.shape_cast %add3A_265 : vector<16xi32> to vector<16xi32>
          tpu.vector_store %arg12[%swap3A_266], %swap3A_269 {strides = array<i32>} : memref<64xi32, #tpu.memory_space<vmem>>, vector<16xi32>,
          %get3A_270 = arith.index_cast %add3A_260 : i32 to index
          %get3A_271 = tpu.vector_load %arg9[%get3A_270] {strides = array<i32>} : memref<10240xi32, #tpu.memory_space<vmem>>, vector<16xi32>,
          %get3A_272 = vector.shape_cast %get3A_271 : vector<16xi32> to vector<16xi32>
          %swap3A_273 = arith.constant 16 : index
          %swap3A_274 = tpu.vector_load %arg13[%swap3A_273] {strides = array<i32>} : memref<64xi32, #tpu.memory_space<vmem>>, vector<16xi32>,
          %swap3A_275 = vector.shape_cast %swap3A_274 : vector<16xi32> to vector<16xi32>
          %swap3A_276 = vector.shape_cast %get3A_272 : vector<16xi32> to vector<16xi32>
          tpu.vector_store %arg13[%swap3A_273], %swap3A_276 {strides = array<i32>} : memref<64xi32, #tpu.memory_space<vmem>>, vector<16xi32>,
          %mul3A_277 = arith.constant 64 : i32
          %mul3A_278 = arith.muli %add3A_236, %mul3A_277 : i32
          %add3A_279 = arith.constant 32 : i32
          %add3A_280 = arith.addi %mul3A_278, %add3A_279 : i32
          %get3A_281 = arith.index_cast %add3A_280 : i32 to index
          %get3A_282 = tpu.vector_load %arg8[%get3A_281] {strides = array<i32>} : memref<10240xi32, #tpu.memory_space<vmem>>, vector<16xi32>,
          %get3A_283 = vector.shape_cast %get3A_282 : vector<16xi32> to vector<16xi32>
          %add3A_284 = vector.broadcast %mul3A_4 : i32 to vector<16xi32>
          %add3A_285 = arith.addi %get3A_283, %add3A_284 : vector<16xi32>
          %swap3A_286 = arith.constant 32 : index
          %swap3A_287 = tpu.vector_load %arg12[%swap3A_286] {strides = array<i32>} : memref<64xi32, #tpu.memory_space<vmem>>, vector<16xi32>,
          %swap3A_288 = vector.shape_cast %swap3A_287 : vector<16xi32> to vector<16xi32>
          %swap3A_289 = vector.shape_cast %add3A_285 : vector<16xi32> to vector<16xi32>
          tpu.vector_store %arg12[%swap3A_286], %swap3A_289 {strides = array<i32>} : memref<64xi32, #tpu.memory_space<vmem>>, vector<16xi32>,
          %get3A_290 = arith.index_cast %add3A_280 : i32 to index
          %get3A_291 = tpu.vector_load %arg9[%get3A_290] {strides = array<i32>} : memref<10240xi32, #tpu.memory_space<vmem>>, vector<16xi32>,
          %get3A_292 = vector.shape_cast %get3A_291 : vector<16xi32> to vector<16xi32>
          %swap3A_293 = arith.constant 32 : index
          %swap3A_294 = tpu.vector_load %arg13[%swap3A_293] {strides = array<i32>} : memref<64xi32, #tpu.memory_space<vmem>>, vector<16xi32>,
          %swap3A_295 = vector.shape_cast %swap3A_294 : vector<16xi32> to vector<16xi32>
          %swap3A_296 = vector.shape_cast %get3A_292 : vector<16xi32> to vector<16xi32>
          tpu.vector_store %arg13[%swap3A_293], %swap3A_296 {strides = array<i32>} : memref<64xi32, #tpu.memory_space<vmem>>, vector<16xi32>,
          %mul3A_297 = arith.constant 64 : i32
          %mul3A_298 = arith.muli %add3A_236, %mul3A_297 : i32
          %add3A_299 = arith.constant 48 : i32
          %add3A_300 = arith.addi %mul3A_298, %add3A_299 : i32
          %get3A_301 = arith.index_cast %add3A_300 : i32 to index
          %get3A_302 = tpu.vector_load %arg8[%get3A_301] {strides = array<i32>} : memref<10240xi32, #tpu.memory_space<vmem>>, vector<16xi32>,
          %get3A_303 = vector.shape_cast %get3A_302 : vector<16xi32> to vector<16xi32>
          %add3A_304 = vector.broadcast %mul3A_4 : i32 to vector<16xi32>
          %add3A_305 = arith.addi %get3A_303, %add3A_304 : vector<16xi32>
          %swap3A_306 = arith.constant 48 : index
          %swap3A_307 = tpu.vector_load %arg12[%swap3A_306] {strides = array<i32>} : memref<64xi32, #tpu.memory_space<vmem>>, vector<16xi32>,
          %swap3A_308 = vector.shape_cast %swap3A_307 : vector<16xi32> to vector<16xi32>
          %swap3A_309 = vector.shape_cast %add3A_305 : vector<16xi32> to vector<16xi32>
          tpu.vector_store %arg12[%swap3A_306], %swap3A_309 {strides = array<i32>} : memref<64xi32, #tpu.memory_space<vmem>>, vector<16xi32>,
          %get3A_310 = arith.index_cast %add3A_300 : i32 to index
          %get3A_311 = tpu.vector_load %arg9[%get3A_310] {strides = array<i32>} : memref<10240xi32, #tpu.memory_space<vmem>>, vector<16xi32>,
          %get3A_312 = vector.shape_cast %get3A_311 : vector<16xi32> to vector<16xi32>
          %swap3A_313 = arith.constant 48 : index
          %swap3A_314 = tpu.vector_load %arg13[%swap3A_313] {strides = array<i32>} : memref<64xi32, #tpu.memory_space<vmem>>, vector<16xi32>,
          %swap3A_315 = vector.shape_cast %swap3A_314 : vector<16xi32> to vector<16xi32>
          %swap3A_316 = vector.shape_cast %get3A_312 : vector<16xi32> to vector<16xi32>
          tpu.vector_store %arg13[%swap3A_313], %swap3A_316 {strides = array<i32>} : memref<64xi32, #tpu.memory_space<vmem>>, vector<16xi32>,
          %dma_start3A_317 = arith.constant 0 : i32
          %dma_start3A_318 = arith.constant 0 : i32
          %dma_start3A_319 = tpu.memref_slice %arg2[%dma_start3A_317, %dma_start3A_318] : memref<20000x128xf32, #tpu.memory_space<hbm>> -> memref<20000x128xf32, #tpu.memory_space<hbm>>
          tpu.enqueue_indirect_dma source(%dma_start3A_319 : memref<20000x128xf32, #tpu.memory_space<hbm>>) target(%arg17 : memref<64x128xf32, #tpu.memory_space<vmem>>) offsets(%arg12 : memref<64xi32, #tpu.memory_space<vmem>>) semaphore(%arg20 : memref<!tpu.dma_semaphore, #tpu.memory_space<semaphore_mem>>)
        } else {
        }
        %dma_wait3A = arith.constant 0 : i32
        %dma_wait3A_233 = arith.constant 0 : i32
        %dma_wait3A_234 = tpu.memref_slice %arg2[%dma_wait3A, %dma_wait3A_233] : memref<20000x128xf32, #tpu.memory_space<hbm>> -> memref<20000x128xf32, #tpu.memory_space<hbm>>
        tpu.wait_indirect_dma semaphore(%arg21 : memref<!tpu.dma_semaphore, #tpu.memory_space<semaphore_mem>>) src(%dma_wait3A_234 : memref<20000x128xf32, #tpu.memory_space<hbm>>) dst(%arg18 : memref<64x128xf32, #tpu.memory_space<vmem>>)
        "tpu.region"() ({
          %run_scoped3A = tpu.sem_alloc : memref<!tpu.dma_semaphore, #tpu.memory_space<semaphore_mem>>
          %dma_start3A_235 = arith.constant 0 : i32
          %dma_start3A_236 = arith.constant 0 : i32
          %dma_start3A_237 = tpu.memref_slice %arg7[%dma_start3A_235, %dma_start3A_236] : memref<10000x128xf32, #tpu.memory_space<vmem_shared>> -> memref<10000x128xf32, #tpu.memory_space<vmem_shared>>
          tpu.enqueue_indirect_dma source(%arg18 : memref<64x128xf32, #tpu.memory_space<vmem>>) target(%dma_start3A_237 : memref<10000x128xf32, #tpu.memory_space<vmem_shared>>) offsets(%arg15 : memref<64xi32, #tpu.memory_space<vmem>>) semaphore(%run_scoped3A : memref<!tpu.dma_semaphore, #tpu.memory_space<semaphore_mem>>) {add = true}
          %dma_wait3A_238 = arith.constant 0 : i32
          %dma_wait3A_239 = arith.constant 0 : i32
          %dma_wait3A_240 = tpu.memref_slice %arg7[%dma_wait3A_238, %dma_wait3A_239] : memref<10000x128xf32, #tpu.memory_space<vmem_shared>> -> memref<10000x128xf32, #tpu.memory_space<vmem_shared>>
          tpu.wait_indirect_dma semaphore(%run_scoped3A : memref<!tpu.dma_semaphore, #tpu.memory_space<semaphore_mem>>) src(%arg18 : memref<64x128xf32, #tpu.memory_space<vmem>>) dst(%dma_wait3A_240 : memref<10000x128xf32, #tpu.memory_space<vmem_shared>>)
          tpu.yield
        }) : () -> ()
      } else {
      }
    }
    %while3A_153 = arith.constant 1 : i32
    scf.for %while3A_167 = %while3A_151 to %while3A_147 step %while3A_153  : i32 {
      %jit3A_168 = arith.constant 3 : i32
      %eq3A_169 = arith.constant 0 : i32
      %eq3A_170 = arith.cmpi eq, %jit3A_168, %eq3A_169 : i32
      %jit3A_171 = arith.constant 1 : i32
      %select_n3A_172 = arith.select %eq3A_170, %jit3A_171, %jit3A_168 : i32
      %rem3A = arith.remsi %while3A_167, %select_n3A_172 : i32
      %ne3A = arith.constant 0 : i32
      %ne3A_173 = arith.cmpi ne, %rem3A, %ne3A : i32
      %lt3A = arith.constant 0 : i32
      %lt3A_174 = arith.cmpi slt, %rem3A, %lt3A : i32
      %lt3A_175 = arith.constant 0 : i32
      %lt3A_176 = arith.cmpi slt, %select_n3A_172, %lt3A_175 : i32
      %ne3A_177 = arith.xori %lt3A_174, %lt3A_176 : i1
      %and3A = arith.andi %ne3A_177, %ne3A_173 : i1
      %add3A_178 = arith.addi %rem3A, %select_n3A_172 : i32
      %select_n3A_179 = arith.select %and3A, %add3A_178, %rem3A : i32
      %eq3A_180 = arith.constant 0 : i32
      %eq3A_181 = arith.cmpi eq, %select_n3A_179, %eq3A_180 : i32
      %convert_element_type3A_182 = arith.extui %eq3A_181 : i1 to i32
      %cond3A_183 = arith.constant 0 : i32
      %cond3A_184 = arith.cmpi ne, %convert_element_type3A_182, %cond3A_183 : i32
      scf.if %cond3A_184 {
        %add3A_227 = arith.constant 2 : i32
        %add3A_228 = arith.addi %while3A_167, %add3A_227 : i32
        %lt3A_229 = arith.cmpi slt, %add3A_228, %select_n3A : i32
        %convert_element_type3A_230 = arith.extui %lt3A_229 : i1 to i32
        %cond3A_231 = arith.constant 0 : i32
        %cond3A_232 = arith.cmpi ne, %convert_element_type3A_230, %cond3A_231 : i32
        scf.if %cond3A_232 {
          %add3A_235 = arith.constant 2 : i32
          %add3A_236 = arith.addi %while3A_167, %add3A_235 : i32
          %mul3A_237 = arith.constant 64 : i32
          %mul3A_238 = arith.muli %add3A_236, %mul3A_237 : i32
          %add3A_239 = arith.constant 0 : i32
          %add3A_240 = arith.addi %mul3A_238, %add3A_239 : i32
          %get3A_241 = arith.index_cast %add3A_240 : i32 to index
          %get3A_242 = tpu.vector_load %arg8[%get3A_241] {strides = array<i32>} : memref<10240xi32, #tpu.memory_space<vmem>>, vector<16xi32>,
          %get3A_243 = vector.shape_cast %get3A_242 : vector<16xi32> to vector<16xi32>
          %add3A_244 = vector.broadcast %mul3A_4 : i32 to vector<16xi32>
          %add3A_245 = arith.addi %get3A_243, %add3A_244 : vector<16xi32>
          %swap3A_246 = arith.constant 0 : index
          %swap3A_247 = tpu.vector_load %arg14[%swap3A_246] {strides = array<i32>} : memref<64xi32, #tpu.memory_space<vmem>>, vector<16xi32>,
          %swap3A_248 = vector.shape_cast %swap3A_247 : vector<16xi32> to vector<16xi32>
          %swap3A_249 = vector.shape_cast %add3A_245 : vector<16xi32> to vector<16xi32>
          tpu.vector_store %arg14[%swap3A_246], %swap3A_249 {strides = array<i32>} : memref<64xi32, #tpu.memory_space<vmem>>, vector<16xi32>,
          %get3A_250 = arith.index_cast %add3A_240 : i32 to index
          %get3A_251 = tpu.vector_load %arg9[%get3A_250] {strides = array<i32>} : memref<10240xi32, #tpu.memory_space<vmem>>, vector<16xi32>,
          %get3A_252 = vector.shape_cast %get3A_251 : vector<16xi32> to vector<16xi32>
          %swap3A_253 = arith.constant 0 : index
          %swap3A_254 = tpu.vector_load %arg15[%swap3A_253] {strides = array<i32>} : memref<64xi32, #tpu.memory_space<vmem>>, vector<16xi32>,
          %swap3A_255 = vector.shape_cast %swap3A_254 : vector<16xi32> to vector<16xi32>
          %swap3A_256 = vector.shape_cast %get3A_252 : vector<16xi32> to vector<16xi32>
          tpu.vector_store %arg15[%swap3A_253], %swap3A_256 {strides = array<i32>} : memref<64xi32, #tpu.memory_space<vmem>>, vector<16xi32>,
          %mul3A_257 = arith.constant 64 : i32
          %mul3A_258 = arith.muli %add3A_236, %mul3A_257 : i32
          %add3A_259 = arith.constant 16 : i32
          %add3A_260 = arith.addi %mul3A_258, %add3A_259 : i32
          %get3A_261 = arith.index_cast %add3A_260 : i32 to index
          %get3A_262 = tpu.vector_load %arg8[%get3A_261] {strides = array<i32>} : memref<10240xi32, #tpu.memory_space<vmem>>, vector<16xi32>,
          %get3A_263 = vector.shape_cast %get3A_262 : vector<16xi32> to vector<16xi32>
          %add3A_264 = vector.broadcast %mul3A_4 : i32 to vector<16xi32>
          %add3A_265 = arith.addi %get3A_263, %add3A_264 : vector<16xi32>
          %swap3A_266 = arith.constant 16 : index
          %swap3A_267 = tpu.vector_load %arg14[%swap3A_266] {strides = array<i32>} : memref<64xi32, #tpu.memory_space<vmem>>, vector<16xi32>,
          %swap3A_268 = vector.shape_cast %swap3A_267 : vector<16xi32> to vector<16xi32>
          %swap3A_269 = vector.shape_cast %add3A_265 : vector<16xi32> to vector<16xi32>
          tpu.vector_store %arg14[%swap3A_266], %swap3A_269 {strides = array<i32>} : memref<64xi32, #tpu.memory_space<vmem>>, vector<16xi32>,
          %get3A_270 = arith.index_cast %add3A_260 : i32 to index
          %get3A_271 = tpu.vector_load %arg9[%get3A_270] {strides = array<i32>} : memref<10240xi32, #tpu.memory_space<vmem>>, vector<16xi32>,
          %get3A_272 = vector.shape_cast %get3A_271 : vector<16xi32> to vector<16xi32>
          %swap3A_273 = arith.constant 16 : index
          %swap3A_274 = tpu.vector_load %arg15[%swap3A_273] {strides = array<i32>} : memref<64xi32, #tpu.memory_space<vmem>>, vector<16xi32>,
          %swap3A_275 = vector.shape_cast %swap3A_274 : vector<16xi32> to vector<16xi32>
          %swap3A_276 = vector.shape_cast %get3A_272 : vector<16xi32> to vector<16xi32>
          tpu.vector_store %arg15[%swap3A_273], %swap3A_276 {strides = array<i32>} : memref<64xi32, #tpu.memory_space<vmem>>, vector<16xi32>,
          %mul3A_277 = arith.constant 64 : i32
          %mul3A_278 = arith.muli %add3A_236, %mul3A_277 : i32
          %add3A_279 = arith.constant 32 : i32
          %add3A_280 = arith.addi %mul3A_278, %add3A_279 : i32
          %get3A_281 = arith.index_cast %add3A_280 : i32 to index
          %get3A_282 = tpu.vector_load %arg8[%get3A_281] {strides = array<i32>} : memref<10240xi32, #tpu.memory_space<vmem>>, vector<16xi32>,
          %get3A_283 = vector.shape_cast %get3A_282 : vector<16xi32> to vector<16xi32>
          %add3A_284 = vector.broadcast %mul3A_4 : i32 to vector<16xi32>
          %add3A_285 = arith.addi %get3A_283, %add3A_284 : vector<16xi32>
          %swap3A_286 = arith.constant 32 : index
          %swap3A_287 = tpu.vector_load %arg14[%swap3A_286] {strides = array<i32>} : memref<64xi32, #tpu.memory_space<vmem>>, vector<16xi32>,
          %swap3A_288 = vector.shape_cast %swap3A_287 : vector<16xi32> to vector<16xi32>
          %swap3A_289 = vector.shape_cast %add3A_285 : vector<16xi32> to vector<16xi32>
          tpu.vector_store %arg14[%swap3A_286], %swap3A_289 {strides = array<i32>} : memref<64xi32, #tpu.memory_space<vmem>>, vector<16xi32>,
          %get3A_290 = arith.index_cast %add3A_280 : i32 to index
          %get3A_291 = tpu.vector_load %arg9[%get3A_290] {strides = array<i32>} : memref<10240xi32, #tpu.memory_space<vmem>>, vector<16xi32>,
          %get3A_292 = vector.shape_cast %get3A_291 : vector<16xi32> to vector<16xi32>
          %swap3A_293 = arith.constant 32 : index
          %swap3A_294 = tpu.vector_load %arg15[%swap3A_293] {strides = array<i32>} : memref<64xi32, #tpu.memory_space<vmem>>, vector<16xi32>,
          %swap3A_295 = vector.shape_cast %swap3A_294 : vector<16xi32> to vector<16xi32>
          %swap3A_296 = vector.shape_cast %get3A_292 : vector<16xi32> to vector<16xi32>
          tpu.vector_store %arg15[%swap3A_293], %swap3A_296 {strides = array<i32>} : memref<64xi32, #tpu.memory_space<vmem>>, vector<16xi32>,
          %mul3A_297 = arith.constant 64 : i32
          %mul3A_298 = arith.muli %add3A_236, %mul3A_297 : i32
          %add3A_299 = arith.constant 48 : i32
          %add3A_300 = arith.addi %mul3A_298, %add3A_299 : i32
          %get3A_301 = arith.index_cast %add3A_300 : i32 to index
          %get3A_302 = tpu.vector_load %arg8[%get3A_301] {strides = array<i32>} : memref<10240xi32, #tpu.memory_space<vmem>>, vector<16xi32>,
          %get3A_303 = vector.shape_cast %get3A_302 : vector<16xi32> to vector<16xi32>
          %add3A_304 = vector.broadcast %mul3A_4 : i32 to vector<16xi32>
          %add3A_305 = arith.addi %get3A_303, %add3A_304 : vector<16xi32>
          %swap3A_306 = arith.constant 48 : index
          %swap3A_307 = tpu.vector_load %arg14[%swap3A_306] {strides = array<i32>} : memref<64xi32, #tpu.memory_space<vmem>>, vector<16xi32>,
          %swap3A_308 = vector.shape_cast %swap3A_307 : vector<16xi32> to vector<16xi32>
          %swap3A_309 = vector.shape_cast %add3A_305 : vector<16xi32> to vector<16xi32>
          tpu.vector_store %arg14[%swap3A_306], %swap3A_309 {strides = array<i32>} : memref<64xi32, #tpu.memory_space<vmem>>, vector<16xi32>,
          %get3A_310 = arith.index_cast %add3A_300 : i32 to index
          %get3A_311 = tpu.vector_load %arg9[%get3A_310] {strides = array<i32>} : memref<10240xi32, #tpu.memory_space<vmem>>, vector<16xi32>,
          %get3A_312 = vector.shape_cast %get3A_311 : vector<16xi32> to vector<16xi32>
          %swap3A_313 = arith.constant 48 : index
          %swap3A_314 = tpu.vector_load %arg15[%swap3A_313] {strides = array<i32>} : memref<64xi32, #tpu.memory_space<vmem>>, vector<16xi32>,
          %swap3A_315 = vector.shape_cast %swap3A_314 : vector<16xi32> to vector<16xi32>
          %swap3A_316 = vector.shape_cast %get3A_312 : vector<16xi32> to vector<16xi32>
          tpu.vector_store %arg15[%swap3A_313], %swap3A_316 {strides = array<i32>} : memref<64xi32, #tpu.memory_space<vmem>>, vector<16xi32>,
          %dma_start3A_317 = arith.constant 0 : i32
          %dma_start3A_318 = arith.constant 0 : i32
          %dma_start3A_319 = tpu.memref_slice %arg2[%dma_start3A_317, %dma_start3A_318] : memref<20000x128xf32, #tpu.memory_space<hbm>> -> memref<20000x128xf32, #tpu.memory_space<hbm>>
          tpu.enqueue_indirect_dma source(%dma_start3A_319 : memref<20000x128xf32, #tpu.memory_space<hbm>>) target(%arg18 : memref<64x128xf32, #tpu.memory_space<vmem>>) offsets(%arg14 : memref<64xi32, #tpu.memory_space<vmem>>) semaphore(%arg21 : memref<!tpu.dma_semaphore, #tpu.memory_space<semaphore_mem>>)
        } else {
        }
        %dma_wait3A = arith.constant 0 : i32
        %dma_wait3A_233 = arith.constant 0 : i32
        %dma_wait3A_234 = tpu.memref_slice %arg2[%dma_wait3A, %dma_wait3A_233] : memref<20000x128xf32, #tpu.memory_space<hbm>> -> memref<20000x128xf32, #tpu.memory_space<hbm>>
        tpu.wait_indirect_dma semaphore(%arg19 : memref<!tpu.dma_semaphore, #tpu.memory_space<semaphore_mem>>) src(%dma_wait3A_234 : memref<20000x128xf32, #tpu.memory_space<hbm>>) dst(%arg16 : memref<64x128xf32, #tpu.memory_space<vmem>>)
        "tpu.region"() ({
          %run_scoped3A = tpu.sem_alloc : memref<!tpu.dma_semaphore, #tpu.memory_space<semaphore_mem>>
          %dma_start3A_235 = arith.constant 0 : i32
          %dma_start3A_236 = arith.constant 0 : i32
          %dma_start3A_237 = tpu.memref_slice %arg7[%dma_start3A_235, %dma_start3A_236] : memref<10000x128xf32, #tpu.memory_space<vmem_shared>> -> memref<10000x128xf32, #tpu.memory_space<vmem_shared>>
          tpu.enqueue_indirect_dma source(%arg16 : memref<64x128xf32, #tpu.memory_space<vmem>>) target(%dma_start3A_237 : memref<10000x128xf32, #tpu.memory_space<vmem_shared>>) offsets(%arg11 : memref<64xi32, #tpu.memory_space<vmem>>) semaphore(%run_scoped3A : memref<!tpu.dma_semaphore, #tpu.memory_space<semaphore_mem>>) {add = true}
          %dma_wait3A_238 = arith.constant 0 : i32
          %dma_wait3A_239 = arith.constant 0 : i32
          %dma_wait3A_240 = tpu.memref_slice %arg7[%dma_wait3A_238, %dma_wait3A_239] : memref<10000x128xf32, #tpu.memory_space<vmem_shared>> -> memref<10000x128xf32, #tpu.memory_space<vmem_shared>>
          tpu.wait_indirect_dma semaphore(%run_scoped3A : memref<!tpu.dma_semaphore, #tpu.memory_space<semaphore_mem>>) src(%arg16 : memref<64x128xf32, #tpu.memory_space<vmem>>) dst(%dma_wait3A_240 : memref<10000x128xf32, #tpu.memory_space<vmem_shared>>)
          tpu.yield
        }) : () -> ()
      } else {
      }
      %jit3A_185 = arith.constant 3 : i32
      %eq3A_186 = arith.constant 0 : i32
      %eq3A_187 = arith.cmpi eq, %jit3A_185, %eq3A_186 : i32
      %jit3A_188 = arith.constant 1 : i32
      %select_n3A_189 = arith.select %eq3A_187, %jit3A_188, %jit3A_185 : i32
      %rem3A_190 = arith.remsi %while3A_167, %select_n3A_189 : i32
      %ne3A_191 = arith.constant 0 : i32
      %ne3A_192 = arith.cmpi ne, %rem3A_190, %ne3A_191 : i32
      %lt3A_193 = arith.constant 0 : i32
      %lt3A_194 = arith.cmpi slt, %rem3A_190, %lt3A_193 : i32
      %lt3A_195 = arith.constant 0 : i32
      %lt3A_196 = arith.cmpi slt, %select_n3A_189, %lt3A_195 : i32
      %ne3A_197 = arith.xori %lt3A_194, %lt3A_196 : i1
      %and3A_198 = arith.andi %ne3A_197, %ne3A_192 : i1
      %add3A_199 = arith.addi %rem3A_190, %select_n3A_189 : i32
      %select_n3A_200 = arith.select %and3A_198, %add3A_199, %rem3A_190 : i32
      %eq3A_201 = arith.constant 1 : i32
      %eq3A_202 = arith.cmpi eq, %select_n3A_200, %eq3A_201 : i32
      %convert_element_type3A_203 = arith.extui %eq3A_202 : i1 to i32
      %cond3A_204 = arith.constant 0 : i32
      %cond3A_205 = arith.cmpi ne, %convert_element_type3A_203, %cond3A_204 : i32
      scf.if %cond3A_205 {
        %add3A_227 = arith.constant 2 : i32
        %add3A_228 = arith.addi %while3A_167, %add3A_227 : i32
        %lt3A_229 = arith.cmpi slt, %add3A_228, %select_n3A : i32
        %convert_element_type3A_230 = arith.extui %lt3A_229 : i1 to i32
        %cond3A_231 = arith.constant 0 : i32
        %cond3A_232 = arith.cmpi ne, %convert_element_type3A_230, %cond3A_231 : i32
        scf.if %cond3A_232 {
          %add3A_235 = arith.constant 2 : i32
          %add3A_236 = arith.addi %while3A_167, %add3A_235 : i32
          %mul3A_237 = arith.constant 64 : i32
          %mul3A_238 = arith.muli %add3A_236, %mul3A_237 : i32
          %add3A_239 = arith.constant 0 : i32
          %add3A_240 = arith.addi %mul3A_238, %add3A_239 : i32
          %get3A_241 = arith.index_cast %add3A_240 : i32 to index
          %get3A_242 = tpu.vector_load %arg8[%get3A_241] {strides = array<i32>} : memref<10240xi32, #tpu.memory_space<vmem>>, vector<16xi32>,
          %get3A_243 = vector.shape_cast %get3A_242 : vector<16xi32> to vector<16xi32>
          %add3A_244 = vector.broadcast %mul3A_4 : i32 to vector<16xi32>
          %add3A_245 = arith.addi %get3A_243, %add3A_244 : vector<16xi32>
          %swap3A_246 = arith.constant 0 : index
          %swap3A_247 = tpu.vector_load %arg10[%swap3A_246] {strides = array<i32>} : memref<64xi32, #tpu.memory_space<vmem>>, vector<16xi32>,
          %swap3A_248 = vector.shape_cast %swap3A_247 : vector<16xi32> to vector<16xi32>
          %swap3A_249 = vector.shape_cast %add3A_245 : vector<16xi32> to vector<16xi32>
          tpu.vector_store %arg10[%swap3A_246], %swap3A_249 {strides = array<i32>} : memref<64xi32, #tpu.memory_space<vmem>>, vector<16xi32>,
          %get3A_250 = arith.index_cast %add3A_240 : i32 to index
          %get3A_251 = tpu.vector_load %arg9[%get3A_250] {strides = array<i32>} : memref<10240xi32, #tpu.memory_space<vmem>>, vector<16xi32>,
          %get3A_252 = vector.shape_cast %get3A_251 : vector<16xi32> to vector<16xi32>
          %swap3A_253 = arith.constant 0 : index
          %swap3A_254 = tpu.vector_load %arg11[%swap3A_253] {strides = array<i32>} : memref<64xi32, #tpu.memory_space<vmem>>, vector<16xi32>,
          %swap3A_255 = vector.shape_cast %swap3A_254 : vector<16xi32> to vector<16xi32>
          %swap3A_256 = vector.shape_cast %get3A_252 : vector<16xi32> to vector<16xi32>
          tpu.vector_store %arg11[%swap3A_253], %swap3A_256 {strides = array<i32>} : memref<64xi32, #tpu.memory_space<vmem>>, vector<16xi32>,
          %mul3A_257 = arith.constant 64 : i32
          %mul3A_258 = arith.muli %add3A_236, %mul3A_257 : i32
          %add3A_259 = arith.constant 16 : i32
          %add3A_260 = arith.addi %mul3A_258, %add3A_259 : i32
          %get3A_261 = arith.index_cast %add3A_260 : i32 to index
          %get3A_262 = tpu.vector_load %arg8[%get3A_261] {strides = array<i32>} : memref<10240xi32, #tpu.memory_space<vmem>>, vector<16xi32>,
          %get3A_263 = vector.shape_cast %get3A_262 : vector<16xi32> to vector<16xi32>
          %add3A_264 = vector.broadcast %mul3A_4 : i32 to vector<16xi32>
          %add3A_265 = arith.addi %get3A_263, %add3A_264 : vector<16xi32>
          %swap3A_266 = arith.constant 16 : index
          %swap3A_267 = tpu.vector_load %arg10[%swap3A_266] {strides = array<i32>} : memref<64xi32, #tpu.memory_space<vmem>>, vector<16xi32>,
          %swap3A_268 = vector.shape_cast %swap3A_267 : vector<16xi32> to vector<16xi32>
          %swap3A_269 = vector.shape_cast %add3A_265 : vector<16xi32> to vector<16xi32>
          tpu.vector_store %arg10[%swap3A_266], %swap3A_269 {strides = array<i32>} : memref<64xi32, #tpu.memory_space<vmem>>, vector<16xi32>,
          %get3A_270 = arith.index_cast %add3A_260 : i32 to index
          %get3A_271 = tpu.vector_load %arg9[%get3A_270] {strides = array<i32>} : memref<10240xi32, #tpu.memory_space<vmem>>, vector<16xi32>,
          %get3A_272 = vector.shape_cast %get3A_271 : vector<16xi32> to vector<16xi32>
          %swap3A_273 = arith.constant 16 : index
          %swap3A_274 = tpu.vector_load %arg11[%swap3A_273] {strides = array<i32>} : memref<64xi32, #tpu.memory_space<vmem>>, vector<16xi32>,
          %swap3A_275 = vector.shape_cast %swap3A_274 : vector<16xi32> to vector<16xi32>
          %swap3A_276 = vector.shape_cast %get3A_272 : vector<16xi32> to vector<16xi32>
          tpu.vector_store %arg11[%swap3A_273], %swap3A_276 {strides = array<i32>} : memref<64xi32, #tpu.memory_space<vmem>>, vector<16xi32>,
          %mul3A_277 = arith.constant 64 : i32
          %mul3A_278 = arith.muli %add3A_236, %mul3A_277 : i32
          %add3A_279 = arith.constant 32 : i32
          %add3A_280 = arith.addi %mul3A_278, %add3A_279 : i32
          %get3A_281 = arith.index_cast %add3A_280 : i32 to index
          %get3A_282 = tpu.vector_load %arg8[%get3A_281] {strides = array<i32>} : memref<10240xi32, #tpu.memory_space<vmem>>, vector<16xi32>,
          %get3A_283 = vector.shape_cast %get3A_282 : vector<16xi32> to vector<16xi32>
          %add3A_284 = vector.broadcast %mul3A_4 : i32 to vector<16xi32>
          %add3A_285 = arith.addi %get3A_283, %add3A_284 : vector<16xi32>
          %swap3A_286 = arith.constant 32 : index
          %swap3A_287 = tpu.vector_load %arg10[%swap3A_286] {strides = array<i32>} : memref<64xi32, #tpu.memory_space<vmem>>, vector<16xi32>,
          %swap3A_288 = vector.shape_cast %swap3A_287 : vector<16xi32> to vector<16xi32>
          %swap3A_289 = vector.shape_cast %add3A_285 : vector<16xi32> to vector<16xi32>
          tpu.vector_store %arg10[%swap3A_286], %swap3A_289 {strides = array<i32>} : memref<64xi32, #tpu.memory_space<vmem>>, vector<16xi32>,
          %get3A_290 = arith.index_cast %add3A_280 : i32 to index
          %get3A_291 = tpu.vector_load %arg9[%get3A_290] {strides = array<i32>} : memref<10240xi32, #tpu.memory_space<vmem>>, vector<16xi32>,
          %get3A_292 = vector.shape_cast %get3A_291 : vector<16xi32> to vector<16xi32>
          %swap3A_293 = arith.constant 32 : index
          %swap3A_294 = tpu.vector_load %arg11[%swap3A_293] {strides = array<i32>} : memref<64xi32, #tpu.memory_space<vmem>>, vector<16xi32>,
          %swap3A_295 = vector.shape_cast %swap3A_294 : vector<16xi32> to vector<16xi32>
          %swap3A_296 = vector.shape_cast %get3A_292 : vector<16xi32> to vector<16xi32>
          tpu.vector_store %arg11[%swap3A_293], %swap3A_296 {strides = array<i32>} : memref<64xi32, #tpu.memory_space<vmem>>, vector<16xi32>,
          %mul3A_297 = arith.constant 64 : i32
          %mul3A_298 = arith.muli %add3A_236, %mul3A_297 : i32
          %add3A_299 = arith.constant 48 : i32
          %add3A_300 = arith.addi %mul3A_298, %add3A_299 : i32
          %get3A_301 = arith.index_cast %add3A_300 : i32 to index
          %get3A_302 = tpu.vector_load %arg8[%get3A_301] {strides = array<i32>} : memref<10240xi32, #tpu.memory_space<vmem>>, vector<16xi32>,
          %get3A_303 = vector.shape_cast %get3A_302 : vector<16xi32> to vector<16xi32>
          %add3A_304 = vector.broadcast %mul3A_4 : i32 to vector<16xi32>
          %add3A_305 = arith.addi %get3A_303, %add3A_304 : vector<16xi32>
          %swap3A_306 = arith.constant 48 : index
          %swap3A_307 = tpu.vector_load %arg10[%swap3A_306] {strides = array<i32>} : memref<64xi32, #tpu.memory_space<vmem>>, vector<16xi32>,
          %swap3A_308 = vector.shape_cast %swap3A_307 : vector<16xi32> to vector<16xi32>
          %swap3A_309 = vector.shape_cast %add3A_305 : vector<16xi32> to vector<16xi32>
          tpu.vector_store %arg10[%swap3A_306], %swap3A_309 {strides = array<i32>} : memref<64xi32, #tpu.memory_space<vmem>>, vector<16xi32>,
          %get3A_310 = arith.index_cast %add3A_300 : i32 to index
          %get3A_311 = tpu.vector_load %arg9[%get3A_310] {strides = array<i32>} : memref<10240xi32, #tpu.memory_space<vmem>>, vector<16xi32>,
          %get3A_312 = vector.shape_cast %get3A_311 : vector<16xi32> to vector<16xi32>
          %swap3A_313 = arith.constant 48 : index
          %swap3A_314 = tpu.vector_load %arg11[%swap3A_313] {strides = array<i32>} : memref<64xi32, #tpu.memory_space<vmem>>, vector<16xi32>,
          %swap3A_315 = vector.shape_cast %swap3A_314 : vector<16xi32> to vector<16xi32>
          %swap3A_316 = vector.shape_cast %get3A_312 : vector<16xi32> to vector<16xi32>
          tpu.vector_store %arg11[%swap3A_313], %swap3A_316 {strides = array<i32>} : memref<64xi32, #tpu.memory_space<vmem>>, vector<16xi32>,
          %dma_start3A_317 = arith.constant 0 : i32
          %dma_start3A_318 = arith.constant 0 : i32
          %dma_start3A_319 = tpu.memref_slice %arg2[%dma_start3A_317, %dma_start3A_318] : memref<20000x128xf32, #tpu.memory_space<hbm>> -> memref<20000x128xf32, #tpu.memory_space<hbm>>
          tpu.enqueue_indirect_dma source(%dma_start3A_319 : memref<20000x128xf32, #tpu.memory_space<hbm>>) target(%arg16 : memref<64x128xf32, #tpu.memory_space<vmem>>) offsets(%arg10 : memref<64xi32, #tpu.memory_space<vmem>>) semaphore(%arg19 : memref<!tpu.dma_semaphore, #tpu.memory_space<semaphore_mem>>)
        } else {
        }
        %dma_wait3A = arith.constant 0 : i32
        %dma_wait3A_233 = arith.constant 0 : i32
        %dma_wait3A_234 = tpu.memref_slice %arg2[%dma_wait3A, %dma_wait3A_233] : memref<20000x128xf32, #tpu.memory_space<hbm>> -> memref<20000x128xf32, #tpu.memory_space<hbm>>
        tpu.wait_indirect_dma semaphore(%arg20 : memref<!tpu.dma_semaphore, #tpu.memory_space<semaphore_mem>>) src(%dma_wait3A_234 : memref<20000x128xf32, #tpu.memory_space<hbm>>) dst(%arg17 : memref<64x128xf32, #tpu.memory_space<vmem>>)
        "tpu.region"() ({
          %run_scoped3A = tpu.sem_alloc : memref<!tpu.dma_semaphore, #tpu.memory_space<semaphore_mem>>
          %dma_start3A_235 = arith.constant 0 : i32
          %dma_start3A_236 = arith.constant 0 : i32
          %dma_start3A_237 = tpu.memref_slice %arg7[%dma_start3A_235, %dma_start3A_236] : memref<10000x128xf32, #tpu.memory_space<vmem_shared>> -> memref<10000x128xf32, #tpu.memory_space<vmem_shared>>
          tpu.enqueue_indirect_dma source(%arg17 : memref<64x128xf32, #tpu.memory_space<vmem>>) target(%dma_start3A_237 : memref<10000x128xf32, #tpu.memory_space<vmem_shared>>) offsets(%arg13 : memref<64xi32, #tpu.memory_space<vmem>>) semaphore(%run_scoped3A : memref<!tpu.dma_semaphore, #tpu.memory_space<semaphore_mem>>) {add = true}
          %dma_wait3A_238 = arith.constant 0 : i32
          %dma_wait3A_239 = arith.constant 0 : i32
          %dma_wait3A_240 = tpu.memref_slice %arg7[%dma_wait3A_238, %dma_wait3A_239] : memref<10000x128xf32, #tpu.memory_space<vmem_shared>> -> memref<10000x128xf32, #tpu.memory_space<vmem_shared>>
          tpu.wait_indirect_dma semaphore(%run_scoped3A : memref<!tpu.dma_semaphore, #tpu.memory_space<semaphore_mem>>) src(%arg17 : memref<64x128xf32, #tpu.memory_space<vmem>>) dst(%dma_wait3A_240 : memref<10000x128xf32, #tpu.memory_space<vmem_shared>>)
          tpu.yield
        }) : () -> ()
      } else {
      }
      %jit3A_206 = arith.constant 3 : i32
      %eq3A_207 = arith.constant 0 : i32
      %eq3A_208 = arith.cmpi eq, %jit3A_206, %eq3A_207 : i32
      %jit3A_209 = arith.constant 1 : i32
      %select_n3A_210 = arith.select %eq3A_208, %jit3A_209, %jit3A_206 : i32
      %rem3A_211 = arith.remsi %while3A_167, %select_n3A_210 : i32
      %ne3A_212 = arith.constant 0 : i32
      %ne3A_213 = arith.cmpi ne, %rem3A_211, %ne3A_212 : i32
      %lt3A_214 = arith.constant 0 : i32
      %lt3A_215 = arith.cmpi slt, %rem3A_211, %lt3A_214 : i32
      %lt3A_216 = arith.constant 0 : i32
      %lt3A_217 = arith.cmpi slt, %select_n3A_210, %lt3A_216 : i32
      %ne3A_218 = arith.xori %lt3A_215, %lt3A_217 : i1
      %and3A_219 = arith.andi %ne3A_218, %ne3A_213 : i1
      %add3A_220 = arith.addi %rem3A_211, %select_n3A_210 : i32
      %select_n3A_221 = arith.select %and3A_219, %add3A_220, %rem3A_211 : i32
      %eq3A_222 = arith.constant 2 : i32
      %eq3A_223 = arith.cmpi eq, %select_n3A_221, %eq3A_222 : i32
      %convert_element_type3A_224 = arith.extui %eq3A_223 : i1 to i32
      %cond3A_225 = arith.constant 0 : i32
      %cond3A_226 = arith.cmpi ne, %convert_element_type3A_224, %cond3A_225 : i32
      scf.if %cond3A_226 {
        %add3A_227 = arith.constant 2 : i32
        %add3A_228 = arith.addi %while3A_167, %add3A_227 : i32
        %lt3A_229 = arith.cmpi slt, %add3A_228, %select_n3A : i32
        %convert_element_type3A_230 = arith.extui %lt3A_229 : i1 to i32
        %cond3A_231 = arith.constant 0 : i32
        %cond3A_232 = arith.cmpi ne, %convert_element_type3A_230, %cond3A_231 : i32
        scf.if %cond3A_232 {
          %add3A_235 = arith.constant 2 : i32
          %add3A_236 = arith.addi %while3A_167, %add3A_235 : i32
          %mul3A_237 = arith.constant 64 : i32
          %mul3A_238 = arith.muli %add3A_236, %mul3A_237 : i32
          %add3A_239 = arith.constant 0 : i32
          %add3A_240 = arith.addi %mul3A_238, %add3A_239 : i32
          %get3A_241 = arith.index_cast %add3A_240 : i32 to index
          %get3A_242 = tpu.vector_load %arg8[%get3A_241] {strides = array<i32>} : memref<10240xi32, #tpu.memory_space<vmem>>, vector<16xi32>,
          %get3A_243 = vector.shape_cast %get3A_242 : vector<16xi32> to vector<16xi32>
          %add3A_244 = vector.broadcast %mul3A_4 : i32 to vector<16xi32>
          %add3A_245 = arith.addi %get3A_243, %add3A_244 : vector<16xi32>
          %swap3A_246 = arith.constant 0 : index
          %swap3A_247 = tpu.vector_load %arg12[%swap3A_246] {strides = array<i32>} : memref<64xi32, #tpu.memory_space<vmem>>, vector<16xi32>,
          %swap3A_248 = vector.shape_cast %swap3A_247 : vector<16xi32> to vector<16xi32>
          %swap3A_249 = vector.shape_cast %add3A_245 : vector<16xi32> to vector<16xi32>
          tpu.vector_store %arg12[%swap3A_246], %swap3A_249 {strides = array<i32>} : memref<64xi32, #tpu.memory_space<vmem>>, vector<16xi32>,
          %get3A_250 = arith.index_cast %add3A_240 : i32 to index
          %get3A_251 = tpu.vector_load %arg9[%get3A_250] {strides = array<i32>} : memref<10240xi32, #tpu.memory_space<vmem>>, vector<16xi32>,
          %get3A_252 = vector.shape_cast %get3A_251 : vector<16xi32> to vector<16xi32>
          %swap3A_253 = arith.constant 0 : index
          %swap3A_254 = tpu.vector_load %arg13[%swap3A_253] {strides = array<i32>} : memref<64xi32, #tpu.memory_space<vmem>>, vector<16xi32>,
          %swap3A_255 = vector.shape_cast %swap3A_254 : vector<16xi32> to vector<16xi32>
          %swap3A_256 = vector.shape_cast %get3A_252 : vector<16xi32> to vector<16xi32>
          tpu.vector_store %arg13[%swap3A_253], %swap3A_256 {strides = array<i32>} : memref<64xi32, #tpu.memory_space<vmem>>, vector<16xi32>,
          %mul3A_257 = arith.constant 64 : i32
          %mul3A_258 = arith.muli %add3A_236, %mul3A_257 : i32
          %add3A_259 = arith.constant 16 : i32
          %add3A_260 = arith.addi %mul3A_258, %add3A_259 : i32
          %get3A_261 = arith.index_cast %add3A_260 : i32 to index
          %get3A_262 = tpu.vector_load %arg8[%get3A_261] {strides = array<i32>} : memref<10240xi32, #tpu.memory_space<vmem>>, vector<16xi32>,
          %get3A_263 = vector.shape_cast %get3A_262 : vector<16xi32> to vector<16xi32>
          %add3A_264 = vector.broadcast %mul3A_4 : i32 to vector<16xi32>
          %add3A_265 = arith.addi %get3A_263, %add3A_264 : vector<16xi32>
          %swap3A_266 = arith.constant 16 : index
          %swap3A_267 = tpu.vector_load %arg12[%swap3A_266] {strides = array<i32>} : memref<64xi32, #tpu.memory_space<vmem>>, vector<16xi32>,
          %swap3A_268 = vector.shape_cast %swap3A_267 : vector<16xi32> to vector<16xi32>
          %swap3A_269 = vector.shape_cast %add3A_265 : vector<16xi32> to vector<16xi32>
          tpu.vector_store %arg12[%swap3A_266], %swap3A_269 {strides = array<i32>} : memref<64xi32, #tpu.memory_space<vmem>>, vector<16xi32>,
          %get3A_270 = arith.index_cast %add3A_260 : i32 to index
          %get3A_271 = tpu.vector_load %arg9[%get3A_270] {strides = array<i32>} : memref<10240xi32, #tpu.memory_space<vmem>>, vector<16xi32>,
          %get3A_272 = vector.shape_cast %get3A_271 : vector<16xi32> to vector<16xi32>
          %swap3A_273 = arith.constant 16 : index
          %swap3A_274 = tpu.vector_load %arg13[%swap3A_273] {strides = array<i32>} : memref<64xi32, #tpu.memory_space<vmem>>, vector<16xi32>,
          %swap3A_275 = vector.shape_cast %swap3A_274 : vector<16xi32> to vector<16xi32>
          %swap3A_276 = vector.shape_cast %get3A_272 : vector<16xi32> to vector<16xi32>
          tpu.vector_store %arg13[%swap3A_273], %swap3A_276 {strides = array<i32>} : memref<64xi32, #tpu.memory_space<vmem>>, vector<16xi32>,
          %mul3A_277 = arith.constant 64 : i32
          %mul3A_278 = arith.muli %add3A_236, %mul3A_277 : i32
          %add3A_279 = arith.constant 32 : i32
          %add3A_280 = arith.addi %mul3A_278, %add3A_279 : i32
          %get3A_281 = arith.index_cast %add3A_280 : i32 to index
          %get3A_282 = tpu.vector_load %arg8[%get3A_281] {strides = array<i32>} : memref<10240xi32, #tpu.memory_space<vmem>>, vector<16xi32>,
          %get3A_283 = vector.shape_cast %get3A_282 : vector<16xi32> to vector<16xi32>
          %add3A_284 = vector.broadcast %mul3A_4 : i32 to vector<16xi32>
          %add3A_285 = arith.addi %get3A_283, %add3A_284 : vector<16xi32>
          %swap3A_286 = arith.constant 32 : index
          %swap3A_287 = tpu.vector_load %arg12[%swap3A_286] {strides = array<i32>} : memref<64xi32, #tpu.memory_space<vmem>>, vector<16xi32>,
          %swap3A_288 = vector.shape_cast %swap3A_287 : vector<16xi32> to vector<16xi32>
          %swap3A_289 = vector.shape_cast %add3A_285 : vector<16xi32> to vector<16xi32>
          tpu.vector_store %arg12[%swap3A_286], %swap3A_289 {strides = array<i32>} : memref<64xi32, #tpu.memory_space<vmem>>, vector<16xi32>,
          %get3A_290 = arith.index_cast %add3A_280 : i32 to index
          %get3A_291 = tpu.vector_load %arg9[%get3A_290] {strides = array<i32>} : memref<10240xi32, #tpu.memory_space<vmem>>, vector<16xi32>,
          %get3A_292 = vector.shape_cast %get3A_291 : vector<16xi32> to vector<16xi32>
          %swap3A_293 = arith.constant 32 : index
          %swap3A_294 = tpu.vector_load %arg13[%swap3A_293] {strides = array<i32>} : memref<64xi32, #tpu.memory_space<vmem>>, vector<16xi32>,
          %swap3A_295 = vector.shape_cast %swap3A_294 : vector<16xi32> to vector<16xi32>
          %swap3A_296 = vector.shape_cast %get3A_292 : vector<16xi32> to vector<16xi32>
          tpu.vector_store %arg13[%swap3A_293], %swap3A_296 {strides = array<i32>} : memref<64xi32, #tpu.memory_space<vmem>>, vector<16xi32>,
          %mul3A_297 = arith.constant 64 : i32
          %mul3A_298 = arith.muli %add3A_236, %mul3A_297 : i32
          %add3A_299 = arith.constant 48 : i32
          %add3A_300 = arith.addi %mul3A_298, %add3A_299 : i32
          %get3A_301 = arith.index_cast %add3A_300 : i32 to index
          %get3A_302 = tpu.vector_load %arg8[%get3A_301] {strides = array<i32>} : memref<10240xi32, #tpu.memory_space<vmem>>, vector<16xi32>,
          %get3A_303 = vector.shape_cast %get3A_302 : vector<16xi32> to vector<16xi32>
          %add3A_304 = vector.broadcast %mul3A_4 : i32 to vector<16xi32>
          %add3A_305 = arith.addi %get3A_303, %add3A_304 : vector<16xi32>
          %swap3A_306 = arith.constant 48 : index
          %swap3A_307 = tpu.vector_load %arg12[%swap3A_306] {strides = array<i32>} : memref<64xi32, #tpu.memory_space<vmem>>, vector<16xi32>,
          %swap3A_308 = vector.shape_cast %swap3A_307 : vector<16xi32> to vector<16xi32>
          %swap3A_309 = vector.shape_cast %add3A_305 : vector<16xi32> to vector<16xi32>
          tpu.vector_store %arg12[%swap3A_306], %swap3A_309 {strides = array<i32>} : memref<64xi32, #tpu.memory_space<vmem>>, vector<16xi32>,
          %get3A_310 = arith.index_cast %add3A_300 : i32 to index
          %get3A_311 = tpu.vector_load %arg9[%get3A_310] {strides = array<i32>} : memref<10240xi32, #tpu.memory_space<vmem>>, vector<16xi32>,
          %get3A_312 = vector.shape_cast %get3A_311 : vector<16xi32> to vector<16xi32>
          %swap3A_313 = arith.constant 48 : index
          %swap3A_314 = tpu.vector_load %arg13[%swap3A_313] {strides = array<i32>} : memref<64xi32, #tpu.memory_space<vmem>>, vector<16xi32>,
          %swap3A_315 = vector.shape_cast %swap3A_314 : vector<16xi32> to vector<16xi32>
          %swap3A_316 = vector.shape_cast %get3A_312 : vector<16xi32> to vector<16xi32>
          tpu.vector_store %arg13[%swap3A_313], %swap3A_316 {strides = array<i32>} : memref<64xi32, #tpu.memory_space<vmem>>, vector<16xi32>,
          %dma_start3A_317 = arith.constant 0 : i32
          %dma_start3A_318 = arith.constant 0 : i32
          %dma_start3A_319 = tpu.memref_slice %arg2[%dma_start3A_317, %dma_start3A_318] : memref<20000x128xf32, #tpu.memory_space<hbm>> -> memref<20000x128xf32, #tpu.memory_space<hbm>>
          tpu.enqueue_indirect_dma source(%dma_start3A_319 : memref<20000x128xf32, #tpu.memory_space<hbm>>) target(%arg17 : memref<64x128xf32, #tpu.memory_space<vmem>>) offsets(%arg12 : memref<64xi32, #tpu.memory_space<vmem>>) semaphore(%arg20 : memref<!tpu.dma_semaphore, #tpu.memory_space<semaphore_mem>>)
        } else {
        }
        %dma_wait3A = arith.constant 0 : i32
        %dma_wait3A_233 = arith.constant 0 : i32
        %dma_wait3A_234 = tpu.memref_slice %arg2[%dma_wait3A, %dma_wait3A_233] : memref<20000x128xf32, #tpu.memory_space<hbm>> -> memref<20000x128xf32, #tpu.memory_space<hbm>>
        tpu.wait_indirect_dma semaphore(%arg21 : memref<!tpu.dma_semaphore, #tpu.memory_space<semaphore_mem>>) src(%dma_wait3A_234 : memref<20000x128xf32, #tpu.memory_space<hbm>>) dst(%arg18 : memref<64x128xf32, #tpu.memory_space<vmem>>)
        "tpu.region"() ({
          %run_scoped3A = tpu.sem_alloc : memref<!tpu.dma_semaphore, #tpu.memory_space<semaphore_mem>>
          %dma_start3A_235 = arith.constant 0 : i32
          %dma_start3A_236 = arith.constant 0 : i32
          %dma_start3A_237 = tpu.memref_slice %arg7[%dma_start3A_235, %dma_start3A_236] : memref<10000x128xf32, #tpu.memory_space<vmem_shared>> -> memref<10000x128xf32, #tpu.memory_space<vmem_shared>>
          tpu.enqueue_indirect_dma source(%arg18 : memref<64x128xf32, #tpu.memory_space<vmem>>) target(%dma_start3A_237 : memref<10000x128xf32, #tpu.memory_space<vmem_shared>>) offsets(%arg15 : memref<64xi32, #tpu.memory_space<vmem>>) semaphore(%run_scoped3A : memref<!tpu.dma_semaphore, #tpu.memory_space<semaphore_mem>>) {add = true}
          %dma_wait3A_238 = arith.constant 0 : i32
          %dma_wait3A_239 = arith.constant 0 : i32
          %dma_wait3A_240 = tpu.memref_slice %arg7[%dma_wait3A_238, %dma_wait3A_239] : memref<10000x128xf32, #tpu.memory_space<vmem_shared>> -> memref<10000x128xf32, #tpu.memory_space<vmem_shared>>
          tpu.wait_indirect_dma semaphore(%run_scoped3A : memref<!tpu.dma_semaphore, #tpu.memory_space<semaphore_mem>>) src(%arg18 : memref<64x128xf32, #tpu.memory_space<vmem>>) dst(%dma_wait3A_240 : memref<10000x128xf32, #tpu.memory_space<vmem_shared>>)
          tpu.yield
        }) : () -> ()
      } else {
      }
    }
    %barrier3A_154 = arith.constant 0 : index
    tpu.barrier barrier_id(%barrier3A_154)
    %mul3A_155 = arith.constant 624 : i32
    %mul3A_156 = arith.muli %arg1, %mul3A_155 : i32
    %mul3A_157 = arith.constant 10000 : i32
    %mul3A_158 = arith.muli %arg0, %mul3A_157 : i32
    %mul3A_159 = arith.constant 624 : i32
    %mul3A_160 = arith.muli %arg1, %mul3A_159 : i32
    %add3A_161 = arith.addi %mul3A_158, %mul3A_160 : i32
    "tpu.region"() ({
      %run_scoped3A = tpu.sem_alloc : memref<!tpu.dma_semaphore, #tpu.memory_space<semaphore_mem>>
      %dma_start3A_167 = arith.constant 0 : i32
      %dma_start3A_168 = tpu.memref_slice %arg6[%add3A_161, %dma_start3A_167] : memref<20000x128xf32, #tpu.memory_space<hbm>> -> memref<624x128xf32, #tpu.memory_space<hbm>>
      %dma_start3A_169 = arith.constant 0 : i32
      %dma_start3A_170 = tpu.memref_slice %arg7[%mul3A_156, %dma_start3A_169] : memref<10000x128xf32, #tpu.memory_space<vmem_shared>> -> memref<624x128xf32, #tpu.memory_space<vmem_shared>>
      tpu.enqueue_dma source(%dma_start3A_170 : memref<624x128xf32, #tpu.memory_space<vmem_shared>>) target(%dma_start3A_168 : memref<624x128xf32, #tpu.memory_space<hbm>>) target_semaphore(%run_scoped3A : memref<!tpu.dma_semaphore, #tpu.memory_space<semaphore_mem>>)
      %dma_wait3A = arith.constant 0 : i32
      %dma_wait3A_171 = tpu.memref_slice %arg6[%add3A_161, %dma_wait3A] : memref<20000x128xf32, #tpu.memory_space<hbm>> -> memref<624x128xf32, #tpu.memory_space<hbm>>
      %dma_wait3A_172 = arith.constant 0 : i32
      %dma_wait3A_173 = tpu.memref_slice %arg7[%mul3A_156, %dma_wait3A_172] : memref<10000x128xf32, #tpu.memory_space<vmem_shared>> -> memref<624x128xf32, #tpu.memory_space<vmem_shared>>
      tpu.wait_dma2 semaphore(%run_scoped3A : memref<!tpu.dma_semaphore, #tpu.memory_space<semaphore_mem>>) src(%dma_wait3A_173 : memref<624x128xf32, #tpu.memory_space<vmem_shared>>) dst(%dma_wait3A_171 : memref<624x128xf32, #tpu.memory_space<hbm>>)
      tpu.yield
    }) : () -> ()
    %eq3A_162 = arith.constant 15 : i32
    %eq3A_163 = arith.cmpi eq, %arg1, %eq3A_162 : i32
    %convert_element_type3A_164 = arith.extui %eq3A_163 : i1 to i32
    %cond3A_165 = arith.constant 0 : i32
    %cond3A_166 = arith.cmpi ne, %convert_element_type3A_164, %cond3A_165 : i32
    scf.if %cond3A_166 {
      %mul3A_167 = arith.constant 10000 : i32
      %mul3A_168 = arith.muli %arg0, %mul3A_167 : i32
      %add3A_169 = arith.constant 9984 : i32
      %add3A_170 = arith.addi %mul3A_168, %add3A_169 : i32
      "tpu.region"() ({
        %run_scoped3A = tpu.sem_alloc : memref<!tpu.dma_semaphore, #tpu.memory_space<semaphore_mem>>
        %dma_start3A_171 = arith.constant 0 : i32
        %dma_start3A_172 = tpu.memref_slice %arg6[%add3A_170, %dma_start3A_171] : memref<20000x128xf32, #tpu.memory_space<hbm>> -> memref<16x128xf32, #tpu.memory_space<hbm>>
        %dma_start3A_173 = arith.constant 9984 : i32
        %dma_start3A_174 = arith.constant 0 : i32
        %dma_start3A_175 = tpu.memref_slice %arg7[%dma_start3A_173, %dma_start3A_174] : memref<10000x128xf32, #tpu.memory_space<vmem_shared>> -> memref<16x128xf32, #tpu.memory_space<vmem_shared>>
        tpu.enqueue_dma source(%dma_start3A_175 : memref<16x128xf32, #tpu.memory_space<vmem_shared>>) target(%dma_start3A_172 : memref<16x128xf32, #tpu.memory_space<hbm>>) target_semaphore(%run_scoped3A : memref<!tpu.dma_semaphore, #tpu.memory_space<semaphore_mem>>)
        %dma_wait3A = arith.constant 0 : i32
        %dma_wait3A_176 = tpu.memref_slice %arg6[%add3A_170, %dma_wait3A] : memref<20000x128xf32, #tpu.memory_space<hbm>> -> memref<16x128xf32, #tpu.memory_space<hbm>>
        %dma_wait3A_177 = arith.constant 9984 : i32
        %dma_wait3A_178 = arith.constant 0 : i32
        %dma_wait3A_179 = tpu.memref_slice %arg7[%dma_wait3A_177, %dma_wait3A_178] : memref<10000x128xf32, #tpu.memory_space<vmem_shared>> -> memref<16x128xf32, #tpu.memory_space<vmem_shared>>
        tpu.wait_dma2 semaphore(%run_scoped3A : memref<!tpu.dma_semaphore, #tpu.memory_space<semaphore_mem>>) src(%dma_wait3A_179 : memref<16x128xf32, #tpu.memory_space<vmem_shared>>) dst(%dma_wait3A_176 : memref<16x128xf32, #tpu.memory_space<hbm>>)
        tpu.yield
      }) : () -> ()
    } else {
    }
    return
  }
}

module attributes {stable_mosaic.version = 14 : i64} {
  func.func @kern(%arg0: i32, %arg1: i32, %arg2: memref<1000x256xf32, #tpu.memory_space<vmem>>, %arg3: memref<256x512xf32, #tpu.memory_space<vmem>>, %arg4: memref<512x128xf32, #tpu.memory_space<vmem>>, %arg5: memref<8x512xf32, #tpu.memory_space<vmem>>, %arg6: memref<1000x128xf32, #tpu.memory_space<vmem>>, %arg7: memref<8x128xf32, #tpu.memory_space<vmem>>, %arg8: memref<256x128xf32, #tpu.memory_space<vmem>>) attributes {dimension_semantics = [#tpu.dimension_semantics<arbitrary>, #tpu.dimension_semantics<arbitrary>], iteration_bounds = array<i64: 2, 10>, scalar_prefetch = 0 : i64, scratch_operands = 1 : i64, tpu.core_type = #tpu.core_type<tc>, window_params = [{transform_indices = @transform_0, window_bounds = array<i64: 1000, 256>}, {pipeline_mode = #tpu.pipeline_mode<synchronous>, transform_indices = @transform_1, window_bounds = array<i64: 256, 512>}, {transform_indices = @transform_2, window_bounds = array<i64: 512, 128>}, {pipeline_mode = #tpu.pipeline_mode<synchronous>, transform_indices = @transform_3, window_bounds = array<i64: 8, 512>}, {transform_indices = @transform_4, window_bounds = array<i64: 1000, 128>}, {transform_indices = @transform_5, window_bounds = array<i64: 8, 128>}]} {
    %eq3A = arith.constant 0 : i32
    %eq3A_0 = arith.cmpi eq, %arg1, %eq3A : i32
    %convert_element_type3A = arith.extui %eq3A_0 : i1 to i32
    %cond3A = arith.constant 0 : i32
    %cond3A_1 = arith.cmpi ne, %convert_element_type3A, %cond3A : i32
    scf.if %cond3A_1 {
      %get3A_10 = arith.constant 0 : index
      %get3A_11 = arith.constant 0 : index
      %get3A_12 = vector.load %arg3[%get3A_10, %get3A_11] : memref<256x512xf32, #tpu.memory_space<vmem>>, vector<256x512xf32>
      %get3A_13 = arith.constant 0 : index
      %get3A_14 = arith.constant 0 : index
      %get3A_15 = vector.load %arg4[%get3A_13, %get3A_14] : memref<512x128xf32, #tpu.memory_space<vmem>>, vector<512x128xf32>
      %dot_general3A_16 = arith.constant dense<0.000000e+00> : vector<256x128xf32>
      %dot_general3A_17 = tpu.matmul %get3A_12, %get3A_15, %dot_general3A_16 {dimension_numbers = #tpu.dot_dimension_numbers<[1], [0], [0], [1], [0, 0, 1, 1], [], []>, transpose_lhs_hint = false} : vector<256x512xf32>, vector<512x128xf32>, vector<256x128xf32> -> vector<256x128xf32>
      %swap3A_18 = arith.constant 0 : index
      %swap3A_19 = arith.constant 0 : index
      %swap3A_20 = vector.load %arg8[%swap3A_18, %swap3A_19] : memref<256x128xf32, #tpu.memory_space<vmem>>, vector<256x128xf32>
      tpu.vector_store %arg8[%swap3A_18, %swap3A_19], %dot_general3A_17 {strides = array<i32>} : memref<256x128xf32, #tpu.memory_space<vmem>>, vector<256x128xf32>,
      %get3A_21 = arith.constant 0 : index
      %get3A_22 = arith.constant 0 : index
      %get3A_23 = vector.load %arg5[%get3A_21, %get3A_22] : memref<8x512xf32, #tpu.memory_space<vmem>>, vector<8x512xf32>
      %get3A_24 = arith.constant 0 : index
      %get3A_25 = arith.constant 0 : index
      %get3A_26 = vector.load %arg4[%get3A_24, %get3A_25] : memref<512x128xf32, #tpu.memory_space<vmem>>, vector<512x128xf32>
      %dot_general3A_27 = arith.constant dense<0.000000e+00> : vector<8x128xf32>
      %dot_general3A_28 = tpu.matmul %get3A_23, %get3A_26, %dot_general3A_27 {dimension_numbers = #tpu.dot_dimension_numbers<[1], [0], [0], [1], [0, 0, 1, 1], [], []>, transpose_lhs_hint = false} : vector<8x512xf32>, vector<512x128xf32>, vector<8x128xf32> -> vector<8x128xf32>
      %swap3A_29 = arith.constant 0 : index
      %swap3A_30 = arith.constant 0 : index
      %swap3A_31 = vector.load %arg7[%swap3A_29, %swap3A_30] : memref<8x128xf32, #tpu.memory_space<vmem>>, vector<8x128xf32>
      tpu.vector_store %arg7[%swap3A_29, %swap3A_30], %dot_general3A_28 {strides = array<i32>} : memref<8x128xf32, #tpu.memory_space<vmem>>, vector<8x128xf32>,
    } else {
    }
    %get3A = arith.constant 0 : index
    %get3A_2 = arith.constant 0 : index
    %get3A_3 = vector.load %arg2[%get3A, %get3A_2] : memref<1000x256xf32, #tpu.memory_space<vmem>>, vector<1000x256xf32>
    %get3A_4 = arith.constant 0 : index
    %get3A_5 = arith.constant 0 : index
    %get3A_6 = vector.load %arg8[%get3A_4, %get3A_5] : memref<256x128xf32, #tpu.memory_space<vmem>>, vector<256x128xf32>
    %dot_general3A = arith.constant dense<0.000000e+00> : vector<1000x128xf32>
    %dot_general3A_7 = tpu.matmul %get3A_3, %get3A_6, %dot_general3A {dimension_numbers = #tpu.dot_dimension_numbers<[1], [0], [0], [1], [0, 0, 1, 1], [], []>, transpose_lhs_hint = false} : vector<1000x256xf32>, vector<256x128xf32>, vector<1000x128xf32> -> vector<1000x128xf32>
    %swap3A = arith.constant 0 : index
    %swap3A_8 = arith.constant 0 : index
    %swap3A_9 = vector.load %arg6[%swap3A, %swap3A_8] : memref<1000x128xf32, #tpu.memory_space<vmem>>, vector<1000x128xf32>
    tpu.vector_store %arg6[%swap3A, %swap3A_8], %dot_general3A_7 {strides = array<i32>} : memref<1000x128xf32, #tpu.memory_space<vmem>>, vector<1000x128xf32>,
    return
  }
  func.func @transform_0(%arg0: i32, %arg1: i32) -> (i32, i32) {
    %c0_i32 = arith.constant 0 : i32
    %c0_i32_0 = arith.constant 0 : i32
    return %arg1, %c0_i32 : i32, i32
  }
  func.func @transform_1(%arg0: i32, %arg1: i32) -> (i32, i32) {
    %c0_i32 = arith.constant 0 : i32
    %c0_i32_0 = arith.constant 0 : i32
    %c0_i32_1 = arith.constant 0 : i32
    return %c0_i32, %c0_i32_0 : i32, i32
  }
  func.func @transform_2(%arg0: i32, %arg1: i32) -> (i32, i32) {
    %c0_i32 = arith.constant 0 : i32
    %c0_i32_0 = arith.constant 0 : i32
    return %c0_i32, %arg0 : i32, i32
  }
  func.func @transform_3(%arg0: i32, %arg1: i32) -> (i32, i32) {
    %c0_i32 = arith.constant 0 : i32
    %c0_i32_0 = arith.constant 0 : i32
    %c0_i32_1 = arith.constant 0 : i32
    return %c0_i32, %c0_i32_0 : i32, i32
  }
  func.func @transform_4(%arg0: i32, %arg1: i32) -> (i32, i32) {
    %mul3A = arith.constant 10 : i32
    %mul3A_0 = arith.muli %arg0, %mul3A : i32
    %add3A = arith.addi %mul3A_0, %arg1 : i32
    %c0_i32 = arith.constant 0 : i32
    %c0_i32_1 = arith.constant 0 : i32
    return %add3A, %c0_i32 : i32, i32
  }
  func.func @transform_5(%arg0: i32, %arg1: i32) -> (i32, i32) {
    %c0_i32 = arith.constant 0 : i32
    %c0_i32_0 = arith.constant 0 : i32
    return %c0_i32, %arg0 : i32, i32
  }
}

module attributes {stable_mosaic.version = 14 : i64} {
  func.func @kern(%arg0: i32, %arg1: i32, %arg2: memref<1000x128xf32, #tpu.memory_space<vmem>>, %arg3: memref<1000x128xf32, #tpu.memory_space<vmem>>, %arg4: memref<1000x16xf32, #tpu.memory_space<vmem>>, %arg5: memref<8x128xf32, #tpu.memory_space<vmem>>, %arg6: memref<1000x128xf32, #tpu.memory_space<vmem>>) attributes {dimension_semantics = [#tpu.dimension_semantics<arbitrary>, #tpu.dimension_semantics<arbitrary>], iteration_bounds = array<i64: 2, 10>, scalar_prefetch = 0 : i64, scratch_operands = 0 : i64, tpu.core_type = #tpu.core_type<tc>, window_params = [{transform_indices = @transform_0, window_bounds = array<i64: 1000, 128>}, {transform_indices = @transform_1, window_bounds = array<i64: 1000, 128>}, {transform_indices = @transform_2, window_bounds = array<i64: 1000, 16>}, {transform_indices = @transform_3, window_bounds = array<i64: 8, 128>}, {transform_indices = @transform_4, window_bounds = array<i64: 1000, 128>}]} {
    %get3A = arith.constant 0 : index
    %get3A_0 = arith.constant 0 : index
    %get3A_1 = vector.load %arg4[%get3A, %get3A_0] : memref<1000x16xf32, #tpu.memory_space<vmem>>, vector<1000x1xf32>
    %get3A_2 = arith.constant 0 : index
    %get3A_3 = arith.constant 1 : index
    %get3A_4 = vector.load %arg4[%get3A_2, %get3A_3] : memref<1000x16xf32, #tpu.memory_space<vmem>>, vector<1000x1xf32>
    %get3A_5 = arith.constant 0 : index
    %get3A_6 = arith.constant 0 : index
    %get3A_7 = vector.load %arg2[%get3A_5, %get3A_6] : memref<1000x128xf32, #tpu.memory_space<vmem>>, vector<1000x128xf32>
    %get3A_8 = arith.constant 0 : index
    %get3A_9 = arith.constant 0 : index
    %get3A_10 = vector.load %arg3[%get3A_8, %get3A_9] : memref<1000x128xf32, #tpu.memory_space<vmem>>, vector<1000x128xf32>
    %add3A = arith.addf %get3A_7, %get3A_10 : vector<1000x128xf32>
    %mul3A = vector.broadcast %get3A_4 : vector<1000x1xf32> to vector<1000x128xf32>
    %mul3A_11 = arith.mulf %add3A, %mul3A : vector<1000x128xf32>
    %get3A_12 = arith.constant 0 : index
    %get3A_13 = arith.constant 0 : index
    %get3A_14 = vector.load %arg5[%get3A_12, %get3A_13] : memref<8x128xf32, #tpu.memory_space<vmem>>, vector<1x128xf32>
    %mul3A_15 = vector.broadcast %get3A_14 : vector<1x128xf32> to vector<1000x128xf32>
    %mul3A_16 = vector.broadcast %get3A_1 : vector<1000x1xf32> to vector<1000x128xf32>
    %mul3A_17 = arith.mulf %mul3A_15, %mul3A_16 : vector<1000x128xf32>
    %add3A_18 = arith.addf %mul3A_11, %mul3A_17 : vector<1000x128xf32>
    %swap3A = arith.constant 0 : index
    %swap3A_19 = arith.constant 0 : index
    %swap3A_20 = vector.load %arg6[%swap3A, %swap3A_19] : memref<1000x128xf32, #tpu.memory_space<vmem>>, vector<1000x128xf32>
    tpu.vector_store %arg6[%swap3A, %swap3A_19], %add3A_18 {strides = array<i32>} : memref<1000x128xf32, #tpu.memory_space<vmem>>, vector<1000x128xf32>,
    return
  }
  func.func @transform_0(%arg0: i32, %arg1: i32) -> (i32, i32) {
    %mul3A = arith.constant 10 : i32
    %mul3A_0 = arith.muli %arg0, %mul3A : i32
    %add3A = arith.addi %mul3A_0, %arg1 : i32
    %c0_i32 = arith.constant 0 : i32
    %c0_i32_1 = arith.constant 0 : i32
    return %add3A, %c0_i32 : i32, i32
  }
  func.func @transform_1(%arg0: i32, %arg1: i32) -> (i32, i32) {
    %mul3A = arith.constant 10 : i32
    %mul3A_0 = arith.muli %arg0, %mul3A : i32
    %add3A = arith.addi %mul3A_0, %arg1 : i32
    %c0_i32 = arith.constant 0 : i32
    %c0_i32_1 = arith.constant 0 : i32
    return %add3A, %c0_i32 : i32, i32
  }
  func.func @transform_2(%arg0: i32, %arg1: i32) -> (i32, i32) {
    %c0_i32 = arith.constant 0 : i32
    %c0_i32_0 = arith.constant 0 : i32
    return %arg1, %c0_i32 : i32, i32
  }
  func.func @transform_3(%arg0: i32, %arg1: i32) -> (i32, i32) {
    %c0_i32 = arith.constant 0 : i32
    %c0_i32_0 = arith.constant 0 : i32
    return %c0_i32, %arg0 : i32, i32
  }
  func.func @transform_4(%arg0: i32, %arg1: i32) -> (i32, i32) {
    %mul3A = arith.constant 10 : i32
    %mul3A_0 = arith.muli %arg0, %mul3A : i32
    %add3A = arith.addi %mul3A_0, %arg1 : i32
    %c0_i32 = arith.constant 0 : i32
    %c0_i32_1 = arith.constant 0 : i32
    return %add3A, %c0_i32 : i32, i32
  }
}

module attributes {stable_mosaic.version = 14 : i64} {
  func.func @kern(%arg0: i32, %arg1: i32, %arg2: memref<1000x128xf32, #tpu.memory_space<vmem>>, %arg3: memref<2x1000x128xf32, #tpu.memory_space<vmem>>, %arg4: memref<1000x128xf32, #tpu.memory_space<vmem>>, %arg5: memref<1000x16xf32, #tpu.memory_space<vmem>>) attributes {dimension_semantics = [#tpu.dimension_semantics<arbitrary>, #tpu.dimension_semantics<arbitrary>], iteration_bounds = array<i64: 2, 10>, scalar_prefetch = 0 : i64, scratch_operands = 0 : i64, tpu.core_type = #tpu.core_type<tc>, window_params = [{transform_indices = @transform_0, window_bounds = array<i64: 1000, 128>}, {transform_indices = @transform_1, window_bounds = array<i64: 2, 1000, 128>}, {transform_indices = @transform_2, window_bounds = array<i64: 1000, 128>}, {transform_indices = @transform_3, window_bounds = array<i64: 1000, 16>}]} {
    %get3A = arith.constant 0 : index
    %get3A_0 = arith.constant 0 : index
    %get3A_1 = arith.constant 0 : index
    %get3A_2 = vector.load %arg3[%get3A, %get3A_0, %get3A_1] : memref<2x1000x128xf32, #tpu.memory_space<vmem>>, vector<1x1000x1xf32>
    %get3A_3 = vector.shape_cast %get3A_2 : vector<1x1000x1xf32> to vector<1000x1xf32>
    %get3A_4 = arith.constant 1 : index
    %get3A_5 = arith.constant 0 : index
    %get3A_6 = arith.constant 0 : index
    %get3A_7 = vector.load %arg3[%get3A_4, %get3A_5, %get3A_6] : memref<2x1000x128xf32, #tpu.memory_space<vmem>>, vector<1x1000x1xf32>
    %get3A_8 = vector.shape_cast %get3A_7 : vector<1x1000x1xf32> to vector<1000x1xf32>
    %add3A = arith.addf %get3A_3, %get3A_8 : vector<1000x1xf32>
    %add3A_9 = arith.constant 1.000000e+00 : f32
    %add3A_10 = vector.broadcast %add3A_9 : f32 to vector<1000x1xf32>
    %add3A_11 = arith.addf %add3A, %add3A_10 : vector<1000x1xf32>
    %max3A = arith.constant 9.99999996E-13 : f32
    %max3A_12 = vector.broadcast %max3A : f32 to vector<1000x1xf32>
    %max3A_13 = arith.maximumf %add3A_11, %max3A_12 : vector<1000x1xf32>
    %rsqrt3A = math.rsqrt %max3A_13 : vector<1000x1xf32>
    %get3A_14 = arith.constant 0 : index
    %get3A_15 = arith.constant 0 : index
    %get3A_16 = vector.load %arg2[%get3A_14, %get3A_15] : memref<1000x128xf32, #tpu.memory_space<vmem>>, vector<1000x128xf32>
    %mul3A = vector.broadcast %rsqrt3A : vector<1000x1xf32> to vector<1000x128xf32>
    %mul3A_17 = arith.mulf %get3A_16, %mul3A : vector<1000x128xf32>
    %swap3A = arith.constant 0 : index
    %swap3A_18 = arith.constant 0 : index
    %swap3A_19 = vector.load %arg4[%swap3A, %swap3A_18] : memref<1000x128xf32, #tpu.memory_space<vmem>>, vector<1000x128xf32>
    tpu.vector_store %arg4[%swap3A, %swap3A_18], %mul3A_17 {strides = array<i32>} : memref<1000x128xf32, #tpu.memory_space<vmem>>, vector<1000x128xf32>,
    %div3A = arith.constant 1.000000e+00 : f32
    %div3A_20 = vector.broadcast %div3A : f32 to vector<1000x1xf32>
    %div3A_21 = arith.divf %div3A_20, %max3A_13 : vector<1000x1xf32>
    %concatenate3A = tpu.concatenate %rsqrt3A, %div3A_21, %rsqrt3A, %rsqrt3A, %rsqrt3A, %rsqrt3A, %rsqrt3A, %rsqrt3A, %rsqrt3A, %rsqrt3A, %rsqrt3A, %rsqrt3A, %rsqrt3A, %rsqrt3A, %rsqrt3A, %rsqrt3A in 1 : vector<1000x1xf32>, vector<1000x1xf32>, vector<1000x1xf32>, vector<1000x1xf32>, vector<1000x1xf32>, vector<1000x1xf32>, vector<1000x1xf32>, vector<1000x1xf32>, vector<1000x1xf32>, vector<1000x1xf32>, vector<1000x1xf32>, vector<1000x1xf32>, vector<1000x1xf32>, vector<1000x1xf32>, vector<1000x1xf32>, vector<1000x1xf32> -> vector<1000x16xf32>
    %swap3A_22 = arith.constant 0 : index
    %swap3A_23 = arith.constant 0 : index
    %swap3A_24 = vector.load %arg5[%swap3A_22, %swap3A_23] : memref<1000x16xf32, #tpu.memory_space<vmem>>, vector<1000x16xf32>
    tpu.vector_store %arg5[%swap3A_22, %swap3A_23], %concatenate3A {strides = array<i32>} : memref<1000x16xf32, #tpu.memory_space<vmem>>, vector<1000x16xf32>,
    return
  }
  func.func @transform_0(%arg0: i32, %arg1: i32) -> (i32, i32) {
    %mul3A = arith.constant 10 : i32
    %mul3A_0 = arith.muli %arg0, %mul3A : i32
    %add3A = arith.addi %mul3A_0, %arg1 : i32
    %c0_i32 = arith.constant 0 : i32
    %c0_i32_1 = arith.constant 0 : i32
    return %add3A, %c0_i32 : i32, i32
  }
  func.func @transform_1(%arg0: i32, %arg1: i32) -> (i32, i32, i32) {
    %c0_i32 = arith.constant 0 : i32
    %c0_i32_0 = arith.constant 0 : i32
    %c0_i32_1 = arith.constant 0 : i32
    return %c0_i32, %arg1, %c0_i32_0 : i32, i32, i32
  }
  func.func @transform_2(%arg0: i32, %arg1: i32) -> (i32, i32) {
    %mul3A = arith.constant 10 : i32
    %mul3A_0 = arith.muli %arg0, %mul3A : i32
    %add3A = arith.addi %mul3A_0, %arg1 : i32
    %c0_i32 = arith.constant 0 : i32
    %c0_i32_1 = arith.constant 0 : i32
    return %add3A, %c0_i32 : i32, i32
  }
  func.func @transform_3(%arg0: i32, %arg1: i32) -> (i32, i32) {
    %c0_i32 = arith.constant 0 : i32
    %c0_i32_0 = arith.constant 0 : i32
    return %arg1, %c0_i32 : i32, i32
  }
}

module attributes {stable_mosaic.version = 14 : i64} {
  func.func @kern(%arg0: i32, %arg1: i32, %arg2: memref<1000x128xf32, #tpu.memory_space<vmem>>, %arg3: memref<1000x128xf32, #tpu.memory_space<vmem>>, %arg4: memref<1000x16xf32, #tpu.memory_space<vmem>>, %arg5: memref<1x128xf32, #tpu.memory_space<vmem>>, %arg6: memref<1x128xf32, #tpu.memory_space<vmem>>, %arg7: memref<1000x128xf32, #tpu.memory_space<vmem>>, %arg8: memref<10000x256xf32, #tpu.memory_space<vmem>>, %arg9: memref<8x128xf32, #tpu.memory_space<vmem>>) attributes {dimension_semantics = [#tpu.dimension_semantics<arbitrary>, #tpu.dimension_semantics<arbitrary>], iteration_bounds = array<i64: 4, 10>, scalar_prefetch = 0 : i64, scratch_operands = 2 : i64, tpu.core_type = #tpu.core_type<tc>, window_params = [{transform_indices = @transform_0, window_bounds = array<i64: 1000, 128>}, {transform_indices = @transform_1, window_bounds = array<i64: 1000, 128>}, {transform_indices = @transform_2, window_bounds = array<i64: 1000, 16>}, {transform_indices = @transform_3, window_bounds = array<i64: 1, 128>}, {transform_indices = @transform_4, window_bounds = array<i64: 1, 128>}, {transform_indices = @transform_5, window_bounds = array<i64: 1000, 128>}]} {
    %mul3A = arith.constant 1000 : i32
    %mul3A_0 = arith.muli %arg1, %mul3A : i32
    %lt3A = arith.constant 2 : i32
    %lt3A_1 = arith.cmpi slt, %arg0, %lt3A : i32
    %convert_element_type3A = arith.extui %lt3A_1 : i1 to i32
    %cond3A = arith.constant 0 : i32
    %cond3A_2 = arith.cmpi ne, %convert_element_type3A, %cond3A : i32
    scf.if %cond3A_2 {
      %get3A = arith.constant 0 : index
      %get3A_12 = arith.constant 0 : index
      %get3A_13 = vector.load %arg4[%get3A, %get3A_12] : memref<1000x16xf32, #tpu.memory_space<vmem>>, vector<1000x1xf32>
      %get3A_14 = arith.constant 0 : index
      %get3A_15 = arith.constant 0 : index
      %get3A_16 = vector.load %arg2[%get3A_14, %get3A_15] : memref<1000x128xf32, #tpu.memory_space<vmem>>, vector<1000x128xf32>
      %get3A_17 = arith.constant 0 : index
      %get3A_18 = arith.constant 0 : index
      %get3A_19 = vector.load %arg3[%get3A_17, %get3A_18] : memref<1000x128xf32, #tpu.memory_space<vmem>>, vector<1000x128xf32>
      %add3A = arith.addf %get3A_16, %get3A_19 : vector<1000x128xf32>
      %mul3A_20 = vector.broadcast %get3A_13 : vector<1000x1xf32> to vector<1000x128xf32>
      %mul3A_21 = arith.mulf %add3A, %mul3A_20 : vector<1000x128xf32>
      %eq3A_22 = arith.constant 0 : i32
      %eq3A_23 = arith.cmpi eq, %arg0, %eq3A_22 : i32
      %eq3A_24 = arith.constant 0 : i32
      %eq3A_25 = arith.cmpi eq, %arg1, %eq3A_24 : i32
      %and3A = arith.andi %eq3A_23, %eq3A_25 : i1
      %convert_element_type3A_26 = arith.extui %and3A : i1 to i32
      %cond3A_27 = arith.constant 0 : i32
      %cond3A_28 = arith.cmpi ne, %convert_element_type3A_26, %cond3A_27 : i32
      scf.if %cond3A_28 {
        %broadcast_in_dim3A = arith.constant 0.000000e+00 : f32
        %broadcast_in_dim3A_39 = vector.broadcast %broadcast_in_dim3A : f32 to vector<8x128xf32>
        %swap3A = arith.constant 0 : index
        %swap3A_40 = arith.constant 0 : index
        %swap3A_41 = vector.load %arg9[%swap3A, %swap3A_40] : memref<8x128xf32, #tpu.memory_space<vmem>>, vector<8x128xf32>
        tpu.vector_store %arg9[%swap3A, %swap3A_40], %broadcast_in_dim3A_39 {strides = array<i32>} : memref<8x128xf32, #tpu.memory_space<vmem>>, vector<8x128xf32>,
      } else {
      }
      %eq3A_29 = arith.constant 0 : i32
      %eq3A_30 = arith.cmpi eq, %arg0, %eq3A_29 : i32
      %convert_element_type3A_31 = arith.extui %eq3A_30 : i1 to i32
      %cond3A_32 = arith.constant 0 : i32
      %cond3A_33 = arith.cmpi ne, %convert_element_type3A_31, %cond3A_32 : i32
      scf.if %cond3A_33 {
        %swap3A = arith.index_cast %mul3A_0 : i32 to index
        %swap3A_39 = arith.constant 0 : index
        %swap3A_40 = vector.load %arg8[%swap3A, %swap3A_39] : memref<10000x256xf32, #tpu.memory_space<vmem>>, vector<1000x128xf32>
        tpu.vector_store %arg8[%swap3A, %swap3A_39], %mul3A_21 {strides = array<i32>} : memref<10000x256xf32, #tpu.memory_space<vmem>>, vector<1000x128xf32>,
        %get3A_41 = arith.constant 0 : index
        %get3A_42 = arith.constant 0 : index
        %get3A_43 = vector.load %arg9[%get3A_41, %get3A_42] : memref<8x128xf32, #tpu.memory_space<vmem>>, vector<1x128xf32>
        %reduce_sum3A = arith.constant dense<0.000000e+00> : vector<128xf32>
        %reduce_sum3A_44 = vector.multi_reduction <add>, %mul3A_21, %reduce_sum3A [0] : vector<1000x128xf32> to vector<128xf32>
        %broadcast_in_dim3A = vector.shape_cast %reduce_sum3A_44 : vector<128xf32> to vector<1x128xf32>
        %add3A_45 = arith.addf %get3A_43, %broadcast_in_dim3A : vector<1x128xf32>
        %swap3A_46 = arith.constant 0 : index
        %swap3A_47 = arith.constant 0 : index
        %swap3A_48 = vector.load %arg9[%swap3A_46, %swap3A_47] : memref<8x128xf32, #tpu.memory_space<vmem>>, vector<1x128xf32>
        tpu.vector_store %arg9[%swap3A_46, %swap3A_47], %add3A_45 {strides = array<i32>} : memref<8x128xf32, #tpu.memory_space<vmem>>, vector<1x128xf32>,
        %get3A_49 = arith.constant 1 : index
        %get3A_50 = arith.constant 0 : index
        %get3A_51 = vector.load %arg9[%get3A_49, %get3A_50] : memref<8x128xf32, #tpu.memory_space<vmem>>, vector<1x128xf32>
        %mul3A_52 = arith.mulf %mul3A_21, %mul3A_21 : vector<1000x128xf32>
        %reduce_sum3A_53 = arith.constant dense<0.000000e+00> : vector<128xf32>
        %reduce_sum3A_54 = vector.multi_reduction <add>, %mul3A_52, %reduce_sum3A_53 [0] : vector<1000x128xf32> to vector<128xf32>
        %broadcast_in_dim3A_55 = vector.shape_cast %reduce_sum3A_54 : vector<128xf32> to vector<1x128xf32>
        %add3A_56 = arith.addf %get3A_51, %broadcast_in_dim3A_55 : vector<1x128xf32>
        %swap3A_57 = arith.constant 1 : index
        %swap3A_58 = arith.constant 0 : index
        %swap3A_59 = vector.load %arg9[%swap3A_57, %swap3A_58] : memref<8x128xf32, #tpu.memory_space<vmem>>, vector<1x128xf32>
        tpu.vector_store %arg9[%swap3A_57, %swap3A_58], %add3A_56 {strides = array<i32>} : memref<8x128xf32, #tpu.memory_space<vmem>>, vector<1x128xf32>,
      } else {
      }
      %eq3A_34 = arith.constant 1 : i32
      %eq3A_35 = arith.cmpi eq, %arg0, %eq3A_34 : i32
      %convert_element_type3A_36 = arith.extui %eq3A_35 : i1 to i32
      %cond3A_37 = arith.constant 0 : i32
      %cond3A_38 = arith.cmpi ne, %convert_element_type3A_36, %cond3A_37 : i32
      scf.if %cond3A_38 {
        %swap3A = arith.index_cast %mul3A_0 : i32 to index
        %swap3A_39 = arith.constant 128 : index
        %swap3A_40 = vector.load %arg8[%swap3A, %swap3A_39] : memref<10000x256xf32, #tpu.memory_space<vmem>>, vector<1000x128xf32>
        tpu.vector_store %arg8[%swap3A, %swap3A_39], %mul3A_21 {strides = array<i32>} : memref<10000x256xf32, #tpu.memory_space<vmem>>, vector<1000x128xf32>,
        %get3A_41 = arith.constant 2 : index
        %get3A_42 = arith.constant 0 : index
        %get3A_43 = vector.load %arg9[%get3A_41, %get3A_42] : memref<8x128xf32, #tpu.memory_space<vmem>>, vector<1x128xf32>
        %reduce_sum3A = arith.constant dense<0.000000e+00> : vector<128xf32>
        %reduce_sum3A_44 = vector.multi_reduction <add>, %mul3A_21, %reduce_sum3A [0] : vector<1000x128xf32> to vector<128xf32>
        %broadcast_in_dim3A = vector.shape_cast %reduce_sum3A_44 : vector<128xf32> to vector<1x128xf32>
        %add3A_45 = arith.addf %get3A_43, %broadcast_in_dim3A : vector<1x128xf32>
        %swap3A_46 = arith.constant 2 : index
        %swap3A_47 = arith.constant 0 : index
        %swap3A_48 = vector.load %arg9[%swap3A_46, %swap3A_47] : memref<8x128xf32, #tpu.memory_space<vmem>>, vector<1x128xf32>
        tpu.vector_store %arg9[%swap3A_46, %swap3A_47], %add3A_45 {strides = array<i32>} : memref<8x128xf32, #tpu.memory_space<vmem>>, vector<1x128xf32>,
        %get3A_49 = arith.constant 3 : index
        %get3A_50 = arith.constant 0 : index
        %get3A_51 = vector.load %arg9[%get3A_49, %get3A_50] : memref<8x128xf32, #tpu.memory_space<vmem>>, vector<1x128xf32>
        %mul3A_52 = arith.mulf %mul3A_21, %mul3A_21 : vector<1000x128xf32>
        %reduce_sum3A_53 = arith.constant dense<0.000000e+00> : vector<128xf32>
        %reduce_sum3A_54 = vector.multi_reduction <add>, %mul3A_52, %reduce_sum3A_53 [0] : vector<1000x128xf32> to vector<128xf32>
        %broadcast_in_dim3A_55 = vector.shape_cast %reduce_sum3A_54 : vector<128xf32> to vector<1x128xf32>
        %add3A_56 = arith.addf %get3A_51, %broadcast_in_dim3A_55 : vector<1x128xf32>
        %swap3A_57 = arith.constant 3 : index
        %swap3A_58 = arith.constant 0 : index
        %swap3A_59 = vector.load %arg9[%swap3A_57, %swap3A_58] : memref<8x128xf32, #tpu.memory_space<vmem>>, vector<1x128xf32>
        tpu.vector_store %arg9[%swap3A_57, %swap3A_58], %add3A_56 {strides = array<i32>} : memref<8x128xf32, #tpu.memory_space<vmem>>, vector<1x128xf32>,
      } else {
      }
    } else {
    }
    %eq3A = arith.constant 2 : i32
    %eq3A_3 = arith.cmpi eq, %arg0, %eq3A : i32
    %convert_element_type3A_4 = arith.extui %eq3A_3 : i1 to i32
    %cond3A_5 = arith.constant 0 : i32
    %cond3A_6 = arith.cmpi ne, %convert_element_type3A_4, %cond3A_5 : i32
    scf.if %cond3A_6 {
      %get3A = arith.constant 0 : index
      %get3A_12 = arith.constant 0 : index
      %get3A_13 = vector.load %arg9[%get3A, %get3A_12] : memref<8x128xf32, #tpu.memory_space<vmem>>, vector<1x128xf32>
      %mul3A_14 = arith.constant 9.99999974E-5 : f32
      %mul3A_15 = vector.broadcast %mul3A_14 : f32 to vector<1x128xf32>
      %mul3A_16 = arith.mulf %get3A_13, %mul3A_15 : vector<1x128xf32>
      %get3A_17 = arith.constant 1 : index
      %get3A_18 = arith.constant 0 : index
      %get3A_19 = vector.load %arg9[%get3A_17, %get3A_18] : memref<8x128xf32, #tpu.memory_space<vmem>>, vector<1x128xf32>
      %mul3A_20 = arith.constant 9.99999974E-5 : f32
      %mul3A_21 = vector.broadcast %mul3A_20 : f32 to vector<1x128xf32>
      %mul3A_22 = arith.mulf %get3A_19, %mul3A_21 : vector<1x128xf32>
      %mul3A_23 = arith.mulf %mul3A_16, %mul3A_16 : vector<1x128xf32>
      %sub3A = arith.subf %mul3A_22, %mul3A_23 : vector<1x128xf32>
      %get3A_24 = arith.constant 0 : index
      %get3A_25 = arith.constant 0 : index
      %get3A_26 = vector.load %arg5[%get3A_24, %get3A_25] : memref<1x128xf32, #tpu.memory_space<vmem>>, vector<1x128xf32>
      %add3A = arith.constant 9.99999974E-6 : f32
      %add3A_27 = vector.broadcast %add3A : f32 to vector<1x128xf32>
      %add3A_28 = arith.addf %sub3A, %add3A_27 : vector<1x128xf32>
      %rsqrt3A = math.rsqrt %add3A_28 : vector<1x128xf32>
      %mul3A_29 = arith.mulf %get3A_26, %rsqrt3A : vector<1x128xf32>
      %get3A_30 = arith.index_cast %mul3A_0 : i32 to index
      %get3A_31 = arith.constant 0 : index
      %get3A_32 = vector.load %arg8[%get3A_30, %get3A_31] : memref<10000x256xf32, #tpu.memory_space<vmem>>, vector<1000x128xf32>
      %mul3A_33 = vector.broadcast %mul3A_29 : vector<1x128xf32> to vector<1000x128xf32>
      %mul3A_34 = arith.mulf %get3A_32, %mul3A_33 : vector<1000x128xf32>
      %get3A_35 = arith.constant 0 : index
      %get3A_36 = arith.constant 0 : index
      %get3A_37 = vector.load %arg6[%get3A_35, %get3A_36] : memref<1x128xf32, #tpu.memory_space<vmem>>, vector<1x128xf32>
      %mul3A_38 = arith.mulf %mul3A_16, %mul3A_29 : vector<1x128xf32>
      %sub3A_39 = arith.subf %get3A_37, %mul3A_38 : vector<1x128xf32>
      %add3A_40 = vector.broadcast %sub3A_39 : vector<1x128xf32> to vector<1000x128xf32>
      %add3A_41 = arith.addf %mul3A_34, %add3A_40 : vector<1000x128xf32>
      %swap3A = arith.constant 0 : index
      %swap3A_42 = arith.constant 0 : index
      %swap3A_43 = vector.load %arg7[%swap3A, %swap3A_42] : memref<1000x128xf32, #tpu.memory_space<vmem>>, vector<1000x128xf32>
      tpu.vector_store %arg7[%swap3A, %swap3A_42], %add3A_41 {strides = array<i32>} : memref<1000x128xf32, #tpu.memory_space<vmem>>, vector<1000x128xf32>,
    } else {
    }
    %eq3A_7 = arith.constant 3 : i32
    %eq3A_8 = arith.cmpi eq, %arg0, %eq3A_7 : i32
    %convert_element_type3A_9 = arith.extui %eq3A_8 : i1 to i32
    %cond3A_10 = arith.constant 0 : i32
    %cond3A_11 = arith.cmpi ne, %convert_element_type3A_9, %cond3A_10 : i32
    scf.if %cond3A_11 {
      %get3A = arith.constant 2 : index
      %get3A_12 = arith.constant 0 : index
      %get3A_13 = vector.load %arg9[%get3A, %get3A_12] : memref<8x128xf32, #tpu.memory_space<vmem>>, vector<1x128xf32>
      %mul3A_14 = arith.constant 9.99999974E-5 : f32
      %mul3A_15 = vector.broadcast %mul3A_14 : f32 to vector<1x128xf32>
      %mul3A_16 = arith.mulf %get3A_13, %mul3A_15 : vector<1x128xf32>
      %get3A_17 = arith.constant 3 : index
      %get3A_18 = arith.constant 0 : index
      %get3A_19 = vector.load %arg9[%get3A_17, %get3A_18] : memref<8x128xf32, #tpu.memory_space<vmem>>, vector<1x128xf32>
      %mul3A_20 = arith.constant 9.99999974E-5 : f32
      %mul3A_21 = vector.broadcast %mul3A_20 : f32 to vector<1x128xf32>
      %mul3A_22 = arith.mulf %get3A_19, %mul3A_21 : vector<1x128xf32>
      %mul3A_23 = arith.mulf %mul3A_16, %mul3A_16 : vector<1x128xf32>
      %sub3A = arith.subf %mul3A_22, %mul3A_23 : vector<1x128xf32>
      %get3A_24 = arith.constant 0 : index
      %get3A_25 = arith.constant 0 : index
      %get3A_26 = vector.load %arg5[%get3A_24, %get3A_25] : memref<1x128xf32, #tpu.memory_space<vmem>>, vector<1x128xf32>
      %add3A = arith.constant 9.99999974E-6 : f32
      %add3A_27 = vector.broadcast %add3A : f32 to vector<1x128xf32>
      %add3A_28 = arith.addf %sub3A, %add3A_27 : vector<1x128xf32>
      %rsqrt3A = math.rsqrt %add3A_28 : vector<1x128xf32>
      %mul3A_29 = arith.mulf %get3A_26, %rsqrt3A : vector<1x128xf32>
      %get3A_30 = arith.index_cast %mul3A_0 : i32 to index
      %get3A_31 = arith.constant 128 : index
      %get3A_32 = vector.load %arg8[%get3A_30, %get3A_31] : memref<10000x256xf32, #tpu.memory_space<vmem>>, vector<1000x128xf32>
      %mul3A_33 = vector.broadcast %mul3A_29 : vector<1x128xf32> to vector<1000x128xf32>
      %mul3A_34 = arith.mulf %get3A_32, %mul3A_33 : vector<1000x128xf32>
      %get3A_35 = arith.constant 0 : index
      %get3A_36 = arith.constant 0 : index
      %get3A_37 = vector.load %arg6[%get3A_35, %get3A_36] : memref<1x128xf32, #tpu.memory_space<vmem>>, vector<1x128xf32>
      %mul3A_38 = arith.mulf %mul3A_16, %mul3A_29 : vector<1x128xf32>
      %sub3A_39 = arith.subf %get3A_37, %mul3A_38 : vector<1x128xf32>
      %add3A_40 = vector.broadcast %sub3A_39 : vector<1x128xf32> to vector<1000x128xf32>
      %add3A_41 = arith.addf %mul3A_34, %add3A_40 : vector<1000x128xf32>
      %swap3A = arith.constant 0 : index
      %swap3A_42 = arith.constant 0 : index
      %swap3A_43 = vector.load %arg7[%swap3A, %swap3A_42] : memref<1000x128xf32, #tpu.memory_space<vmem>>, vector<1000x128xf32>
      tpu.vector_store %arg7[%swap3A, %swap3A_42], %add3A_41 {strides = array<i32>} : memref<1000x128xf32, #tpu.memory_space<vmem>>, vector<1000x128xf32>,
    } else {
    }
    return
  }
  func.func @transform_0(%arg0: i32, %arg1: i32) -> (i32, i32) {
    %lt3A = arith.constant 2 : i32
    %lt3A_0 = arith.cmpi slt, %arg0, %lt3A : i32
    %jit3A = arith.constant 2 : i32
    %eq3A = arith.constant 0 : i32
    %eq3A_1 = arith.cmpi eq, %jit3A, %eq3A : i32
    %jit3A_2 = arith.constant 1 : i32
    %select_n3A = arith.select %eq3A_1, %jit3A_2, %jit3A : i32
    %rem3A = arith.remsi %arg0, %select_n3A : i32
    %ne3A = arith.constant 0 : i32
    %ne3A_3 = arith.cmpi ne, %rem3A, %ne3A : i32
    %lt3A_4 = arith.constant 0 : i32
    %lt3A_5 = arith.cmpi slt, %rem3A, %lt3A_4 : i32
    %lt3A_6 = arith.constant 0 : i32
    %lt3A_7 = arith.cmpi slt, %select_n3A, %lt3A_6 : i32
    %ne3A_8 = arith.xori %lt3A_5, %lt3A_7 : i1
    %and3A = arith.andi %ne3A_8, %ne3A_3 : i1
    %add3A = arith.addi %rem3A, %select_n3A : i32
    %select_n3A_9 = arith.select %and3A, %add3A, %rem3A : i32
    %mul3A = arith.constant 10 : i32
    %mul3A_10 = arith.muli %select_n3A_9, %mul3A : i32
    %add3A_11 = arith.addi %mul3A_10, %arg1 : i32
    %jit3A_12 = arith.constant 0 : i32
    %select_n3A_13 = arith.select %lt3A_0, %add3A_11, %jit3A_12 : i32
    %c0_i32 = arith.constant 0 : i32
    %c0_i32_14 = arith.constant 0 : i32
    return %select_n3A_13, %c0_i32 : i32, i32
  }
  func.func @transform_1(%arg0: i32, %arg1: i32) -> (i32, i32) {
    %lt3A = arith.constant 2 : i32
    %lt3A_0 = arith.cmpi slt, %arg0, %lt3A : i32
    %jit3A = arith.constant 2 : i32
    %eq3A = arith.constant 0 : i32
    %eq3A_1 = arith.cmpi eq, %jit3A, %eq3A : i32
    %jit3A_2 = arith.constant 1 : i32
    %select_n3A = arith.select %eq3A_1, %jit3A_2, %jit3A : i32
    %rem3A = arith.remsi %arg0, %select_n3A : i32
    %ne3A = arith.constant 0 : i32
    %ne3A_3 = arith.cmpi ne, %rem3A, %ne3A : i32
    %lt3A_4 = arith.constant 0 : i32
    %lt3A_5 = arith.cmpi slt, %rem3A, %lt3A_4 : i32
    %lt3A_6 = arith.constant 0 : i32
    %lt3A_7 = arith.cmpi slt, %select_n3A, %lt3A_6 : i32
    %ne3A_8 = arith.xori %lt3A_5, %lt3A_7 : i1
    %and3A = arith.andi %ne3A_8, %ne3A_3 : i1
    %add3A = arith.addi %rem3A, %select_n3A : i32
    %select_n3A_9 = arith.select %and3A, %add3A, %rem3A : i32
    %mul3A = arith.constant 10 : i32
    %mul3A_10 = arith.muli %select_n3A_9, %mul3A : i32
    %add3A_11 = arith.addi %mul3A_10, %arg1 : i32
    %jit3A_12 = arith.constant 0 : i32
    %select_n3A_13 = arith.select %lt3A_0, %add3A_11, %jit3A_12 : i32
    %c0_i32 = arith.constant 0 : i32
    %c0_i32_14 = arith.constant 0 : i32
    return %select_n3A_13, %c0_i32 : i32, i32
  }
  func.func @transform_2(%arg0: i32, %arg1: i32) -> (i32, i32) {
    %lt3A = arith.constant 2 : i32
    %lt3A_0 = arith.cmpi slt, %arg0, %lt3A : i32
    %jit3A = arith.constant 0 : i32
    %select_n3A = arith.select %lt3A_0, %arg1, %jit3A : i32
    %c0_i32 = arith.constant 0 : i32
    %c0_i32_1 = arith.constant 0 : i32
    return %select_n3A, %c0_i32 : i32, i32
  }
  func.func @transform_3(%arg0: i32, %arg1: i32) -> (i32, i32) {
    %jit3A = arith.constant 2 : i32
    %eq3A = arith.constant 0 : i32
    %eq3A_0 = arith.cmpi eq, %jit3A, %eq3A : i32
    %jit3A_1 = arith.constant 1 : i32
    %select_n3A = arith.select %eq3A_0, %jit3A_1, %jit3A : i32
    %rem3A = arith.remsi %arg0, %select_n3A : i32
    %ne3A = arith.constant 0 : i32
    %ne3A_2 = arith.cmpi ne, %rem3A, %ne3A : i32
    %lt3A = arith.constant 0 : i32
    %lt3A_3 = arith.cmpi slt, %rem3A, %lt3A : i32
    %lt3A_4 = arith.constant 0 : i32
    %lt3A_5 = arith.cmpi slt, %select_n3A, %lt3A_4 : i32
    %ne3A_6 = arith.xori %lt3A_3, %lt3A_5 : i1
    %and3A = arith.andi %ne3A_6, %ne3A_2 : i1
    %add3A = arith.addi %rem3A, %select_n3A : i32
    %select_n3A_7 = arith.select %and3A, %add3A, %rem3A : i32
    %c0_i32 = arith.constant 0 : i32
    %c0_i32_8 = arith.constant 0 : i32
    return %c0_i32, %select_n3A_7 : i32, i32
  }
  func.func @transform_4(%arg0: i32, %arg1: i32) -> (i32, i32) {
    %jit3A = arith.constant 2 : i32
    %eq3A = arith.constant 0 : i32
    %eq3A_0 = arith.cmpi eq, %jit3A, %eq3A : i32
    %jit3A_1 = arith.constant 1 : i32
    %select_n3A = arith.select %eq3A_0, %jit3A_1, %jit3A : i32
    %rem3A = arith.remsi %arg0, %select_n3A : i32
    %ne3A = arith.constant 0 : i32
    %ne3A_2 = arith.cmpi ne, %rem3A, %ne3A : i32
    %lt3A = arith.constant 0 : i32
    %lt3A_3 = arith.cmpi slt, %rem3A, %lt3A : i32
    %lt3A_4 = arith.constant 0 : i32
    %lt3A_5 = arith.cmpi slt, %select_n3A, %lt3A_4 : i32
    %ne3A_6 = arith.xori %lt3A_3, %lt3A_5 : i1
    %and3A = arith.andi %ne3A_6, %ne3A_2 : i1
    %add3A = arith.addi %rem3A, %select_n3A : i32
    %select_n3A_7 = arith.select %and3A, %add3A, %rem3A : i32
    %c0_i32 = arith.constant 0 : i32
    %c0_i32_8 = arith.constant 0 : i32
    return %c0_i32, %select_n3A_7 : i32, i32
  }
  func.func @transform_5(%arg0: i32, %arg1: i32) -> (i32, i32) {
    %lt3A = arith.constant 2 : i32
    %lt3A_0 = arith.cmpi slt, %arg0, %lt3A : i32
    %jit3A = arith.constant 0 : i32
    %select_n3A = arith.select %lt3A_0, %jit3A, %arg1 : i32
    %jit3A_1 = arith.constant 2 : i32
    %eq3A = arith.constant 0 : i32
    %eq3A_2 = arith.cmpi eq, %jit3A_1, %eq3A : i32
    %jit3A_3 = arith.constant 1 : i32
    %select_n3A_4 = arith.select %eq3A_2, %jit3A_3, %jit3A_1 : i32
    %rem3A = arith.remsi %arg0, %select_n3A_4 : i32
    %ne3A = arith.constant 0 : i32
    %ne3A_5 = arith.cmpi ne, %rem3A, %ne3A : i32
    %lt3A_6 = arith.constant 0 : i32
    %lt3A_7 = arith.cmpi slt, %rem3A, %lt3A_6 : i32
    %lt3A_8 = arith.constant 0 : i32
    %lt3A_9 = arith.cmpi slt, %select_n3A_4, %lt3A_8 : i32
    %ne3A_10 = arith.xori %lt3A_7, %lt3A_9 : i1
    %and3A = arith.andi %ne3A_10, %ne3A_5 : i1
    %add3A = arith.addi %rem3A, %select_n3A_4 : i32
    %select_n3A_11 = arith.select %and3A, %add3A, %rem3A : i32
    %c0_i32 = arith.constant 0 : i32
    return %select_n3A, %select_n3A_11 : i32, i32
  }
}

</mosaic_0001>

<sc_bundles>
// kernel: kernel.12.cloned.1.call-start
scs
__scs_entry_jumppad:
0x0: {  	(pc) =	sbr.rel $0x88, $3  }
0x1: {  	(tag) =	ssettag $0x0;
	lr =	simm.s32 $0x1  }
0x2: {  	[smem:$0x3F9A] =	sst lr;
	_ =	strace $0xD0000000  }
0x3: {  	_ = 	snop  }
0x4: {  	_ = 	snop  }
0x5: {  	_ = 	snop  }
0x6: {  	_ = 	snop  }
0x7: {  	_ = 	snop  }
__scs_overlays_trampoline_lowered:
0x8: {  	[smem:$0x3FA9] =	sst s0  }
0x9: {  	[smem:$0x3FAA] =	sst s1  }
0xa: {  	[smem:$0x3FAB] =	sst s2  }
0xb: {  	[smem:$0x3FAC] =	sst s3  }
0xc: {  	[smem:$0x3FAD] =	sst s4  }
0xd: {  	[smem:$0x3FAE] =	sst s5  }
0xe: {  	[smem:$0x3FAF] =	sst s6  }
0xf: {  	[smem:$0x3FB0] =	sst s7  }
0x10: {  	[smem:$0x3FB1] =	sst s8  }
0x11: {  	[smem:$0x3FB2] =	sst s9;
	s0 =	simm.s32 @!p0 $0x0  }
0x12: {  	s1 =	sld [smem:$0x3F98];
	s0 =	simm.s32 @p0 $0x1  }
0x13: {  	[smem:$0x3FB3] =	sst s0;
	s0 =	simm.s32 @!p1 $0x0  }
0x14: {  	s2 =	sld [smem:$0x3F97];
	s0 =	simm.s32 @p1 $0x1  }
0x15: {  	[smem:$0x3FB4] =	sst s0;
	s0 =	simm.s32 @!p2 $0x0  }
0x16: {  	s3 =	sld [smem:$0x3FDB];
	s0 =	simm.s32 @p2 $0x1  }
0x17: {  	s4 =	simm.s32 $0x1BF5;
	[smem:$0x3FB6] =	sst s0  }
0x18: {  	s0 =	sld [smem:$0x3F99];
	_ =	swait.ge [sflag:s4], $0x0  }
0x19: {  	s7 =	sld [smem:$0x3F9A]  }
0x1a: {  	s8 =	sadd.s32 $0xFFFFE003, lr  }
0x1b: {  	s9 =	sadd.s32 $0xFFFFFEF7, lr;
	s5 =	simm.s32 $0xFFFFFFFF;
	p2 =	slt.u32 s8, $0xFFFFF086  }
0x1c: {  	p1 =	slt.u32 s9, $0xF7A;
	s5 =	simm.s32 @!p2 $0x0  }
0x1d: {  	s5 =	simm.s32 @p1 $0x1;
	p0 =	seq.s32 s7, s2  }
0x1e: {  	s7 =	smul.u32 @!p0 $0xF7A, s2;
	p2 =	seq.s32 @!p0 s5, $0x0  }
0x1f: {  	s9 =	smul.u32 $0xF7A, s1;
	s8 =	simm.s32 @!p0 $0x1BF5;
	p2 =	por !p2, p0  }
0x20: {  	[sflag:s8] =	ssyncset.s32 @!p0 $0xFFFFF086;
	s6 =	sadd.s32 @!p0 s3, s7;
	s7 =	simm.s32 @!p0 $0x108  }
0x21: {  	s3 =	sadd.s32 s3, s9;
	s6 =	sadd.s32 @!p0 $0x88, s6;
	s7 =	simm.s32 @p2 $0x1082  }
0x22: {  	[simem:s7], [sflag:s8] =	dma.local @!p0 [hbm:s6], $0xF7A  }
0x23: {  	s9 =	sor.u32 $0xD0000000, s2;
	s6 =	simm.s32 $0x108;
	_ =	swait.ge @!p0 [sflag:s8], $0x0  }
0x24: {  	s3 =	sadd.s32 $0x88, s3;
	s6 =	simm.s32 @!p1 $0x1082;
	[sflag:s4] =	ssyncset.s32 $0xFFFFF086  }
0x25: {  	[simem:s6], [sflag:s4] =	dma.local [hbm:s3], $0xF7A  }
0x26: {  	[smem:$0x3F9A] =	sst s1;
	(tag) =	ssettag s2;
	_ =	strace s9  }
0x27: {  	s1 =	sld [smem:$0x3FAA]  }
0x28: {  	s2 =	sld [smem:$0x3FAB]  }
0x29: {  	s4 =	sld [smem:$0x3FAD]  }
0x2a: {  	p0 =	seq.s32 s5, $0x0;
	s5 =	sld [smem:$0x3FAE]  }
0x2b: {  	s6 =	sld [smem:$0x3FAF]  }
0x2c: {  	s7 =	sld [smem:$0x3FB0]  }
0x2d: {  	s3 =	simm.s32 $0x108;
	s8 =	sld [smem:$0x3FB1]  }
0x2e: {  	s3 =	simm.s32 @!p0 $0x1082;
	s9 =	sld [smem:$0x3FB2]  }
0x2f: {  	lr =	sadd.s32 s0, s3;
	s0 =	sld [smem:$0x3FA9]  }
0x30: {  	s3 =	sld [smem:$0x3FAC]  }
0x31: {  	[smem:$0x3FB5] =	sst s10  }
0x32: {  	s10 =	sld [smem:$0x3FB3];
	_ =	sdelay $0x3  }
0x33: {  	p0 =	seq.s32 s10, $0x1;
	s10 =	sld [smem:$0x3FB5];
	_ =	sdelay $0x3  }
0x34: {  	[smem:$0x3FB5] =	sst s10  }
0x35: {  	s10 =	sld [smem:$0x3FB4];
	_ =	sdelay $0x3  }
0x36: {  	p1 =	seq.s32 s10, $0x1;
	s10 =	sld [smem:$0x3FB5];
	_ =	sdelay $0x3  }
0x37: {  	[smem:$0x3FB5] =	sst s10  }
0x38: {  	s10 =	sld [smem:$0x3FB6]  }
0x39: {  	_ = 	snop;
	(pc) =	sbr.ind lr, $3  }
0x3a: {  	_ = 	snop  }
0x3b: {  	_ = 	snop  }
0x3c: {  	p2 =	seq.s32 s10, $0x1;
	s10 =	sld [smem:$0x3FB5]  }
0x3d: {  	_ =	shalt  }
0x3e: {  	_ =	shalt  }
0x3f: {  	_ =	shalt  }
0x40: {  	_ =	shalt  }
0x41: {  	_ =	shalt  }
0x42: {  	_ =	shalt  }
0x43: {  	_ =	shalt  }
0x44: {  	_ =	shalt  }
0x45: {  	_ =	shalt  }
0x46: {  	_ =	shalt  }
0x47: {  	_ =	shalt  }
0x48: {  	_ =	shalt  }
0x49: {  	_ =	shalt  }
0x4a: {  	_ =	shalt  }
0x4b: {  	_ =	shalt  }
0x4c: {  	_ =	shalt  }
0x4d: {  	_ =	shalt  }
0x4e: {  	_ =	shalt  }
0x4f: {  	_ =	shalt  }
0x50: {  	_ =	shalt  }
0x51: {  	_ =	shalt  }
0x52: {  	_ =	shalt  }
0x53: {  	_ =	shalt  }
0x54: {  	_ =	shalt  }
0x55: {  	_ =	shalt  }
0x56: {  	_ =	shalt  }
0x57: {  	_ =	shalt  }
0x58: {  	_ =	shalt  }
0x59: {  	_ =	shalt  }
0x5a: {  	_ =	shalt  }
0x5b: {  	_ =	shalt  }
0x5c: {  	_ =	shalt  }
0x5d: {  	_ =	shalt  }
0x5e: {  	_ =	shalt  }
0x5f: {  	_ =	shalt  }
0x60: {  	_ =	shalt  }
0x61: {  	_ =	shalt  }
0x62: {  	_ =	shalt  }
0x63: {  	_ =	shalt  }
0x64: {  	_ =	shalt  }
0x65: {  	_ =	shalt  }
0x66: {  	_ =	shalt  }
0x67: {  	_ =	shalt  }
0x68: {  	_ =	shalt  }
0x69: {  	_ =	shalt  }
0x6a: {  	_ =	shalt  }
0x6b: {  	_ =	shalt  }
0x6c: {  	_ =	shalt  }
0x6d: {  	_ =	shalt  }
0x6e: {  	_ =	shalt  }
0x6f: {  	_ =	shalt  }
0x70: {  	_ =	shalt  }
0x71: {  	_ =	shalt  }
0x72: {  	_ =	shalt  }
0x73: {  	_ =	shalt  }
0x74: {  	_ =	shalt  }
0x75: {  	_ =	shalt  }
0x76: {  	_ =	shalt  }
0x77: {  	_ =	shalt  }
0x78: {  	_ =	shalt  }
0x79: {  	_ =	shalt  }
0x7a: {  	_ =	shalt  }
0x7b: {  	_ =	shalt  }
0x7c: {  	_ =	shalt  }
0x7d: {  	_ =	shalt  }
0x7e: {  	_ =	shalt  }
0x7f: {  	_ =	shalt  }
0x80: {  	_ =	shalt  }
0x81: {  	_ =	shalt  }
0x82: {  	_ =	shalt  }
0x83: {  	_ =	shalt  }
0x84: {  	_ =	shalt  }
0x85: {  	_ =	shalt  }
0x86: {  	_ =	shalt  }
0x87: {  	_ =	shalt  }
.Lfunc_end0:
.L_simem_size_0:
called_computation.1_lowered:
.L_overlay_start_0:
0x88: {  	s2 =	sld [smem:$0x3FD9]  }
0x89: {  	s3 =	sld [smem:$0x3FFE];
	_ =	sdelay $0x1  }
0x8a: {  	s1 =	srdreg.scid  }
0x8b: {  	s0 =	sand.u32 $0x1, s1  }
0x8c: {  	s17 =	sshll.u32 s0, $0xA;
	s2 =	sadd.s32 s3, s2  }
0x8d: {  	s2 =	sadd.s32 s2, s17  }
0x8e: {  	[smem:$0x3FC1] =	sst s2  }
0x8f: {  	_ = 	snop  }
0x90: {  	s2 =	sld [smem:$0x3FD0];
	(tm) =	ssettm $0x1  }
0x91: {  	s18 =	sld [smem:$0x3FFB];
	_ =	sdelay $0x3  }
0x92: {  	_ =	strace s18  }
0x93: {  	s3 =	sld [smem:$0x3FFC];
	_ =	sdelay $0x3  }
0x94: {  	_ =	strace s3  }
0x95: {  	s3 =	sld [smem:$0x3FFD];
	_ =	sdelay $0x3  }
0x96: {  	_ =	strace s3  }
0x97: {  	_ =	strace $0x8FFFFFFF  }
0x98: {  	s19 =	sld [smem:$0x3FDB];
	_ =	sdelay $0x1  }
0x99: {  	s4 =	simm.s32 $_scs_section_size  }
0x9a: {  	s5 =	simm.s32 $_size__tile_overlayer_lowered;
	s6 =	simm.s32 $_tile_overlayer_lowered  }
0x9b: {  	s22 =	simm.s32 $0x1BFF;
	s21 =	sshll.u32 s6, $0x1;
	s3 =	sadd.s32 s4, s19  }
0x9c: {  	s7 =	simm.s32 $0x0;
	s20 =	sshll.u32 s5, $0x1;
	s5 =	sadd.s32 s21, s3  }
0x9d: {  	[timem:s7], [sflag:s22] =	dma.local [hbm:s5], s20  }
0x9e: {  	_ =	swait.ge [sflag:s22], s20  }
0x9f: {  	s4 =	ssub.s32 $0x0, s20;
	[sflag:s22] =	ssyncset.done $0x0  }
0xa0: {  	[sflag:s22] =	ssyncadd.s32 s4;
	_ =	sdelay $0x1  }
0xa1: {  	s23 =	simm.s32 $0x1B8B  }
0xa2: {  	_ =	swait.ge [sflag:s23], $0x1  }
0xa3: {  	[sflag:s23] =	ssyncset.done $0x0  }
0xa4: {  	s25 =	simm.s32 $0x1B8E;
	s24 =	sld [smem:$0x3FFE];
	[sflag:s23] =	ssyncadd.s32 $0xFFFFFFFF  }
0xa5: {  	s26 =	simm.s32 $execute0_lowered;
	[smem:$0x3FD2] =	sst s25  }
0xa6: {  	s5 =	sshll.u32 s26, $0x1;
	_ =	strace $0x80000049;
	[dreg:$0x1] =	wrdreg $0xFFFFFFFF  }
0xa7: {  	s28 =	simm.s32 $_size_execute0_lowered;
	s3 =	sadd.s32 s3, s5;
	[dreg:$0x0] =	wrdreg $0x0  }
0xa8: {  	s5 =	sshll.u32 s28, $0x1;
	[dreg:$0x2] =	wrdreg s3  }
0xa9: {  	[dreg:$0x3] =	wrdreg s5  }
0xaa: {  	[dreg:$0x4] =	wrdreg $0xC0  }
0xab: {  	_ =	task [dreg:s7], $0x5FFFF  }
0xac: {  	[dreg:$0x1] =	wrdreg $0xFFFFFFFF  }
0xad: {  	[dreg:$0x0] =	wrdreg $0x60  }
0xae: {  	[dreg:$0x2] =	wrdreg s2  }
0xaf: {  	[dreg:$0x3] =	wrdreg s24  }
0xb0: {  	[dreg:$0x4] =	wrdreg $0x0  }
0xb1: {  	[dreg:$0x5] =	wrdreg $0x9  }
0xb2: {  	_ =	task.clear_ibuf [dreg:s7], $0x6FFFF;
	_ =	strace $0x90000049  }
0xb3: {  	s29 =	simm.s32 $0x9;
	_ =	strace $0x8000004B  }
0xb4: {  	_ =	swait.ge [sflag:s29], $0x1  }
0xb5: {  	[sflag:s29] =	ssyncadd.s32 $0xFFFFFFFF  }
0xb6: {  	_ =	strace $0x9000004B  }
0xb7: {  	_ =	sfence  }
0xb8: {  	s30 =	sld [smem:$0x0];
	_ =	sdelay $0x2  }
0xb9: {  	s31 =	sshll.u32 s1, $0xD;
	s1 =	sshrl.u32 s1, $0x2  }
0xba: {  	s3 =	sand.u32 $0x4000, s31;
	s1 =	sadd.s32 s1, s30  }
0xbb: {  	s0 =	sor.u32 s3, s0;
	s1 =	sshll.u32 s1, $0x11  }
0xbc: {  	s0 =	sor.u32 s1, s0  }
0xbd: {  	s0 =	sadd.s32 $0x8F2B, s0  }
0xbe: {  	[sflag:s0] =	ssyncadd.remote.s32 $0x1  }
0xbf: {  	_ =	sfence.sel $0xFFFF  }
0xc0: {  	[dreg:$0x0] =	wrdreg $0xFFFFFFFF;
	(pc) =	sbr.abs _section_cstart, $3  }
0xc1: {  	[dreg:$0x1] =	wrdreg $0xFFFFFFFF  }
0xc2: {  	_ =	task.clear_ibuf [dreg:s7], $0x2FFFF;
	_ =	strace $0x9FFFFFFF  }
0xc3: {  	(tm) =	ssettm $0x7FFFFFFF  }
tec
execute0_lowered:
.L_overlay_start_1:
0x0: {  	(tag) =	ssettag $0x1  }
0x1: {  	s2 =	rddreg [dreg:$0x0]  }
0x2: {  	s0 =	rddreg [dreg:$0x1]  }
0x3: {  	s3 =	rddreg [dreg:$0x2];
	s15 =	stileid.u32;
	s4 =	simm.s32 $0x0  }
0x4: {  	s18 =	srdreg.scid;
	s16 =	simm.s32 $0x4;
	s28 =	simm.s32 $0x2  }
0x5: {  	s29 =	simm.s32 $0x18A00;
	s30 =	simm.s32 $0x1;
	s31 =	simm.s32 $0x18900  }
0x6: {  	s1 =	smul.u32 $0x4E0, s15;
	[smem:$0x7FF] =	sst s4;
	s4 =	sand.u32 $0x1, s18  }
0x7: {  	s5 =	sadd.s32 $0xCE00, s0;
	s13 =	sadd.s32 $0xF600, s0;
	s10 =	smul.u32 $0x270, s15  }
0x8: {  	s11 =	smul.u32 $0x4E000, s15;
	s20 =	sadd.s32 $0x7400, s0;
	s9 =	sadd.s32 $0xC400, s0  }
0x9: {  	p0 =	sne.s32 s15, $0xF;
	s18 =	simm.s32 $0x40;
	s26 =	sshll.u32 s15, $0x6  }
0xa: {  	_ =	strace $0x8000004A;
	s6 =	ssub.s32 $0x2, s4;
	s7 =	smul.u32 $0x2710, s4  }
0xb: {  	[dreg:$0x6] =	wrdreg s20;
	s21 =	smul.u32 $0x138800, s4;
	s20 =	simm.s32 $0x18B80  }
0xc: {  	s1 =	sadd.s32 s1, s0;
	s8 =	sshrl.u32 s6, $0x1;
	s22 =	sshrl.u32 s11, $0x2  }
0xd: {  	s11 =	sadd.s32 $0x138000, s3;
	s0 =	simm.s32 $0x0;
	s6 =	ssub.s32 s6, s8  }
0xe: {  	s19 =	sadd.s32 $0x2600, s1;
	s1 =	sadd.s32 $0x7600, s1;
	s23 =	sadd.s32 s10, s7  }
.Ltmp0:
0xf: {  	s10 =	sadd.s32 s22, s3;
	[dreg:$0x4] =	wrdreg s19;
	(pc) =	sbr.rel .LBB2_1-.Ltmp0, $4  }
0x10: {  	s22 =	simm.s32 $0x1AB80;
	[dreg:$0x5] =	wrdreg s1;
	s24 =	sshll.u32 s23, $0x4  }
0x11: {  	s1 =	sshrl.u32 s21, $0x3;
	s14 =	smax.u32 s6, $0x1;
	s23 =	sor.u32 $0x1C04, s26  }
0x12: {  	s26 =	simm.s32 $0x1CB80;
	s12 =	sadd.s32 s13, s24;
	s25 =	sadd.s32 s13, s1  }
0x13: {  	v0 =	vmov s7;
	s24 =	simm.s32 $0x3;
	s13 =	sadd.s32 $0x27000, s25;
	s25 =	simm.s32 $0x18B00  }
.LBB2_8:
0x14: {  	[bflag:$0x0] =	sbarrier.arrive $0xFFFF  }
0x15: {  	[hbm:s12], [sflag:s23] =	dma.local [spmem:s1], $0x2700  }
0x16: {  	s0 =	sadd.s32 $0x1, s0;
	_ =	swait.ge [sflag:s16], $0x2700  }
0x17: {  	p1 =	sne.s32 s0, s14;
	[sflag:s16] =	ssyncset.done $0x0  }
.Ltmp1:
0x18: {  	s1 =	simm.s32 @!p0 $0x4;
	[sflag:s16] =	ssyncadd.s32 $0xFFFFD900;
	(pc) =	sbr.rel @!p1 .LBB2_9-.Ltmp1, $4  }
0x19: {  	[hbm:s13], [sflag:s23] =	dma.local @!p0 [spmem:s15], $0x100  }
0x1a: {  	_ =	swait.ge @!p0 [sflag:s1], $0x100  }
0x1b: {  	[sflag:s1] =	ssyncset.done @!p0 $0x0  }
0x1c: {  	[sflag:s1] =	ssyncadd.s32 @!p0 $0xFFFFFF00  }
.LBB2_1:
0x1d: {  	s1 =	simm.s32 $0x0;
	s4 =	rddreg [dreg:$0x4];
	s6 =	simm.s32 $0x13880  }
0x1e: {  	[tilespmem:s6], [sflag:$0x4] =	stream.linear.gather [hbm4b:s4+s1], $0x2700, $0x38;
	[tilespmem:$0x1EB80] =	vst v63  }
0x1f: {  	_ =	swait.ge [sflag:s16], $0x2700  }
0x20: {  	[sflag:s16] =	ssyncset.done $0x0  }
0x21: {  	s17 =	simm.s32 $0x16080;
	s15 =	rddreg [dreg:$0x5];
	[sflag:s16] =	ssyncadd.s32 $0xFFFFD900  }
0x22: {  	[tilespmem:s17], [sflag:$0x4] =	stream.linear.gather [hbm4b:s15+s1], $0x2700, $0x38;
	[tilespmem:$0x1EB80] =	vst v63  }
0x23: {  	_ =	swait.ge [sflag:s16], $0x2700  }
0x24: {  	s4 =	simm.s32 @!p0 $0x15F80;
	[sflag:s16] =	ssyncset.done $0x0  }
0x25: {  	s1 =	simm.s32 @!p0 $0x0;
	s6 =	rddreg [dreg:$0x6];
	[sflag:s16] =	ssyncadd.s32 $0xFFFFD900  }
0x26: {  	[tilespmem:s4], [sflag:$0x4] =	stream.linear.gather @!p0 [hbm4b:s6+s1], $0x100, $0x38;
	[tilespmem:$0x1EB80] =	vst v63  }
0x27: {  	s4 =	simm.s32 @!p0 $0x4  }
0x28: {  	_ =	swait.ge @!p0 [sflag:s4], $0x100  }
0x29: {  	[sflag:s4] =	ssyncset.done @!p0 $0x0  }
0x2a: {  	s6 =	simm.s32 @!p0 $0x18780;
	[sflag:s4] =	ssyncadd.s32 @!p0 $0xFFFFFF00  }
0x2b: {  	[tilespmem:s6], [sflag:$0x4] =	stream.linear.gather @!p0 [hbm4b:s9+s1], $0x100, $0x38;
	[tilespmem:$0x1EB80] =	vst v63  }
0x2c: {  	_ =	swait.ge @!p0 [sflag:s4], $0x100  }
0x2d: {  	[sflag:s4] =	ssyncset.done @!p0 $0x0  }
0x2e: {  	[sflag:s4] =	ssyncadd.s32 @!p0 $0xFFFFFF00  }
0x2f: {  	v1 =	vld [tilespmem:$0x13880]  }
0x30: {  	v2 =	vld [tilespmem:$0x16080]  }
0x31: {  	v3 =	vld [tilespmem:$0x13890];
	_ =	sdelay $0x1  }
0x32: {  	v4 =	vld [tilespmem:$0x16090]  }
0x33: {  	v5 =	vld [tilespmem:$0x138A0]  }
0x34: {  	v6 =	vld [tilespmem:$0x160A0];
	v1 =	vadd.s32 v0, v1;
	[tilespmem:$0x18900] =	vst v2  }
0x35: {  	v2 =	vadd.s32 v0, v3;
	[tilespmem:$0x18880] =	vst v1;
	v1 =	vld [tilespmem:$0x138B0]  }
0x36: {  	[tilespmem:$0x18890] =	vst v2;
	v2 =	vld [tilespmem:$0x160B0];
	_ =	sdelay $0x1  }
0x37: {  	[tilespmem:$0x18910] =	vst v4  }
0x38: {  	v3 =	vadd.s32 v0, v5;
	[tilespmem:$0x18920] =	vst v6  }
0x39: {  	[tilespmem:$0x188A0] =	vst v3  }
0x3a: {  	v1 =	vadd.s32 v0, v1;
	[tilespmem:$0x18930] =	vst v2  }
0x3b: {  	s19 =	simm.s32 $0x18880;
	[tilespmem:$0x188B0] =	vst v1  }
0x3c: {  	[tilespmem:s20], [sflag:$0x1] =	stream.indirect.gather [hbm4b:s2+s18], $0x80, s19, s18, $0xb8;
	[tilespmem:$0x1EB80] =	vst v63  }
0x3d: {  	v1 =	vld [tilespmem:$0x138C0]  }
0x3e: {  	v2 =	vld [tilespmem:$0x160C0]  }
0x3f: {  	v3 =	vld [tilespmem:$0x138D0];
	_ =	sdelay $0x1  }
0x40: {  	v61 =	vld [tilespmem:$0x160D0]  }
0x41: {  	v62 =	vld [tilespmem:$0x138E0]  }
0x42: {  	v63 =	vld [tilespmem:$0x160E0];
	v1 =	vadd.s32 v0, v1;
	[tilespmem:$0x18A00] =	vst v2  }
0x43: {  	v2 =	vadd.s32 v0, v3;
	[tilespmem:$0x18980] =	vst v1;
	v1 =	vld [tilespmem:$0x138F0]  }
0x44: {  	[tilespmem:$0x18990] =	vst v2;
	v2 =	vld [tilespmem:$0x160F0];
	_ =	sdelay $0x1  }
0x45: {  	[tilespmem:$0x18A10] =	vst v61  }
0x46: {  	v3 =	vadd.s32 v0, v62;
	[tilespmem:$0x18A20] =	vst v63  }
0x47: {  	[tilespmem:$0x189A0] =	vst v3  }
0x48: {  	v1 =	vadd.s32 v0, v1;
	[tilespmem:$0x18A30] =	vst v2  }
0x49: {  	s21 =	simm.s32 $0x18980;
	s1 =	sshrl.u32 s10, $0x3;
	[tilespmem:$0x189B0] =	vst v1  }
0x4a: {  	[tilespmem:s22], [sflag:$0x2] =	stream.indirect.gather [hbm4b:s2+s18], $0x80, s21, s18, $0xb8;
	[tilespmem:$0x1EB80] =	vst v63  }
0x4b: {  	[spmem:s1], [sflag:s23] =	dma.local [hbm:s5], $0x2700  }
0x4c: {  	_ =	swait.ge [sflag:s16], $0x2700  }
0x4d: {  	[sflag:s16] =	ssyncset.done $0x0  }
0x4e: {  	s15 =	sshrl.u32 @!p0 s11, $0x3;
	[sflag:s16] =	ssyncadd.s32 $0xFFFFD900  }
0x4f: {  	[spmem:s15], [sflag:s23] =	dma.local @!p0 [hbm:s5], $0x100  }
.Ltmp2:
0x50: {  	_ =	swait.ge @!p0 [sflag:s4], $0x100;
	(pc) =	sbr.rel .LBB2_2-.Ltmp2, $4  }
0x51: {  	[sflag:s4] =	ssyncset.done @!p0 $0x0  }
0x52: {  	s17 =	simm.s32 @!p0 $0xA0;
	[sflag:s4] =	ssyncadd.s32 @!p0 $0xFFFFFF00  }
0x53: {  	s17 =	simm.s32 @p0 $0x9C;
	[bflag:$0x0] =	sbarrier.arrive $0xFFFF  }
0x54: {  	s19 =	simm.s32 $0x16130;
	s21 =	simm.s32 $0x13930;
	s4 =	simm.s32 $0x0  }
.LBB2_6:
0x55: {  	p1 =	sge.u32 s6, s17  }
0x56: {  	v1 =	vld @!p1 [tilespmem:s21+$0xFFFFFFD0];
	_ =	sdelay $0x4  }
0x57: {  	v1 =	vadd.s32 @!p1 v0, v1  }
0x58: {  	[tilespmem:$0x18980] =	vst @!p1 v1  }
0x59: {  	v1 =	vld @!p1 [tilespmem:s19+$0xFFFFFFD0];
	_ =	sdelay $0x4  }
0x5a: {  	[tilespmem:$0x18A00] =	vst @!p1 v1  }
0x5b: {  	v1 =	vld @!p1 [tilespmem:s21+$0xFFFFFFE0];
	_ =	sdelay $0x4  }
0x5c: {  	v1 =	vadd.s32 @!p1 v0, v1  }
0x5d: {  	[tilespmem:$0x18990] =	vst @!p1 v1  }
0x5e: {  	v1 =	vld @!p1 [tilespmem:s19+$0xFFFFFFE0];
	_ =	sdelay $0x4  }
0x5f: {  	[tilespmem:$0x18A10] =	vst @!p1 v1  }
0x60: {  	v1 =	vld @!p1 [tilespmem:s21+$0xFFFFFFF0];
	_ =	sdelay $0x4  }
0x61: {  	v1 =	vadd.s32 @!p1 v0, v1  }
0x62: {  	[tilespmem:$0x189A0] =	vst @!p1 v1  }
0x63: {  	v1 =	vld @!p1 [tilespmem:s19+$0xFFFFFFF0];
	_ =	sdelay $0x4  }
0x64: {  	[tilespmem:$0x18A20] =	vst @!p1 v1  }
0x65: {  	v1 =	vld @!p1 [tilespmem:s21+$0x0];
	_ =	sdelay $0x4  }
0x66: {  	v1 =	vadd.s32 @!p1 v0, v1  }
0x67: {  	[tilespmem:$0x189B0] =	vst @!p1 v1  }
0x68: {  	v1 =	vld @!p1 [tilespmem:s19+$0x0];
	_ =	sdelay $0x4  }
0x69: {  	s6 =	simm.s32 @!p1 $0x40;
	s7 =	simm.s32 @!p1 $0x18980;
	s8 =	simm.s32 @!p1 $0x1AB80;
	[tilespmem:$0x18A30] =	vst @!p1 v1  }
0x6a: {  	[tilespmem:s8], [sflag:$0x2] =	stream.indirect.gather @!p1 [hbm4b:s2+s6], $0x80, s7, s6, $0xb8;
	[tilespmem:$0x1EB80] =	vst v63  }
0x6b: {  	_ =	swait.ge [sflag:s24], $0x2000  }
0x6c: {  	[sflag:s24] =	ssyncset.done $0x0  }
0x6d: {  	s6 =	simm.s32 $0x4;
	[sflag:s24] =	ssyncadd.s32 $0xFFFFE000  }
0x6e: {  	[spmem:s3] =	stream.indirect.scatter.add.f32 [tilespmem:s26], [sflag:$0x4], $0x80, s25, s18, $0xb8;
	[tilespmem:$0x1EB80] =	vst v63  }
.LBB2_7:
0x6f: {  	s4 =	sadd.s32 $0x1, s4  }
0x70: {  	p1 =	sne.s32 s17, s4  }
.Ltmp3:
0x71: {  	_ = 	snop;
	(pc) =	sbr.rel @!p1 .LBB2_8-.Ltmp3, $4  }
0x72: {  	_ = 	snop  }
0x73: {  	_ =	swait.ge [sflag:s6], $0x2000  }
0x74: {  	[sflag:s6] =	ssyncset.done $0x0  }
0x75: {  	s19 =	sadd.s32 $0x40, s19;
	s21 =	sadd.s32 $0x40, s21;
	[sflag:s6] =	ssyncadd.s32 $0xFFFFE000  }
.LBB2_2:
0x76: {  	s6 =	smulhi.u32 $0xAAAAAAAB, s4;
	_ =	sdelay $0x1  }
0x77: {  	s6 =	sshrl.u32 s6, $0x1  }
0x78: {  	s6 =	smul.u32 $0x3, s6;
	_ =	sdelay $0x1  }
0x79: {  	s7 =	ssub.s32 s4, s6  }
0x7a: {  	p1 =	seq.s32 s7, $0x2  }
.Ltmp4:
0x7b: {  	_ = 	snop;
	(pc) =	sbr.rel @p1 .LBB2_6-.Ltmp4, $2  }
0x7c: {  	_ =	sdelay $0x2  }
0x7d: {  	s6 =	sadd.s32 $0x2, s4  }
0x7e: {  	p1 =	seq.s32 s7, $0x1  }
.Ltmp5:
0x7f: {  	_ = 	snop;
	(pc) =	sbr.rel @!p1 .LBB2_4-.Ltmp5, $1  }
0x80: {  	_ =	sdelay $0x3  }
0x81: {  	p1 =	sge.u32 s6, s17  }
0x82: {  	v1 =	vld @!p1 [tilespmem:s21+$0xFFFFFFD0];
	_ =	sdelay $0x4  }
0x83: {  	v1 =	vadd.s32 @!p1 v0, v1  }
0x84: {  	[tilespmem:$0x18880] =	vst @!p1 v1  }
0x85: {  	v1 =	vld @!p1 [tilespmem:s19+$0xFFFFFFD0];
	_ =	sdelay $0x4  }
0x86: {  	[tilespmem:$0x18900] =	vst @!p1 v1  }
0x87: {  	v1 =	vld @!p1 [tilespmem:s21+$0xFFFFFFE0];
	_ =	sdelay $0x4  }
0x88: {  	v1 =	vadd.s32 @!p1 v0, v1  }
0x89: {  	[tilespmem:$0x18890] =	vst @!p1 v1  }
0x8a: {  	v1 =	vld @!p1 [tilespmem:s19+$0xFFFFFFE0];
	_ =	sdelay $0x4  }
0x8b: {  	[tilespmem:$0x18910] =	vst @!p1 v1  }
0x8c: {  	v1 =	vld @!p1 [tilespmem:s21+$0xFFFFFFF0];
	_ =	sdelay $0x4  }
0x8d: {  	v1 =	vadd.s32 @!p1 v0, v1  }
0x8e: {  	[tilespmem:$0x188A0] =	vst @!p1 v1  }
0x8f: {  	v1 =	vld @!p1 [tilespmem:s19+$0xFFFFFFF0];
	_ =	sdelay $0x4  }
0x90: {  	[tilespmem:$0x18920] =	vst @!p1 v1  }
0x91: {  	v1 =	vld @!p1 [tilespmem:s21+$0x0];
	_ =	sdelay $0x4  }
0x92: {  	v1 =	vadd.s32 @!p1 v0, v1  }
0x93: {  	[tilespmem:$0x188B0] =	vst @!p1 v1  }
0x94: {  	v1 =	vld @!p1 [tilespmem:s19+$0x0];
	_ =	sdelay $0x4  }
0x95: {  	s6 =	simm.s32 @!p1 $0x40;
	s7 =	simm.s32 @!p1 $0x18880;
	s8 =	simm.s32 @!p1 $0x18B80;
	[tilespmem:$0x18930] =	vst @!p1 v1  }
0x96: {  	[tilespmem:s8], [sflag:$0x1] =	stream.indirect.gather @!p1 [hbm4b:s2+s6], $0x80, s7, s6, $0xb8;
	[tilespmem:$0x1EB80] =	vst v63  }
.Ltmp6:
0x97: {  	_ = 	snop;
	(pc) =	sbr.rel .LBB2_7-.Ltmp6, $4  }
0x98: {  	_ =	swait.ge [sflag:s28], $0x2000  }
0x99: {  	[sflag:s28] =	ssyncset.done $0x0  }
0x9a: {  	s6 =	simm.s32 $0x5;
	[sflag:s28] =	ssyncadd.s32 $0xFFFFE000  }
0x9b: {  	[spmem:s3] =	stream.indirect.scatter.add.f32 [tilespmem:s22], [sflag:$0x5], $0x80, s29, s18, $0xb8;
	[tilespmem:$0x1EB80] =	vst v63  }
.LBB2_4:
0x9c: {  	p1 =	sge.u32 s6, s17  }
0x9d: {  	v1 =	vld @!p1 [tilespmem:s21+$0xFFFFFFD0];
	_ =	sdelay $0x4  }
0x9e: {  	v1 =	vadd.s32 @!p1 v0, v1  }
0x9f: {  	[tilespmem:$0x18A80] =	vst @!p1 v1  }
0xa0: {  	v1 =	vld @!p1 [tilespmem:s19+$0xFFFFFFD0];
	_ =	sdelay $0x4  }
0xa1: {  	[tilespmem:$0x18B00] =	vst @!p1 v1  }
0xa2: {  	v1 =	vld @!p1 [tilespmem:s21+$0xFFFFFFE0];
	_ =	sdelay $0x4  }
0xa3: {  	v1 =	vadd.s32 @!p1 v0, v1  }
0xa4: {  	[tilespmem:$0x18A90] =	vst @!p1 v1  }
0xa5: {  	v1 =	vld @!p1 [tilespmem:s19+$0xFFFFFFE0];
	_ =	sdelay $0x4  }
0xa6: {  	[tilespmem:$0x18B10] =	vst @!p1 v1  }
0xa7: {  	v1 =	vld @!p1 [tilespmem:s21+$0xFFFFFFF0];
	_ =	sdelay $0x4  }
0xa8: {  	v1 =	vadd.s32 @!p1 v0, v1  }
0xa9: {  	[tilespmem:$0x18AA0] =	vst @!p1 v1  }
0xaa: {  	v1 =	vld @!p1 [tilespmem:s19+$0xFFFFFFF0];
	_ =	sdelay $0x4  }
0xab: {  	[tilespmem:$0x18B20] =	vst @!p1 v1  }
0xac: {  	v1 =	vld @!p1 [tilespmem:s21+$0x0];
	_ =	sdelay $0x4  }
0xad: {  	v1 =	vadd.s32 @!p1 v0, v1  }
0xae: {  	[tilespmem:$0x18AB0] =	vst @!p1 v1  }
0xaf: {  	v1 =	vld @!p1 [tilespmem:s19+$0x0];
	_ =	sdelay $0x4  }
0xb0: {  	s6 =	simm.s32 @!p1 $0x40;
	s7 =	simm.s32 @!p1 $0x18A80;
	s8 =	simm.s32 @!p1 $0x1CB80;
	[tilespmem:$0x18B30] =	vst @!p1 v1  }
0xb1: {  	[tilespmem:s8], [sflag:$0x3] =	stream.indirect.gather @!p1 [hbm4b:s2+s6], $0x80, s7, s6, $0xb8;
	[tilespmem:$0x1EB80] =	vst v63  }
.Ltmp7:
0xb2: {  	_ = 	snop;
	(pc) =	sbr.rel .LBB2_7-.Ltmp7, $4  }
0xb3: {  	_ =	swait.ge [sflag:s30], $0x2000  }
0xb4: {  	[sflag:s30] =	ssyncset.done $0x0  }
0xb5: {  	s6 =	simm.s32 $0x5;
	[sflag:s30] =	ssyncadd.s32 $0xFFFFE000  }
0xb6: {  	[spmem:s3] =	stream.indirect.scatter.add.f32 [tilespmem:s20], [sflag:$0x5], $0x80, s31, s18, $0xb8;
	[tilespmem:$0x1EB80] =	vst v63  }
.LBB2_9:
0xb7: {  	_ =	sfence.sel $0x180000  }
0xb8: {  	[bflag:$0x0] =	sbarrier.arrive $0xFFFF  }
0xb9: {  	_ =	strace $0x9000004A  }
0xba: {  	s0 =	stileid.u32;
	[bflag:$0x2] =	sbarrier.arrive $0xFFFF  }
0xbb: {  	p0 =	sne.s32 s0, $0x0;
	s0 =	rddreg [dreg:$0x3]  }
0xbc: {  	s0 =	sadd.s32 @!p0 $0x100000, s0  }
0xbd: {  	[sflag:s0] =	ssyncadd.tile.s32 @!p0 $0x1;
	_ =	shalt  }
.Lfunc_end2:
_tile_overlayer_lowered:
.L_overlay_start_2:
0xbe: {  	(tag) =	ssettag $0x2  }
0xbf: {  	s0 =	rddreg [dreg:$0x0];
	s2 =	stileid.u32  }
0xc0: {  	s1 =	rddreg [dreg:$0x1];
	p0 =	sne.s32 s2, $0x0  }
0xc1: {  	s3 =	rddreg [dreg:$0x2];
	[bflag:$0x3] =	sbarrier.arrive $0xFFFF;
	s2 =	simm.s32 @!p0 $0x1C04  }
0xc2: {  	[timem:s3], [sflag:s2] =	dma.local @!p0 [hbm:s0], s1  }
0xc3: {  	s0 =	simm.s32 @!p0 $0x4  }
0xc4: {  	_ =	swait.ge @!p0 [sflag:s0], s1  }
0xc5: {  	s1 =	ssub.s32 @!p0 $0x0, s1;
	[sflag:s0] =	ssyncset.done @!p0 $0x0  }
0xc6: {  	[sflag:s0] =	ssyncadd.s32 @!p0 s1  }
0xc7: {  	[bflag:$0x3] =	sbarrier.arrive $0xFFFF  }
0xc8: {  	_ =	shalt  }

// kernel: kernel.15.cloned.1.call-start
scs
__scs_entry_jumppad:
0x0: {  	(pc) =	sbr.rel $0x88, $3  }
0x1: {  	(tag) =	ssettag $0x0;
	lr =	simm.s32 $0x1  }
0x2: {  	[smem:$0x3F9A] =	sst lr;
	_ =	strace $0xD0000000  }
0x3: {  	_ = 	snop  }
0x4: {  	_ = 	snop  }
0x5: {  	_ = 	snop  }
0x6: {  	_ = 	snop  }
0x7: {  	_ = 	snop  }
__scs_overlays_trampoline_lowered:
0x8: {  	[smem:$0x3FA9] =	sst s0  }
0x9: {  	[smem:$0x3FAA] =	sst s1  }
0xa: {  	[smem:$0x3FAB] =	sst s2  }
0xb: {  	[smem:$0x3FAC] =	sst s3  }
0xc: {  	[smem:$0x3FAD] =	sst s4  }
0xd: {  	[smem:$0x3FAE] =	sst s5  }
0xe: {  	[smem:$0x3FAF] =	sst s6  }
0xf: {  	[smem:$0x3FB0] =	sst s7  }
0x10: {  	[smem:$0x3FB1] =	sst s8  }
0x11: {  	[smem:$0x3FB2] =	sst s9;
	s0 =	simm.s32 @!p0 $0x0  }
0x12: {  	s1 =	sld [smem:$0x3F98];
	s0 =	simm.s32 @p0 $0x1  }
0x13: {  	[smem:$0x3FB3] =	sst s0;
	s0 =	simm.s32 @!p1 $0x0  }
0x14: {  	s2 =	sld [smem:$0x3F97];
	s0 =	simm.s32 @p1 $0x1  }
0x15: {  	[smem:$0x3FB4] =	sst s0;
	s0 =	simm.s32 @!p2 $0x0  }
0x16: {  	s3 =	sld [smem:$0x3FDB];
	s0 =	simm.s32 @p2 $0x1  }
0x17: {  	s4 =	simm.s32 $0x1BF5;
	[smem:$0x3FB6] =	sst s0  }
0x18: {  	s0 =	sld [smem:$0x3F99];
	_ =	swait.ge [sflag:s4], $0x0  }
0x19: {  	s7 =	sld [smem:$0x3F9A]  }
0x1a: {  	s8 =	sadd.s32 $0xFFFFE003, lr  }
0x1b: {  	s9 =	sadd.s32 $0xFFFFFEF7, lr;
	s5 =	simm.s32 $0xFFFFFFFF;
	p2 =	slt.u32 s8, $0xFFFFF086  }
0x1c: {  	p1 =	slt.u32 s9, $0xF7A;
	s5 =	simm.s32 @!p2 $0x0  }
0x1d: {  	s5 =	simm.s32 @p1 $0x1;
	p0 =	seq.s32 s7, s2  }
0x1e: {  	s7 =	smul.u32 @!p0 $0xF7A, s2;
	p2 =	seq.s32 @!p0 s5, $0x0  }
0x1f: {  	s9 =	smul.u32 $0xF7A, s1;
	s8 =	simm.s32 @!p0 $0x1BF5;
	p2 =	por !p2, p0  }
0x20: {  	[sflag:s8] =	ssyncset.s32 @!p0 $0xFFFFF086;
	s6 =	sadd.s32 @!p0 s3, s7;
	s7 =	simm.s32 @!p0 $0x108  }
0x21: {  	s3 =	sadd.s32 s3, s9;
	s6 =	sadd.s32 @!p0 $0x88, s6;
	s7 =	simm.s32 @p2 $0x1082  }
0x22: {  	[simem:s7], [sflag:s8] =	dma.local @!p0 [hbm:s6], $0xF7A  }
0x23: {  	s9 =	sor.u32 $0xD0000000, s2;
	s6 =	simm.s32 $0x108;
	_ =	swait.ge @!p0 [sflag:s8], $0x0  }
0x24: {  	s3 =	sadd.s32 $0x88, s3;
	s6 =	simm.s32 @!p1 $0x1082;
	[sflag:s4] =	ssyncset.s32 $0xFFFFF086  }
0x25: {  	[simem:s6], [sflag:s4] =	dma.local [hbm:s3], $0xF7A  }
0x26: {  	[smem:$0x3F9A] =	sst s1;
	(tag) =	ssettag s2;
	_ =	strace s9  }
0x27: {  	s1 =	sld [smem:$0x3FAA]  }
0x28: {  	s2 =	sld [smem:$0x3FAB]  }
0x29: {  	s4 =	sld [smem:$0x3FAD]  }
0x2a: {  	p0 =	seq.s32 s5, $0x0;
	s5 =	sld [smem:$0x3FAE]  }
0x2b: {  	s6 =	sld [smem:$0x3FAF]  }
0x2c: {  	s7 =	sld [smem:$0x3FB0]  }
0x2d: {  	s3 =	simm.s32 $0x108;
	s8 =	sld [smem:$0x3FB1]  }
0x2e: {  	s3 =	simm.s32 @!p0 $0x1082;
	s9 =	sld [smem:$0x3FB2]  }
0x2f: {  	lr =	sadd.s32 s0, s3;
	s0 =	sld [smem:$0x3FA9]  }
0x30: {  	s3 =	sld [smem:$0x3FAC]  }
0x31: {  	[smem:$0x3FB5] =	sst s10  }
0x32: {  	s10 =	sld [smem:$0x3FB3];
	_ =	sdelay $0x3  }
0x33: {  	p0 =	seq.s32 s10, $0x1;
	s10 =	sld [smem:$0x3FB5];
	_ =	sdelay $0x3  }
0x34: {  	[smem:$0x3FB5] =	sst s10  }
0x35: {  	s10 =	sld [smem:$0x3FB4];
	_ =	sdelay $0x3  }
0x36: {  	p1 =	seq.s32 s10, $0x1;
	s10 =	sld [smem:$0x3FB5];
	_ =	sdelay $0x3  }
0x37: {  	[smem:$0x3FB5] =	sst s10  }
0x38: {  	s10 =	sld [smem:$0x3FB6]  }
0x39: {  	_ = 	snop;
	(pc) =	sbr.ind lr, $3  }
0x3a: {  	_ = 	snop  }
0x3b: {  	_ = 	snop  }
0x3c: {  	p2 =	seq.s32 s10, $0x1;
	s10 =	sld [smem:$0x3FB5]  }
0x3d: {  	_ =	shalt  }
0x3e: {  	_ =	shalt  }
0x3f: {  	_ =	shalt  }
0x40: {  	_ =	shalt  }
0x41: {  	_ =	shalt  }
0x42: {  	_ =	shalt  }
0x43: {  	_ =	shalt  }
0x44: {  	_ =	shalt  }
0x45: {  	_ =	shalt  }
0x46: {  	_ =	shalt  }
0x47: {  	_ =	shalt  }
0x48: {  	_ =	shalt  }
0x49: {  	_ =	shalt  }
0x4a: {  	_ =	shalt  }
0x4b: {  	_ =	shalt  }
0x4c: {  	_ =	shalt  }
0x4d: {  	_ =	shalt  }
0x4e: {  	_ =	shalt  }
0x4f: {  	_ =	shalt  }
0x50: {  	_ =	shalt  }
0x51: {  	_ =	shalt  }
0x52: {  	_ =	shalt  }
0x53: {  	_ =	shalt  }
0x54: {  	_ =	shalt  }
0x55: {  	_ =	shalt  }
0x56: {  	_ =	shalt  }
0x57: {  	_ =	shalt  }
0x58: {  	_ =	shalt  }
0x59: {  	_ =	shalt  }
0x5a: {  	_ =	shalt  }
0x5b: {  	_ =	shalt  }
0x5c: {  	_ =	shalt  }
0x5d: {  	_ =	shalt  }
0x5e: {  	_ =	shalt  }
0x5f: {  	_ =	shalt  }
0x60: {  	_ =	shalt  }
0x61: {  	_ =	shalt  }
0x62: {  	_ =	shalt  }
0x63: {  	_ =	shalt  }
0x64: {  	_ =	shalt  }
0x65: {  	_ =	shalt  }
0x66: {  	_ =	shalt  }
0x67: {  	_ =	shalt  }
0x68: {  	_ =	shalt  }
0x69: {  	_ =	shalt  }
0x6a: {  	_ =	shalt  }
0x6b: {  	_ =	shalt  }
0x6c: {  	_ =	shalt  }
0x6d: {  	_ =	shalt  }
0x6e: {  	_ =	shalt  }
0x6f: {  	_ =	shalt  }
0x70: {  	_ =	shalt  }
0x71: {  	_ =	shalt  }
0x72: {  	_ =	shalt  }
0x73: {  	_ =	shalt  }
0x74: {  	_ =	shalt  }
0x75: {  	_ =	shalt  }
0x76: {  	_ =	shalt  }
0x77: {  	_ =	shalt  }
0x78: {  	_ =	shalt  }
0x79: {  	_ =	shalt  }
0x7a: {  	_ =	shalt  }
0x7b: {  	_ =	shalt  }
0x7c: {  	_ =	shalt  }
0x7d: {  	_ =	shalt  }
0x7e: {  	_ =	shalt  }
0x7f: {  	_ =	shalt  }
0x80: {  	_ =	shalt  }
0x81: {  	_ =	shalt  }
0x82: {  	_ =	shalt  }
0x83: {  	_ =	shalt  }
0x84: {  	_ =	shalt  }
0x85: {  	_ =	shalt  }
0x86: {  	_ =	shalt  }
0x87: {  	_ =	shalt  }
.Lfunc_end0:
.L_simem_size_0:
called_computation.2_lowered:
.L_overlay_start_0:
0x88: {  	s2 =	sld [smem:$0x3FD9]  }
0x89: {  	s3 =	sld [smem:$0x3FFE];
	_ =	sdelay $0x1  }
0x8a: {  	s1 =	srdreg.scid  }
0x8b: {  	s0 =	sand.u32 $0x1, s1  }
0x8c: {  	s17 =	sshll.u32 s0, $0xA;
	s2 =	sadd.s32 s3, s2  }
0x8d: {  	s2 =	sadd.s32 s2, s17  }
0x8e: {  	[smem:$0x3FC1] =	sst s2  }
0x8f: {  	_ = 	snop  }
0x90: {  	s2 =	sld [smem:$0x3FD0];
	(tm) =	ssettm $0x1  }
0x91: {  	s18 =	sld [smem:$0x3FFB];
	_ =	sdelay $0x3  }
0x92: {  	_ =	strace s18  }
0x93: {  	s3 =	sld [smem:$0x3FFC];
	_ =	sdelay $0x3  }
0x94: {  	_ =	strace s3  }
0x95: {  	s3 =	sld [smem:$0x3FFD];
	_ =	sdelay $0x3  }
0x96: {  	_ =	strace s3  }
0x97: {  	_ =	strace $0x8FFFFFFF  }
0x98: {  	s19 =	sld [smem:$0x3FDB];
	_ =	sdelay $0x1  }
0x99: {  	s4 =	simm.s32 $_scs_section_size  }
0x9a: {  	s5 =	simm.s32 $_size__tile_overlayer_lowered;
	s6 =	simm.s32 $_tile_overlayer_lowered  }
0x9b: {  	s22 =	simm.s32 $0x1BFF;
	s21 =	sshll.u32 s6, $0x1;
	s3 =	sadd.s32 s4, s19  }
0x9c: {  	s7 =	simm.s32 $0x0;
	s20 =	sshll.u32 s5, $0x1;
	s5 =	sadd.s32 s21, s3  }
0x9d: {  	[timem:s7], [sflag:s22] =	dma.local [hbm:s5], s20  }
0x9e: {  	_ =	swait.ge [sflag:s22], s20  }
0x9f: {  	s4 =	ssub.s32 $0x0, s20;
	[sflag:s22] =	ssyncset.done $0x0  }
0xa0: {  	[sflag:s22] =	ssyncadd.s32 s4;
	_ =	sdelay $0x1  }
0xa1: {  	s23 =	simm.s32 $0x1B8B  }
0xa2: {  	_ =	swait.ge [sflag:s23], $0x1  }
0xa3: {  	[sflag:s23] =	ssyncset.done $0x0  }
0xa4: {  	s25 =	simm.s32 $0x1B8E;
	s24 =	sld [smem:$0x3FFE];
	[sflag:s23] =	ssyncadd.s32 $0xFFFFFFFF  }
0xa5: {  	s26 =	simm.s32 $execute0_lowered;
	[smem:$0x3FD2] =	sst s25  }
0xa6: {  	s5 =	sshll.u32 s26, $0x1;
	_ =	strace $0x8000004C;
	[dreg:$0x1] =	wrdreg $0xFFFFFFFF  }
0xa7: {  	s28 =	simm.s32 $_size_execute0_lowered;
	s3 =	sadd.s32 s3, s5;
	[dreg:$0x0] =	wrdreg $0x0  }
0xa8: {  	s5 =	sshll.u32 s28, $0x1;
	[dreg:$0x2] =	wrdreg s3  }
0xa9: {  	[dreg:$0x3] =	wrdreg s5  }
0xaa: {  	[dreg:$0x4] =	wrdreg $0xC0  }
0xab: {  	_ =	task [dreg:s7], $0x5FFFF  }
0xac: {  	[dreg:$0x1] =	wrdreg $0xFFFFFFFF  }
0xad: {  	[dreg:$0x0] =	wrdreg $0x60  }
0xae: {  	[dreg:$0x2] =	wrdreg s24  }
0xaf: {  	[dreg:$0x3] =	wrdreg s2  }
0xb0: {  	[dreg:$0x4] =	wrdreg $0x0  }
0xb1: {  	[dreg:$0x5] =	wrdreg $0x9  }
0xb2: {  	_ =	task.clear_ibuf [dreg:s7], $0x6FFFF;
	_ =	strace $0x9000004C  }
0xb3: {  	s29 =	simm.s32 $0x9;
	_ =	strace $0x8000004E  }
0xb4: {  	_ =	swait.ge [sflag:s29], $0x1  }
0xb5: {  	[sflag:s29] =	ssyncadd.s32 $0xFFFFFFFF  }
0xb6: {  	_ =	strace $0x9000004E  }
0xb7: {  	_ =	sfence  }
0xb8: {  	s30 =	sld [smem:$0x0];
	_ =	sdelay $0x2  }
0xb9: {  	s31 =	sshll.u32 s1, $0xD;
	s1 =	sshrl.u32 s1, $0x2  }
0xba: {  	s3 =	sand.u32 $0x4000, s31;
	s1 =	sadd.s32 s1, s30  }
0xbb: {  	s0 =	sor.u32 s3, s0;
	s1 =	sshll.u32 s1, $0x11  }
0xbc: {  	s0 =	sor.u32 s1, s0  }
0xbd: {  	s0 =	sadd.s32 $0x8F2B, s0  }
0xbe: {  	[sflag:s0] =	ssyncadd.remote.s32 $0x1  }
0xbf: {  	_ =	sfence.sel $0xFFFF  }
0xc0: {  	[dreg:$0x0] =	wrdreg $0xFFFFFFFF;
	(pc) =	sbr.abs _section_cstart, $3  }
0xc1: {  	[dreg:$0x1] =	wrdreg $0xFFFFFFFF  }
0xc2: {  	_ =	task.clear_ibuf [dreg:s7], $0x2FFFF;
	_ =	strace $0x9FFFFFFF  }
0xc3: {  	(tm) =	ssettm $0x7FFFFFFF  }
tec
execute0_lowered:
.L_overlay_start_1:
0x0: {  	(tag) =	ssettag $0x1  }
0x1: {  	s0 =	rddreg [dreg:$0x0]  }
0x2: {  	s1 =	rddreg [dreg:$0x1]  }
0x3: {  	s2 =	rddreg [dreg:$0x2];
	s3 =	simm.s32 $0x0;
	s17 =	stileid.u32  }
0x4: {  	s5 =	srdreg.scid;
	s16 =	simm.s32 $0x4;
	s28 =	simm.s32 $0x2  }
0x5: {  	s29 =	simm.s32 $0x18A00;
	s30 =	simm.s32 $0x1;
	s31 =	simm.s32 $0x18900  }
0x6: {  	[smem:$0x7FF] =	sst s3;
	s18 =	smul.u32 $0x4E0, s17;
	s4 =	sadd.s32 $0xF600, s0  }
0x7: {  	s6 =	sand.u32 $0x1, s5;
	s5 =	sadd.s32 $0xCE00, s0;
	s10 =	smul.u32 $0x270, s17  }
0x8: {  	s11 =	smul.u32 $0x4E000, s17;
	s20 =	sadd.s32 $0x7400, s0;
	s9 =	sadd.s32 $0xC400, s0  }
0x9: {  	p0 =	sne.s32 s17, $0xF;
	s26 =	sshll.u32 s17, $0x6;
	_ =	strace $0x8000004D  }
0xa: {  	s7 =	ssub.s32 $0x2, s6;
	s15 =	smul.u32 $0x2710, s6;
	[dreg:$0x6] =	wrdreg s20  }
0xb: {  	s21 =	smul.u32 $0x138800, s6;
	s20 =	simm.s32 $0x18B80;
	s3 =	sadd.s32 s18, s0  }
0xc: {  	s8 =	sshrl.u32 s7, $0x1;
	s22 =	sshrl.u32 s11, $0x2;
	s11 =	sadd.s32 $0x138000, s2  }
0xd: {  	s18 =	simm.s32 $0x40;
	s0 =	simm.s32 $0x0;
	s7 =	ssub.s32 s7, s8  }
0xe: {  	s19 =	sadd.s32 $0x2600, s3;
	s3 =	sadd.s32 $0x7600, s3;
	s23 =	sadd.s32 s10, s15  }
.Ltmp0:
0xf: {  	s10 =	sadd.s32 s22, s2;
	[dreg:$0x4] =	wrdreg s19;
	(pc) =	sbr.rel .LBB2_1-.Ltmp0, $4  }
0x10: {  	s22 =	simm.s32 $0x1AB80;
	[dreg:$0x5] =	wrdreg s3;
	s24 =	sshll.u32 s23, $0x4  }
0x11: {  	s3 =	sshrl.u32 s21, $0x3;
	s14 =	smax.u32 s7, $0x1;
	s23 =	sor.u32 $0x1C04, s26  }
0x12: {  	s26 =	simm.s32 $0x1CB80;
	s12 =	sadd.s32 s1, s24;
	s25 =	sadd.s32 s1, s3  }
0x13: {  	v0 =	vmov s15;
	s24 =	simm.s32 $0x3;
	s13 =	sadd.s32 $0x27000, s25;
	s25 =	simm.s32 $0x18B00  }
.LBB2_8:
0x14: {  	[bflag:$0x0] =	sbarrier.arrive $0xFFFF  }
0x15: {  	[hbm:s12], [sflag:s23] =	dma.local [spmem:s1], $0x2700  }
0x16: {  	s0 =	sadd.s32 $0x1, s0;
	_ =	swait.ge [sflag:s16], $0x2700  }
0x17: {  	p1 =	sne.s32 s0, s14;
	[sflag:s16] =	ssyncset.done $0x0  }
.Ltmp1:
0x18: {  	s1 =	simm.s32 @!p0 $0x4;
	[sflag:s16] =	ssyncadd.s32 $0xFFFFD900;
	(pc) =	sbr.rel @!p1 .LBB2_9-.Ltmp1, $4  }
0x19: {  	[hbm:s13], [sflag:s23] =	dma.local @!p0 [spmem:s15], $0x100  }
0x1a: {  	_ =	swait.ge @!p0 [sflag:s1], $0x100  }
0x1b: {  	[sflag:s1] =	ssyncset.done @!p0 $0x0  }
0x1c: {  	[sflag:s1] =	ssyncadd.s32 @!p0 $0xFFFFFF00  }
.LBB2_1:
0x1d: {  	s1 =	simm.s32 $0x0;
	s3 =	rddreg [dreg:$0x4];
	s6 =	simm.s32 $0x13880  }
0x1e: {  	[tilespmem:s6], [sflag:$0x4] =	stream.linear.gather [hbm4b:s3+s1], $0x2700, $0x38;
	[tilespmem:$0x1EB80] =	vst v63  }
0x1f: {  	_ =	swait.ge [sflag:s16], $0x2700  }
0x20: {  	[sflag:s16] =	ssyncset.done $0x0  }
0x21: {  	s17 =	simm.s32 $0x16080;
	s15 =	rddreg [dreg:$0x5];
	[sflag:s16] =	ssyncadd.s32 $0xFFFFD900  }
0x22: {  	[tilespmem:s17], [sflag:$0x4] =	stream.linear.gather [hbm4b:s15+s1], $0x2700, $0x38;
	[tilespmem:$0x1EB80] =	vst v63  }
0x23: {  	_ =	swait.ge [sflag:s16], $0x2700  }
0x24: {  	s3 =	simm.s32 @!p0 $0x15F80;
	[sflag:s16] =	ssyncset.done $0x0  }
0x25: {  	s1 =	simm.s32 @!p0 $0x0;
	s6 =	rddreg [dreg:$0x6];
	[sflag:s16] =	ssyncadd.s32 $0xFFFFD900  }
0x26: {  	[tilespmem:s3], [sflag:$0x4] =	stream.linear.gather @!p0 [hbm4b:s6+s1], $0x100, $0x38;
	[tilespmem:$0x1EB80] =	vst v63  }
0x27: {  	s3 =	simm.s32 @!p0 $0x4  }
0x28: {  	_ =	swait.ge @!p0 [sflag:s3], $0x100  }
0x29: {  	[sflag:s3] =	ssyncset.done @!p0 $0x0  }
0x2a: {  	s6 =	simm.s32 @!p0 $0x18780;
	[sflag:s3] =	ssyncadd.s32 @!p0 $0xFFFFFF00  }
0x2b: {  	[tilespmem:s6], [sflag:$0x4] =	stream.linear.gather @!p0 [hbm4b:s9+s1], $0x100, $0x38;
	[tilespmem:$0x1EB80] =	vst v63  }
0x2c: {  	_ =	swait.ge @!p0 [sflag:s3], $0x100  }
0x2d: {  	[sflag:s3] =	ssyncset.done @!p0 $0x0  }
0x2e: {  	[sflag:s3] =	ssyncadd.s32 @!p0 $0xFFFFFF00  }
0x2f: {  	v1 =	vld [tilespmem:$0x13880]  }
0x30: {  	v2 =	vld [tilespmem:$0x16080]  }
0x31: {  	v3 =	vld [tilespmem:$0x13890];
	_ =	sdelay $0x1  }
0x32: {  	v4 =	vld [tilespmem:$0x16090]  }
0x33: {  	v5 =	vld [tilespmem:$0x138A0]  }
0x34: {  	v6 =	vld [tilespmem:$0x160A0];
	v1 =	vadd.s32 v0, v1;
	[tilespmem:$0x18900] =	vst v2  }
0x35: {  	v2 =	vadd.s32 v0, v3;
	[tilespmem:$0x18880] =	vst v1;
	v1 =	vld [tilespmem:$0x138B0]  }
0x36: {  	[tilespmem:$0x18890] =	vst v2;
	v2 =	vld [tilespmem:$0x160B0];
	_ =	sdelay $0x1  }
0x37: {  	[tilespmem:$0x18910] =	vst v4  }
0x38: {  	v3 =	vadd.s32 v0, v5;
	[tilespmem:$0x18920] =	vst v6  }
0x39: {  	[tilespmem:$0x188A0] =	vst v3  }
0x3a: {  	v1 =	vadd.s32 v0, v1;
	[tilespmem:$0x18930] =	vst v2  }
0x3b: {  	s19 =	simm.s32 $0x18880;
	[tilespmem:$0x188B0] =	vst v1  }
0x3c: {  	[tilespmem:s20], [sflag:$0x1] =	stream.indirect.gather [hbm4b:s4+s18], $0x80, s19, s18, $0xb8;
	[tilespmem:$0x1EB80] =	vst v63  }
0x3d: {  	v1 =	vld [tilespmem:$0x138C0]  }
0x3e: {  	v2 =	vld [tilespmem:$0x160C0]  }
0x3f: {  	v3 =	vld [tilespmem:$0x138D0];
	_ =	sdelay $0x1  }
0x40: {  	v61 =	vld [tilespmem:$0x160D0]  }
0x41: {  	v62 =	vld [tilespmem:$0x138E0]  }
0x42: {  	v63 =	vld [tilespmem:$0x160E0];
	v1 =	vadd.s32 v0, v1;
	[tilespmem:$0x18A00] =	vst v2  }
0x43: {  	v2 =	vadd.s32 v0, v3;
	[tilespmem:$0x18980] =	vst v1;
	v1 =	vld [tilespmem:$0x138F0]  }
0x44: {  	[tilespmem:$0x18990] =	vst v2;
	v2 =	vld [tilespmem:$0x160F0];
	_ =	sdelay $0x1  }
0x45: {  	[tilespmem:$0x18A10] =	vst v61  }
0x46: {  	v3 =	vadd.s32 v0, v62;
	[tilespmem:$0x18A20] =	vst v63  }
0x47: {  	[tilespmem:$0x189A0] =	vst v3  }
0x48: {  	v1 =	vadd.s32 v0, v1;
	[tilespmem:$0x18A30] =	vst v2  }
0x49: {  	s21 =	simm.s32 $0x18980;
	s1 =	sshrl.u32 s10, $0x3;
	[tilespmem:$0x189B0] =	vst v1  }
0x4a: {  	[tilespmem:s22], [sflag:$0x2] =	stream.indirect.gather [hbm4b:s4+s18], $0x80, s21, s18, $0xb8;
	[tilespmem:$0x1EB80] =	vst v63  }
0x4b: {  	[spmem:s1], [sflag:s23] =	dma.local [hbm:s5], $0x2700  }
0x4c: {  	_ =	swait.ge [sflag:s16], $0x2700  }
0x4d: {  	[sflag:s16] =	ssyncset.done $0x0  }
0x4e: {  	s15 =	sshrl.u32 @!p0 s11, $0x3;
	[sflag:s16] =	ssyncadd.s32 $0xFFFFD900  }
0x4f: {  	[spmem:s15], [sflag:s23] =	dma.local @!p0 [hbm:s5], $0x100  }
.Ltmp2:
0x50: {  	_ =	swait.ge @!p0 [sflag:s3], $0x100;
	(pc) =	sbr.rel .LBB2_2-.Ltmp2, $4  }
0x51: {  	[sflag:s3] =	ssyncset.done @!p0 $0x0  }
0x52: {  	s17 =	simm.s32 @!p0 $0xA0;
	[sflag:s3] =	ssyncadd.s32 @!p0 $0xFFFFFF00  }
0x53: {  	s17 =	simm.s32 @p0 $0x9C;
	[bflag:$0x0] =	sbarrier.arrive $0xFFFF  }
0x54: {  	s19 =	simm.s32 $0x16130;
	s21 =	simm.s32 $0x13930;
	s3 =	simm.s32 $0x0  }
.LBB2_6:
0x55: {  	p1 =	sge.u32 s6, s17  }
0x56: {  	v1 =	vld @!p1 [tilespmem:s21+$0xFFFFFFD0];
	_ =	sdelay $0x4  }
0x57: {  	v1 =	vadd.s32 @!p1 v0, v1  }
0x58: {  	[tilespmem:$0x18980] =	vst @!p1 v1  }
0x59: {  	v1 =	vld @!p1 [tilespmem:s19+$0xFFFFFFD0];
	_ =	sdelay $0x4  }
0x5a: {  	[tilespmem:$0x18A00] =	vst @!p1 v1  }
0x5b: {  	v1 =	vld @!p1 [tilespmem:s21+$0xFFFFFFE0];
	_ =	sdelay $0x4  }
0x5c: {  	v1 =	vadd.s32 @!p1 v0, v1  }
0x5d: {  	[tilespmem:$0x18990] =	vst @!p1 v1  }
0x5e: {  	v1 =	vld @!p1 [tilespmem:s19+$0xFFFFFFE0];
	_ =	sdelay $0x4  }
0x5f: {  	[tilespmem:$0x18A10] =	vst @!p1 v1  }
0x60: {  	v1 =	vld @!p1 [tilespmem:s21+$0xFFFFFFF0];
	_ =	sdelay $0x4  }
0x61: {  	v1 =	vadd.s32 @!p1 v0, v1  }
0x62: {  	[tilespmem:$0x189A0] =	vst @!p1 v1  }
0x63: {  	v1 =	vld @!p1 [tilespmem:s19+$0xFFFFFFF0];
	_ =	sdelay $0x4  }
0x64: {  	[tilespmem:$0x18A20] =	vst @!p1 v1  }
0x65: {  	v1 =	vld @!p1 [tilespmem:s21+$0x0];
	_ =	sdelay $0x4  }
0x66: {  	v1 =	vadd.s32 @!p1 v0, v1  }
0x67: {  	[tilespmem:$0x189B0] =	vst @!p1 v1  }
0x68: {  	v1 =	vld @!p1 [tilespmem:s19+$0x0];
	_ =	sdelay $0x4  }
0x69: {  	s6 =	simm.s32 @!p1 $0x40;
	s7 =	simm.s32 @!p1 $0x18980;
	s8 =	simm.s32 @!p1 $0x1AB80;
	[tilespmem:$0x18A30] =	vst @!p1 v1  }
0x6a: {  	[tilespmem:s8], [sflag:$0x2] =	stream.indirect.gather @!p1 [hbm4b:s4+s6], $0x80, s7, s6, $0xb8;
	[tilespmem:$0x1EB80] =	vst v63  }
0x6b: {  	_ =	swait.ge [sflag:s24], $0x2000  }
0x6c: {  	[sflag:s24] =	ssyncset.done $0x0  }
0x6d: {  	s6 =	simm.s32 $0x4;
	[sflag:s24] =	ssyncadd.s32 $0xFFFFE000  }
0x6e: {  	[spmem:s2] =	stream.indirect.scatter.add.f32 [tilespmem:s26], [sflag:$0x4], $0x80, s25, s18, $0xb8;
	[tilespmem:$0x1EB80] =	vst v63  }
.LBB2_7:
0x6f: {  	s3 =	sadd.s32 $0x1, s3  }
0x70: {  	p1 =	sne.s32 s17, s3  }
.Ltmp3:
0x71: {  	_ = 	snop;
	(pc) =	sbr.rel @!p1 .LBB2_8-.Ltmp3, $4  }
0x72: {  	_ = 	snop  }
0x73: {  	_ =	swait.ge [sflag:s6], $0x2000  }
0x74: {  	[sflag:s6] =	ssyncset.done $0x0  }
0x75: {  	s19 =	sadd.s32 $0x40, s19;
	s21 =	sadd.s32 $0x40, s21;
	[sflag:s6] =	ssyncadd.s32 $0xFFFFE000  }
.LBB2_2:
0x76: {  	s6 =	smulhi.u32 $0xAAAAAAAB, s3;
	_ =	sdelay $0x1  }
0x77: {  	s6 =	sshrl.u32 s6, $0x1  }
0x78: {  	s6 =	smul.u32 $0x3, s6;
	_ =	sdelay $0x1  }
0x79: {  	s7 =	ssub.s32 s3, s6  }
0x7a: {  	p1 =	seq.s32 s7, $0x2  }
.Ltmp4:
0x7b: {  	_ = 	snop;
	(pc) =	sbr.rel @p1 .LBB2_6-.Ltmp4, $2  }
0x7c: {  	_ =	sdelay $0x2  }
0x7d: {  	s6 =	sadd.s32 $0x2, s3  }
0x7e: {  	p1 =	seq.s32 s7, $0x1  }
.Ltmp5:
0x7f: {  	_ = 	snop;
	(pc) =	sbr.rel @!p1 .LBB2_4-.Ltmp5, $1  }
0x80: {  	_ =	sdelay $0x3  }
0x81: {  	p1 =	sge.u32 s6, s17  }
0x82: {  	v1 =	vld @!p1 [tilespmem:s21+$0xFFFFFFD0];
	_ =	sdelay $0x4  }
0x83: {  	v1 =	vadd.s32 @!p1 v0, v1  }
0x84: {  	[tilespmem:$0x18880] =	vst @!p1 v1  }
0x85: {  	v1 =	vld @!p1 [tilespmem:s19+$0xFFFFFFD0];
	_ =	sdelay $0x4  }
0x86: {  	[tilespmem:$0x18900] =	vst @!p1 v1  }
0x87: {  	v1 =	vld @!p1 [tilespmem:s21+$0xFFFFFFE0];
	_ =	sdelay $0x4  }
0x88: {  	v1 =	vadd.s32 @!p1 v0, v1  }
0x89: {  	[tilespmem:$0x18890] =	vst @!p1 v1  }
0x8a: {  	v1 =	vld @!p1 [tilespmem:s19+$0xFFFFFFE0];
	_ =	sdelay $0x4  }
0x8b: {  	[tilespmem:$0x18910] =	vst @!p1 v1  }
0x8c: {  	v1 =	vld @!p1 [tilespmem:s21+$0xFFFFFFF0];
	_ =	sdelay $0x4  }
0x8d: {  	v1 =	vadd.s32 @!p1 v0, v1  }
0x8e: {  	[tilespmem:$0x188A0] =	vst @!p1 v1  }
0x8f: {  	v1 =	vld @!p1 [tilespmem:s19+$0xFFFFFFF0];
	_ =	sdelay $0x4  }
0x90: {  	[tilespmem:$0x18920] =	vst @!p1 v1  }
0x91: {  	v1 =	vld @!p1 [tilespmem:s21+$0x0];
	_ =	sdelay $0x4  }
0x92: {  	v1 =	vadd.s32 @!p1 v0, v1  }
0x93: {  	[tilespmem:$0x188B0] =	vst @!p1 v1  }
0x94: {  	v1 =	vld @!p1 [tilespmem:s19+$0x0];
	_ =	sdelay $0x4  }
0x95: {  	s6 =	simm.s32 @!p1 $0x40;
	s7 =	simm.s32 @!p1 $0x18880;
	s8 =	simm.s32 @!p1 $0x18B80;
	[tilespmem:$0x18930] =	vst @!p1 v1  }
0x96: {  	[tilespmem:s8], [sflag:$0x1] =	stream.indirect.gather @!p1 [hbm4b:s4+s6], $0x80, s7, s6, $0xb8;
	[tilespmem:$0x1EB80] =	vst v63  }
.Ltmp6:
0x97: {  	_ = 	snop;
	(pc) =	sbr.rel .LBB2_7-.Ltmp6, $4  }
0x98: {  	_ =	swait.ge [sflag:s28], $0x2000  }
0x99: {  	[sflag:s28] =	ssyncset.done $0x0  }
0x9a: {  	s6 =	simm.s32 $0x5;
	[sflag:s28] =	ssyncadd.s32 $0xFFFFE000  }
0x9b: {  	[spmem:s2] =	stream.indirect.scatter.add.f32 [tilespmem:s22], [sflag:$0x5], $0x80, s29, s18, $0xb8;
	[tilespmem:$0x1EB80] =	vst v63  }
.LBB2_4:
0x9c: {  	p1 =	sge.u32 s6, s17  }
0x9d: {  	v1 =	vld @!p1 [tilespmem:s21+$0xFFFFFFD0];
	_ =	sdelay $0x4  }
0x9e: {  	v1 =	vadd.s32 @!p1 v0, v1  }
0x9f: {  	[tilespmem:$0x18A80] =	vst @!p1 v1  }
0xa0: {  	v1 =	vld @!p1 [tilespmem:s19+$0xFFFFFFD0];
	_ =	sdelay $0x4  }
0xa1: {  	[tilespmem:$0x18B00] =	vst @!p1 v1  }
0xa2: {  	v1 =	vld @!p1 [tilespmem:s21+$0xFFFFFFE0];
	_ =	sdelay $0x4  }
0xa3: {  	v1 =	vadd.s32 @!p1 v0, v1  }
0xa4: {  	[tilespmem:$0x18A90] =	vst @!p1 v1  }
0xa5: {  	v1 =	vld @!p1 [tilespmem:s19+$0xFFFFFFE0];
	_ =	sdelay $0x4  }
0xa6: {  	[tilespmem:$0x18B10] =	vst @!p1 v1  }
0xa7: {  	v1 =	vld @!p1 [tilespmem:s21+$0xFFFFFFF0];
	_ =	sdelay $0x4  }
0xa8: {  	v1 =	vadd.s32 @!p1 v0, v1  }
0xa9: {  	[tilespmem:$0x18AA0] =	vst @!p1 v1  }
0xaa: {  	v1 =	vld @!p1 [tilespmem:s19+$0xFFFFFFF0];
	_ =	sdelay $0x4  }
0xab: {  	[tilespmem:$0x18B20] =	vst @!p1 v1  }
0xac: {  	v1 =	vld @!p1 [tilespmem:s21+$0x0];
	_ =	sdelay $0x4  }
0xad: {  	v1 =	vadd.s32 @!p1 v0, v1  }
0xae: {  	[tilespmem:$0x18AB0] =	vst @!p1 v1  }
0xaf: {  	v1 =	vld @!p1 [tilespmem:s19+$0x0];
	_ =	sdelay $0x4  }
0xb0: {  	s6 =	simm.s32 @!p1 $0x40;
	s7 =	simm.s32 @!p1 $0x18A80;
	s8 =	simm.s32 @!p1 $0x1CB80;
	[tilespmem:$0x18B30] =	vst @!p1 v1  }
0xb1: {  	[tilespmem:s8], [sflag:$0x3] =	stream.indirect.gather @!p1 [hbm4b:s4+s6], $0x80, s7, s6, $0xb8;
	[tilespmem:$0x1EB80] =	vst v63  }
.Ltmp7:
0xb2: {  	_ = 	snop;
	(pc) =	sbr.rel .LBB2_7-.Ltmp7, $4  }
0xb3: {  	_ =	swait.ge [sflag:s30], $0x2000  }
0xb4: {  	[sflag:s30] =	ssyncset.done $0x0  }
0xb5: {  	s6 =	simm.s32 $0x5;
	[sflag:s30] =	ssyncadd.s32 $0xFFFFE000  }
0xb6: {  	[spmem:s2] =	stream.indirect.scatter.add.f32 [tilespmem:s20], [sflag:$0x5], $0x80, s31, s18, $0xb8;
	[tilespmem:$0x1EB80] =	vst v63  }
.LBB2_9:
0xb7: {  	_ =	sfence.sel $0x180000  }
0xb8: {  	[bflag:$0x0] =	sbarrier.arrive $0xFFFF  }
0xb9: {  	_ =	strace $0x9000004D  }
0xba: {  	s0 =	stileid.u32;
	[bflag:$0x2] =	sbarrier.arrive $0xFFFF  }
0xbb: {  	p0 =	sne.s32 s0, $0x0;
	s0 =	rddreg [dreg:$0x3]  }
0xbc: {  	s0 =	sadd.s32 @!p0 $0x100000, s0  }
0xbd: {  	[sflag:s0] =	ssyncadd.tile.s32 @!p0 $0x1;
	_ =	shalt  }
.Lfunc_end2:
_tile_overlayer_lowered:
.L_overlay_start_2:
0xbe: {  	(tag) =	ssettag $0x2  }
0xbf: {  	s0 =	rddreg [dreg:$0x0];
	s2 =	stileid.u32  }
0xc0: {  	s1 =	rddreg [dreg:$0x1];
	p0 =	sne.s32 s2, $0x0  }
0xc1: {  	s3 =	rddreg [dreg:$0x2];
	[bflag:$0x3] =	sbarrier.arrive $0xFFFF;
	s2 =	simm.s32 @!p0 $0x1C04  }
0xc2: {  	[timem:s3], [sflag:s2] =	dma.local @!p0 [hbm:s0], s1  }
0xc3: {  	s0 =	simm.s32 @!p0 $0x4  }
0xc4: {  	_ =	swait.ge @!p0 [sflag:s0], s1  }
0xc5: {  	s1 =	ssub.s32 @!p0 $0x0, s1;
	[sflag:s0] =	ssyncset.done @!p0 $0x0  }
0xc6: {  	[sflag:s0] =	ssyncadd.s32 @!p0 s1  }
0xc7: {  	[bflag:$0x3] =	sbarrier.arrive $0xFFFF  }
0xc8: {  	_ =	shalt  }

// kernel: kernel.9.cloned.1.call-start
scs
__scs_entry_jumppad:
0x0: {  	(pc) =	sbr.rel $0x88, $3  }
0x1: {  	(tag) =	ssettag $0x0;
	lr =	simm.s32 $0x1  }
0x2: {  	[smem:$0x3F9A] =	sst lr;
	_ =	strace $0xD0000000  }
0x3: {  	_ = 	snop  }
0x4: {  	_ = 	snop  }
0x5: {  	_ = 	snop  }
0x6: {  	_ = 	snop  }
0x7: {  	_ = 	snop  }
__scs_overlays_trampoline_lowered:
0x8: {  	[smem:$0x3FA9] =	sst s0  }
0x9: {  	[smem:$0x3FAA] =	sst s1  }
0xa: {  	[smem:$0x3FAB] =	sst s2  }
0xb: {  	[smem:$0x3FAC] =	sst s3  }
0xc: {  	[smem:$0x3FAD] =	sst s4  }
0xd: {  	[smem:$0x3FAE] =	sst s5  }
0xe: {  	[smem:$0x3FAF] =	sst s6  }
0xf: {  	[smem:$0x3FB0] =	sst s7  }
0x10: {  	[smem:$0x3FB1] =	sst s8  }
0x11: {  	[smem:$0x3FB2] =	sst s9;
	s0 =	simm.s32 @!p0 $0x0  }
0x12: {  	s1 =	sld [smem:$0x3F98];
	s0 =	simm.s32 @p0 $0x1  }
0x13: {  	[smem:$0x3FB3] =	sst s0;
	s0 =	simm.s32 @!p1 $0x0  }
0x14: {  	s2 =	sld [smem:$0x3F97];
	s0 =	simm.s32 @p1 $0x1  }
0x15: {  	[smem:$0x3FB4] =	sst s0;
	s0 =	simm.s32 @!p2 $0x0  }
0x16: {  	s3 =	sld [smem:$0x3FDB];
	s0 =	simm.s32 @p2 $0x1  }
0x17: {  	s4 =	simm.s32 $0x1BF5;
	[smem:$0x3FB6] =	sst s0  }
0x18: {  	s0 =	sld [smem:$0x3F99];
	_ =	swait.ge [sflag:s4], $0x0  }
0x19: {  	s7 =	sld [smem:$0x3F9A]  }
0x1a: {  	s8 =	sadd.s32 $0xFFFFE003, lr  }
0x1b: {  	s9 =	sadd.s32 $0xFFFFFEF7, lr;
	s5 =	simm.s32 $0xFFFFFFFF;
	p2 =	slt.u32 s8, $0xFFFFF086  }
0x1c: {  	p1 =	slt.u32 s9, $0xF7A;
	s5 =	simm.s32 @!p2 $0x0  }
0x1d: {  	s5 =	simm.s32 @p1 $0x1;
	p0 =	seq.s32 s7, s2  }
0x1e: {  	s7 =	smul.u32 @!p0 $0xF7A, s2;
	p2 =	seq.s32 @!p0 s5, $0x0  }
0x1f: {  	s9 =	smul.u32 $0xF7A, s1;
	s8 =	simm.s32 @!p0 $0x1BF5;
	p2 =	por !p2, p0  }
0x20: {  	[sflag:s8] =	ssyncset.s32 @!p0 $0xFFFFF086;
	s6 =	sadd.s32 @!p0 s3, s7;
	s7 =	simm.s32 @!p0 $0x108  }
0x21: {  	s3 =	sadd.s32 s3, s9;
	s6 =	sadd.s32 @!p0 $0x88, s6;
	s7 =	simm.s32 @p2 $0x1082  }
0x22: {  	[simem:s7], [sflag:s8] =	dma.local @!p0 [hbm:s6], $0xF7A  }
0x23: {  	s9 =	sor.u32 $0xD0000000, s2;
	s6 =	simm.s32 $0x108;
	_ =	swait.ge @!p0 [sflag:s8], $0x0  }
0x24: {  	s3 =	sadd.s32 $0x88, s3;
	s6 =	simm.s32 @!p1 $0x1082;
	[sflag:s4] =	ssyncset.s32 $0xFFFFF086  }
0x25: {  	[simem:s6], [sflag:s4] =	dma.local [hbm:s3], $0xF7A  }
0x26: {  	[smem:$0x3F9A] =	sst s1;
	(tag) =	ssettag s2;
	_ =	strace s9  }
0x27: {  	s1 =	sld [smem:$0x3FAA]  }
0x28: {  	s2 =	sld [smem:$0x3FAB]  }
0x29: {  	s4 =	sld [smem:$0x3FAD]  }
0x2a: {  	p0 =	seq.s32 s5, $0x0;
	s5 =	sld [smem:$0x3FAE]  }
0x2b: {  	s6 =	sld [smem:$0x3FAF]  }
0x2c: {  	s7 =	sld [smem:$0x3FB0]  }
0x2d: {  	s3 =	simm.s32 $0x108;
	s8 =	sld [smem:$0x3FB1]  }
0x2e: {  	s3 =	simm.s32 @!p0 $0x1082;
	s9 =	sld [smem:$0x3FB2]  }
0x2f: {  	lr =	sadd.s32 s0, s3;
	s0 =	sld [smem:$0x3FA9]  }
0x30: {  	s3 =	sld [smem:$0x3FAC]  }
0x31: {  	[smem:$0x3FB5] =	sst s10  }
0x32: {  	s10 =	sld [smem:$0x3FB3];
	_ =	sdelay $0x3  }
0x33: {  	p0 =	seq.s32 s10, $0x1;
	s10 =	sld [smem:$0x3FB5];
	_ =	sdelay $0x3  }
0x34: {  	[smem:$0x3FB5] =	sst s10  }
0x35: {  	s10 =	sld [smem:$0x3FB4];
	_ =	sdelay $0x3  }
0x36: {  	p1 =	seq.s32 s10, $0x1;
	s10 =	sld [smem:$0x3FB5];
	_ =	sdelay $0x3  }
0x37: {  	[smem:$0x3FB5] =	sst s10  }
0x38: {  	s10 =	sld [smem:$0x3FB6]  }
0x39: {  	_ = 	snop;
	(pc) =	sbr.ind lr, $3  }
0x3a: {  	_ = 	snop  }
0x3b: {  	_ = 	snop  }
0x3c: {  	p2 =	seq.s32 s10, $0x1;
	s10 =	sld [smem:$0x3FB5]  }
0x3d: {  	_ =	shalt  }
0x3e: {  	_ =	shalt  }
0x3f: {  	_ =	shalt  }
0x40: {  	_ =	shalt  }
0x41: {  	_ =	shalt  }
0x42: {  	_ =	shalt  }
0x43: {  	_ =	shalt  }
0x44: {  	_ =	shalt  }
0x45: {  	_ =	shalt  }
0x46: {  	_ =	shalt  }
0x47: {  	_ =	shalt  }
0x48: {  	_ =	shalt  }
0x49: {  	_ =	shalt  }
0x4a: {  	_ =	shalt  }
0x4b: {  	_ =	shalt  }
0x4c: {  	_ =	shalt  }
0x4d: {  	_ =	shalt  }
0x4e: {  	_ =	shalt  }
0x4f: {  	_ =	shalt  }
0x50: {  	_ =	shalt  }
0x51: {  	_ =	shalt  }
0x52: {  	_ =	shalt  }
0x53: {  	_ =	shalt  }
0x54: {  	_ =	shalt  }
0x55: {  	_ =	shalt  }
0x56: {  	_ =	shalt  }
0x57: {  	_ =	shalt  }
0x58: {  	_ =	shalt  }
0x59: {  	_ =	shalt  }
0x5a: {  	_ =	shalt  }
0x5b: {  	_ =	shalt  }
0x5c: {  	_ =	shalt  }
0x5d: {  	_ =	shalt  }
0x5e: {  	_ =	shalt  }
0x5f: {  	_ =	shalt  }
0x60: {  	_ =	shalt  }
0x61: {  	_ =	shalt  }
0x62: {  	_ =	shalt  }
0x63: {  	_ =	shalt  }
0x64: {  	_ =	shalt  }
0x65: {  	_ =	shalt  }
0x66: {  	_ =	shalt  }
0x67: {  	_ =	shalt  }
0x68: {  	_ =	shalt  }
0x69: {  	_ =	shalt  }
0x6a: {  	_ =	shalt  }
0x6b: {  	_ =	shalt  }
0x6c: {  	_ =	shalt  }
0x6d: {  	_ =	shalt  }
0x6e: {  	_ =	shalt  }
0x6f: {  	_ =	shalt  }
0x70: {  	_ =	shalt  }
0x71: {  	_ =	shalt  }
0x72: {  	_ =	shalt  }
0x73: {  	_ =	shalt  }
0x74: {  	_ =	shalt  }
0x75: {  	_ =	shalt  }
0x76: {  	_ =	shalt  }
0x77: {  	_ =	shalt  }
0x78: {  	_ =	shalt  }
0x79: {  	_ =	shalt  }
0x7a: {  	_ =	shalt  }
0x7b: {  	_ =	shalt  }
0x7c: {  	_ =	shalt  }
0x7d: {  	_ =	shalt  }
0x7e: {  	_ =	shalt  }
0x7f: {  	_ =	shalt  }
0x80: {  	_ =	shalt  }
0x81: {  	_ =	shalt  }
0x82: {  	_ =	shalt  }
0x83: {  	_ =	shalt  }
0x84: {  	_ =	shalt  }
0x85: {  	_ =	shalt  }
0x86: {  	_ =	shalt  }
0x87: {  	_ =	shalt  }
.Lfunc_end0:
.L_simem_size_0:
called_computation_lowered:
.L_overlay_start_0:
0x88: {  	s2 =	sld [smem:$0x3FD9]  }
0x89: {  	s3 =	sld [smem:$0x3FFE];
	_ =	sdelay $0x1  }
0x8a: {  	s1 =	srdreg.scid  }
0x8b: {  	s0 =	sand.u32 $0x1, s1  }
0x8c: {  	s16 =	sshll.u32 s0, $0xA;
	s2 =	sadd.s32 s3, s2  }
0x8d: {  	s2 =	sadd.s32 s2, s16  }
0x8e: {  	[smem:$0x3FC1] =	sst s2  }
0x8f: {  	_ = 	snop  }
0x90: {  	(tm) =	ssettm $0x1  }
0x91: {  	s17 =	sld [smem:$0x3FFB];
	_ =	sdelay $0x3  }
0x92: {  	_ =	strace s17  }
0x93: {  	s2 =	sld [smem:$0x3FFC];
	_ =	sdelay $0x3  }
0x94: {  	_ =	strace s2  }
0x95: {  	s2 =	sld [smem:$0x3FFD];
	_ =	sdelay $0x3  }
0x96: {  	_ =	strace s2  }
0x97: {  	_ =	strace $0x8FFFFFFF  }
0x98: {  	s18 =	sld [smem:$0x3FDB];
	_ =	sdelay $0x1  }
0x99: {  	s19 =	simm.s32 $_scs_section_size  }
0x9a: {  	s4 =	simm.s32 $_size__tile_overlayer_lowered;
	s5 =	simm.s32 $_tile_overlayer_lowered  }
0x9b: {  	s22 =	simm.s32 $0x1BFF;
	s21 =	sshll.u32 s5, $0x1;
	s2 =	sadd.s32 s19, s18  }
0x9c: {  	s6 =	simm.s32 $0x0;
	s20 =	sshll.u32 s4, $0x1;
	s4 =	sadd.s32 s21, s2  }
0x9d: {  	[timem:s6], [sflag:s22] =	dma.local [hbm:s4], s20  }
0x9e: {  	_ =	swait.ge [sflag:s22], s20  }
0x9f: {  	s3 =	ssub.s32 $0x0, s20;
	[sflag:s22] =	ssyncset.done $0x0  }
0xa0: {  	[sflag:s22] =	ssyncadd.s32 s3;
	_ =	sdelay $0x1  }
0xa1: {  	s23 =	simm.s32 $0x1B8B  }
0xa2: {  	_ =	swait.ge [sflag:s23], $0x1  }
0xa3: {  	[sflag:s23] =	ssyncset.done $0x0  }
0xa4: {  	s25 =	simm.s32 $0x1B8E;
	s24 =	sld [smem:$0x3FFE];
	[sflag:s23] =	ssyncadd.s32 $0xFFFFFFFF  }
0xa5: {  	s26 =	simm.s32 $execute0_lowered;
	[smem:$0x3FD2] =	sst s25  }
0xa6: {  	s4 =	sshll.u32 s26, $0x1;
	_ =	strace $0x80000046;
	[dreg:$0x1] =	wrdreg $0xFFFFFFFF  }
0xa7: {  	s28 =	simm.s32 $_size_execute0_lowered;
	s2 =	sadd.s32 s2, s4;
	[dreg:$0x0] =	wrdreg $0x0  }
0xa8: {  	s4 =	sshll.u32 s28, $0x1;
	[dreg:$0x2] =	wrdreg s2  }
0xa9: {  	[dreg:$0x3] =	wrdreg s4  }
0xaa: {  	[dreg:$0x4] =	wrdreg $0xC0  }
0xab: {  	_ =	task [dreg:s6], $0x5FFFF  }
0xac: {  	[dreg:$0x1] =	wrdreg $0xFFFFFFFF  }
0xad: {  	[dreg:$0x0] =	wrdreg $0x60  }
0xae: {  	[dreg:$0x2] =	wrdreg s24  }
0xaf: {  	[dreg:$0x3] =	wrdreg $0x0  }
0xb0: {  	[dreg:$0x4] =	wrdreg $0x9  }
0xb1: {  	_ =	task.clear_ibuf [dreg:s6], $0x5FFFF;
	_ =	strace $0x90000046  }
0xb2: {  	s29 =	simm.s32 $0x9;
	_ =	strace $0x80000048  }
0xb3: {  	_ =	swait.ge [sflag:s29], $0x1  }
0xb4: {  	[sflag:s29] =	ssyncadd.s32 $0xFFFFFFFF  }
0xb5: {  	_ =	strace $0x90000048  }
0xb6: {  	_ =	sfence  }
0xb7: {  	s30 =	sld [smem:$0x0];
	_ =	sdelay $0x2  }
0xb8: {  	s31 =	sshll.u32 s1, $0xD;
	s1 =	sshrl.u32 s1, $0x2  }
0xb9: {  	s3 =	sand.u32 $0x4000, s31;
	s1 =	sadd.s32 s1, s30  }
0xba: {  	s0 =	sor.u32 s3, s0;
	s1 =	sshll.u32 s1, $0x11  }
0xbb: {  	s0 =	sor.u32 s1, s0  }
0xbc: {  	s0 =	sadd.s32 $0x8F2B, s0  }
0xbd: {  	[sflag:s0] =	ssyncadd.remote.s32 $0x1  }
0xbe: {  	_ =	sfence.sel $0xFFFF  }
0xbf: {  	[dreg:$0x0] =	wrdreg $0xFFFFFFFF;
	(pc) =	sbr.abs _section_cstart, $3  }
0xc0: {  	[dreg:$0x1] =	wrdreg $0xFFFFFFFF  }
0xc1: {  	_ =	task.clear_ibuf [dreg:s6], $0x2FFFF;
	_ =	strace $0x9FFFFFFF  }
0xc2: {  	(tm) =	ssettm $0x7FFFFFFF  }
0xc3: {  	_ =	shalt  }
tec
execute0_lowered:
.L_overlay_start_1:
0x0: {  	(tag) =	ssettag $0x1  }
0x1: {  	s6 =	rddreg [dreg:$0x0]  }
0x2: {  	s1 =	rddreg [dreg:$0x1];
	s2 =	srdreg.scid  }
0x3: {  	s0 =	rddreg [dreg:$0x2];
	s3 =	simm.s32 $0x0;
	s18 =	simm.s32 $0x80  }
0x4: {  	s19 =	simm.s32 $0x14C80;
	s20 =	simm.s32 $0x0;
	s7 =	sand.u32 $0x1, s2  }
0x5: {  	[smem:$0x7FF] =	sst s3;
	s2 =	stileid.u32;
	s8 =	sadd.s32 $0x7600, s6  }
0x6: {  	s5 =	sadd.s32 $0xC600, s6;
	s11 =	sadd.s32 $0xF600, s6;
	s17 =	sadd.s32 $0x138000, s1  }
0x7: {  	s4 =	sshll.u32 s7, $0x4;
	_ =	strace $0x80000047;
	s25 =	smul.u32 $0x4E000, s2  }
0x8: {  	s9 =	ssub.s32 $0x2, s7;
	s26 =	sshll.u32 s2, $0x4;
	s14 =	smul.u32 $0x138800, s7  }
0x9: {  	s30 =	smul.u32 $0x13800, s2;
	p1 =	sne.s32 s2, $0xF;
	s15 =	sshll.u32 s2, $0x6  }
0xa: {  	s12 =	sor.u32 s2, s4;
	s4 =	sadd.s32 $0xCE00, s6;
	s24 =	sshrl.u32 s9, $0x1  }
0xb: {  	s28 =	sadd.s32 s26, s8;
	s15 =	sor.u32 $0x1C01, s15;
	s17 =	sshrl.u32 @!p1 s17, $0x3  }
0xc: {  	s10 =	smul.u32 $0x270, s12;
	s13 =	ssub.s32 s9, s24;
	p0 =	slt.u32 s12, $0x2  }
0xd: {  	s29 =	sshrl.u32 s25, $0x2;
	s7 =	sadd.s32 $0x4E00, s28;
	s9 =	sadd.s32 s30, s14  }
0xe: {  	s31 =	sshrl.u32 s14, $0x3;
	s14 =	simm.s32 $0x14D00;
	s16 =	sadd.s32 s29, s1  }
0xf: {  	s9 =	sshrl.u32 s9, $0x3;
	s6 =	sadd.s32 s8, s10;
	s8 =	simm.s32 $0x28  }
0x10: {  	s10 =	sadd.s32 s11, s31;
	s9 =	sadd.s32 s11, s9;
	s11 =	smax.u32 s13, $0x1  }
0x11: {  	s13 =	simm.s32 $0x1;
	s16 =	sshrl.u32 s16, $0x3;
	s8 =	simm.s32 @!p0 $0x27  }
0x12: {  	s10 =	sadd.s32 $0x27000, s10;
	p0 =	sgt.u32 s12, $0x1;
	s12 =	simm.s32 $0x13880  }
.LBB2_1:
0x13: {  	[tilespmem:s12], [sflag:$0x1] =	stream.linear.gather [hbm4b:s6+s3], $0x1380, $0x38;
	[tilespmem:$0x18D00] =	vst v63  }
0x14: {  	_ =	swait.ge [sflag:s13], $0x1380  }
0x15: {  	[sflag:s13] =	ssyncset.done $0x0  }
0x16: {  	s21 =	simm.s32 @!p0 $0x0;
	s22 =	simm.s32 @!p0 $0x14C00;
	[sflag:s13] =	ssyncadd.s32 $0xFFFFEC80  }
0x17: {  	[tilespmem:s22], [sflag:$0x1] =	stream.linear.gather @!p0 [hbm4b:s7+s21], $0x80, $0x38;
	[tilespmem:$0x18D00] =	vst v63  }
0x18: {  	s21 =	simm.s32 @!p0 $0x1  }
0x19: {  	_ =	swait.ge @!p0 [sflag:s21], $0x80  }
0x1a: {  	[sflag:s21] =	ssyncset.done @!p0 $0x0  }
0x1b: {  	[sflag:s21] =	ssyncadd.s32 @!p0 $0xFFFFFF80  }
0x1c: {  	[tilespmem:s14], [sflag:$0x1] =	stream.linear.gather [hbm4b:s5+s3], $0x4000, $0x38;
	[tilespmem:$0x18D00] =	vst v63  }
0x1d: {  	_ =	swait.ge [sflag:s13], $0x4000  }
0x1e: {  	[sflag:s13] =	ssyncset.done $0x0  }
0x1f: {  	[sflag:s13] =	ssyncadd.s32 $0xFFFFC000  }
0x20: {  	[spmem:s16], [sflag:s15] =	dma.local [hbm:s4], $0x2700  }
0x21: {  	_ =	swait.ge [sflag:s13], $0x2700  }
0x22: {  	[sflag:s13] =	ssyncset.done $0x0  }
0x23: {  	s21 =	simm.s32 @!p1 $0x1;
	[sflag:s13] =	ssyncadd.s32 $0xFFFFD900  }
0x24: {  	[spmem:s17], [sflag:s15] =	dma.local @!p1 [hbm:s4], $0x100  }
0x25: {  	_ =	swait.ge @!p1 [sflag:s21], $0x100  }
0x26: {  	[sflag:s21] =	ssyncset.done @!p1 $0x0  }
0x27: {  	[sflag:s21] =	ssyncadd.s32 @!p1 $0xFFFFFF00  }
0x28: {  	s22 =	simm.s32 $0x138C0;
	[bflag:$0x0] =	sbarrier.arrive $0xFFFF  }
0x29: {  	v0 =	vld [tilespmem:s22+$0xFFFFFFC0];
	_ =	sdelay $0x4  }
0x2a: {  	[tilespmem:$0x14C80] =	vst v0  }
0x2b: {  	v0 =	vld [tilespmem:s22+$0xFFFFFFD0];
	_ =	sdelay $0x4  }
0x2c: {  	[tilespmem:$0x14C90] =	vst v0  }
0x2d: {  	v0 =	vld [tilespmem:s22+$0xFFFFFFE0];
	_ =	sdelay $0x4  }
0x2e: {  	[tilespmem:$0x14CA0] =	vst v0  }
0x2f: {  	v0 =	vld [tilespmem:s22+$0xFFFFFFF0];
	_ =	sdelay $0x4  }
0x30: {  	[tilespmem:$0x14CB0] =	vst v0  }
0x31: {  	v0 =	vld [tilespmem:s22+$0x0];
	_ =	sdelay $0x4  }
0x32: {  	[tilespmem:$0x14CC0] =	vst v0  }
0x33: {  	v0 =	vld [tilespmem:s22+$0x10];
	_ =	sdelay $0x4  }
0x34: {  	[tilespmem:$0x14CD0] =	vst v0  }
0x35: {  	v0 =	vld [tilespmem:s22+$0x20];
	_ =	sdelay $0x4  }
0x36: {  	[tilespmem:$0x14CE0] =	vst v0  }
0x37: {  	v0 =	vld [tilespmem:s22+$0x30];
	_ =	sdelay $0x2  }
0x38: {  	p2 =	sne.s32 s8, $0x1  }
.Ltmp0:
0x39: {  	_ = 	snop;
	(pc) =	sbr.rel @!p2 .LBB2_3-.Ltmp0, $4  }
0x3a: {  	[tilespmem:$0x14CF0] =	vst v0  }
0x3b: {  	[spmem:s1] =	stream.indirect.scatter.add.f32 [tilespmem:s14], [sflag:$0x1], $0x80, s19, s18, $0xb8;
	[tilespmem:$0x18D00] =	vst v63  }
0x3c: {  	_ =	swait.ge [sflag:s13], $0x4000  }
0x3d: {  	s23 =	sadd.s32 $0xFFFFFFFF, s8;
	[sflag:s13] =	ssyncset.done $0x0  }
.LBB2_2:
0x3e: {  	p2 =	sne.s32 s23, $0x1;
	[sflag:s13] =	ssyncadd.s32 $0xFFFFC000;
	s22 =	sadd.s32 $0x80, s22  }
0x3f: {  	s23 =	sadd.s32 $0xFFFFFFFF, s23;
	v0 =	vld [tilespmem:s22+$0xFFFFFFC0];
	_ =	sdelay $0x4  }
0x40: {  	[tilespmem:$0x14C80] =	vst v0  }
0x41: {  	v0 =	vld [tilespmem:s22+$0xFFFFFFD0];
	_ =	sdelay $0x4  }
0x42: {  	[tilespmem:$0x14C90] =	vst v0  }
0x43: {  	v0 =	vld [tilespmem:s22+$0xFFFFFFE0];
	_ =	sdelay $0x4  }
0x44: {  	[tilespmem:$0x14CA0] =	vst v0  }
0x45: {  	v0 =	vld [tilespmem:s22+$0xFFFFFFF0];
	_ =	sdelay $0x4  }
0x46: {  	[tilespmem:$0x14CB0] =	vst v0  }
0x47: {  	v0 =	vld [tilespmem:s22+$0x0];
	_ =	sdelay $0x4  }
0x48: {  	[tilespmem:$0x14CC0] =	vst v0  }
0x49: {  	v0 =	vld [tilespmem:s22+$0x10];
	_ =	sdelay $0x4  }
0x4a: {  	[tilespmem:$0x14CD0] =	vst v0  }
0x4b: {  	v0 =	vld [tilespmem:s22+$0x20];
	_ =	sdelay $0x4  }
0x4c: {  	[tilespmem:$0x14CE0] =	vst v0  }
0x4d: {  	v0 =	vld [tilespmem:s22+$0x30];
	_ =	sdelay $0x3  }
.Ltmp1:
0x4e: {  	(pc) =	sbr.rel @p2 .LBB2_2-.Ltmp1, $4  }
0x4f: {  	[tilespmem:$0x14CF0] =	vst v0  }
0x50: {  	[spmem:s1] =	stream.indirect.scatter.add.f32 [tilespmem:s14], [sflag:$0x1], $0x80, s19, s18, $0xb8;
	[tilespmem:$0x18D00] =	vst v63  }
0x51: {  	_ =	swait.ge [sflag:s13], $0x4000  }
0x52: {  	[sflag:s13] =	ssyncset.done $0x0  }
.LBB2_3:
0x53: {  	[sflag:s13] =	ssyncadd.s32 $0xFFFFC000  }
0x54: {  	[bflag:$0x0] =	sbarrier.arrive $0xFFFF  }
0x55: {  	[hbm:s9], [sflag:s15] =	dma.local [spmem:s16], $0x2700  }
0x56: {  	s20 =	sadd.s32 $0x1, s20;
	_ =	swait.ge [sflag:s13], $0x2700  }
0x57: {  	p2 =	sne.s32 s20, s11;
	[sflag:s13] =	ssyncset.done $0x0  }
.Ltmp2:
0x58: {  	[sflag:s13] =	ssyncadd.s32 $0xFFFFD900;
	(pc) =	sbr.rel @p2 .LBB2_1-.Ltmp2, $4  }
0x59: {  	[hbm:s10], [sflag:s15] =	dma.local @!p1 [spmem:s17], $0x100  }
0x5a: {  	_ =	swait.ge @!p1 [sflag:s21], $0x100  }
0x5b: {  	[sflag:s21] =	ssyncset.done @!p1 $0x0  }
0x5c: {  	[sflag:s21] =	ssyncadd.s32 @!p1 $0xFFFFFF00  }
0x5d: {  	_ =	sfence.sel $0x180000  }
0x5e: {  	[bflag:$0x0] =	sbarrier.arrive $0xFFFF  }
0x5f: {  	p0 =	sne.s32 s2, $0x0;
	_ =	strace $0x90000047  }
0x60: {  	s0 =	sadd.s32 @!p0 $0x100000, s0;
	[bflag:$0x2] =	sbarrier.arrive $0xFFFF  }
0x61: {  	[sflag:s0] =	ssyncadd.tile.s32 @!p0 $0x1;
	_ =	shalt  }
.Lfunc_end2:
_tile_overlayer_lowered:
.L_overlay_start_2:
0x62: {  	(tag) =	ssettag $0x2  }
0x63: {  	s0 =	rddreg [dreg:$0x0];
	s2 =	stileid.u32  }
0x64: {  	s1 =	rddreg [dreg:$0x1];
	p0 =	sne.s32 s2, $0x0  }
0x65: {  	s3 =	rddreg [dreg:$0x2];
	[bflag:$0x3] =	sbarrier.arrive $0xFFFF;
	s2 =	simm.s32 @!p0 $0x1C01  }
0x66: {  	[timem:s3], [sflag:s2] =	dma.local @!p0 [hbm:s0], s1  }
0x67: {  	s0 =	simm.s32 @!p0 $0x1  }
0x68: {  	_ =	swait.ge @!p0 [sflag:s0], s1  }
0x69: {  	s1 =	ssub.s32 @!p0 $0x0, s1;
	[sflag:s0] =	ssyncset.done @!p0 $0x0  }
0x6a: {  	[sflag:s0] =	ssyncadd.s32 @!p0 s1  }
0x6b: {  	[bflag:$0x3] =	sbarrier.arrive $0xFFFF  }
0x6c: {  	_ =	shalt  }

</sc_bundles>
